<compile_context>
chip_gen: v7x
topology: tpu7x:2x2x1
jax: 0.10.2.dev20260603
libtpu: 0.0.44.dev20260713+nightly
codegen_flags: <defaults>
</compile_context>

<pallas_src>
import functools

import jax
import jax.numpy as jnp
from jax import lax
from jax.experimental import pallas as pl
from jax.experimental.pallas import tpu as pltpu
from jax.experimental.pallas import tpu_sc as plsc

_O, _T, _D, _H, _DOUT = 10000, 320000, 128, 512, 128

_NC, _NS = 2, 16
_NW = _NC * _NS

_EPW = _T // _NW
_GCH = 400
_GN = _EPW // _GCH

_sc_mesh = plsc.VectorSubcoreMesh(core_axis_name="c", subcore_axis_name="s")


@functools.partial(
    pl.kernel,
    mesh=_sc_mesh,
    out_type=[
        jax.ShapeDtypeStruct((_T, _D), jnp.float32),
        jax.ShapeDtypeStruct((_T, _D), jnp.float32),
    ],
    scratch_types=[
        pltpu.VMEM((_GCH,), jnp.int32),
        pltpu.VMEM((_GCH,), jnp.int32),
        pltpu.VMEM((_GCH, _D), jnp.float32),
        pltpu.VMEM((_GCH, _D), jnp.float32),
        pltpu.SemaphoreType.DMA,
        pltpu.SemaphoreType.DMA,
    ],
)
def _gather_sc(obj_hbm, sidx_hbm, oidx_hbm, srows_hbm, orows_hbm,
               sidx_v, oidx_v, srow_v, orow_v, sem_s, sem_o):
    i32 = jnp.int32
    wid = lax.axis_index("s") * i32(_NC) + lax.axis_index("c")
    base = wid * i32(_EPW)

    def body(c, carry):
        off = pl.multiple_of(base + c * i32(_GCH), 8)
        pltpu.sync_copy(sidx_hbm.at[pl.ds(off, _GCH)], sidx_v)
        pltpu.sync_copy(oidx_hbm.at[pl.ds(off, _GCH)], oidx_v)
        cs = pltpu.async_copy(obj_hbm.at[sidx_v], srow_v, sem_s)
        co = pltpu.async_copy(obj_hbm.at[oidx_v], orow_v, sem_o)
        cs.wait()
        co.wait()
        pltpu.sync_copy(srow_v, srows_hbm.at[pl.ds(off, _GCH)])
        pltpu.sync_copy(orow_v, orows_hbm.at[pl.ds(off, _GCH)])
        return carry

    lax.fori_loop(jnp.int32(0), jnp.int32(_GN), body, jnp.int32(0))


_OP = 10240
_EPT = _T // _NS
_SCH = 80
_SN = _EPT // _SCH
_CG = 128
_RPT = _OP // _NS
_ZR = 40


@functools.partial(
    pl.kernel,
    mesh=_sc_mesh,
    out_type=[
        jax.ShapeDtypeStruct((_OP, _H), jnp.float32),
        jax.ShapeDtypeStruct((_OP, _CG), jnp.float32),
    ],
    scratch_types=[
        pltpu.VMEM_SHARED((_OP, _CG), jnp.float32),
        pltpu.VMEM((_SCH,), jnp.int32),
        pltpu.VMEM((_SCH,), jnp.int32),
        pltpu.VMEM((_SCH,), jnp.int32),
        pltpu.VMEM((_SCH,), jnp.int32),
        pltpu.VMEM((_SCH, _CG), jnp.float32),
        pltpu.VMEM((_SCH, _CG), jnp.float32),
        pltpu.VMEM((_SCH, _CG), jnp.float32),
        pltpu.VMEM((_SCH, _CG), jnp.float32),
        pltpu.VMEM((_ZR, _CG), jnp.float32),
        pltpu.SemaphoreType.DMA,
        pltpu.SemaphoreType.DMA,
        pltpu.SemaphoreType.DMA,
        pltpu.SemaphoreType.DMA,
        pltpu.SemaphoreType.DMA,
    ],
)
def _scatter_sc(ns_hbm, no_hbm, sidx_hbm, oidx_hbm, pooled_hbm, cnt_hbm,
                acc_sh, sidx0, sidx1, oidx0, oidx1, srow0, srow1, orow0,
                orow1, zrow_v, ldsem0, ldsem1, scsem0, scsem1, zsem):
    i32 = jnp.int32
    cid = lax.axis_index("c")
    sid = lax.axis_index("s")
    rbase = sid * i32(_RPT)
    sidx = (sidx0, sidx1)
    oidx = (oidx0, oidx1)
    srow = (srow0, srow1)
    orow = (orow0, orow1)
    ldsem = (ldsem0, ldsem1)
    scsem = (scsem0, scsem1)

    def initz(i, carry):
        r = i // i32(_CG // 16)
        k = i % i32(_CG // 16)
        zrow_v[r, pl.ds(k * i32(16), 16)] = jnp.zeros((16,), jnp.float32)
        return carry

    lax.fori_loop(jnp.int32(0), jnp.int32(_ZR * (_CG // 16)), initz,
                  jnp.int32(0))

    def _zero_own():
        for z in range(_RPT // _ZR):
            pltpu.async_copy(
                zrow_v, acc_sh.at[pl.ds(rbase + i32(z * _ZR), _ZR)], zsem)
        for z in range(_RPT // _ZR):
            pltpu.make_async_copy(
                zrow_v, acc_sh.at[pl.ds(rbase + i32(z * _ZR), _ZR)],
                zsem).wait()

    def _fill_ones():
        def body(i, carry):
            r = i // i32(_CG // 16)
            k = i % i32(_CG // 16)
            v = jnp.ones((16,), jnp.float32)
            srow0[r, pl.ds(k * i32(16), 16)] = v
            srow1[r, pl.ds(k * i32(16), 16)] = v
            orow0[r, pl.ds(k * i32(16), 16)] = v
            orow1[r, pl.ds(k * i32(16), 16)] = v
            return carry

        lax.fori_loop(jnp.int32(0), jnp.int32(_SCH * (_CG // 16)), body,
                      jnp.int32(0))

    def _eoff(c):
        return pl.multiple_of(sid * i32(_EPT) + c * i32(_SCH), 8)

    def run_pass(col, is_cnt):
        def load_copies(c, b):
            eoff = _eoff(c)
            out = [
                (sidx_hbm.at[pl.ds(eoff, _SCH)], sidx[b]),
                (oidx_hbm.at[pl.ds(eoff, _SCH)], oidx[b]),
            ]
            if not is_cnt:
                out += [
                    (ns_hbm.at[pl.ds(eoff, _SCH), pl.ds(col, _CG)], srow[b]),
                    (no_hbm.at[pl.ds(eoff, _SCH), pl.ds(col, _CG)], orow[b]),
                ]
            return out

        def issue_load(c, b):
            for s, d in load_copies(c, b):
                pltpu.async_copy(s, d, ldsem[b])

        def drain_load(c, b):
            for s, d in load_copies(c, b):
                pltpu.make_async_copy(s, d, ldsem[b]).wait()

        def issue_scatter(b):
            pltpu.async_copy(srow[b], acc_sh.at[sidx[b]], scsem[b], add=True)
            pltpu.async_copy(orow[b], acc_sh.at[oidx[b]], scsem[b], add=True)

        def drain_scatter(b):
            pltpu.make_async_copy(srow[b], acc_sh.at[sidx[b]],
                                  scsem[b]).wait()
            pltpu.make_async_copy(orow[b], acc_sh.at[oidx[b]],
                                  scsem[b]).wait()

        issue_load(jnp.int32(0), 0)

        def body2(c2, carry):
            for b in range(2):
                c = c2 * i32(2) + i32(b)
                drain_load(c, b)
                nb = 1 - b
                if b == 0:
                    @pl.when(c2 > 0)
                    def _():
                        drain_scatter(nb)
                    issue_load(c + i32(1), nb)
                else:
                    drain_scatter(nb)

                    @pl.when(c2 < i32(_SN // 2 - 1))
                    def _():
                        issue_load(c + i32(1), nb)
                issue_scatter(b)
            return carry

        lax.fori_loop(jnp.int32(0), jnp.int32(_SN // 2), body2, jnp.int32(0))
        drain_scatter(1)

    _zero_own()
    plsc.subcore_barrier()

    for half in range(_NC):

        @pl.when(cid == half)
        def _half():
            cols = (0, _CG) if half == 0 else (2 * _CG, 3 * _CG)
            for p, col in enumerate(cols):
                run_pass(col, False)
                plsc.subcore_barrier()
                pltpu.sync_copy(
                    acc_sh.at[pl.ds(rbase, _RPT)],
                    pooled_hbm.at[pl.ds(rbase, _RPT), pl.ds(col, _CG)])
                if p < len(cols) - 1 or half == 1:
                    _zero_own()
                plsc.subcore_barrier()
            if half == 1:
                _fill_ones()
                run_pass(0, True)
                plsc.subcore_barrier()
                pltpu.sync_copy(acc_sh.at[pl.ds(rbase, _RPT)],
                                cnt_hbm.at[pl.ds(rbase, _RPT)])
                plsc.subcore_barrier()


def _z():
    return jnp.int32(0)


_BT = 1280
_GT = _T // _BT


def _mlp_body(s_ref, p_ref, o_ref, was_ref, wap_ref, wao_ref, b1a_ref,
              wbs_ref, wbp_ref, wbo_ref, bbs_ref, bbp_ref, bbo_ref,
              ns_ref, np_ref, no_ref):
    f32 = jnp.float32
    dn = (((1,), (1,)), ((), ()))
    s = s_ref[...].astype(jnp.bfloat16)
    p = p_ref[...].astype(jnp.bfloat16)
    o = o_ref[...].astype(jnp.bfloat16)
    h = lax.dot_general(s, was_ref[...], dn, preferred_element_type=f32)
    h += lax.dot_general(p, wap_ref[...], dn, preferred_element_type=f32)
    h += lax.dot_general(o, wao_ref[...], dn, preferred_element_type=f32)
    h = jnp.maximum(h + b1a_ref[...], 0.0).astype(jnp.bfloat16)
    ns_ref[...] = jnp.maximum(
        lax.dot_general(h, wbs_ref[...], dn, preferred_element_type=f32)
        + bbs_ref[...], 0.0)
    np_ref[...] = jnp.maximum(
        lax.dot_general(h, wbp_ref[...], dn, preferred_element_type=f32)
        + bbp_ref[...], 0.0)
    no_ref[...] = jnp.maximum(
        lax.dot_general(h, wbo_ref[...], dn, preferred_element_type=f32)
        + bbo_ref[...], 0.0)


_mlp_tc = pl.pallas_call(
    _mlp_body,
    grid=(_GT,),
    in_specs=[
        pl.BlockSpec((_BT, _D), lambda i: (i, _z())),
        pl.BlockSpec((_BT, _D), lambda i: (i, _z())),
        pl.BlockSpec((_BT, _D), lambda i: (i, _z())),
        pl.BlockSpec((_H, _D), lambda i: (_z(), _z())),
        pl.BlockSpec((_H, _D), lambda i: (_z(), _z())),
        pl.BlockSpec((_H, _D), lambda i: (_z(), _z())),
        pl.BlockSpec((1, _H), lambda i: (_z(), _z())),
        pl.BlockSpec((_H, _H), lambda i: (_z(), _z())),
        pl.BlockSpec((_DOUT, _H), lambda i: (_z(), _z())),
        pl.BlockSpec((_H, _H), lambda i: (_z(), _z())),
        pl.BlockSpec((1, _H), lambda i: (_z(), _z())),
        pl.BlockSpec((1, _DOUT), lambda i: (_z(), _z())),
        pl.BlockSpec((1, _H), lambda i: (_z(), _z())),
    ],
    out_specs=[
        pl.BlockSpec((_BT, _H), lambda i: (i, _z())),
        pl.BlockSpec((_BT, _DOUT), lambda i: (i, _z())),
        pl.BlockSpec((_BT, _H), lambda i: (i, _z())),
    ],
    out_shape=[
        jax.ShapeDtypeStruct((_T, _H), jnp.float32),
        jax.ShapeDtypeStruct((_T, _DOUT), jnp.float32),
        jax.ShapeDtypeStruct((_T, _H), jnp.float32),
    ],
    compiler_params=pltpu.CompilerParams(
        dimension_semantics=("arbitrary",)),
)


_BN = 1024
_GN2 = _OP // _BN


def _net2_body(pool_ref, cnt_ref, w2a_ref, b2a_ref, w2b_ref, b2b_ref, out_ref):
    f32 = jnp.float32
    dn = (((1,), (1,)), ((), ()))
    cnt = jnp.maximum(cnt_ref[:, :1], 1.0)
    pool = (pool_ref[...] / cnt).astype(jnp.bfloat16)
    h = jnp.maximum(
        lax.dot_general(pool, w2a_ref[...], dn, preferred_element_type=f32)
        + b2a_ref[...], 0.0).astype(jnp.bfloat16)
    out_ref[...] = jnp.maximum(
        lax.dot_general(h, w2b_ref[...], dn, preferred_element_type=f32)
        + b2b_ref[...], 0.0)


_net2_tc = pl.pallas_call(
    _net2_body,
    grid=(_GN2,),
    in_specs=[
        pl.BlockSpec((_BN, _H), lambda i: (i, _z())),
        pl.BlockSpec((_BN, _CG), lambda i: (i, _z())),
        pl.BlockSpec((_H, _H), lambda i: (_z(), _z())),
        pl.BlockSpec((1, _H), lambda i: (_z(), _z())),
        pl.BlockSpec((_DOUT, _H), lambda i: (_z(), _z())),
        pl.BlockSpec((1, _DOUT), lambda i: (_z(), _z())),
    ],
    out_specs=pl.BlockSpec((_BN, _DOUT), lambda i: (i, _z())),
    out_shape=jax.ShapeDtypeStruct((_OP, _DOUT), jnp.float32),
    compiler_params=pltpu.CompilerParams(
        dimension_semantics=("arbitrary",)),
)


def kernel(obj_vecs, pred_vecs, edges, W1a, b1a, W1b, b1b, W2a, b2a, W2b, b2b):
    bf16 = jnp.bfloat16
    sidx = edges[:, 0].astype(jnp.int32)
    oidx = edges[:, 1].astype(jnp.int32)

    s_rows, o_rows = _gather_sc(obj_vecs, sidx, oidx)

    w1ab = W1a.astype(bf16)
    w1bb = W1b.astype(bf16)
    was = w1ab[:, :_D]
    wap = w1ab[:, _D:2 * _D]
    wao = w1ab[:, 2 * _D:]
    wbs = w1bb[:_H]
    wbp = w1bb[_H:_H + _DOUT]
    wbo = w1bb[_H + _DOUT:]

    new_s, new_p, new_o = _mlp_tc(
        s_rows, pred_vecs, o_rows,
        was, wap, wao, b1a.reshape(1, _H).astype(jnp.float32),
        wbs, wbp, wbo,
        b1b[:_H].reshape(1, _H).astype(jnp.float32),
        b1b[_H:_H + _DOUT].reshape(1, _DOUT).astype(jnp.float32),
        b1b[_H + _DOUT:].reshape(1, _H).astype(jnp.float32))

    new_p64 = new_p.astype(jnp.float64)

    pooled, cnt = _scatter_sc(new_s, new_o, sidx, oidx)

    new_obj = _net2_tc(
        pooled, cnt, W2a.astype(bf16),
        b2a.reshape(1, _H).astype(jnp.float32), W2b.astype(bf16),
        b2b.reshape(1, _DOUT).astype(jnp.float32))

    return (new_obj[:_O].astype(jnp.float64), new_p64)

# --- scband reference (transcript-rebuilt; emitter-appended) ---
"""Pipeline reference for scband-graph-triple-conv-29996051595776 (READ-ONLY COPY).

The authoritative reference and input builder live on the scoring server;
editing this copy changes nothing except your own understanding.
"""

import jax
jax.config.update("jax_enable_x64", True)
import jax.numpy as jnp
import numpy as np

O, T, D, H, DOUT = 10000, 320000, 128, 512, 128


def _kaiming(key, shape):
    fan_in = shape[1]
    return jax.random.normal(key, shape, dtype=jnp.float32) * np.sqrt(2.0 / fan_in)


def setup_inputs(seed: int = 0) -> dict:
    key = jax.random.key(seed)
    ks = jax.random.split(key, 8)
    obj_vecs = jax.random.normal(ks[0], (O, D), dtype=jnp.float32)
    pred_vecs = jax.random.normal(ks[1], (T, D), dtype=jnp.float32)
    edges = jax.random.randint(ks[2], (T, 2), 0, O, dtype=jnp.int64)
    # net1: Linear(3*D -> H), ReLU, Linear(H -> 2*H + DOUT), ReLU
    W1a = _kaiming(ks[3], (H, 3 * D))
    b1a = jnp.zeros((H,), dtype=jnp.float32)
    W1b = _kaiming(ks[4], (2 * H + DOUT, H))
    b1b = jnp.zeros((2 * H + DOUT,), dtype=jnp.float32)
    # net2: Linear(H -> H), ReLU, Linear(H -> DOUT), ReLU
    W2a = _kaiming(ks[5], (H, H))
    b2a = jnp.zeros((H,), dtype=jnp.float32)
    W2b = _kaiming(ks[6], (DOUT, H))
    b2b = jnp.zeros((DOUT,), dtype=jnp.float32)
    return {
        "obj_vecs": obj_vecs,
        "pred_vecs": pred_vecs,
        "edges": edges,
        "W1a": W1a, "b1a": b1a, "W1b": W1b, "b1b": b1b,
        "W2a": W2a, "b2a": b2a, "W2b": W2b, "b2b": b2b,
    }


def reference(obj_vecs, pred_vecs, edges, W1a, b1a, W1b, b1b, W2a, b2a, W2b, b2b):
    s_idx = edges[:, 0]
    o_idx = edges[:, 1]
    cur_s_vecs = jnp.take(obj_vecs, s_idx, axis=0)
    cur_o_vecs = jnp.take(obj_vecs, o_idx, axis=0)
    cur_t_vecs = jnp.concatenate([cur_s_vecs, pred_vecs, cur_o_vecs], axis=1)
    # net1 (final_nonlinearity=True => ReLU after both layers)
    h = jax.nn.relu(cur_t_vecs @ W1a.T + b1a)
    new_t_vecs = jax.nn.relu(h @ W1b.T + b1b)
    new_s_vecs = new_t_vecs[:, :H]
    new_p_vecs = new_t_vecs[:, H:H + DOUT]
    new_o_vecs = new_t_vecs[:, H + DOUT:2 * H + DOUT]
    pooled = jnp.zeros((O, H), dtype=obj_vecs.dtype)
    pooled = pooled.at[s_idx].add(new_s_vecs)
    pooled = pooled.at[o_idx].add(new_o_vecs)
    # pooling == 'avg'
    counts = jnp.zeros((O,), dtype=obj_vecs.dtype)
    counts = counts.at[s_idx].add(1.0)
    counts = counts.at[o_idx].add(1.0)
    counts = jnp.clip(counts, 1.0)
    pooled = pooled / counts[:, None]
    # net2
    h2 = jax.nn.relu(pooled @ W2a.T + b2a)
    new_obj_vecs = jax.nn.relu(h2 @ W2b.T + b2b)
    return (new_obj_vecs, new_p_vecs)

if __name__ == "__main__":
    import jax
    _d = setup_inputs()
    print(jax.jit(kernel)(*tuple(_d.values())))

</pallas_src>

<mosaic_0001>
#map = affine_map<(d0, d1) -> (0, 0)>
#map1 = affine_map<(d0, d1) -> (0)>
module attributes {stable_mosaic.version = 14 : i64} {
  func.func @_scatter_sc(%arg0: i32, %arg1: i32, %arg2: memref<320000x512xf32, #tpu.memory_space<hbm>>, %arg3: memref<320000x512xf32, #tpu.memory_space<hbm>>, %arg4: memref<320000xi32, #tpu.memory_space<hbm>>, %arg5: memref<320000xi32, #tpu.memory_space<hbm>>, %arg6: memref<10240x512xf32, #tpu.memory_space<hbm>>, %arg7: memref<10240x128xf32, #tpu.memory_space<hbm>>, %arg8: memref<10240x128xf32, #tpu.memory_space<vmem_shared>>, %arg9: memref<80xi32, #tpu.memory_space<vmem>>, %arg10: memref<80xi32, #tpu.memory_space<vmem>>, %arg11: memref<80xi32, #tpu.memory_space<vmem>>, %arg12: memref<80xi32, #tpu.memory_space<vmem>>, %arg13: memref<80x128xf32, #tpu.memory_space<vmem>>, %arg14: memref<80x128xf32, #tpu.memory_space<vmem>>, %arg15: memref<80x128xf32, #tpu.memory_space<vmem>>, %arg16: memref<80x128xf32, #tpu.memory_space<vmem>>, %arg17: memref<40x128xf32, #tpu.memory_space<vmem>>, %arg18: memref<!tpu.dma_semaphore, #tpu.memory_space<semaphore_mem>>, %arg19: memref<!tpu.dma_semaphore, #tpu.memory_space<semaphore_mem>>, %arg20: memref<!tpu.dma_semaphore, #tpu.memory_space<semaphore_mem>>, %arg21: memref<!tpu.dma_semaphore, #tpu.memory_space<semaphore_mem>>, %arg22: memref<!tpu.dma_semaphore, #tpu.memory_space<semaphore_mem>>) attributes {dimension_semantics = [#tpu.dimension_semantics<core_parallel>, #tpu.dimension_semantics<subcore_parallel>], iteration_bounds = array<i64: 2, 16>, scalar_prefetch = 0 : i64, scratch_operands = 15 : i64, tpu.core_type = #tpu.core_type<sc_vector_subcore>, window_params = [{transform_indices = #map}, {transform_indices = #map}, {transform_indices = #map1}, {transform_indices = #map1}, {transform_indices = #map}, {transform_indices = #map}]} {
    %mul3A = arith.constant 640 : i32
    %mul3A_0 = arith.muli %arg1, %mul3A : i32
    %while3A = arith.constant 0 : i32
    %while3A_1 = arith.constant 0 : i32
    %while3A_2 = arith.constant 320 : i32
    %while3A_3 = arith.subi %while3A_2, %while3A_1 : i32
    %while3A_4 = arith.addi %while3A_1, %while3A_3 : i32
    %while3A_5 = arith.constant 1 : i32
    %while3A_6 = arith.divsi %while3A_3, %while3A_5 : i32
    %while3A_7 = arith.muli %while3A_6, %while3A_5 : i32
    %while3A_8 = arith.addi %while3A_1, %while3A_7 : i32
    %while3A_9 = arith.constant 1 : i32
    scf.for %while3A_207 = %while3A_1 to %while3A_8 step %while3A_9  : i32 {
      %jit3A = arith.constant 8 : i32
      %div3A = arith.divsi %while3A_207, %jit3A : i32
      %sign3A = arith.constant 0 : i32
      %sign3A_208 = arith.cmpi sgt, %while3A_207, %sign3A : i32
      %sign3A_209 = arith.extui %sign3A_208 : i1 to i32
      %sign3A_210 = arith.constant 0 : i32
      %sign3A_211 = arith.cmpi slt, %while3A_207, %sign3A_210 : i32
      %sign3A_212 = arith.extui %sign3A_211 : i1 to i32
      %sign3A_213 = arith.subi %sign3A_209, %sign3A_212 : i32
      %sign3A_214 = arith.constant 0 : i32
      %sign3A_215 = arith.cmpi sgt, %jit3A, %sign3A_214 : i32
      %sign3A_216 = arith.extui %sign3A_215 : i1 to i32
      %sign3A_217 = arith.constant 0 : i32
      %sign3A_218 = arith.cmpi slt, %jit3A, %sign3A_217 : i32
      %sign3A_219 = arith.extui %sign3A_218 : i1 to i32
      %sign3A_220 = arith.subi %sign3A_216, %sign3A_219 : i32
      %ne3A = arith.cmpi ne, %sign3A_213, %sign3A_220 : i32
      %rem3A = arith.remsi %while3A_207, %jit3A : i32
      %ne3A_221 = arith.constant 0 : i32
      %ne3A_222 = arith.cmpi ne, %rem3A, %ne3A_221 : i32
      %and3A = arith.andi %ne3A, %ne3A_222 : i1
      %sub3A = arith.constant 1 : i32
      %sub3A_223 = arith.subi %div3A, %sub3A : i32
      %select_n3A = arith.select %and3A, %sub3A_223, %div3A : i32
      %jit3A_224 = arith.constant 8 : i32
      %eq3A_225 = arith.constant 0 : i32
      %eq3A_226 = arith.cmpi eq, %jit3A_224, %eq3A_225 : i32
      %jit3A_227 = arith.constant 1 : i32
      %select_n3A_228 = arith.select %eq3A_226, %jit3A_227, %jit3A_224 : i32
      %rem3A_229 = arith.remsi %while3A_207, %select_n3A_228 : i32
      %ne3A_230 = arith.constant 0 : i32
      %ne3A_231 = arith.cmpi ne, %rem3A_229, %ne3A_230 : i32
      %lt3A = arith.constant 0 : i32
      %lt3A_232 = arith.cmpi slt, %rem3A_229, %lt3A : i32
      %lt3A_233 = arith.constant 0 : i32
      %lt3A_234 = arith.cmpi slt, %select_n3A_228, %lt3A_233 : i32
      %ne3A_235 = arith.xori %lt3A_232, %lt3A_234 : i1
      %and3A_236 = arith.andi %ne3A_235, %ne3A_231 : i1
      %add3A_237 = arith.addi %rem3A_229, %select_n3A_228 : i32
      %select_n3A_238 = arith.select %and3A_236, %add3A_237, %rem3A_229 : i32
      %broadcast_in_dim3A = arith.constant 0.000000e+00 : f32
      %broadcast_in_dim3A_239 = vector.broadcast %broadcast_in_dim3A : f32 to vector<16xf32>
      %mul3A_240 = arith.constant 16 : i32
      %mul3A_241 = arith.muli %select_n3A_238, %mul3A_240 : i32
      %swap3A = arith.index_cast %select_n3A : i32 to index
      %swap3A_242 = arith.index_cast %mul3A_241 : i32 to index
      %swap3A_243 = tpu.vector_load %arg17[%swap3A, %swap3A_242] {strides = array<i32>} : memref<40x128xf32, #tpu.memory_space<vmem>>, vector<1x16xf32>,
      %swap3A_244 = vector.shape_cast %swap3A_243 : vector<1x16xf32> to vector<16xf32>
      %swap3A_245 = vector.shape_cast %broadcast_in_dim3A_239 : vector<16xf32> to vector<1x16xf32>
      tpu.vector_store %arg17[%swap3A, %swap3A_242], %swap3A_245 {strides = array<i32>} : memref<40x128xf32, #tpu.memory_space<vmem>>, vector<1x16xf32>,
    }
    %while3A_10 = arith.constant 1 : i32
    scf.for %while3A_207 = %while3A_8 to %while3A_4 step %while3A_10  : i32 {
      %jit3A = arith.constant 8 : i32
      %div3A = arith.divsi %while3A_207, %jit3A : i32
      %sign3A = arith.constant 0 : i32
      %sign3A_208 = arith.cmpi sgt, %while3A_207, %sign3A : i32
      %sign3A_209 = arith.extui %sign3A_208 : i1 to i32
      %sign3A_210 = arith.constant 0 : i32
      %sign3A_211 = arith.cmpi slt, %while3A_207, %sign3A_210 : i32
      %sign3A_212 = arith.extui %sign3A_211 : i1 to i32
      %sign3A_213 = arith.subi %sign3A_209, %sign3A_212 : i32
      %sign3A_214 = arith.constant 0 : i32
      %sign3A_215 = arith.cmpi sgt, %jit3A, %sign3A_214 : i32
      %sign3A_216 = arith.extui %sign3A_215 : i1 to i32
      %sign3A_217 = arith.constant 0 : i32
      %sign3A_218 = arith.cmpi slt, %jit3A, %sign3A_217 : i32
      %sign3A_219 = arith.extui %sign3A_218 : i1 to i32
      %sign3A_220 = arith.subi %sign3A_216, %sign3A_219 : i32
      %ne3A = arith.cmpi ne, %sign3A_213, %sign3A_220 : i32
      %rem3A = arith.remsi %while3A_207, %jit3A : i32
      %ne3A_221 = arith.constant 0 : i32
      %ne3A_222 = arith.cmpi ne, %rem3A, %ne3A_221 : i32
      %and3A = arith.andi %ne3A, %ne3A_222 : i1
      %sub3A = arith.constant 1 : i32
      %sub3A_223 = arith.subi %div3A, %sub3A : i32
      %select_n3A = arith.select %and3A, %sub3A_223, %div3A : i32
      %jit3A_224 = arith.constant 8 : i32
      %eq3A_225 = arith.constant 0 : i32
      %eq3A_226 = arith.cmpi eq, %jit3A_224, %eq3A_225 : i32
      %jit3A_227 = arith.constant 1 : i32
      %select_n3A_228 = arith.select %eq3A_226, %jit3A_227, %jit3A_224 : i32
      %rem3A_229 = arith.remsi %while3A_207, %select_n3A_228 : i32
      %ne3A_230 = arith.constant 0 : i32
      %ne3A_231 = arith.cmpi ne, %rem3A_229, %ne3A_230 : i32
      %lt3A = arith.constant 0 : i32
      %lt3A_232 = arith.cmpi slt, %rem3A_229, %lt3A : i32
      %lt3A_233 = arith.constant 0 : i32
      %lt3A_234 = arith.cmpi slt, %select_n3A_228, %lt3A_233 : i32
      %ne3A_235 = arith.xori %lt3A_232, %lt3A_234 : i1
      %and3A_236 = arith.andi %ne3A_235, %ne3A_231 : i1
      %add3A_237 = arith.addi %rem3A_229, %select_n3A_228 : i32
      %select_n3A_238 = arith.select %and3A_236, %add3A_237, %rem3A_229 : i32
      %broadcast_in_dim3A = arith.constant 0.000000e+00 : f32
      %broadcast_in_dim3A_239 = vector.broadcast %broadcast_in_dim3A : f32 to vector<16xf32>
      %mul3A_240 = arith.constant 16 : i32
      %mul3A_241 = arith.muli %select_n3A_238, %mul3A_240 : i32
      %swap3A = arith.index_cast %select_n3A : i32 to index
      %swap3A_242 = arith.index_cast %mul3A_241 : i32 to index
      %swap3A_243 = tpu.vector_load %arg17[%swap3A, %swap3A_242] {strides = array<i32>} : memref<40x128xf32, #tpu.memory_space<vmem>>, vector<1x16xf32>,
      %swap3A_244 = vector.shape_cast %swap3A_243 : vector<1x16xf32> to vector<16xf32>
      %swap3A_245 = vector.shape_cast %broadcast_in_dim3A_239 : vector<16xf32> to vector<1x16xf32>
      tpu.vector_store %arg17[%swap3A, %swap3A_242], %swap3A_245 {strides = array<i32>} : memref<40x128xf32, #tpu.memory_space<vmem>>, vector<1x16xf32>,
    }
    %add3A = arith.constant 0 : i32
    %add3A_11 = arith.addi %mul3A_0, %add3A : i32
    %dma_start3A = arith.constant 0 : i32
    %dma_start3A_12 = tpu.memref_slice %arg8[%add3A_11, %dma_start3A] : memref<10240x128xf32, #tpu.memory_space<vmem_shared>> -> memref<40x128xf32, #tpu.memory_space<vmem_shared>>
    %dma_start3A_13 = arith.constant 0 : i32
    %dma_start3A_14 = tpu.memref_slice %arg8[%add3A_11, %dma_start3A_13] : memref<10240x128xf32, #tpu.memory_space<vmem_shared>> -> memref<40x128xf32, #tpu.memory_space<vmem_shared>>
    tpu.enqueue_dma source(%arg17 : memref<40x128xf32, #tpu.memory_space<vmem>>) target(%dma_start3A_14 : memref<40x128xf32, #tpu.memory_space<vmem_shared>>) target_semaphore(%arg22 : memref<!tpu.dma_semaphore, #tpu.memory_space<semaphore_mem>>)
    %add3A_15 = arith.constant 40 : i32
    %add3A_16 = arith.addi %mul3A_0, %add3A_15 : i32
    %dma_start3A_17 = arith.constant 0 : i32
    %dma_start3A_18 = tpu.memref_slice %arg8[%add3A_16, %dma_start3A_17] : memref<10240x128xf32, #tpu.memory_space<vmem_shared>> -> memref<40x128xf32, #tpu.memory_space<vmem_shared>>
    %dma_start3A_19 = arith.constant 0 : i32
    %dma_start3A_20 = tpu.memref_slice %arg8[%add3A_16, %dma_start3A_19] : memref<10240x128xf32, #tpu.memory_space<vmem_shared>> -> memref<40x128xf32, #tpu.memory_space<vmem_shared>>
    tpu.enqueue_dma source(%arg17 : memref<40x128xf32, #tpu.memory_space<vmem>>) target(%dma_start3A_20 : memref<40x128xf32, #tpu.memory_space<vmem_shared>>) target_semaphore(%arg22 : memref<!tpu.dma_semaphore, #tpu.memory_space<semaphore_mem>>)
    %add3A_21 = arith.constant 80 : i32
    %add3A_22 = arith.addi %mul3A_0, %add3A_21 : i32
    %dma_start3A_23 = arith.constant 0 : i32
    %dma_start3A_24 = tpu.memref_slice %arg8[%add3A_22, %dma_start3A_23] : memref<10240x128xf32, #tpu.memory_space<vmem_shared>> -> memref<40x128xf32, #tpu.memory_space<vmem_shared>>
    %dma_start3A_25 = arith.constant 0 : i32
    %dma_start3A_26 = tpu.memref_slice %arg8[%add3A_22, %dma_start3A_25] : memref<10240x128xf32, #tpu.memory_space<vmem_shared>> -> memref<40x128xf32, #tpu.memory_space<vmem_shared>>
    tpu.enqueue_dma source(%arg17 : memref<40x128xf32, #tpu.memory_space<vmem>>) target(%dma_start3A_26 : memref<40x128xf32, #tpu.memory_space<vmem_shared>>) target_semaphore(%arg22 : memref<!tpu.dma_semaphore, #tpu.memory_space<semaphore_mem>>)
    %add3A_27 = arith.constant 120 : i32
    %add3A_28 = arith.addi %mul3A_0, %add3A_27 : i32
    %dma_start3A_29 = arith.constant 0 : i32
    %dma_start3A_30 = tpu.memref_slice %arg8[%add3A_28, %dma_start3A_29] : memref<10240x128xf32, #tpu.memory_space<vmem_shared>> -> memref<40x128xf32, #tpu.memory_space<vmem_shared>>
    %dma_start3A_31 = arith.constant 0 : i32
    %dma_start3A_32 = tpu.memref_slice %arg8[%add3A_28, %dma_start3A_31] : memref<10240x128xf32, #tpu.memory_space<vmem_shared>> -> memref<40x128xf32, #tpu.memory_space<vmem_shared>>
    tpu.enqueue_dma source(%arg17 : memref<40x128xf32, #tpu.memory_space<vmem>>) target(%dma_start3A_32 : memref<40x128xf32, #tpu.memory_space<vmem_shared>>) target_semaphore(%arg22 : memref<!tpu.dma_semaphore, #tpu.memory_space<semaphore_mem>>)
    %add3A_33 = arith.constant 160 : i32
    %add3A_34 = arith.addi %mul3A_0, %add3A_33 : i32
    %dma_start3A_35 = arith.constant 0 : i32
    %dma_start3A_36 = tpu.memref_slice %arg8[%add3A_34, %dma_start3A_35] : memref<10240x128xf32, #tpu.memory_space<vmem_shared>> -> memref<40x128xf32, #tpu.memory_space<vmem_shared>>
    %dma_start3A_37 = arith.constant 0 : i32
    %dma_start3A_38 = tpu.memref_slice %arg8[%add3A_34, %dma_start3A_37] : memref<10240x128xf32, #tpu.memory_space<vmem_shared>> -> memref<40x128xf32, #tpu.memory_space<vmem_shared>>
    tpu.enqueue_dma source(%arg17 : memref<40x128xf32, #tpu.memory_space<vmem>>) target(%dma_start3A_38 : memref<40x128xf32, #tpu.memory_space<vmem_shared>>) target_semaphore(%arg22 : memref<!tpu.dma_semaphore, #tpu.memory_space<semaphore_mem>>)
    %add3A_39 = arith.constant 200 : i32
    %add3A_40 = arith.addi %mul3A_0, %add3A_39 : i32
    %dma_start3A_41 = arith.constant 0 : i32
    %dma_start3A_42 = tpu.memref_slice %arg8[%add3A_40, %dma_start3A_41] : memref<10240x128xf32, #tpu.memory_space<vmem_shared>> -> memref<40x128xf32, #tpu.memory_space<vmem_shared>>
    %dma_start3A_43 = arith.constant 0 : i32
    %dma_start3A_44 = tpu.memref_slice %arg8[%add3A_40, %dma_start3A_43] : memref<10240x128xf32, #tpu.memory_space<vmem_shared>> -> memref<40x128xf32, #tpu.memory_space<vmem_shared>>
    tpu.enqueue_dma source(%arg17 : memref<40x128xf32, #tpu.memory_space<vmem>>) target(%dma_start3A_44 : memref<40x128xf32, #tpu.memory_space<vmem_shared>>) target_semaphore(%arg22 : memref<!tpu.dma_semaphore, #tpu.memory_space<semaphore_mem>>)
    %add3A_45 = arith.constant 240 : i32
    %add3A_46 = arith.addi %mul3A_0, %add3A_45 : i32
    %dma_start3A_47 = arith.constant 0 : i32
    %dma_start3A_48 = tpu.memref_slice %arg8[%add3A_46, %dma_start3A_47] : memref<10240x128xf32, #tpu.memory_space<vmem_shared>> -> memref<40x128xf32, #tpu.memory_space<vmem_shared>>
    %dma_start3A_49 = arith.constant 0 : i32
    %dma_start3A_50 = tpu.memref_slice %arg8[%add3A_46, %dma_start3A_49] : memref<10240x128xf32, #tpu.memory_space<vmem_shared>> -> memref<40x128xf32, #tpu.memory_space<vmem_shared>>
    tpu.enqueue_dma source(%arg17 : memref<40x128xf32, #tpu.memory_space<vmem>>) target(%dma_start3A_50 : memref<40x128xf32, #tpu.memory_space<vmem_shared>>) target_semaphore(%arg22 : memref<!tpu.dma_semaphore, #tpu.memory_space<semaphore_mem>>)
    %add3A_51 = arith.constant 280 : i32
    %add3A_52 = arith.addi %mul3A_0, %add3A_51 : i32
    %dma_start3A_53 = arith.constant 0 : i32
    %dma_start3A_54 = tpu.memref_slice %arg8[%add3A_52, %dma_start3A_53] : memref<10240x128xf32, #tpu.memory_space<vmem_shared>> -> memref<40x128xf32, #tpu.memory_space<vmem_shared>>
    %dma_start3A_55 = arith.constant 0 : i32
    %dma_start3A_56 = tpu.memref_slice %arg8[%add3A_52, %dma_start3A_55] : memref<10240x128xf32, #tpu.memory_space<vmem_shared>> -> memref<40x128xf32, #tpu.memory_space<vmem_shared>>
    tpu.enqueue_dma source(%arg17 : memref<40x128xf32, #tpu.memory_space<vmem>>) target(%dma_start3A_56 : memref<40x128xf32, #tpu.memory_space<vmem_shared>>) target_semaphore(%arg22 : memref<!tpu.dma_semaphore, #tpu.memory_space<semaphore_mem>>)
    %add3A_57 = arith.constant 320 : i32
    %add3A_58 = arith.addi %mul3A_0, %add3A_57 : i32
    %dma_start3A_59 = arith.constant 0 : i32
    %dma_start3A_60 = tpu.memref_slice %arg8[%add3A_58, %dma_start3A_59] : memref<10240x128xf32, #tpu.memory_space<vmem_shared>> -> memref<40x128xf32, #tpu.memory_space<vmem_shared>>
    %dma_start3A_61 = arith.constant 0 : i32
    %dma_start3A_62 = tpu.memref_slice %arg8[%add3A_58, %dma_start3A_61] : memref<10240x128xf32, #tpu.memory_space<vmem_shared>> -> memref<40x128xf32, #tpu.memory_space<vmem_shared>>
    tpu.enqueue_dma source(%arg17 : memref<40x128xf32, #tpu.memory_space<vmem>>) target(%dma_start3A_62 : memref<40x128xf32, #tpu.memory_space<vmem_shared>>) target_semaphore(%arg22 : memref<!tpu.dma_semaphore, #tpu.memory_space<semaphore_mem>>)
    %add3A_63 = arith.constant 360 : i32
    %add3A_64 = arith.addi %mul3A_0, %add3A_63 : i32
    %dma_start3A_65 = arith.constant 0 : i32
    %dma_start3A_66 = tpu.memref_slice %arg8[%add3A_64, %dma_start3A_65] : memref<10240x128xf32, #tpu.memory_space<vmem_shared>> -> memref<40x128xf32, #tpu.memory_space<vmem_shared>>
    %dma_start3A_67 = arith.constant 0 : i32
    %dma_start3A_68 = tpu.memref_slice %arg8[%add3A_64, %dma_start3A_67] : memref<10240x128xf32, #tpu.memory_space<vmem_shared>> -> memref<40x128xf32, #tpu.memory_space<vmem_shared>>
    tpu.enqueue_dma source(%arg17 : memref<40x128xf32, #tpu.memory_space<vmem>>) target(%dma_start3A_68 : memref<40x128xf32, #tpu.memory_space<vmem_shared>>) target_semaphore(%arg22 : memref<!tpu.dma_semaphore, #tpu.memory_space<semaphore_mem>>)
    %add3A_69 = arith.constant 400 : i32
    %add3A_70 = arith.addi %mul3A_0, %add3A_69 : i32
    %dma_start3A_71 = arith.constant 0 : i32
    %dma_start3A_72 = tpu.memref_slice %arg8[%add3A_70, %dma_start3A_71] : memref<10240x128xf32, #tpu.memory_space<vmem_shared>> -> memref<40x128xf32, #tpu.memory_space<vmem_shared>>
    %dma_start3A_73 = arith.constant 0 : i32
    %dma_start3A_74 = tpu.memref_slice %arg8[%add3A_70, %dma_start3A_73] : memref<10240x128xf32, #tpu.memory_space<vmem_shared>> -> memref<40x128xf32, #tpu.memory_space<vmem_shared>>
    tpu.enqueue_dma source(%arg17 : memref<40x128xf32, #tpu.memory_space<vmem>>) target(%dma_start3A_74 : memref<40x128xf32, #tpu.memory_space<vmem_shared>>) target_semaphore(%arg22 : memref<!tpu.dma_semaphore, #tpu.memory_space<semaphore_mem>>)
    %add3A_75 = arith.constant 440 : i32
    %add3A_76 = arith.addi %mul3A_0, %add3A_75 : i32
    %dma_start3A_77 = arith.constant 0 : i32
    %dma_start3A_78 = tpu.memref_slice %arg8[%add3A_76, %dma_start3A_77] : memref<10240x128xf32, #tpu.memory_space<vmem_shared>> -> memref<40x128xf32, #tpu.memory_space<vmem_shared>>
    %dma_start3A_79 = arith.constant 0 : i32
    %dma_start3A_80 = tpu.memref_slice %arg8[%add3A_76, %dma_start3A_79] : memref<10240x128xf32, #tpu.memory_space<vmem_shared>> -> memref<40x128xf32, #tpu.memory_space<vmem_shared>>
    tpu.enqueue_dma source(%arg17 : memref<40x128xf32, #tpu.memory_space<vmem>>) target(%dma_start3A_80 : memref<40x128xf32, #tpu.memory_space<vmem_shared>>) target_semaphore(%arg22 : memref<!tpu.dma_semaphore, #tpu.memory_space<semaphore_mem>>)
    %add3A_81 = arith.constant 480 : i32
    %add3A_82 = arith.addi %mul3A_0, %add3A_81 : i32
    %dma_start3A_83 = arith.constant 0 : i32
    %dma_start3A_84 = tpu.memref_slice %arg8[%add3A_82, %dma_start3A_83] : memref<10240x128xf32, #tpu.memory_space<vmem_shared>> -> memref<40x128xf32, #tpu.memory_space<vmem_shared>>
    %dma_start3A_85 = arith.constant 0 : i32
    %dma_start3A_86 = tpu.memref_slice %arg8[%add3A_82, %dma_start3A_85] : memref<10240x128xf32, #tpu.memory_space<vmem_shared>> -> memref<40x128xf32, #tpu.memory_space<vmem_shared>>
    tpu.enqueue_dma source(%arg17 : memref<40x128xf32, #tpu.memory_space<vmem>>) target(%dma_start3A_86 : memref<40x128xf32, #tpu.memory_space<vmem_shared>>) target_semaphore(%arg22 : memref<!tpu.dma_semaphore, #tpu.memory_space<semaphore_mem>>)
    %add3A_87 = arith.constant 520 : i32
    %add3A_88 = arith.addi %mul3A_0, %add3A_87 : i32
    %dma_start3A_89 = arith.constant 0 : i32
    %dma_start3A_90 = tpu.memref_slice %arg8[%add3A_88, %dma_start3A_89] : memref<10240x128xf32, #tpu.memory_space<vmem_shared>> -> memref<40x128xf32, #tpu.memory_space<vmem_shared>>
    %dma_start3A_91 = arith.constant 0 : i32
    %dma_start3A_92 = tpu.memref_slice %arg8[%add3A_88, %dma_start3A_91] : memref<10240x128xf32, #tpu.memory_space<vmem_shared>> -> memref<40x128xf32, #tpu.memory_space<vmem_shared>>
    tpu.enqueue_dma source(%arg17 : memref<40x128xf32, #tpu.memory_space<vmem>>) target(%dma_start3A_92 : memref<40x128xf32, #tpu.memory_space<vmem_shared>>) target_semaphore(%arg22 : memref<!tpu.dma_semaphore, #tpu.memory_space<semaphore_mem>>)
    %add3A_93 = arith.constant 560 : i32
    %add3A_94 = arith.addi %mul3A_0, %add3A_93 : i32
    %dma_start3A_95 = arith.constant 0 : i32
    %dma_start3A_96 = tpu.memref_slice %arg8[%add3A_94, %dma_start3A_95] : memref<10240x128xf32, #tpu.memory_space<vmem_shared>> -> memref<40x128xf32, #tpu.memory_space<vmem_shared>>
    %dma_start3A_97 = arith.constant 0 : i32
    %dma_start3A_98 = tpu.memref_slice %arg8[%add3A_94, %dma_start3A_97] : memref<10240x128xf32, #tpu.memory_space<vmem_shared>> -> memref<40x128xf32, #tpu.memory_space<vmem_shared>>
    tpu.enqueue_dma source(%arg17 : memref<40x128xf32, #tpu.memory_space<vmem>>) target(%dma_start3A_98 : memref<40x128xf32, #tpu.memory_space<vmem_shared>>) target_semaphore(%arg22 : memref<!tpu.dma_semaphore, #tpu.memory_space<semaphore_mem>>)
    %add3A_99 = arith.constant 600 : i32
    %add3A_100 = arith.addi %mul3A_0, %add3A_99 : i32
    %dma_start3A_101 = arith.constant 0 : i32
    %dma_start3A_102 = tpu.memref_slice %arg8[%add3A_100, %dma_start3A_101] : memref<10240x128xf32, #tpu.memory_space<vmem_shared>> -> memref<40x128xf32, #tpu.memory_space<vmem_shared>>
    %dma_start3A_103 = arith.constant 0 : i32
    %dma_start3A_104 = tpu.memref_slice %arg8[%add3A_100, %dma_start3A_103] : memref<10240x128xf32, #tpu.memory_space<vmem_shared>> -> memref<40x128xf32, #tpu.memory_space<vmem_shared>>
    tpu.enqueue_dma source(%arg17 : memref<40x128xf32, #tpu.memory_space<vmem>>) target(%dma_start3A_104 : memref<40x128xf32, #tpu.memory_space<vmem_shared>>) target_semaphore(%arg22 : memref<!tpu.dma_semaphore, #tpu.memory_space<semaphore_mem>>)
    %add3A_105 = arith.constant 0 : i32
    %add3A_106 = arith.addi %mul3A_0, %add3A_105 : i32
    %dma_wait3A = arith.constant 0 : i32
    %dma_wait3A_107 = tpu.memref_slice %arg8[%add3A_106, %dma_wait3A] : memref<10240x128xf32, #tpu.memory_space<vmem_shared>> -> memref<40x128xf32, #tpu.memory_space<vmem_shared>>
    %dma_wait3A_108 = arith.constant 0 : i32
    %dma_wait3A_109 = tpu.memref_slice %arg8[%add3A_106, %dma_wait3A_108] : memref<10240x128xf32, #tpu.memory_space<vmem_shared>> -> memref<40x128xf32, #tpu.memory_space<vmem_shared>>
    tpu.wait_dma2 semaphore(%arg22 : memref<!tpu.dma_semaphore, #tpu.memory_space<semaphore_mem>>) src(%arg17 : memref<40x128xf32, #tpu.memory_space<vmem>>) dst(%dma_wait3A_109 : memref<40x128xf32, #tpu.memory_space<vmem_shared>>)
    %add3A_110 = arith.constant 40 : i32
    %add3A_111 = arith.addi %mul3A_0, %add3A_110 : i32
    %dma_wait3A_112 = arith.constant 0 : i32
    %dma_wait3A_113 = tpu.memref_slice %arg8[%add3A_111, %dma_wait3A_112] : memref<10240x128xf32, #tpu.memory_space<vmem_shared>> -> memref<40x128xf32, #tpu.memory_space<vmem_shared>>
    %dma_wait3A_114 = arith.constant 0 : i32
    %dma_wait3A_115 = tpu.memref_slice %arg8[%add3A_111, %dma_wait3A_114] : memref<10240x128xf32, #tpu.memory_space<vmem_shared>> -> memref<40x128xf32, #tpu.memory_space<vmem_shared>>
    tpu.wait_dma2 semaphore(%arg22 : memref<!tpu.dma_semaphore, #tpu.memory_space<semaphore_mem>>) src(%arg17 : memref<40x128xf32, #tpu.memory_space<vmem>>) dst(%dma_wait3A_115 : memref<40x128xf32, #tpu.memory_space<vmem_shared>>)
    %add3A_116 = arith.constant 80 : i32
    %add3A_117 = arith.addi %mul3A_0, %add3A_116 : i32
    %dma_wait3A_118 = arith.constant 0 : i32
    %dma_wait3A_119 = tpu.memref_slice %arg8[%add3A_117, %dma_wait3A_118] : memref<10240x128xf32, #tpu.memory_space<vmem_shared>> -> memref<40x128xf32, #tpu.memory_space<vmem_shared>>
    %dma_wait3A_120 = arith.constant 0 : i32
    %dma_wait3A_121 = tpu.memref_slice %arg8[%add3A_117, %dma_wait3A_120] : memref<10240x128xf32, #tpu.memory_space<vmem_shared>> -> memref<40x128xf32, #tpu.memory_space<vmem_shared>>
    tpu.wait_dma2 semaphore(%arg22 : memref<!tpu.dma_semaphore, #tpu.memory_space<semaphore_mem>>) src(%arg17 : memref<40x128xf32, #tpu.memory_space<vmem>>) dst(%dma_wait3A_121 : memref<40x128xf32, #tpu.memory_space<vmem_shared>>)
    %add3A_122 = arith.constant 120 : i32
    %add3A_123 = arith.addi %mul3A_0, %add3A_122 : i32
    %dma_wait3A_124 = arith.constant 0 : i32
    %dma_wait3A_125 = tpu.memref_slice %arg8[%add3A_123, %dma_wait3A_124] : memref<10240x128xf32, #tpu.memory_space<vmem_shared>> -> memref<40x128xf32, #tpu.memory_space<vmem_shared>>
    %dma_wait3A_126 = arith.constant 0 : i32
    %dma_wait3A_127 = tpu.memref_slice %arg8[%add3A_123, %dma_wait3A_126] : memref<10240x128xf32, #tpu.memory_space<vmem_shared>> -> memref<40x128xf32, #tpu.memory_space<vmem_shared>>
    tpu.wait_dma2 semaphore(%arg22 : memref<!tpu.dma_semaphore, #tpu.memory_space<semaphore_mem>>) src(%arg17 : memref<40x128xf32, #tpu.memory_space<vmem>>) dst(%dma_wait3A_127 : memref<40x128xf32, #tpu.memory_space<vmem_shared>>)
    %add3A_128 = arith.constant 160 : i32
    %add3A_129 = arith.addi %mul3A_0, %add3A_128 : i32
    %dma_wait3A_130 = arith.constant 0 : i32
    %dma_wait3A_131 = tpu.memref_slice %arg8[%add3A_129, %dma_wait3A_130] : memref<10240x128xf32, #tpu.memory_space<vmem_shared>> -> memref<40x128xf32, #tpu.memory_space<vmem_shared>>
    %dma_wait3A_132 = arith.constant 0 : i32
    %dma_wait3A_133 = tpu.memref_slice %arg8[%add3A_129, %dma_wait3A_132] : memref<10240x128xf32, #tpu.memory_space<vmem_shared>> -> memref<40x128xf32, #tpu.memory_space<vmem_shared>>
    tpu.wait_dma2 semaphore(%arg22 : memref<!tpu.dma_semaphore, #tpu.memory_space<semaphore_mem>>) src(%arg17 : memref<40x128xf32, #tpu.memory_space<vmem>>) dst(%dma_wait3A_133 : memref<40x128xf32, #tpu.memory_space<vmem_shared>>)
    %add3A_134 = arith.constant 200 : i32
    %add3A_135 = arith.addi %mul3A_0, %add3A_134 : i32
    %dma_wait3A_136 = arith.constant 0 : i32
    %dma_wait3A_137 = tpu.memref_slice %arg8[%add3A_135, %dma_wait3A_136] : memref<10240x128xf32, #tpu.memory_space<vmem_shared>> -> memref<40x128xf32, #tpu.memory_space<vmem_shared>>
    %dma_wait3A_138 = arith.constant 0 : i32
    %dma_wait3A_139 = tpu.memref_slice %arg8[%add3A_135, %dma_wait3A_138] : memref<10240x128xf32, #tpu.memory_space<vmem_shared>> -> memref<40x128xf32, #tpu.memory_space<vmem_shared>>
    tpu.wait_dma2 semaphore(%arg22 : memref<!tpu.dma_semaphore, #tpu.memory_space<semaphore_mem>>) src(%arg17 : memref<40x128xf32, #tpu.memory_space<vmem>>) dst(%dma_wait3A_139 : memref<40x128xf32, #tpu.memory_space<vmem_shared>>)
    %add3A_140 = arith.constant 240 : i32
    %add3A_141 = arith.addi %mul3A_0, %add3A_140 : i32
    %dma_wait3A_142 = arith.constant 0 : i32
    %dma_wait3A_143 = tpu.memref_slice %arg8[%add3A_141, %dma_wait3A_142] : memref<10240x128xf32, #tpu.memory_space<vmem_shared>> -> memref<40x128xf32, #tpu.memory_space<vmem_shared>>
    %dma_wait3A_144 = arith.constant 0 : i32
    %dma_wait3A_145 = tpu.memref_slice %arg8[%add3A_141, %dma_wait3A_144] : memref<10240x128xf32, #tpu.memory_space<vmem_shared>> -> memref<40x128xf32, #tpu.memory_space<vmem_shared>>
    tpu.wait_dma2 semaphore(%arg22 : memref<!tpu.dma_semaphore, #tpu.memory_space<semaphore_mem>>) src(%arg17 : memref<40x128xf32, #tpu.memory_space<vmem>>) dst(%dma_wait3A_145 : memref<40x128xf32, #tpu.memory_space<vmem_shared>>)
    %add3A_146 = arith.constant 280 : i32
    %add3A_147 = arith.addi %mul3A_0, %add3A_146 : i32
    %dma_wait3A_148 = arith.constant 0 : i32
    %dma_wait3A_149 = tpu.memref_slice %arg8[%add3A_147, %dma_wait3A_148] : memref<10240x128xf32, #tpu.memory_space<vmem_shared>> -> memref<40x128xf32, #tpu.memory_space<vmem_shared>>
    %dma_wait3A_150 = arith.constant 0 : i32
    %dma_wait3A_151 = tpu.memref_slice %arg8[%add3A_147, %dma_wait3A_150] : memref<10240x128xf32, #tpu.memory_space<vmem_shared>> -> memref<40x128xf32, #tpu.memory_space<vmem_shared>>
    tpu.wait_dma2 semaphore(%arg22 : memref<!tpu.dma_semaphore, #tpu.memory_space<semaphore_mem>>) src(%arg17 : memref<40x128xf32, #tpu.memory_space<vmem>>) dst(%dma_wait3A_151 : memref<40x128xf32, #tpu.memory_space<vmem_shared>>)
    %add3A_152 = arith.constant 320 : i32
    %add3A_153 = arith.addi %mul3A_0, %add3A_152 : i32
    %dma_wait3A_154 = arith.constant 0 : i32
    %dma_wait3A_155 = tpu.memref_slice %arg8[%add3A_153, %dma_wait3A_154] : memref<10240x128xf32, #tpu.memory_space<vmem_shared>> -> memref<40x128xf32, #tpu.memory_space<vmem_shared>>
    %dma_wait3A_156 = arith.constant 0 : i32
    %dma_wait3A_157 = tpu.memref_slice %arg8[%add3A_153, %dma_wait3A_156] : memref<10240x128xf32, #tpu.memory_space<vmem_shared>> -> memref<40x128xf32, #tpu.memory_space<vmem_shared>>
    tpu.wait_dma2 semaphore(%arg22 : memref<!tpu.dma_semaphore, #tpu.memory_space<semaphore_mem>>) src(%arg17 : memref<40x128xf32, #tpu.memory_space<vmem>>) dst(%dma_wait3A_157 : memref<40x128xf32, #tpu.memory_space<vmem_shared>>)
    %add3A_158 = arith.constant 360 : i32
    %add3A_159 = arith.addi %mul3A_0, %add3A_158 : i32
    %dma_wait3A_160 = arith.constant 0 : i32
    %dma_wait3A_161 = tpu.memref_slice %arg8[%add3A_159, %dma_wait3A_160] : memref<10240x128xf32, #tpu.memory_space<vmem_shared>> -> memref<40x128xf32, #tpu.memory_space<vmem_shared>>
    %dma_wait3A_162 = arith.constant 0 : i32
    %dma_wait3A_163 = tpu.memref_slice %arg8[%add3A_159, %dma_wait3A_162] : memref<10240x128xf32, #tpu.memory_space<vmem_shared>> -> memref<40x128xf32, #tpu.memory_space<vmem_shared>>
    tpu.wait_dma2 semaphore(%arg22 : memref<!tpu.dma_semaphore, #tpu.memory_space<semaphore_mem>>) src(%arg17 : memref<40x128xf32, #tpu.memory_space<vmem>>) dst(%dma_wait3A_163 : memref<40x128xf32, #tpu.memory_space<vmem_shared>>)
    %add3A_164 = arith.constant 400 : i32
    %add3A_165 = arith.addi %mul3A_0, %add3A_164 : i32
    %dma_wait3A_166 = arith.constant 0 : i32
    %dma_wait3A_167 = tpu.memref_slice %arg8[%add3A_165, %dma_wait3A_166] : memref<10240x128xf32, #tpu.memory_space<vmem_shared>> -> memref<40x128xf32, #tpu.memory_space<vmem_shared>>
    %dma_wait3A_168 = arith.constant 0 : i32
    %dma_wait3A_169 = tpu.memref_slice %arg8[%add3A_165, %dma_wait3A_168] : memref<10240x128xf32, #tpu.memory_space<vmem_shared>> -> memref<40x128xf32, #tpu.memory_space<vmem_shared>>
    tpu.wait_dma2 semaphore(%arg22 : memref<!tpu.dma_semaphore, #tpu.memory_space<semaphore_mem>>) src(%arg17 : memref<40x128xf32, #tpu.memory_space<vmem>>) dst(%dma_wait3A_169 : memref<40x128xf32, #tpu.memory_space<vmem_shared>>)
    %add3A_170 = arith.constant 440 : i32
    %add3A_171 = arith.addi %mul3A_0, %add3A_170 : i32
    %dma_wait3A_172 = arith.constant 0 : i32
    %dma_wait3A_173 = tpu.memref_slice %arg8[%add3A_171, %dma_wait3A_172] : memref<10240x128xf32, #tpu.memory_space<vmem_shared>> -> memref<40x128xf32, #tpu.memory_space<vmem_shared>>
    %dma_wait3A_174 = arith.constant 0 : i32
    %dma_wait3A_175 = tpu.memref_slice %arg8[%add3A_171, %dma_wait3A_174] : memref<10240x128xf32, #tpu.memory_space<vmem_shared>> -> memref<40x128xf32, #tpu.memory_space<vmem_shared>>
    tpu.wait_dma2 semaphore(%arg22 : memref<!tpu.dma_semaphore, #tpu.memory_space<semaphore_mem>>) src(%arg17 : memref<40x128xf32, #tpu.memory_space<vmem>>) dst(%dma_wait3A_175 : memref<40x128xf32, #tpu.memory_space<vmem_shared>>)
    %add3A_176 = arith.constant 480 : i32
    %add3A_177 = arith.addi %mul3A_0, %add3A_176 : i32
    %dma_wait3A_178 = arith.constant 0 : i32
    %dma_wait3A_179 = tpu.memref_slice %arg8[%add3A_177, %dma_wait3A_178] : memref<10240x128xf32, #tpu.memory_space<vmem_shared>> -> memref<40x128xf32, #tpu.memory_space<vmem_shared>>
    %dma_wait3A_180 = arith.constant 0 : i32
    %dma_wait3A_181 = tpu.memref_slice %arg8[%add3A_177, %dma_wait3A_180] : memref<10240x128xf32, #tpu.memory_space<vmem_shared>> -> memref<40x128xf32, #tpu.memory_space<vmem_shared>>
    tpu.wait_dma2 semaphore(%arg22 : memref<!tpu.dma_semaphore, #tpu.memory_space<semaphore_mem>>) src(%arg17 : memref<40x128xf32, #tpu.memory_space<vmem>>) dst(%dma_wait3A_181 : memref<40x128xf32, #tpu.memory_space<vmem_shared>>)
    %add3A_182 = arith.constant 520 : i32
    %add3A_183 = arith.addi %mul3A_0, %add3A_182 : i32
    %dma_wait3A_184 = arith.constant 0 : i32
    %dma_wait3A_185 = tpu.memref_slice %arg8[%add3A_183, %dma_wait3A_184] : memref<10240x128xf32, #tpu.memory_space<vmem_shared>> -> memref<40x128xf32, #tpu.memory_space<vmem_shared>>
    %dma_wait3A_186 = arith.constant 0 : i32
    %dma_wait3A_187 = tpu.memref_slice %arg8[%add3A_183, %dma_wait3A_186] : memref<10240x128xf32, #tpu.memory_space<vmem_shared>> -> memref<40x128xf32, #tpu.memory_space<vmem_shared>>
    tpu.wait_dma2 semaphore(%arg22 : memref<!tpu.dma_semaphore, #tpu.memory_space<semaphore_mem>>) src(%arg17 : memref<40x128xf32, #tpu.memory_space<vmem>>) dst(%dma_wait3A_187 : memref<40x128xf32, #tpu.memory_space<vmem_shared>>)
    %add3A_188 = arith.constant 560 : i32
    %add3A_189 = arith.addi %mul3A_0, %add3A_188 : i32
    %dma_wait3A_190 = arith.constant 0 : i32
    %dma_wait3A_191 = tpu.memref_slice %arg8[%add3A_189, %dma_wait3A_190] : memref<10240x128xf32, #tpu.memory_space<vmem_shared>> -> memref<40x128xf32, #tpu.memory_space<vmem_shared>>
    %dma_wait3A_192 = arith.constant 0 : i32
    %dma_wait3A_193 = tpu.memref_slice %arg8[%add3A_189, %dma_wait3A_192] : memref<10240x128xf32, #tpu.memory_space<vmem_shared>> -> memref<40x128xf32, #tpu.memory_space<vmem_shared>>
    tpu.wait_dma2 semaphore(%arg22 : memref<!tpu.dma_semaphore, #tpu.memory_space<semaphore_mem>>) src(%arg17 : memref<40x128xf32, #tpu.memory_space<vmem>>) dst(%dma_wait3A_193 : memref<40x128xf32, #tpu.memory_space<vmem_shared>>)
    %add3A_194 = arith.constant 600 : i32
    %add3A_195 = arith.addi %mul3A_0, %add3A_194 : i32
    %dma_wait3A_196 = arith.constant 0 : i32
    %dma_wait3A_197 = tpu.memref_slice %arg8[%add3A_195, %dma_wait3A_196] : memref<10240x128xf32, #tpu.memory_space<vmem_shared>> -> memref<40x128xf32, #tpu.memory_space<vmem_shared>>
    %dma_wait3A_198 = arith.constant 0 : i32
    %dma_wait3A_199 = tpu.memref_slice %arg8[%add3A_195, %dma_wait3A_198] : memref<10240x128xf32, #tpu.memory_space<vmem_shared>> -> memref<40x128xf32, #tpu.memory_space<vmem_shared>>
    tpu.wait_dma2 semaphore(%arg22 : memref<!tpu.dma_semaphore, #tpu.memory_space<semaphore_mem>>) src(%arg17 : memref<40x128xf32, #tpu.memory_space<vmem>>) dst(%dma_wait3A_199 : memref<40x128xf32, #tpu.memory_space<vmem_shared>>)
    %barrier3A = arith.constant 0 : index
    tpu.barrier barrier_id(%barrier3A)
    %eq3A = arith.constant 0 : i32
    %eq3A_200 = arith.cmpi eq, %arg0, %eq3A : i32
    %convert_element_type3A = arith.extui %eq3A_200 : i1 to i32
    %cond3A = arith.constant 0 : i32
    %cond3A_201 = arith.cmpi ne, %convert_element_type3A, %cond3A : i32
    scf.if %cond3A_201 {
      %mul3A_207 = arith.constant 20000 : i32
      %mul3A_208 = arith.muli %arg1, %mul3A_207 : i32
      %mul3A_209 = arith.constant 0 : i32
      %mul3A_210 = arith.constant 80 : i32
      %mul3A_211 = arith.muli %mul3A_209, %mul3A_210 : i32
      %add3A_212 = arith.addi %mul3A_208, %mul3A_211 : i32
      %multiple_of3A = tpu.assume_multiple %add3A_212, 8 : i32
      %dma_start3A_213 = tpu.memref_slice %arg4[%multiple_of3A] : memref<320000xi32, #tpu.memory_space<hbm>> -> memref<80xi32, #tpu.memory_space<hbm>>
      %dma_start3A_214 = tpu.memref_slice %arg4[%multiple_of3A] : memref<320000xi32, #tpu.memory_space<hbm>> -> memref<80xi32, #tpu.memory_space<hbm>>
      tpu.enqueue_dma source(%dma_start3A_214 : memref<80xi32, #tpu.memory_space<hbm>>) target(%arg9 : memref<80xi32, #tpu.memory_space<vmem>>) target_semaphore(%arg18 : memref<!tpu.dma_semaphore, #tpu.memory_space<semaphore_mem>>)
      %dma_start3A_215 = tpu.memref_slice %arg5[%multiple_of3A] : memref<320000xi32, #tpu.memory_space<hbm>> -> memref<80xi32, #tpu.memory_space<hbm>>
      %dma_start3A_216 = tpu.memref_slice %arg5[%multiple_of3A] : memref<320000xi32, #tpu.memory_space<hbm>> -> memref<80xi32, #tpu.memory_space<hbm>>
      tpu.enqueue_dma source(%dma_start3A_216 : memref<80xi32, #tpu.memory_space<hbm>>) target(%arg11 : memref<80xi32, #tpu.memory_space<vmem>>) target_semaphore(%arg18 : memref<!tpu.dma_semaphore, #tpu.memory_space<semaphore_mem>>)
      %dma_start3A_217 = arith.constant 0 : i32
      %dma_start3A_218 = tpu.memref_slice %arg2[%multiple_of3A, %dma_start3A_217] : memref<320000x512xf32, #tpu.memory_space<hbm>> -> memref<80x128xf32, #tpu.memory_space<hbm>>
      %dma_start3A_219 = arith.constant 0 : i32
      %dma_start3A_220 = tpu.memref_slice %arg2[%multiple_of3A, %dma_start3A_219] : memref<320000x512xf32, #tpu.memory_space<hbm>> -> memref<80x128xf32, #tpu.memory_space<hbm>>
      tpu.enqueue_dma source(%dma_start3A_220 : memref<80x128xf32, #tpu.memory_space<hbm>>) target(%arg13 : memref<80x128xf32, #tpu.memory_space<vmem>>) target_semaphore(%arg18 : memref<!tpu.dma_semaphore, #tpu.memory_space<semaphore_mem>>)
      %dma_start3A_221 = arith.constant 0 : i32
      %dma_start3A_222 = tpu.memref_slice %arg3[%multiple_of3A, %dma_start3A_221] : memref<320000x512xf32, #tpu.memory_space<hbm>> -> memref<80x128xf32, #tpu.memory_space<hbm>>
      %dma_start3A_223 = arith.constant 0 : i32
      %dma_start3A_224 = tpu.memref_slice %arg3[%multiple_of3A, %dma_start3A_223] : memref<320000x512xf32, #tpu.memory_space<hbm>> -> memref<80x128xf32, #tpu.memory_space<hbm>>
      tpu.enqueue_dma source(%dma_start3A_224 : memref<80x128xf32, #tpu.memory_space<hbm>>) target(%arg15 : memref<80x128xf32, #tpu.memory_space<vmem>>) target_semaphore(%arg18 : memref<!tpu.dma_semaphore, #tpu.memory_space<semaphore_mem>>)
      %while3A_225 = arith.constant 0 : i32
      %while3A_226 = arith.constant 0 : i32
      %while3A_227 = arith.constant 125 : i32
      %while3A_228 = arith.subi %while3A_227, %while3A_226 : i32
      %while3A_229 = arith.addi %while3A_226, %while3A_228 : i32
      %while3A_230 = arith.constant 1 : i32
      %while3A_231 = arith.divsi %while3A_228, %while3A_230 : i32
      %while3A_232 = arith.muli %while3A_231, %while3A_230 : i32
      %while3A_233 = arith.addi %while3A_226, %while3A_232 : i32
      %while3A_234 = arith.constant 1 : i32
      scf.for %while3A_474 = %while3A_226 to %while3A_233 step %while3A_234  : i32 {
        %mul3A_475 = arith.constant 2 : i32
        %mul3A_476 = arith.muli %while3A_474, %mul3A_475 : i32
        %add3A_477 = arith.constant 0 : i32
        %add3A_478 = arith.addi %mul3A_476, %add3A_477 : i32
        %mul3A_479 = arith.constant 20000 : i32
        %mul3A_480 = arith.muli %arg1, %mul3A_479 : i32
        %mul3A_481 = arith.constant 80 : i32
        %mul3A_482 = arith.muli %add3A_478, %mul3A_481 : i32
        %add3A_483 = arith.addi %mul3A_480, %mul3A_482 : i32
        %multiple_of3A_484 = tpu.assume_multiple %add3A_483, 8 : i32
        %dma_wait3A_485 = tpu.memref_slice %arg4[%multiple_of3A_484] : memref<320000xi32, #tpu.memory_space<hbm>> -> memref<80xi32, #tpu.memory_space<hbm>>
        %dma_wait3A_486 = tpu.memref_slice %arg4[%multiple_of3A_484] : memref<320000xi32, #tpu.memory_space<hbm>> -> memref<80xi32, #tpu.memory_space<hbm>>
        tpu.wait_dma2 semaphore(%arg18 : memref<!tpu.dma_semaphore, #tpu.memory_space<semaphore_mem>>) src(%dma_wait3A_486 : memref<80xi32, #tpu.memory_space<hbm>>) dst(%arg9 : memref<80xi32, #tpu.memory_space<vmem>>)
        %dma_wait3A_487 = tpu.memref_slice %arg5[%multiple_of3A_484] : memref<320000xi32, #tpu.memory_space<hbm>> -> memref<80xi32, #tpu.memory_space<hbm>>
        %dma_wait3A_488 = tpu.memref_slice %arg5[%multiple_of3A_484] : memref<320000xi32, #tpu.memory_space<hbm>> -> memref<80xi32, #tpu.memory_space<hbm>>
        tpu.wait_dma2 semaphore(%arg18 : memref<!tpu.dma_semaphore, #tpu.memory_space<semaphore_mem>>) src(%dma_wait3A_488 : memref<80xi32, #tpu.memory_space<hbm>>) dst(%arg11 : memref<80xi32, #tpu.memory_space<vmem>>)
        %dma_wait3A_489 = arith.constant 0 : i32
        %dma_wait3A_490 = tpu.memref_slice %arg2[%multiple_of3A_484, %dma_wait3A_489] : memref<320000x512xf32, #tpu.memory_space<hbm>> -> memref<80x128xf32, #tpu.memory_space<hbm>>
        %dma_wait3A_491 = arith.constant 0 : i32
        %dma_wait3A_492 = tpu.memref_slice %arg2[%multiple_of3A_484, %dma_wait3A_491] : memref<320000x512xf32, #tpu.memory_space<hbm>> -> memref<80x128xf32, #tpu.memory_space<hbm>>
        tpu.wait_dma2 semaphore(%arg18 : memref<!tpu.dma_semaphore, #tpu.memory_space<semaphore_mem>>) src(%dma_wait3A_492 : memref<80x128xf32, #tpu.memory_space<hbm>>) dst(%arg13 : memref<80x128xf32, #tpu.memory_space<vmem>>)
        %dma_wait3A_493 = arith.constant 0 : i32
        %dma_wait3A_494 = tpu.memref_slice %arg3[%multiple_of3A_484, %dma_wait3A_493] : memref<320000x512xf32, #tpu.memory_space<hbm>> -> memref<80x128xf32, #tpu.memory_space<hbm>>
        %dma_wait3A_495 = arith.constant 0 : i32
        %dma_wait3A_496 = tpu.memref_slice %arg3[%multiple_of3A_484, %dma_wait3A_495] : memref<320000x512xf32, #tpu.memory_space<hbm>> -> memref<80x128xf32, #tpu.memory_space<hbm>>
        tpu.wait_dma2 semaphore(%arg18 : memref<!tpu.dma_semaphore, #tpu.memory_space<semaphore_mem>>) src(%dma_wait3A_496 : memref<80x128xf32, #tpu.memory_space<hbm>>) dst(%arg15 : memref<80x128xf32, #tpu.memory_space<vmem>>)
        %gt3A = arith.constant 0 : i32
        %gt3A_497 = arith.cmpi sgt, %while3A_474, %gt3A : i32
        %convert_element_type3A_498 = arith.extui %gt3A_497 : i1 to i32
        %cond3A_499 = arith.constant 0 : i32
        %cond3A_500 = arith.cmpi ne, %convert_element_type3A_498, %cond3A_499 : i32
        scf.if %cond3A_500 {
          %dma_wait3A_565 = arith.constant 0 : i32
          %dma_wait3A_566 = arith.constant 0 : i32
          %dma_wait3A_567 = tpu.memref_slice %arg8[%dma_wait3A_565, %dma_wait3A_566] : memref<10240x128xf32, #tpu.memory_space<vmem_shared>> -> memref<10240x128xf32, #tpu.memory_space<vmem_shared>>
          tpu.wait_indirect_dma semaphore(%arg21 : memref<!tpu.dma_semaphore, #tpu.memory_space<semaphore_mem>>) src(%arg14 : memref<80x128xf32, #tpu.memory_space<vmem>>) dst(%dma_wait3A_567 : memref<10240x128xf32, #tpu.memory_space<vmem_shared>>)
          %dma_wait3A_568 = arith.constant 0 : i32
          %dma_wait3A_569 = arith.constant 0 : i32
          %dma_wait3A_570 = tpu.memref_slice %arg8[%dma_wait3A_568, %dma_wait3A_569] : memref<10240x128xf32, #tpu.memory_space<vmem_shared>> -> memref<10240x128xf32, #tpu.memory_space<vmem_shared>>
          tpu.wait_indirect_dma semaphore(%arg21 : memref<!tpu.dma_semaphore, #tpu.memory_space<semaphore_mem>>) src(%arg16 : memref<80x128xf32, #tpu.memory_space<vmem>>) dst(%dma_wait3A_570 : memref<10240x128xf32, #tpu.memory_space<vmem_shared>>)
        } else {
        }
        %add3A_501 = arith.constant 1 : i32
        %add3A_502 = arith.addi %add3A_478, %add3A_501 : i32
        %mul3A_503 = arith.constant 20000 : i32
        %mul3A_504 = arith.muli %arg1, %mul3A_503 : i32
        %mul3A_505 = arith.constant 80 : i32
        %mul3A_506 = arith.muli %add3A_502, %mul3A_505 : i32
        %add3A_507 = arith.addi %mul3A_504, %mul3A_506 : i32
        %multiple_of3A_508 = tpu.assume_multiple %add3A_507, 8 : i32
        %dma_start3A_509 = tpu.memref_slice %arg4[%multiple_of3A_508] : memref<320000xi32, #tpu.memory_space<hbm>> -> memref<80xi32, #tpu.memory_space<hbm>>
        %dma_start3A_510 = tpu.memref_slice %arg4[%multiple_of3A_508] : memref<320000xi32, #tpu.memory_space<hbm>> -> memref<80xi32, #tpu.memory_space<hbm>>
        tpu.enqueue_dma source(%dma_start3A_510 : memref<80xi32, #tpu.memory_space<hbm>>) target(%arg10 : memref<80xi32, #tpu.memory_space<vmem>>) target_semaphore(%arg19 : memref<!tpu.dma_semaphore, #tpu.memory_space<semaphore_mem>>)
        %dma_start3A_511 = tpu.memref_slice %arg5[%multiple_of3A_508] : memref<320000xi32, #tpu.memory_space<hbm>> -> memref<80xi32, #tpu.memory_space<hbm>>
        %dma_start3A_512 = tpu.memref_slice %arg5[%multiple_of3A_508] : memref<320000xi32, #tpu.memory_space<hbm>> -> memref<80xi32, #tpu.memory_space<hbm>>
        tpu.enqueue_dma source(%dma_start3A_512 : memref<80xi32, #tpu.memory_space<hbm>>) target(%arg12 : memref<80xi32, #tpu.memory_space<vmem>>) target_semaphore(%arg19 : memref<!tpu.dma_semaphore, #tpu.memory_space<semaphore_mem>>)
        %dma_start3A_513 = arith.constant 0 : i32
        %dma_start3A_514 = tpu.memref_slice %arg2[%multiple_of3A_508, %dma_start3A_513] : memref<320000x512xf32, #tpu.memory_space<hbm>> -> memref<80x128xf32, #tpu.memory_space<hbm>>
        %dma_start3A_515 = arith.constant 0 : i32
        %dma_start3A_516 = tpu.memref_slice %arg2[%multiple_of3A_508, %dma_start3A_515] : memref<320000x512xf32, #tpu.memory_space<hbm>> -> memref<80x128xf32, #tpu.memory_space<hbm>>
        tpu.enqueue_dma source(%dma_start3A_516 : memref<80x128xf32, #tpu.memory_space<hbm>>) target(%arg14 : memref<80x128xf32, #tpu.memory_space<vmem>>) target_semaphore(%arg19 : memref<!tpu.dma_semaphore, #tpu.memory_space<semaphore_mem>>)
        %dma_start3A_517 = arith.constant 0 : i32
        %dma_start3A_518 = tpu.memref_slice %arg3[%multiple_of3A_508, %dma_start3A_517] : memref<320000x512xf32, #tpu.memory_space<hbm>> -> memref<80x128xf32, #tpu.memory_space<hbm>>
        %dma_start3A_519 = arith.constant 0 : i32
        %dma_start3A_520 = tpu.memref_slice %arg3[%multiple_of3A_508, %dma_start3A_519] : memref<320000x512xf32, #tpu.memory_space<hbm>> -> memref<80x128xf32, #tpu.memory_space<hbm>>
        tpu.enqueue_dma source(%dma_start3A_520 : memref<80x128xf32, #tpu.memory_space<hbm>>) target(%arg16 : memref<80x128xf32, #tpu.memory_space<vmem>>) target_semaphore(%arg19 : memref<!tpu.dma_semaphore, #tpu.memory_space<semaphore_mem>>)
        %dma_start3A_521 = arith.constant 0 : i32
        %dma_start3A_522 = arith.constant 0 : i32
        %dma_start3A_523 = tpu.memref_slice %arg8[%dma_start3A_521, %dma_start3A_522] : memref<10240x128xf32, #tpu.memory_space<vmem_shared>> -> memref<10240x128xf32, #tpu.memory_space<vmem_shared>>
        tpu.enqueue_indirect_dma source(%arg13 : memref<80x128xf32, #tpu.memory_space<vmem>>) target(%dma_start3A_523 : memref<10240x128xf32, #tpu.memory_space<vmem_shared>>) offsets(%arg9 : memref<80xi32, #tpu.memory_space<vmem>>) semaphore(%arg20 : memref<!tpu.dma_semaphore, #tpu.memory_space<semaphore_mem>>) {add = true}
        %dma_start3A_524 = arith.constant 0 : i32
        %dma_start3A_525 = arith.constant 0 : i32
        %dma_start3A_526 = tpu.memref_slice %arg8[%dma_start3A_524, %dma_start3A_525] : memref<10240x128xf32, #tpu.memory_space<vmem_shared>> -> memref<10240x128xf32, #tpu.memory_space<vmem_shared>>
        tpu.enqueue_indirect_dma source(%arg15 : memref<80x128xf32, #tpu.memory_space<vmem>>) target(%dma_start3A_526 : memref<10240x128xf32, #tpu.memory_space<vmem_shared>>) offsets(%arg11 : memref<80xi32, #tpu.memory_space<vmem>>) semaphore(%arg20 : memref<!tpu.dma_semaphore, #tpu.memory_space<semaphore_mem>>) {add = true}
        %mul3A_527 = arith.constant 2 : i32
        %mul3A_528 = arith.muli %while3A_474, %mul3A_527 : i32
        %add3A_529 = arith.constant 1 : i32
        %add3A_530 = arith.addi %mul3A_528, %add3A_529 : i32
        %mul3A_531 = arith.constant 20000 : i32
        %mul3A_532 = arith.muli %arg1, %mul3A_531 : i32
        %mul3A_533 = arith.constant 80 : i32
        %mul3A_534 = arith.muli %add3A_530, %mul3A_533 : i32
        %add3A_535 = arith.addi %mul3A_532, %mul3A_534 : i32
        %multiple_of3A_536 = tpu.assume_multiple %add3A_535, 8 : i32
        %dma_wait3A_537 = tpu.memref_slice %arg4[%multiple_of3A_536] : memref<320000xi32, #tpu.memory_space<hbm>> -> memref<80xi32, #tpu.memory_space<hbm>>
        %dma_wait3A_538 = tpu.memref_slice %arg4[%multiple_of3A_536] : memref<320000xi32, #tpu.memory_space<hbm>> -> memref<80xi32, #tpu.memory_space<hbm>>
        tpu.wait_dma2 semaphore(%arg19 : memref<!tpu.dma_semaphore, #tpu.memory_space<semaphore_mem>>) src(%dma_wait3A_538 : memref<80xi32, #tpu.memory_space<hbm>>) dst(%arg10 : memref<80xi32, #tpu.memory_space<vmem>>)
        %dma_wait3A_539 = tpu.memref_slice %arg5[%multiple_of3A_536] : memref<320000xi32, #tpu.memory_space<hbm>> -> memref<80xi32, #tpu.memory_space<hbm>>
        %dma_wait3A_540 = tpu.memref_slice %arg5[%multiple_of3A_536] : memref<320000xi32, #tpu.memory_space<hbm>> -> memref<80xi32, #tpu.memory_space<hbm>>
        tpu.wait_dma2 semaphore(%arg19 : memref<!tpu.dma_semaphore, #tpu.memory_space<semaphore_mem>>) src(%dma_wait3A_540 : memref<80xi32, #tpu.memory_space<hbm>>) dst(%arg12 : memref<80xi32, #tpu.memory_space<vmem>>)
        %dma_wait3A_541 = arith.constant 0 : i32
        %dma_wait3A_542 = tpu.memref_slice %arg2[%multiple_of3A_536, %dma_wait3A_541] : memref<320000x512xf32, #tpu.memory_space<hbm>> -> memref<80x128xf32, #tpu.memory_space<hbm>>
        %dma_wait3A_543 = arith.constant 0 : i32
        %dma_wait3A_544 = tpu.memref_slice %arg2[%multiple_of3A_536, %dma_wait3A_543] : memref<320000x512xf32, #tpu.memory_space<hbm>> -> memref<80x128xf32, #tpu.memory_space<hbm>>
        tpu.wait_dma2 semaphore(%arg19 : memref<!tpu.dma_semaphore, #tpu.memory_space<semaphore_mem>>) src(%dma_wait3A_544 : memref<80x128xf32, #tpu.memory_space<hbm>>) dst(%arg14 : memref<80x128xf32, #tpu.memory_space<vmem>>)
        %dma_wait3A_545 = arith.constant 0 : i32
        %dma_wait3A_546 = tpu.memref_slice %arg3[%multiple_of3A_536, %dma_wait3A_545] : memref<320000x512xf32, #tpu.memory_space<hbm>> -> memref<80x128xf32, #tpu.memory_space<hbm>>
        %dma_wait3A_547 = arith.constant 0 : i32
        %dma_wait3A_548 = tpu.memref_slice %arg3[%multiple_of3A_536, %dma_wait3A_547] : memref<320000x512xf32, #tpu.memory_space<hbm>> -> memref<80x128xf32, #tpu.memory_space<hbm>>
        tpu.wait_dma2 semaphore(%arg19 : memref<!tpu.dma_semaphore, #tpu.memory_space<semaphore_mem>>) src(%dma_wait3A_548 : memref<80x128xf32, #tpu.memory_space<hbm>>) dst(%arg16 : memref<80x128xf32, #tpu.memory_space<vmem>>)
        %dma_wait3A_549 = arith.constant 0 : i32
        %dma_wait3A_550 = arith.constant 0 : i32
        %dma_wait3A_551 = tpu.memref_slice %arg8[%dma_wait3A_549, %dma_wait3A_550] : memref<10240x128xf32, #tpu.memory_space<vmem_shared>> -> memref<10240x128xf32, #tpu.memory_space<vmem_shared>>
        tpu.wait_indirect_dma semaphore(%arg20 : memref<!tpu.dma_semaphore, #tpu.memory_space<semaphore_mem>>) src(%arg13 : memref<80x128xf32, #tpu.memory_space<vmem>>) dst(%dma_wait3A_551 : memref<10240x128xf32, #tpu.memory_space<vmem_shared>>)
        %dma_wait3A_552 = arith.constant 0 : i32
        %dma_wait3A_553 = arith.constant 0 : i32
        %dma_wait3A_554 = tpu.memref_slice %arg8[%dma_wait3A_552, %dma_wait3A_553] : memref<10240x128xf32, #tpu.memory_space<vmem_shared>> -> memref<10240x128xf32, #tpu.memory_space<vmem_shared>>
        tpu.wait_indirect_dma semaphore(%arg20 : memref<!tpu.dma_semaphore, #tpu.memory_space<semaphore_mem>>) src(%arg15 : memref<80x128xf32, #tpu.memory_space<vmem>>) dst(%dma_wait3A_554 : memref<10240x128xf32, #tpu.memory_space<vmem_shared>>)
        %lt3A = arith.constant 124 : i32
        %lt3A_555 = arith.cmpi slt, %while3A_474, %lt3A : i32
        %convert_element_type3A_556 = arith.extui %lt3A_555 : i1 to i32
        %cond3A_557 = arith.constant 0 : i32
        %cond3A_558 = arith.cmpi ne, %convert_element_type3A_556, %cond3A_557 : i32
        scf.if %cond3A_558 {
          %add3A_565 = arith.constant 1 : i32
          %add3A_566 = arith.addi %add3A_530, %add3A_565 : i32
          %mul3A_567 = arith.constant 20000 : i32
          %mul3A_568 = arith.muli %arg1, %mul3A_567 : i32
          %mul3A_569 = arith.constant 80 : i32
          %mul3A_570 = arith.muli %add3A_566, %mul3A_569 : i32
          %add3A_571 = arith.addi %mul3A_568, %mul3A_570 : i32
          %multiple_of3A_572 = tpu.assume_multiple %add3A_571, 8 : i32
          %dma_start3A_573 = tpu.memref_slice %arg4[%multiple_of3A_572] : memref<320000xi32, #tpu.memory_space<hbm>> -> memref<80xi32, #tpu.memory_space<hbm>>
          %dma_start3A_574 = tpu.memref_slice %arg4[%multiple_of3A_572] : memref<320000xi32, #tpu.memory_space<hbm>> -> memref<80xi32, #tpu.memory_space<hbm>>
          tpu.enqueue_dma source(%dma_start3A_574 : memref<80xi32, #tpu.memory_space<hbm>>) target(%arg9 : memref<80xi32, #tpu.memory_space<vmem>>) target_semaphore(%arg18 : memref<!tpu.dma_semaphore, #tpu.memory_space<semaphore_mem>>)
          %dma_start3A_575 = tpu.memref_slice %arg5[%multiple_of3A_572] : memref<320000xi32, #tpu.memory_space<hbm>> -> memref<80xi32, #tpu.memory_space<hbm>>
          %dma_start3A_576 = tpu.memref_slice %arg5[%multiple_of3A_572] : memref<320000xi32, #tpu.memory_space<hbm>> -> memref<80xi32, #tpu.memory_space<hbm>>
          tpu.enqueue_dma source(%dma_start3A_576 : memref<80xi32, #tpu.memory_space<hbm>>) target(%arg11 : memref<80xi32, #tpu.memory_space<vmem>>) target_semaphore(%arg18 : memref<!tpu.dma_semaphore, #tpu.memory_space<semaphore_mem>>)
          %dma_start3A_577 = arith.constant 0 : i32
          %dma_start3A_578 = tpu.memref_slice %arg2[%multiple_of3A_572, %dma_start3A_577] : memref<320000x512xf32, #tpu.memory_space<hbm>> -> memref<80x128xf32, #tpu.memory_space<hbm>>
          %dma_start3A_579 = arith.constant 0 : i32
          %dma_start3A_580 = tpu.memref_slice %arg2[%multiple_of3A_572, %dma_start3A_579] : memref<320000x512xf32, #tpu.memory_space<hbm>> -> memref<80x128xf32, #tpu.memory_space<hbm>>
          tpu.enqueue_dma source(%dma_start3A_580 : memref<80x128xf32, #tpu.memory_space<hbm>>) target(%arg13 : memref<80x128xf32, #tpu.memory_space<vmem>>) target_semaphore(%arg18 : memref<!tpu.dma_semaphore, #tpu.memory_space<semaphore_mem>>)
          %dma_start3A_581 = arith.constant 0 : i32
          %dma_start3A_582 = tpu.memref_slice %arg3[%multiple_of3A_572, %dma_start3A_581] : memref<320000x512xf32, #tpu.memory_space<hbm>> -> memref<80x128xf32, #tpu.memory_space<hbm>>
          %dma_start3A_583 = arith.constant 0 : i32
          %dma_start3A_584 = tpu.memref_slice %arg3[%multiple_of3A_572, %dma_start3A_583] : memref<320000x512xf32, #tpu.memory_space<hbm>> -> memref<80x128xf32, #tpu.memory_space<hbm>>
          tpu.enqueue_dma source(%dma_start3A_584 : memref<80x128xf32, #tpu.memory_space<hbm>>) target(%arg15 : memref<80x128xf32, #tpu.memory_space<vmem>>) target_semaphore(%arg18 : memref<!tpu.dma_semaphore, #tpu.memory_space<semaphore_mem>>)
        } else {
        }
        %dma_start3A_559 = arith.constant 0 : i32
        %dma_start3A_560 = arith.constant 0 : i32
        %dma_start3A_561 = tpu.memref_slice %arg8[%dma_start3A_559, %dma_start3A_560] : memref<10240x128xf32, #tpu.memory_space<vmem_shared>> -> memref<10240x128xf32, #tpu.memory_space<vmem_shared>>
        tpu.enqueue_indirect_dma source(%arg14 : memref<80x128xf32, #tpu.memory_space<vmem>>) target(%dma_start3A_561 : memref<10240x128xf32, #tpu.memory_space<vmem_shared>>) offsets(%arg10 : memref<80xi32, #tpu.memory_space<vmem>>) semaphore(%arg21 : memref<!tpu.dma_semaphore, #tpu.memory_space<semaphore_mem>>) {add = true}
        %dma_start3A_562 = arith.constant 0 : i32
        %dma_start3A_563 = arith.constant 0 : i32
        %dma_start3A_564 = tpu.memref_slice %arg8[%dma_start3A_562, %dma_start3A_563] : memref<10240x128xf32, #tpu.memory_space<vmem_shared>> -> memref<10240x128xf32, #tpu.memory_space<vmem_shared>>
        tpu.enqueue_indirect_dma source(%arg16 : memref<80x128xf32, #tpu.memory_space<vmem>>) target(%dma_start3A_564 : memref<10240x128xf32, #tpu.memory_space<vmem_shared>>) offsets(%arg12 : memref<80xi32, #tpu.memory_space<vmem>>) semaphore(%arg21 : memref<!tpu.dma_semaphore, #tpu.memory_space<semaphore_mem>>) {add = true}
      }
      %while3A_235 = arith.constant 1 : i32
      scf.for %while3A_474 = %while3A_233 to %while3A_229 step %while3A_235  : i32 {
        %mul3A_475 = arith.constant 2 : i32
        %mul3A_476 = arith.muli %while3A_474, %mul3A_475 : i32
        %add3A_477 = arith.constant 0 : i32
        %add3A_478 = arith.addi %mul3A_476, %add3A_477 : i32
        %mul3A_479 = arith.constant 20000 : i32
        %mul3A_480 = arith.muli %arg1, %mul3A_479 : i32
        %mul3A_481 = arith.constant 80 : i32
        %mul3A_482 = arith.muli %add3A_478, %mul3A_481 : i32
        %add3A_483 = arith.addi %mul3A_480, %mul3A_482 : i32
        %multiple_of3A_484 = tpu.assume_multiple %add3A_483, 8 : i32
        %dma_wait3A_485 = tpu.memref_slice %arg4[%multiple_of3A_484] : memref<320000xi32, #tpu.memory_space<hbm>> -> memref<80xi32, #tpu.memory_space<hbm>>
        %dma_wait3A_486 = tpu.memref_slice %arg4[%multiple_of3A_484] : memref<320000xi32, #tpu.memory_space<hbm>> -> memref<80xi32, #tpu.memory_space<hbm>>
        tpu.wait_dma2 semaphore(%arg18 : memref<!tpu.dma_semaphore, #tpu.memory_space<semaphore_mem>>) src(%dma_wait3A_486 : memref<80xi32, #tpu.memory_space<hbm>>) dst(%arg9 : memref<80xi32, #tpu.memory_space<vmem>>)
        %dma_wait3A_487 = tpu.memref_slice %arg5[%multiple_of3A_484] : memref<320000xi32, #tpu.memory_space<hbm>> -> memref<80xi32, #tpu.memory_space<hbm>>
        %dma_wait3A_488 = tpu.memref_slice %arg5[%multiple_of3A_484] : memref<320000xi32, #tpu.memory_space<hbm>> -> memref<80xi32, #tpu.memory_space<hbm>>
        tpu.wait_dma2 semaphore(%arg18 : memref<!tpu.dma_semaphore, #tpu.memory_space<semaphore_mem>>) src(%dma_wait3A_488 : memref<80xi32, #tpu.memory_space<hbm>>) dst(%arg11 : memref<80xi32, #tpu.memory_space<vmem>>)
        %dma_wait3A_489 = arith.constant 0 : i32
        %dma_wait3A_490 = tpu.memref_slice %arg2[%multiple_of3A_484, %dma_wait3A_489] : memref<320000x512xf32, #tpu.memory_space<hbm>> -> memref<80x128xf32, #tpu.memory_space<hbm>>
        %dma_wait3A_491 = arith.constant 0 : i32
        %dma_wait3A_492 = tpu.memref_slice %arg2[%multiple_of3A_484, %dma_wait3A_491] : memref<320000x512xf32, #tpu.memory_space<hbm>> -> memref<80x128xf32, #tpu.memory_space<hbm>>
        tpu.wait_dma2 semaphore(%arg18 : memref<!tpu.dma_semaphore, #tpu.memory_space<semaphore_mem>>) src(%dma_wait3A_492 : memref<80x128xf32, #tpu.memory_space<hbm>>) dst(%arg13 : memref<80x128xf32, #tpu.memory_space<vmem>>)
        %dma_wait3A_493 = arith.constant 0 : i32
        %dma_wait3A_494 = tpu.memref_slice %arg3[%multiple_of3A_484, %dma_wait3A_493] : memref<320000x512xf32, #tpu.memory_space<hbm>> -> memref<80x128xf32, #tpu.memory_space<hbm>>
        %dma_wait3A_495 = arith.constant 0 : i32
        %dma_wait3A_496 = tpu.memref_slice %arg3[%multiple_of3A_484, %dma_wait3A_495] : memref<320000x512xf32, #tpu.memory_space<hbm>> -> memref<80x128xf32, #tpu.memory_space<hbm>>
        tpu.wait_dma2 semaphore(%arg18 : memref<!tpu.dma_semaphore, #tpu.memory_space<semaphore_mem>>) src(%dma_wait3A_496 : memref<80x128xf32, #tpu.memory_space<hbm>>) dst(%arg15 : memref<80x128xf32, #tpu.memory_space<vmem>>)
        %gt3A = arith.constant 0 : i32
        %gt3A_497 = arith.cmpi sgt, %while3A_474, %gt3A : i32
        %convert_element_type3A_498 = arith.extui %gt3A_497 : i1 to i32
        %cond3A_499 = arith.constant 0 : i32
        %cond3A_500 = arith.cmpi ne, %convert_element_type3A_498, %cond3A_499 : i32
        scf.if %cond3A_500 {
          %dma_wait3A_565 = arith.constant 0 : i32
          %dma_wait3A_566 = arith.constant 0 : i32
          %dma_wait3A_567 = tpu.memref_slice %arg8[%dma_wait3A_565, %dma_wait3A_566] : memref<10240x128xf32, #tpu.memory_space<vmem_shared>> -> memref<10240x128xf32, #tpu.memory_space<vmem_shared>>
          tpu.wait_indirect_dma semaphore(%arg21 : memref<!tpu.dma_semaphore, #tpu.memory_space<semaphore_mem>>) src(%arg14 : memref<80x128xf32, #tpu.memory_space<vmem>>) dst(%dma_wait3A_567 : memref<10240x128xf32, #tpu.memory_space<vmem_shared>>)
          %dma_wait3A_568 = arith.constant 0 : i32
          %dma_wait3A_569 = arith.constant 0 : i32
          %dma_wait3A_570 = tpu.memref_slice %arg8[%dma_wait3A_568, %dma_wait3A_569] : memref<10240x128xf32, #tpu.memory_space<vmem_shared>> -> memref<10240x128xf32, #tpu.memory_space<vmem_shared>>
          tpu.wait_indirect_dma semaphore(%arg21 : memref<!tpu.dma_semaphore, #tpu.memory_space<semaphore_mem>>) src(%arg16 : memref<80x128xf32, #tpu.memory_space<vmem>>) dst(%dma_wait3A_570 : memref<10240x128xf32, #tpu.memory_space<vmem_shared>>)
        } else {
        }
        %add3A_501 = arith.constant 1 : i32
        %add3A_502 = arith.addi %add3A_478, %add3A_501 : i32
        %mul3A_503 = arith.constant 20000 : i32
        %mul3A_504 = arith.muli %arg1, %mul3A_503 : i32
        %mul3A_505 = arith.constant 80 : i32
        %mul3A_506 = arith.muli %add3A_502, %mul3A_505 : i32
        %add3A_507 = arith.addi %mul3A_504, %mul3A_506 : i32
        %multiple_of3A_508 = tpu.assume_multiple %add3A_507, 8 : i32
        %dma_start3A_509 = tpu.memref_slice %arg4[%multiple_of3A_508] : memref<320000xi32, #tpu.memory_space<hbm>> -> memref<80xi32, #tpu.memory_space<hbm>>
        %dma_start3A_510 = tpu.memref_slice %arg4[%multiple_of3A_508] : memref<320000xi32, #tpu.memory_space<hbm>> -> memref<80xi32, #tpu.memory_space<hbm>>
        tpu.enqueue_dma source(%dma_start3A_510 : memref<80xi32, #tpu.memory_space<hbm>>) target(%arg10 : memref<80xi32, #tpu.memory_space<vmem>>) target_semaphore(%arg19 : memref<!tpu.dma_semaphore, #tpu.memory_space<semaphore_mem>>)
        %dma_start3A_511 = tpu.memref_slice %arg5[%multiple_of3A_508] : memref<320000xi32, #tpu.memory_space<hbm>> -> memref<80xi32, #tpu.memory_space<hbm>>
        %dma_start3A_512 = tpu.memref_slice %arg5[%multiple_of3A_508] : memref<320000xi32, #tpu.memory_space<hbm>> -> memref<80xi32, #tpu.memory_space<hbm>>
        tpu.enqueue_dma source(%dma_start3A_512 : memref<80xi32, #tpu.memory_space<hbm>>) target(%arg12 : memref<80xi32, #tpu.memory_space<vmem>>) target_semaphore(%arg19 : memref<!tpu.dma_semaphore, #tpu.memory_space<semaphore_mem>>)
        %dma_start3A_513 = arith.constant 0 : i32
        %dma_start3A_514 = tpu.memref_slice %arg2[%multiple_of3A_508, %dma_start3A_513] : memref<320000x512xf32, #tpu.memory_space<hbm>> -> memref<80x128xf32, #tpu.memory_space<hbm>>
        %dma_start3A_515 = arith.constant 0 : i32
        %dma_start3A_516 = tpu.memref_slice %arg2[%multiple_of3A_508, %dma_start3A_515] : memref<320000x512xf32, #tpu.memory_space<hbm>> -> memref<80x128xf32, #tpu.memory_space<hbm>>
        tpu.enqueue_dma source(%dma_start3A_516 : memref<80x128xf32, #tpu.memory_space<hbm>>) target(%arg14 : memref<80x128xf32, #tpu.memory_space<vmem>>) target_semaphore(%arg19 : memref<!tpu.dma_semaphore, #tpu.memory_space<semaphore_mem>>)
        %dma_start3A_517 = arith.constant 0 : i32
        %dma_start3A_518 = tpu.memref_slice %arg3[%multiple_of3A_508, %dma_start3A_517] : memref<320000x512xf32, #tpu.memory_space<hbm>> -> memref<80x128xf32, #tpu.memory_space<hbm>>
        %dma_start3A_519 = arith.constant 0 : i32
        %dma_start3A_520 = tpu.memref_slice %arg3[%multiple_of3A_508, %dma_start3A_519] : memref<320000x512xf32, #tpu.memory_space<hbm>> -> memref<80x128xf32, #tpu.memory_space<hbm>>
        tpu.enqueue_dma source(%dma_start3A_520 : memref<80x128xf32, #tpu.memory_space<hbm>>) target(%arg16 : memref<80x128xf32, #tpu.memory_space<vmem>>) target_semaphore(%arg19 : memref<!tpu.dma_semaphore, #tpu.memory_space<semaphore_mem>>)
        %dma_start3A_521 = arith.constant 0 : i32
        %dma_start3A_522 = arith.constant 0 : i32
        %dma_start3A_523 = tpu.memref_slice %arg8[%dma_start3A_521, %dma_start3A_522] : memref<10240x128xf32, #tpu.memory_space<vmem_shared>> -> memref<10240x128xf32, #tpu.memory_space<vmem_shared>>
        tpu.enqueue_indirect_dma source(%arg13 : memref<80x128xf32, #tpu.memory_space<vmem>>) target(%dma_start3A_523 : memref<10240x128xf32, #tpu.memory_space<vmem_shared>>) offsets(%arg9 : memref<80xi32, #tpu.memory_space<vmem>>) semaphore(%arg20 : memref<!tpu.dma_semaphore, #tpu.memory_space<semaphore_mem>>) {add = true}
        %dma_start3A_524 = arith.constant 0 : i32
        %dma_start3A_525 = arith.constant 0 : i32
        %dma_start3A_526 = tpu.memref_slice %arg8[%dma_start3A_524, %dma_start3A_525] : memref<10240x128xf32, #tpu.memory_space<vmem_shared>> -> memref<10240x128xf32, #tpu.memory_space<vmem_shared>>
        tpu.enqueue_indirect_dma source(%arg15 : memref<80x128xf32, #tpu.memory_space<vmem>>) target(%dma_start3A_526 : memref<10240x128xf32, #tpu.memory_space<vmem_shared>>) offsets(%arg11 : memref<80xi32, #tpu.memory_space<vmem>>) semaphore(%arg20 : memref<!tpu.dma_semaphore, #tpu.memory_space<semaphore_mem>>) {add = true}
        %mul3A_527 = arith.constant 2 : i32
        %mul3A_528 = arith.muli %while3A_474, %mul3A_527 : i32
        %add3A_529 = arith.constant 1 : i32
        %add3A_530 = arith.addi %mul3A_528, %add3A_529 : i32
        %mul3A_531 = arith.constant 20000 : i32
        %mul3A_532 = arith.muli %arg1, %mul3A_531 : i32
        %mul3A_533 = arith.constant 80 : i32
        %mul3A_534 = arith.muli %add3A_530, %mul3A_533 : i32
        %add3A_535 = arith.addi %mul3A_532, %mul3A_534 : i32
        %multiple_of3A_536 = tpu.assume_multiple %add3A_535, 8 : i32
        %dma_wait3A_537 = tpu.memref_slice %arg4[%multiple_of3A_536] : memref<320000xi32, #tpu.memory_space<hbm>> -> memref<80xi32, #tpu.memory_space<hbm>>
        %dma_wait3A_538 = tpu.memref_slice %arg4[%multiple_of3A_536] : memref<320000xi32, #tpu.memory_space<hbm>> -> memref<80xi32, #tpu.memory_space<hbm>>
        tpu.wait_dma2 semaphore(%arg19 : memref<!tpu.dma_semaphore, #tpu.memory_space<semaphore_mem>>) src(%dma_wait3A_538 : memref<80xi32, #tpu.memory_space<hbm>>) dst(%arg10 : memref<80xi32, #tpu.memory_space<vmem>>)
        %dma_wait3A_539 = tpu.memref_slice %arg5[%multiple_of3A_536] : memref<320000xi32, #tpu.memory_space<hbm>> -> memref<80xi32, #tpu.memory_space<hbm>>
        %dma_wait3A_540 = tpu.memref_slice %arg5[%multiple_of3A_536] : memref<320000xi32, #tpu.memory_space<hbm>> -> memref<80xi32, #tpu.memory_space<hbm>>
        tpu.wait_dma2 semaphore(%arg19 : memref<!tpu.dma_semaphore, #tpu.memory_space<semaphore_mem>>) src(%dma_wait3A_540 : memref<80xi32, #tpu.memory_space<hbm>>) dst(%arg12 : memref<80xi32, #tpu.memory_space<vmem>>)
        %dma_wait3A_541 = arith.constant 0 : i32
        %dma_wait3A_542 = tpu.memref_slice %arg2[%multiple_of3A_536, %dma_wait3A_541] : memref<320000x512xf32, #tpu.memory_space<hbm>> -> memref<80x128xf32, #tpu.memory_space<hbm>>
        %dma_wait3A_543 = arith.constant 0 : i32
        %dma_wait3A_544 = tpu.memref_slice %arg2[%multiple_of3A_536, %dma_wait3A_543] : memref<320000x512xf32, #tpu.memory_space<hbm>> -> memref<80x128xf32, #tpu.memory_space<hbm>>
        tpu.wait_dma2 semaphore(%arg19 : memref<!tpu.dma_semaphore, #tpu.memory_space<semaphore_mem>>) src(%dma_wait3A_544 : memref<80x128xf32, #tpu.memory_space<hbm>>) dst(%arg14 : memref<80x128xf32, #tpu.memory_space<vmem>>)
        %dma_wait3A_545 = arith.constant 0 : i32
        %dma_wait3A_546 = tpu.memref_slice %arg3[%multiple_of3A_536, %dma_wait3A_545] : memref<320000x512xf32, #tpu.memory_space<hbm>> -> memref<80x128xf32, #tpu.memory_space<hbm>>
        %dma_wait3A_547 = arith.constant 0 : i32
        %dma_wait3A_548 = tpu.memref_slice %arg3[%multiple_of3A_536, %dma_wait3A_547] : memref<320000x512xf32, #tpu.memory_space<hbm>> -> memref<80x128xf32, #tpu.memory_space<hbm>>
        tpu.wait_dma2 semaphore(%arg19 : memref<!tpu.dma_semaphore, #tpu.memory_space<semaphore_mem>>) src(%dma_wait3A_548 : memref<80x128xf32, #tpu.memory_space<hbm>>) dst(%arg16 : memref<80x128xf32, #tpu.memory_space<vmem>>)
        %dma_wait3A_549 = arith.constant 0 : i32
        %dma_wait3A_550 = arith.constant 0 : i32
        %dma_wait3A_551 = tpu.memref_slice %arg8[%dma_wait3A_549, %dma_wait3A_550] : memref<10240x128xf32, #tpu.memory_space<vmem_shared>> -> memref<10240x128xf32, #tpu.memory_space<vmem_shared>>
        tpu.wait_indirect_dma semaphore(%arg20 : memref<!tpu.dma_semaphore, #tpu.memory_space<semaphore_mem>>) src(%arg13 : memref<80x128xf32, #tpu.memory_space<vmem>>) dst(%dma_wait3A_551 : memref<10240x128xf32, #tpu.memory_space<vmem_shared>>)
        %dma_wait3A_552 = arith.constant 0 : i32
        %dma_wait3A_553 = arith.constant 0 : i32
        %dma_wait3A_554 = tpu.memref_slice %arg8[%dma_wait3A_552, %dma_wait3A_553] : memref<10240x128xf32, #tpu.memory_space<vmem_shared>> -> memref<10240x128xf32, #tpu.memory_space<vmem_shared>>
        tpu.wait_indirect_dma semaphore(%arg20 : memref<!tpu.dma_semaphore, #tpu.memory_space<semaphore_mem>>) src(%arg15 : memref<80x128xf32, #tpu.memory_space<vmem>>) dst(%dma_wait3A_554 : memref<10240x128xf32, #tpu.memory_space<vmem_shared>>)
        %lt3A = arith.constant 124 : i32
        %lt3A_555 = arith.cmpi slt, %while3A_474, %lt3A : i32
        %convert_element_type3A_556 = arith.extui %lt3A_555 : i1 to i32
        %cond3A_557 = arith.constant 0 : i32
        %cond3A_558 = arith.cmpi ne, %convert_element_type3A_556, %cond3A_557 : i32
        scf.if %cond3A_558 {
          %add3A_565 = arith.constant 1 : i32
          %add3A_566 = arith.addi %add3A_530, %add3A_565 : i32
          %mul3A_567 = arith.constant 20000 : i32
          %mul3A_568 = arith.muli %arg1, %mul3A_567 : i32
          %mul3A_569 = arith.constant 80 : i32
          %mul3A_570 = arith.muli %add3A_566, %mul3A_569 : i32
          %add3A_571 = arith.addi %mul3A_568, %mul3A_570 : i32
          %multiple_of3A_572 = tpu.assume_multiple %add3A_571, 8 : i32
          %dma_start3A_573 = tpu.memref_slice %arg4[%multiple_of3A_572] : memref<320000xi32, #tpu.memory_space<hbm>> -> memref<80xi32, #tpu.memory_space<hbm>>
          %dma_start3A_574 = tpu.memref_slice %arg4[%multiple_of3A_572] : memref<320000xi32, #tpu.memory_space<hbm>> -> memref<80xi32, #tpu.memory_space<hbm>>
          tpu.enqueue_dma source(%dma_start3A_574 : memref<80xi32, #tpu.memory_space<hbm>>) target(%arg9 : memref<80xi32, #tpu.memory_space<vmem>>) target_semaphore(%arg18 : memref<!tpu.dma_semaphore, #tpu.memory_space<semaphore_mem>>)
          %dma_start3A_575 = tpu.memref_slice %arg5[%multiple_of3A_572] : memref<320000xi32, #tpu.memory_space<hbm>> -> memref<80xi32, #tpu.memory_space<hbm>>
          %dma_start3A_576 = tpu.memref_slice %arg5[%multiple_of3A_572] : memref<320000xi32, #tpu.memory_space<hbm>> -> memref<80xi32, #tpu.memory_space<hbm>>
          tpu.enqueue_dma source(%dma_start3A_576 : memref<80xi32, #tpu.memory_space<hbm>>) target(%arg11 : memref<80xi32, #tpu.memory_space<vmem>>) target_semaphore(%arg18 : memref<!tpu.dma_semaphore, #tpu.memory_space<semaphore_mem>>)
          %dma_start3A_577 = arith.constant 0 : i32
          %dma_start3A_578 = tpu.memref_slice %arg2[%multiple_of3A_572, %dma_start3A_577] : memref<320000x512xf32, #tpu.memory_space<hbm>> -> memref<80x128xf32, #tpu.memory_space<hbm>>
          %dma_start3A_579 = arith.constant 0 : i32
          %dma_start3A_580 = tpu.memref_slice %arg2[%multiple_of3A_572, %dma_start3A_579] : memref<320000x512xf32, #tpu.memory_space<hbm>> -> memref<80x128xf32, #tpu.memory_space<hbm>>
          tpu.enqueue_dma source(%dma_start3A_580 : memref<80x128xf32, #tpu.memory_space<hbm>>) target(%arg13 : memref<80x128xf32, #tpu.memory_space<vmem>>) target_semaphore(%arg18 : memref<!tpu.dma_semaphore, #tpu.memory_space<semaphore_mem>>)
          %dma_start3A_581 = arith.constant 0 : i32
          %dma_start3A_582 = tpu.memref_slice %arg3[%multiple_of3A_572, %dma_start3A_581] : memref<320000x512xf32, #tpu.memory_space<hbm>> -> memref<80x128xf32, #tpu.memory_space<hbm>>
          %dma_start3A_583 = arith.constant 0 : i32
          %dma_start3A_584 = tpu.memref_slice %arg3[%multiple_of3A_572, %dma_start3A_583] : memref<320000x512xf32, #tpu.memory_space<hbm>> -> memref<80x128xf32, #tpu.memory_space<hbm>>
          tpu.enqueue_dma source(%dma_start3A_584 : memref<80x128xf32, #tpu.memory_space<hbm>>) target(%arg15 : memref<80x128xf32, #tpu.memory_space<vmem>>) target_semaphore(%arg18 : memref<!tpu.dma_semaphore, #tpu.memory_space<semaphore_mem>>)
        } else {
        }
        %dma_start3A_559 = arith.constant 0 : i32
        %dma_start3A_560 = arith.constant 0 : i32
        %dma_start3A_561 = tpu.memref_slice %arg8[%dma_start3A_559, %dma_start3A_560] : memref<10240x128xf32, #tpu.memory_space<vmem_shared>> -> memref<10240x128xf32, #tpu.memory_space<vmem_shared>>
        tpu.enqueue_indirect_dma source(%arg14 : memref<80x128xf32, #tpu.memory_space<vmem>>) target(%dma_start3A_561 : memref<10240x128xf32, #tpu.memory_space<vmem_shared>>) offsets(%arg10 : memref<80xi32, #tpu.memory_space<vmem>>) semaphore(%arg21 : memref<!tpu.dma_semaphore, #tpu.memory_space<semaphore_mem>>) {add = true}
        %dma_start3A_562 = arith.constant 0 : i32
        %dma_start3A_563 = arith.constant 0 : i32
        %dma_start3A_564 = tpu.memref_slice %arg8[%dma_start3A_562, %dma_start3A_563] : memref<10240x128xf32, #tpu.memory_space<vmem_shared>> -> memref<10240x128xf32, #tpu.memory_space<vmem_shared>>
        tpu.enqueue_indirect_dma source(%arg16 : memref<80x128xf32, #tpu.memory_space<vmem>>) target(%dma_start3A_564 : memref<10240x128xf32, #tpu.memory_space<vmem_shared>>) offsets(%arg12 : memref<80xi32, #tpu.memory_space<vmem>>) semaphore(%arg21 : memref<!tpu.dma_semaphore, #tpu.memory_space<semaphore_mem>>) {add = true}
      }
      %dma_wait3A_236 = arith.constant 0 : i32
      %dma_wait3A_237 = arith.constant 0 : i32
      %dma_wait3A_238 = tpu.memref_slice %arg8[%dma_wait3A_236, %dma_wait3A_237] : memref<10240x128xf32, #tpu.memory_space<vmem_shared>> -> memref<10240x128xf32, #tpu.memory_space<vmem_shared>>
      tpu.wait_indirect_dma semaphore(%arg21 : memref<!tpu.dma_semaphore, #tpu.memory_space<semaphore_mem>>) src(%arg14 : memref<80x128xf32, #tpu.memory_space<vmem>>) dst(%dma_wait3A_238 : memref<10240x128xf32, #tpu.memory_space<vmem_shared>>)
      %dma_wait3A_239 = arith.constant 0 : i32
      %dma_wait3A_240 = arith.constant 0 : i32
      %dma_wait3A_241 = tpu.memref_slice %arg8[%dma_wait3A_239, %dma_wait3A_240] : memref<10240x128xf32, #tpu.memory_space<vmem_shared>> -> memref<10240x128xf32, #tpu.memory_space<vmem_shared>>
      tpu.wait_indirect_dma semaphore(%arg21 : memref<!tpu.dma_semaphore, #tpu.memory_space<semaphore_mem>>) src(%arg16 : memref<80x128xf32, #tpu.memory_space<vmem>>) dst(%dma_wait3A_241 : memref<10240x128xf32, #tpu.memory_space<vmem_shared>>)
      %barrier3A_242 = arith.constant 0 : index
      tpu.barrier barrier_id(%barrier3A_242)
      "tpu.region"() ({
        %run_scoped3A = tpu.sem_alloc : memref<!tpu.dma_semaphore, #tpu.memory_space<semaphore_mem>>
        %dma_start3A_474 = arith.constant 0 : i32
        %dma_start3A_475 = tpu.memref_slice %arg6[%mul3A_0, %dma_start3A_474] : memref<10240x512xf32, #tpu.memory_space<hbm>> -> memref<640x128xf32, #tpu.memory_space<hbm>>
        %dma_start3A_476 = arith.constant 0 : i32
        %dma_start3A_477 = tpu.memref_slice %arg8[%mul3A_0, %dma_start3A_476] : memref<10240x128xf32, #tpu.memory_space<vmem_shared>> -> memref<640x128xf32, #tpu.memory_space<vmem_shared>>
        tpu.enqueue_dma source(%dma_start3A_477 : memref<640x128xf32, #tpu.memory_space<vmem_shared>>) target(%dma_start3A_475 : memref<640x128xf32, #tpu.memory_space<hbm>>) target_semaphore(%run_scoped3A : memref<!tpu.dma_semaphore, #tpu.memory_space<semaphore_mem>>)
        %dma_wait3A_478 = arith.constant 0 : i32
        %dma_wait3A_479 = tpu.memref_slice %arg6[%mul3A_0, %dma_wait3A_478] : memref<10240x512xf32, #tpu.memory_space<hbm>> -> memref<640x128xf32, #tpu.memory_space<hbm>>
        %dma_wait3A_480 = arith.constant 0 : i32
        %dma_wait3A_481 = tpu.memref_slice %arg8[%mul3A_0, %dma_wait3A_480] : memref<10240x128xf32, #tpu.memory_space<vmem_shared>> -> memref<640x128xf32, #tpu.memory_space<vmem_shared>>
        tpu.wait_dma2 semaphore(%run_scoped3A : memref<!tpu.dma_semaphore, #tpu.memory_space<semaphore_mem>>) src(%dma_wait3A_481 : memref<640x128xf32, #tpu.memory_space<vmem_shared>>) dst(%dma_wait3A_479 : memref<640x128xf32, #tpu.memory_space<hbm>>)
        tpu.yield
      }) : () -> ()
      %add3A_243 = arith.constant 0 : i32
      %add3A_244 = arith.addi %mul3A_0, %add3A_243 : i32
      %dma_start3A_245 = arith.constant 0 : i32
      %dma_start3A_246 = tpu.memref_slice %arg8[%add3A_244, %dma_start3A_245] : memref<10240x128xf32, #tpu.memory_space<vmem_shared>> -> memref<40x128xf32, #tpu.memory_space<vmem_shared>>
      %dma_start3A_247 = arith.constant 0 : i32
      %dma_start3A_248 = tpu.memref_slice %arg8[%add3A_244, %dma_start3A_247] : memref<10240x128xf32, #tpu.memory_space<vmem_shared>> -> memref<40x128xf32, #tpu.memory_space<vmem_shared>>
      tpu.enqueue_dma source(%arg17 : memref<40x128xf32, #tpu.memory_space<vmem>>) target(%dma_start3A_248 : memref<40x128xf32, #tpu.memory_space<vmem_shared>>) target_semaphore(%arg22 : memref<!tpu.dma_semaphore, #tpu.memory_space<semaphore_mem>>)
      %add3A_249 = arith.constant 40 : i32
      %add3A_250 = arith.addi %mul3A_0, %add3A_249 : i32
      %dma_start3A_251 = arith.constant 0 : i32
      %dma_start3A_252 = tpu.memref_slice %arg8[%add3A_250, %dma_start3A_251] : memref<10240x128xf32, #tpu.memory_space<vmem_shared>> -> memref<40x128xf32, #tpu.memory_space<vmem_shared>>
      %dma_start3A_253 = arith.constant 0 : i32
      %dma_start3A_254 = tpu.memref_slice %arg8[%add3A_250, %dma_start3A_253] : memref<10240x128xf32, #tpu.memory_space<vmem_shared>> -> memref<40x128xf32, #tpu.memory_space<vmem_shared>>
      tpu.enqueue_dma source(%arg17 : memref<40x128xf32, #tpu.memory_space<vmem>>) target(%dma_start3A_254 : memref<40x128xf32, #tpu.memory_space<vmem_shared>>) target_semaphore(%arg22 : memref<!tpu.dma_semaphore, #tpu.memory_space<semaphore_mem>>)
      %add3A_255 = arith.constant 80 : i32
      %add3A_256 = arith.addi %mul3A_0, %add3A_255 : i32
      %dma_start3A_257 = arith.constant 0 : i32
      %dma_start3A_258 = tpu.memref_slice %arg8[%add3A_256, %dma_start3A_257] : memref<10240x128xf32, #tpu.memory_space<vmem_shared>> -> memref<40x128xf32, #tpu.memory_space<vmem_shared>>
      %dma_start3A_259 = arith.constant 0 : i32
      %dma_start3A_260 = tpu.memref_slice %arg8[%add3A_256, %dma_start3A_259] : memref<10240x128xf32, #tpu.memory_space<vmem_shared>> -> memref<40x128xf32, #tpu.memory_space<vmem_shared>>
      tpu.enqueue_dma source(%arg17 : memref<40x128xf32, #tpu.memory_space<vmem>>) target(%dma_start3A_260 : memref<40x128xf32, #tpu.memory_space<vmem_shared>>) target_semaphore(%arg22 : memref<!tpu.dma_semaphore, #tpu.memory_space<semaphore_mem>>)
      %add3A_261 = arith.constant 120 : i32
      %add3A_262 = arith.addi %mul3A_0, %add3A_261 : i32
      %dma_start3A_263 = arith.constant 0 : i32
      %dma_start3A_264 = tpu.memref_slice %arg8[%add3A_262, %dma_start3A_263] : memref<10240x128xf32, #tpu.memory_space<vmem_shared>> -> memref<40x128xf32, #tpu.memory_space<vmem_shared>>
      %dma_start3A_265 = arith.constant 0 : i32
      %dma_start3A_266 = tpu.memref_slice %arg8[%add3A_262, %dma_start3A_265] : memref<10240x128xf32, #tpu.memory_space<vmem_shared>> -> memref<40x128xf32, #tpu.memory_space<vmem_shared>>
      tpu.enqueue_dma source(%arg17 : memref<40x128xf32, #tpu.memory_space<vmem>>) target(%dma_start3A_266 : memref<40x128xf32, #tpu.memory_space<vmem_shared>>) target_semaphore(%arg22 : memref<!tpu.dma_semaphore, #tpu.memory_space<semaphore_mem>>)
      %add3A_267 = arith.constant 160 : i32
      %add3A_268 = arith.addi %mul3A_0, %add3A_267 : i32
      %dma_start3A_269 = arith.constant 0 : i32
      %dma_start3A_270 = tpu.memref_slice %arg8[%add3A_268, %dma_start3A_269] : memref<10240x128xf32, #tpu.memory_space<vmem_shared>> -> memref<40x128xf32, #tpu.memory_space<vmem_shared>>
      %dma_start3A_271 = arith.constant 0 : i32
      %dma_start3A_272 = tpu.memref_slice %arg8[%add3A_268, %dma_start3A_271] : memref<10240x128xf32, #tpu.memory_space<vmem_shared>> -> memref<40x128xf32, #tpu.memory_space<vmem_shared>>
      tpu.enqueue_dma source(%arg17 : memref<40x128xf32, #tpu.memory_space<vmem>>) target(%dma_start3A_272 : memref<40x128xf32, #tpu.memory_space<vmem_shared>>) target_semaphore(%arg22 : memref<!tpu.dma_semaphore, #tpu.memory_space<semaphore_mem>>)
      %add3A_273 = arith.constant 200 : i32
      %add3A_274 = arith.addi %mul3A_0, %add3A_273 : i32
      %dma_start3A_275 = arith.constant 0 : i32
      %dma_start3A_276 = tpu.memref_slice %arg8[%add3A_274, %dma_start3A_275] : memref<10240x128xf32, #tpu.memory_space<vmem_shared>> -> memref<40x128xf32, #tpu.memory_space<vmem_shared>>
      %dma_start3A_277 = arith.constant 0 : i32
      %dma_start3A_278 = tpu.memref_slice %arg8[%add3A_274, %dma_start3A_277] : memref<10240x128xf32, #tpu.memory_space<vmem_shared>> -> memref<40x128xf32, #tpu.memory_space<vmem_shared>>
      tpu.enqueue_dma source(%arg17 : memref<40x128xf32, #tpu.memory_space<vmem>>) target(%dma_start3A_278 : memref<40x128xf32, #tpu.memory_space<vmem_shared>>) target_semaphore(%arg22 : memref<!tpu.dma_semaphore, #tpu.memory_space<semaphore_mem>>)
      %add3A_279 = arith.constant 240 : i32
      %add3A_280 = arith.addi %mul3A_0, %add3A_279 : i32
      %dma_start3A_281 = arith.constant 0 : i32
      %dma_start3A_282 = tpu.memref_slice %arg8[%add3A_280, %dma_start3A_281] : memref<10240x128xf32, #tpu.memory_space<vmem_shared>> -> memref<40x128xf32, #tpu.memory_space<vmem_shared>>
      %dma_start3A_283 = arith.constant 0 : i32
      %dma_start3A_284 = tpu.memref_slice %arg8[%add3A_280, %dma_start3A_283] : memref<10240x128xf32, #tpu.memory_space<vmem_shared>> -> memref<40x128xf32, #tpu.memory_space<vmem_shared>>
      tpu.enqueue_dma source(%arg17 : memref<40x128xf32, #tpu.memory_space<vmem>>) target(%dma_start3A_284 : memref<40x128xf32, #tpu.memory_space<vmem_shared>>) target_semaphore(%arg22 : memref<!tpu.dma_semaphore, #tpu.memory_space<semaphore_mem>>)
      %add3A_285 = arith.constant 280 : i32
      %add3A_286 = arith.addi %mul3A_0, %add3A_285 : i32
      %dma_start3A_287 = arith.constant 0 : i32
      %dma_start3A_288 = tpu.memref_slice %arg8[%add3A_286, %dma_start3A_287] : memref<10240x128xf32, #tpu.memory_space<vmem_shared>> -> memref<40x128xf32, #tpu.memory_space<vmem_shared>>
      %dma_start3A_289 = arith.constant 0 : i32
      %dma_start3A_290 = tpu.memref_slice %arg8[%add3A_286, %dma_start3A_289] : memref<10240x128xf32, #tpu.memory_space<vmem_shared>> -> memref<40x128xf32, #tpu.memory_space<vmem_shared>>
      tpu.enqueue_dma source(%arg17 : memref<40x128xf32, #tpu.memory_space<vmem>>) target(%dma_start3A_290 : memref<40x128xf32, #tpu.memory_space<vmem_shared>>) target_semaphore(%arg22 : memref<!tpu.dma_semaphore, #tpu.memory_space<semaphore_mem>>)
      %add3A_291 = arith.constant 320 : i32
      %add3A_292 = arith.addi %mul3A_0, %add3A_291 : i32
      %dma_start3A_293 = arith.constant 0 : i32
      %dma_start3A_294 = tpu.memref_slice %arg8[%add3A_292, %dma_start3A_293] : memref<10240x128xf32, #tpu.memory_space<vmem_shared>> -> memref<40x128xf32, #tpu.memory_space<vmem_shared>>
      %dma_start3A_295 = arith.constant 0 : i32
      %dma_start3A_296 = tpu.memref_slice %arg8[%add3A_292, %dma_start3A_295] : memref<10240x128xf32, #tpu.memory_space<vmem_shared>> -> memref<40x128xf32, #tpu.memory_space<vmem_shared>>
      tpu.enqueue_dma source(%arg17 : memref<40x128xf32, #tpu.memory_space<vmem>>) target(%dma_start3A_296 : memref<40x128xf32, #tpu.memory_space<vmem_shared>>) target_semaphore(%arg22 : memref<!tpu.dma_semaphore, #tpu.memory_space<semaphore_mem>>)
      %add3A_297 = arith.constant 360 : i32
      %add3A_298 = arith.addi %mul3A_0, %add3A_297 : i32
      %dma_start3A_299 = arith.constant 0 : i32
      %dma_start3A_300 = tpu.memref_slice %arg8[%add3A_298, %dma_start3A_299] : memref<10240x128xf32, #tpu.memory_space<vmem_shared>> -> memref<40x128xf32, #tpu.memory_space<vmem_shared>>
      %dma_start3A_301 = arith.constant 0 : i32
      %dma_start3A_302 = tpu.memref_slice %arg8[%add3A_298, %dma_start3A_301] : memref<10240x128xf32, #tpu.memory_space<vmem_shared>> -> memref<40x128xf32, #tpu.memory_space<vmem_shared>>
      tpu.enqueue_dma source(%arg17 : memref<40x128xf32, #tpu.memory_space<vmem>>) target(%dma_start3A_302 : memref<40x128xf32, #tpu.memory_space<vmem_shared>>) target_semaphore(%arg22 : memref<!tpu.dma_semaphore, #tpu.memory_space<semaphore_mem>>)
      %add3A_303 = arith.constant 400 : i32
      %add3A_304 = arith.addi %mul3A_0, %add3A_303 : i32
      %dma_start3A_305 = arith.constant 0 : i32
      %dma_start3A_306 = tpu.memref_slice %arg8[%add3A_304, %dma_start3A_305] : memref<10240x128xf32, #tpu.memory_space<vmem_shared>> -> memref<40x128xf32, #tpu.memory_space<vmem_shared>>
      %dma_start3A_307 = arith.constant 0 : i32
      %dma_start3A_308 = tpu.memref_slice %arg8[%add3A_304, %dma_start3A_307] : memref<10240x128xf32, #tpu.memory_space<vmem_shared>> -> memref<40x128xf32, #tpu.memory_space<vmem_shared>>
      tpu.enqueue_dma source(%arg17 : memref<40x128xf32, #tpu.memory_space<vmem>>) target(%dma_start3A_308 : memref<40x128xf32, #tpu.memory_space<vmem_shared>>) target_semaphore(%arg22 : memref<!tpu.dma_semaphore, #tpu.memory_space<semaphore_mem>>)
      %add3A_309 = arith.constant 440 : i32
      %add3A_310 = arith.addi %mul3A_0, %add3A_309 : i32
      %dma_start3A_311 = arith.constant 0 : i32
      %dma_start3A_312 = tpu.memref_slice %arg8[%add3A_310, %dma_start3A_311] : memref<10240x128xf32, #tpu.memory_space<vmem_shared>> -> memref<40x128xf32, #tpu.memory_space<vmem_shared>>
      %dma_start3A_313 = arith.constant 0 : i32
      %dma_start3A_314 = tpu.memref_slice %arg8[%add3A_310, %dma_start3A_313] : memref<10240x128xf32, #tpu.memory_space<vmem_shared>> -> memref<40x128xf32, #tpu.memory_space<vmem_shared>>
      tpu.enqueue_dma source(%arg17 : memref<40x128xf32, #tpu.memory_space<vmem>>) target(%dma_start3A_314 : memref<40x128xf32, #tpu.memory_space<vmem_shared>>) target_semaphore(%arg22 : memref<!tpu.dma_semaphore, #tpu.memory_space<semaphore_mem>>)
      %add3A_315 = arith.constant 480 : i32
      %add3A_316 = arith.addi %mul3A_0, %add3A_315 : i32
      %dma_start3A_317 = arith.constant 0 : i32
      %dma_start3A_318 = tpu.memref_slice %arg8[%add3A_316, %dma_start3A_317] : memref<10240x128xf32, #tpu.memory_space<vmem_shared>> -> memref<40x128xf32, #tpu.memory_space<vmem_shared>>
      %dma_start3A_319 = arith.constant 0 : i32
      %dma_start3A_320 = tpu.memref_slice %arg8[%add3A_316, %dma_start3A_319] : memref<10240x128xf32, #tpu.memory_space<vmem_shared>> -> memref<40x128xf32, #tpu.memory_space<vmem_shared>>
      tpu.enqueue_dma source(%arg17 : memref<40x128xf32, #tpu.memory_space<vmem>>) target(%dma_start3A_320 : memref<40x128xf32, #tpu.memory_space<vmem_shared>>) target_semaphore(%arg22 : memref<!tpu.dma_semaphore, #tpu.memory_space<semaphore_mem>>)
      %add3A_321 = arith.constant 520 : i32
      %add3A_322 = arith.addi %mul3A_0, %add3A_321 : i32
      %dma_start3A_323 = arith.constant 0 : i32
      %dma_start3A_324 = tpu.memref_slice %arg8[%add3A_322, %dma_start3A_323] : memref<10240x128xf32, #tpu.memory_space<vmem_shared>> -> memref<40x128xf32, #tpu.memory_space<vmem_shared>>
      %dma_start3A_325 = arith.constant 0 : i32
      %dma_start3A_326 = tpu.memref_slice %arg8[%add3A_322, %dma_start3A_325] : memref<10240x128xf32, #tpu.memory_space<vmem_shared>> -> memref<40x128xf32, #tpu.memory_space<vmem_shared>>
      tpu.enqueue_dma source(%arg17 : memref<40x128xf32, #tpu.memory_space<vmem>>) target(%dma_start3A_326 : memref<40x128xf32, #tpu.memory_space<vmem_shared>>) target_semaphore(%arg22 : memref<!tpu.dma_semaphore, #tpu.memory_space<semaphore_mem>>)
      %add3A_327 = arith.constant 560 : i32
      %add3A_328 = arith.addi %mul3A_0, %add3A_327 : i32
      %dma_start3A_329 = arith.constant 0 : i32
      %dma_start3A_330 = tpu.memref_slice %arg8[%add3A_328, %dma_start3A_329] : memref<10240x128xf32, #tpu.memory_space<vmem_shared>> -> memref<40x128xf32, #tpu.memory_space<vmem_shared>>
      %dma_start3A_331 = arith.constant 0 : i32
      %dma_start3A_332 = tpu.memref_slice %arg8[%add3A_328, %dma_start3A_331] : memref<10240x128xf32, #tpu.memory_space<vmem_shared>> -> memref<40x128xf32, #tpu.memory_space<vmem_shared>>
      tpu.enqueue_dma source(%arg17 : memref<40x128xf32, #tpu.memory_space<vmem>>) target(%dma_start3A_332 : memref<40x128xf32, #tpu.memory_space<vmem_shared>>) target_semaphore(%arg22 : memref<!tpu.dma_semaphore, #tpu.memory_space<semaphore_mem>>)
      %add3A_333 = arith.constant 600 : i32
      %add3A_334 = arith.addi %mul3A_0, %add3A_333 : i32
      %dma_start3A_335 = arith.constant 0 : i32
      %dma_start3A_336 = tpu.memref_slice %arg8[%add3A_334, %dma_start3A_335] : memref<10240x128xf32, #tpu.memory_space<vmem_shared>> -> memref<40x128xf32, #tpu.memory_space<vmem_shared>>
      %dma_start3A_337 = arith.constant 0 : i32
      %dma_start3A_338 = tpu.memref_slice %arg8[%add3A_334, %dma_start3A_337] : memref<10240x128xf32, #tpu.memory_space<vmem_shared>> -> memref<40x128xf32, #tpu.memory_space<vmem_shared>>
      tpu.enqueue_dma source(%arg17 : memref<40x128xf32, #tpu.memory_space<vmem>>) target(%dma_start3A_338 : memref<40x128xf32, #tpu.memory_space<vmem_shared>>) target_semaphore(%arg22 : memref<!tpu.dma_semaphore, #tpu.memory_space<semaphore_mem>>)
      %add3A_339 = arith.constant 0 : i32
      %add3A_340 = arith.addi %mul3A_0, %add3A_339 : i32
      %dma_wait3A_341 = arith.constant 0 : i32
      %dma_wait3A_342 = tpu.memref_slice %arg8[%add3A_340, %dma_wait3A_341] : memref<10240x128xf32, #tpu.memory_space<vmem_shared>> -> memref<40x128xf32, #tpu.memory_space<vmem_shared>>
      %dma_wait3A_343 = arith.constant 0 : i32
      %dma_wait3A_344 = tpu.memref_slice %arg8[%add3A_340, %dma_wait3A_343] : memref<10240x128xf32, #tpu.memory_space<vmem_shared>> -> memref<40x128xf32, #tpu.memory_space<vmem_shared>>
      tpu.wait_dma2 semaphore(%arg22 : memref<!tpu.dma_semaphore, #tpu.memory_space<semaphore_mem>>) src(%arg17 : memref<40x128xf32, #tpu.memory_space<vmem>>) dst(%dma_wait3A_344 : memref<40x128xf32, #tpu.memory_space<vmem_shared>>)
      %add3A_345 = arith.constant 40 : i32
      %add3A_346 = arith.addi %mul3A_0, %add3A_345 : i32
      %dma_wait3A_347 = arith.constant 0 : i32
      %dma_wait3A_348 = tpu.memref_slice %arg8[%add3A_346, %dma_wait3A_347] : memref<10240x128xf32, #tpu.memory_space<vmem_shared>> -> memref<40x128xf32, #tpu.memory_space<vmem_shared>>
      %dma_wait3A_349 = arith.constant 0 : i32
      %dma_wait3A_350 = tpu.memref_slice %arg8[%add3A_346, %dma_wait3A_349] : memref<10240x128xf32, #tpu.memory_space<vmem_shared>> -> memref<40x128xf32, #tpu.memory_space<vmem_shared>>
      tpu.wait_dma2 semaphore(%arg22 : memref<!tpu.dma_semaphore, #tpu.memory_space<semaphore_mem>>) src(%arg17 : memref<40x128xf32, #tpu.memory_space<vmem>>) dst(%dma_wait3A_350 : memref<40x128xf32, #tpu.memory_space<vmem_shared>>)
      %add3A_351 = arith.constant 80 : i32
      %add3A_352 = arith.addi %mul3A_0, %add3A_351 : i32
      %dma_wait3A_353 = arith.constant 0 : i32
      %dma_wait3A_354 = tpu.memref_slice %arg8[%add3A_352, %dma_wait3A_353] : memref<10240x128xf32, #tpu.memory_space<vmem_shared>> -> memref<40x128xf32, #tpu.memory_space<vmem_shared>>
      %dma_wait3A_355 = arith.constant 0 : i32
      %dma_wait3A_356 = tpu.memref_slice %arg8[%add3A_352, %dma_wait3A_355] : memref<10240x128xf32, #tpu.memory_space<vmem_shared>> -> memref<40x128xf32, #tpu.memory_space<vmem_shared>>
      tpu.wait_dma2 semaphore(%arg22 : memref<!tpu.dma_semaphore, #tpu.memory_space<semaphore_mem>>) src(%arg17 : memref<40x128xf32, #tpu.memory_space<vmem>>) dst(%dma_wait3A_356 : memref<40x128xf32, #tpu.memory_space<vmem_shared>>)
      %add3A_357 = arith.constant 120 : i32
      %add3A_358 = arith.addi %mul3A_0, %add3A_357 : i32
      %dma_wait3A_359 = arith.constant 0 : i32
      %dma_wait3A_360 = tpu.memref_slice %arg8[%add3A_358, %dma_wait3A_359] : memref<10240x128xf32, #tpu.memory_space<vmem_shared>> -> memref<40x128xf32, #tpu.memory_space<vmem_shared>>
      %dma_wait3A_361 = arith.constant 0 : i32
      %dma_wait3A_362 = tpu.memref_slice %arg8[%add3A_358, %dma_wait3A_361] : memref<10240x128xf32, #tpu.memory_space<vmem_shared>> -> memref<40x128xf32, #tpu.memory_space<vmem_shared>>
      tpu.wait_dma2 semaphore(%arg22 : memref<!tpu.dma_semaphore, #tpu.memory_space<semaphore_mem>>) src(%arg17 : memref<40x128xf32, #tpu.memory_space<vmem>>) dst(%dma_wait3A_362 : memref<40x128xf32, #tpu.memory_space<vmem_shared>>)
      %add3A_363 = arith.constant 160 : i32
      %add3A_364 = arith.addi %mul3A_0, %add3A_363 : i32
      %dma_wait3A_365 = arith.constant 0 : i32
      %dma_wait3A_366 = tpu.memref_slice %arg8[%add3A_364, %dma_wait3A_365] : memref<10240x128xf32, #tpu.memory_space<vmem_shared>> -> memref<40x128xf32, #tpu.memory_space<vmem_shared>>
      %dma_wait3A_367 = arith.constant 0 : i32
      %dma_wait3A_368 = tpu.memref_slice %arg8[%add3A_364, %dma_wait3A_367] : memref<10240x128xf32, #tpu.memory_space<vmem_shared>> -> memref<40x128xf32, #tpu.memory_space<vmem_shared>>
      tpu.wait_dma2 semaphore(%arg22 : memref<!tpu.dma_semaphore, #tpu.memory_space<semaphore_mem>>) src(%arg17 : memref<40x128xf32, #tpu.memory_space<vmem>>) dst(%dma_wait3A_368 : memref<40x128xf32, #tpu.memory_space<vmem_shared>>)
      %add3A_369 = arith.constant 200 : i32
      %add3A_370 = arith.addi %mul3A_0, %add3A_369 : i32
      %dma_wait3A_371 = arith.constant 0 : i32
      %dma_wait3A_372 = tpu.memref_slice %arg8[%add3A_370, %dma_wait3A_371] : memref<10240x128xf32, #tpu.memory_space<vmem_shared>> -> memref<40x128xf32, #tpu.memory_space<vmem_shared>>
      %dma_wait3A_373 = arith.constant 0 : i32
      %dma_wait3A_374 = tpu.memref_slice %arg8[%add3A_370, %dma_wait3A_373] : memref<10240x128xf32, #tpu.memory_space<vmem_shared>> -> memref<40x128xf32, #tpu.memory_space<vmem_shared>>
      tpu.wait_dma2 semaphore(%arg22 : memref<!tpu.dma_semaphore, #tpu.memory_space<semaphore_mem>>) src(%arg17 : memref<40x128xf32, #tpu.memory_space<vmem>>) dst(%dma_wait3A_374 : memref<40x128xf32, #tpu.memory_space<vmem_shared>>)
      %add3A_375 = arith.constant 240 : i32
      %add3A_376 = arith.addi %mul3A_0, %add3A_375 : i32
      %dma_wait3A_377 = arith.constant 0 : i32
      %dma_wait3A_378 = tpu.memref_slice %arg8[%add3A_376, %dma_wait3A_377] : memref<10240x128xf32, #tpu.memory_space<vmem_shared>> -> memref<40x128xf32, #tpu.memory_space<vmem_shared>>
      %dma_wait3A_379 = arith.constant 0 : i32
      %dma_wait3A_380 = tpu.memref_slice %arg8[%add3A_376, %dma_wait3A_379] : memref<10240x128xf32, #tpu.memory_space<vmem_shared>> -> memref<40x128xf32, #tpu.memory_space<vmem_shared>>
      tpu.wait_dma2 semaphore(%arg22 : memref<!tpu.dma_semaphore, #tpu.memory_space<semaphore_mem>>) src(%arg17 : memref<40x128xf32, #tpu.memory_space<vmem>>) dst(%dma_wait3A_380 : memref<40x128xf32, #tpu.memory_space<vmem_shared>>)
      %add3A_381 = arith.constant 280 : i32
      %add3A_382 = arith.addi %mul3A_0, %add3A_381 : i32
      %dma_wait3A_383 = arith.constant 0 : i32
      %dma_wait3A_384 = tpu.memref_slice %arg8[%add3A_382, %dma_wait3A_383] : memref<10240x128xf32, #tpu.memory_space<vmem_shared>> -> memref<40x128xf32, #tpu.memory_space<vmem_shared>>
      %dma_wait3A_385 = arith.constant 0 : i32
      %dma_wait3A_386 = tpu.memref_slice %arg8[%add3A_382, %dma_wait3A_385] : memref<10240x128xf32, #tpu.memory_space<vmem_shared>> -> memref<40x128xf32, #tpu.memory_space<vmem_shared>>
      tpu.wait_dma2 semaphore(%arg22 : memref<!tpu.dma_semaphore, #tpu.memory_space<semaphore_mem>>) src(%arg17 : memref<40x128xf32, #tpu.memory_space<vmem>>) dst(%dma_wait3A_386 : memref<40x128xf32, #tpu.memory_space<vmem_shared>>)
      %add3A_387 = arith.constant 320 : i32
      %add3A_388 = arith.addi %mul3A_0, %add3A_387 : i32
      %dma_wait3A_389 = arith.constant 0 : i32
      %dma_wait3A_390 = tpu.memref_slice %arg8[%add3A_388, %dma_wait3A_389] : memref<10240x128xf32, #tpu.memory_space<vmem_shared>> -> memref<40x128xf32, #tpu.memory_space<vmem_shared>>
      %dma_wait3A_391 = arith.constant 0 : i32
      %dma_wait3A_392 = tpu.memref_slice %arg8[%add3A_388, %dma_wait3A_391] : memref<10240x128xf32, #tpu.memory_space<vmem_shared>> -> memref<40x128xf32, #tpu.memory_space<vmem_shared>>
      tpu.wait_dma2 semaphore(%arg22 : memref<!tpu.dma_semaphore, #tpu.memory_space<semaphore_mem>>) src(%arg17 : memref<40x128xf32, #tpu.memory_space<vmem>>) dst(%dma_wait3A_392 : memref<40x128xf32, #tpu.memory_space<vmem_shared>>)
      %add3A_393 = arith.constant 360 : i32
      %add3A_394 = arith.addi %mul3A_0, %add3A_393 : i32
      %dma_wait3A_395 = arith.constant 0 : i32
      %dma_wait3A_396 = tpu.memref_slice %arg8[%add3A_394, %dma_wait3A_395] : memref<10240x128xf32, #tpu.memory_space<vmem_shared>> -> memref<40x128xf32, #tpu.memory_space<vmem_shared>>
      %dma_wait3A_397 = arith.constant 0 : i32
      %dma_wait3A_398 = tpu.memref_slice %arg8[%add3A_394, %dma_wait3A_397] : memref<10240x128xf32, #tpu.memory_space<vmem_shared>> -> memref<40x128xf32, #tpu.memory_space<vmem_shared>>
      tpu.wait_dma2 semaphore(%arg22 : memref<!tpu.dma_semaphore, #tpu.memory_space<semaphore_mem>>) src(%arg17 : memref<40x128xf32, #tpu.memory_space<vmem>>) dst(%dma_wait3A_398 : memref<40x128xf32, #tpu.memory_space<vmem_shared>>)
      %add3A_399 = arith.constant 400 : i32
      %add3A_400 = arith.addi %mul3A_0, %add3A_399 : i32
      %dma_wait3A_401 = arith.constant 0 : i32
      %dma_wait3A_402 = tpu.memref_slice %arg8[%add3A_400, %dma_wait3A_401] : memref<10240x128xf32, #tpu.memory_space<vmem_shared>> -> memref<40x128xf32, #tpu.memory_space<vmem_shared>>
      %dma_wait3A_403 = arith.constant 0 : i32
      %dma_wait3A_404 = tpu.memref_slice %arg8[%add3A_400, %dma_wait3A_403] : memref<10240x128xf32, #tpu.memory_space<vmem_shared>> -> memref<40x128xf32, #tpu.memory_space<vmem_shared>>
      tpu.wait_dma2 semaphore(%arg22 : memref<!tpu.dma_semaphore, #tpu.memory_space<semaphore_mem>>) src(%arg17 : memref<40x128xf32, #tpu.memory_space<vmem>>) dst(%dma_wait3A_404 : memref<40x128xf32, #tpu.memory_space<vmem_shared>>)
      %add3A_405 = arith.constant 440 : i32
      %add3A_406 = arith.addi %mul3A_0, %add3A_405 : i32
      %dma_wait3A_407 = arith.constant 0 : i32
      %dma_wait3A_408 = tpu.memref_slice %arg8[%add3A_406, %dma_wait3A_407] : memref<10240x128xf32, #tpu.memory_space<vmem_shared>> -> memref<40x128xf32, #tpu.memory_space<vmem_shared>>
      %dma_wait3A_409 = arith.constant 0 : i32
      %dma_wait3A_410 = tpu.memref_slice %arg8[%add3A_406, %dma_wait3A_409] : memref<10240x128xf32, #tpu.memory_space<vmem_shared>> -> memref<40x128xf32, #tpu.memory_space<vmem_shared>>
      tpu.wait_dma2 semaphore(%arg22 : memref<!tpu.dma_semaphore, #tpu.memory_space<semaphore_mem>>) src(%arg17 : memref<40x128xf32, #tpu.memory_space<vmem>>) dst(%dma_wait3A_410 : memref<40x128xf32, #tpu.memory_space<vmem_shared>>)
      %add3A_411 = arith.constant 480 : i32
      %add3A_412 = arith.addi %mul3A_0, %add3A_411 : i32
      %dma_wait3A_413 = arith.constant 0 : i32
      %dma_wait3A_414 = tpu.memref_slice %arg8[%add3A_412, %dma_wait3A_413] : memref<10240x128xf32, #tpu.memory_space<vmem_shared>> -> memref<40x128xf32, #tpu.memory_space<vmem_shared>>
      %dma_wait3A_415 = arith.constant 0 : i32
      %dma_wait3A_416 = tpu.memref_slice %arg8[%add3A_412, %dma_wait3A_415] : memref<10240x128xf32, #tpu.memory_space<vmem_shared>> -> memref<40x128xf32, #tpu.memory_space<vmem_shared>>
      tpu.wait_dma2 semaphore(%arg22 : memref<!tpu.dma_semaphore, #tpu.memory_space<semaphore_mem>>) src(%arg17 : memref<40x128xf32, #tpu.memory_space<vmem>>) dst(%dma_wait3A_416 : memref<40x128xf32, #tpu.memory_space<vmem_shared>>)
      %add3A_417 = arith.constant 520 : i32
      %add3A_418 = arith.addi %mul3A_0, %add3A_417 : i32
      %dma_wait3A_419 = arith.constant 0 : i32
      %dma_wait3A_420 = tpu.memref_slice %arg8[%add3A_418, %dma_wait3A_419] : memref<10240x128xf32, #tpu.memory_space<vmem_shared>> -> memref<40x128xf32, #tpu.memory_space<vmem_shared>>
      %dma_wait3A_421 = arith.constant 0 : i32
      %dma_wait3A_422 = tpu.memref_slice %arg8[%add3A_418, %dma_wait3A_421] : memref<10240x128xf32, #tpu.memory_space<vmem_shared>> -> memref<40x128xf32, #tpu.memory_space<vmem_shared>>
      tpu.wait_dma2 semaphore(%arg22 : memref<!tpu.dma_semaphore, #tpu.memory_space<semaphore_mem>>) src(%arg17 : memref<40x128xf32, #tpu.memory_space<vmem>>) dst(%dma_wait3A_422 : memref<40x128xf32, #tpu.memory_space<vmem_shared>>)
      %add3A_423 = arith.constant 560 : i32
      %add3A_424 = arith.addi %mul3A_0, %add3A_423 : i32
      %dma_wait3A_425 = arith.constant 0 : i32
      %dma_wait3A_426 = tpu.memref_slice %arg8[%add3A_424, %dma_wait3A_425] : memref<10240x128xf32, #tpu.memory_space<vmem_shared>> -> memref<40x128xf32, #tpu.memory_space<vmem_shared>>
      %dma_wait3A_427 = arith.constant 0 : i32
      %dma_wait3A_428 = tpu.memref_slice %arg8[%add3A_424, %dma_wait3A_427] : memref<10240x128xf32, #tpu.memory_space<vmem_shared>> -> memref<40x128xf32, #tpu.memory_space<vmem_shared>>
      tpu.wait_dma2 semaphore(%arg22 : memref<!tpu.dma_semaphore, #tpu.memory_space<semaphore_mem>>) src(%arg17 : memref<40x128xf32, #tpu.memory_space<vmem>>) dst(%dma_wait3A_428 : memref<40x128xf32, #tpu.memory_space<vmem_shared>>)
      %add3A_429 = arith.constant 600 : i32
      %add3A_430 = arith.addi %mul3A_0, %add3A_429 : i32
      %dma_wait3A_431 = arith.constant 0 : i32
      %dma_wait3A_432 = tpu.memref_slice %arg8[%add3A_430, %dma_wait3A_431] : memref<10240x128xf32, #tpu.memory_space<vmem_shared>> -> memref<40x128xf32, #tpu.memory_space<vmem_shared>>
      %dma_wait3A_433 = arith.constant 0 : i32
      %dma_wait3A_434 = tpu.memref_slice %arg8[%add3A_430, %dma_wait3A_433] : memref<10240x128xf32, #tpu.memory_space<vmem_shared>> -> memref<40x128xf32, #tpu.memory_space<vmem_shared>>
      tpu.wait_dma2 semaphore(%arg22 : memref<!tpu.dma_semaphore, #tpu.memory_space<semaphore_mem>>) src(%arg17 : memref<40x128xf32, #tpu.memory_space<vmem>>) dst(%dma_wait3A_434 : memref<40x128xf32, #tpu.memory_space<vmem_shared>>)
      %barrier3A_435 = arith.constant 0 : index
      tpu.barrier barrier_id(%barrier3A_435)
      %mul3A_436 = arith.constant 20000 : i32
      %mul3A_437 = arith.muli %arg1, %mul3A_436 : i32
      %mul3A_438 = arith.constant 0 : i32
      %mul3A_439 = arith.constant 80 : i32
      %mul3A_440 = arith.muli %mul3A_438, %mul3A_439 : i32
      %add3A_441 = arith.addi %mul3A_437, %mul3A_440 : i32
      %multiple_of3A_442 = tpu.assume_multiple %add3A_441, 8 : i32
      %dma_start3A_443 = tpu.memref_slice %arg4[%multiple_of3A_442] : memref<320000xi32, #tpu.memory_space<hbm>> -> memref<80xi32, #tpu.memory_space<hbm>>
      %dma_start3A_444 = tpu.memref_slice %arg4[%multiple_of3A_442] : memref<320000xi32, #tpu.memory_space<hbm>> -> memref<80xi32, #tpu.memory_space<hbm>>
      tpu.enqueue_dma source(%dma_start3A_444 : memref<80xi32, #tpu.memory_space<hbm>>) target(%arg9 : memref<80xi32, #tpu.memory_space<vmem>>) target_semaphore(%arg18 : memref<!tpu.dma_semaphore, #tpu.memory_space<semaphore_mem>>)
      %dma_start3A_445 = tpu.memref_slice %arg5[%multiple_of3A_442] : memref<320000xi32, #tpu.memory_space<hbm>> -> memref<80xi32, #tpu.memory_space<hbm>>
      %dma_start3A_446 = tpu.memref_slice %arg5[%multiple_of3A_442] : memref<320000xi32, #tpu.memory_space<hbm>> -> memref<80xi32, #tpu.memory_space<hbm>>
      tpu.enqueue_dma source(%dma_start3A_446 : memref<80xi32, #tpu.memory_space<hbm>>) target(%arg11 : memref<80xi32, #tpu.memory_space<vmem>>) target_semaphore(%arg18 : memref<!tpu.dma_semaphore, #tpu.memory_space<semaphore_mem>>)
      %dma_start3A_447 = arith.constant 128 : i32
      %dma_start3A_448 = tpu.memref_slice %arg2[%multiple_of3A_442, %dma_start3A_447] : memref<320000x512xf32, #tpu.memory_space<hbm>> -> memref<80x128xf32, #tpu.memory_space<hbm>>
      %dma_start3A_449 = arith.constant 128 : i32
      %dma_start3A_450 = tpu.memref_slice %arg2[%multiple_of3A_442, %dma_start3A_449] : memref<320000x512xf32, #tpu.memory_space<hbm>> -> memref<80x128xf32, #tpu.memory_space<hbm>>
      tpu.enqueue_dma source(%dma_start3A_450 : memref<80x128xf32, #tpu.memory_space<hbm>>) target(%arg13 : memref<80x128xf32, #tpu.memory_space<vmem>>) target_semaphore(%arg18 : memref<!tpu.dma_semaphore, #tpu.memory_space<semaphore_mem>>)
      %dma_start3A_451 = arith.constant 128 : i32
      %dma_start3A_452 = tpu.memref_slice %arg3[%multiple_of3A_442, %dma_start3A_451] : memref<320000x512xf32, #tpu.memory_space<hbm>> -> memref<80x128xf32, #tpu.memory_space<hbm>>
      %dma_start3A_453 = arith.constant 128 : i32
      %dma_start3A_454 = tpu.memref_slice %arg3[%multiple_of3A_442, %dma_start3A_453] : memref<320000x512xf32, #tpu.memory_space<hbm>> -> memref<80x128xf32, #tpu.memory_space<hbm>>
      tpu.enqueue_dma source(%dma_start3A_454 : memref<80x128xf32, #tpu.memory_space<hbm>>) target(%arg15 : memref<80x128xf32, #tpu.memory_space<vmem>>) target_semaphore(%arg18 : memref<!tpu.dma_semaphore, #tpu.memory_space<semaphore_mem>>)
      %while3A_455 = arith.constant 0 : i32
      %while3A_456 = arith.constant 0 : i32
      %while3A_457 = arith.constant 125 : i32
      %while3A_458 = arith.subi %while3A_457, %while3A_456 : i32
      %while3A_459 = arith.addi %while3A_456, %while3A_458 : i32
      %while3A_460 = arith.constant 1 : i32
      %while3A_461 = arith.divsi %while3A_458, %while3A_460 : i32
      %while3A_462 = arith.muli %while3A_461, %while3A_460 : i32
      %while3A_463 = arith.addi %while3A_456, %while3A_462 : i32
      %while3A_464 = arith.constant 1 : i32
      scf.for %while3A_474 = %while3A_456 to %while3A_463 step %while3A_464  : i32 {
        %mul3A_475 = arith.constant 2 : i32
        %mul3A_476 = arith.muli %while3A_474, %mul3A_475 : i32
        %add3A_477 = arith.constant 0 : i32
        %add3A_478 = arith.addi %mul3A_476, %add3A_477 : i32
        %mul3A_479 = arith.constant 20000 : i32
        %mul3A_480 = arith.muli %arg1, %mul3A_479 : i32
        %mul3A_481 = arith.constant 80 : i32
        %mul3A_482 = arith.muli %add3A_478, %mul3A_481 : i32
        %add3A_483 = arith.addi %mul3A_480, %mul3A_482 : i32
        %multiple_of3A_484 = tpu.assume_multiple %add3A_483, 8 : i32
        %dma_wait3A_485 = tpu.memref_slice %arg4[%multiple_of3A_484] : memref<320000xi32, #tpu.memory_space<hbm>> -> memref<80xi32, #tpu.memory_space<hbm>>
        %dma_wait3A_486 = tpu.memref_slice %arg4[%multiple_of3A_484] : memref<320000xi32, #tpu.memory_space<hbm>> -> memref<80xi32, #tpu.memory_space<hbm>>
        tpu.wait_dma2 semaphore(%arg18 : memref<!tpu.dma_semaphore, #tpu.memory_space<semaphore_mem>>) src(%dma_wait3A_486 : memref<80xi32, #tpu.memory_space<hbm>>) dst(%arg9 : memref<80xi32, #tpu.memory_space<vmem>>)
        %dma_wait3A_487 = tpu.memref_slice %arg5[%multiple_of3A_484] : memref<320000xi32, #tpu.memory_space<hbm>> -> memref<80xi32, #tpu.memory_space<hbm>>
        %dma_wait3A_488 = tpu.memref_slice %arg5[%multiple_of3A_484] : memref<320000xi32, #tpu.memory_space<hbm>> -> memref<80xi32, #tpu.memory_space<hbm>>
        tpu.wait_dma2 semaphore(%arg18 : memref<!tpu.dma_semaphore, #tpu.memory_space<semaphore_mem>>) src(%dma_wait3A_488 : memref<80xi32, #tpu.memory_space<hbm>>) dst(%arg11 : memref<80xi32, #tpu.memory_space<vmem>>)
        %dma_wait3A_489 = arith.constant 128 : i32
        %dma_wait3A_490 = tpu.memref_slice %arg2[%multiple_of3A_484, %dma_wait3A_489] : memref<320000x512xf32, #tpu.memory_space<hbm>> -> memref<80x128xf32, #tpu.memory_space<hbm>>
        %dma_wait3A_491 = arith.constant 128 : i32
        %dma_wait3A_492 = tpu.memref_slice %arg2[%multiple_of3A_484, %dma_wait3A_491] : memref<320000x512xf32, #tpu.memory_space<hbm>> -> memref<80x128xf32, #tpu.memory_space<hbm>>
        tpu.wait_dma2 semaphore(%arg18 : memref<!tpu.dma_semaphore, #tpu.memory_space<semaphore_mem>>) src(%dma_wait3A_492 : memref<80x128xf32, #tpu.memory_space<hbm>>) dst(%arg13 : memref<80x128xf32, #tpu.memory_space<vmem>>)
        %dma_wait3A_493 = arith.constant 128 : i32
        %dma_wait3A_494 = tpu.memref_slice %arg3[%multiple_of3A_484, %dma_wait3A_493] : memref<320000x512xf32, #tpu.memory_space<hbm>> -> memref<80x128xf32, #tpu.memory_space<hbm>>
        %dma_wait3A_495 = arith.constant 128 : i32
        %dma_wait3A_496 = tpu.memref_slice %arg3[%multiple_of3A_484, %dma_wait3A_495] : memref<320000x512xf32, #tpu.memory_space<hbm>> -> memref<80x128xf32, #tpu.memory_space<hbm>>
        tpu.wait_dma2 semaphore(%arg18 : memref<!tpu.dma_semaphore, #tpu.memory_space<semaphore_mem>>) src(%dma_wait3A_496 : memref<80x128xf32, #tpu.memory_space<hbm>>) dst(%arg15 : memref<80x128xf32, #tpu.memory_space<vmem>>)
        %gt3A = arith.constant 0 : i32
        %gt3A_497 = arith.cmpi sgt, %while3A_474, %gt3A : i32
        %convert_element_type3A_498 = arith.extui %gt3A_497 : i1 to i32
        %cond3A_499 = arith.constant 0 : i32
        %cond3A_500 = arith.cmpi ne, %convert_element_type3A_498, %cond3A_499 : i32
        scf.if %cond3A_500 {
          %dma_wait3A_565 = arith.constant 0 : i32
          %dma_wait3A_566 = arith.constant 0 : i32
          %dma_wait3A_567 = tpu.memref_slice %arg8[%dma_wait3A_565, %dma_wait3A_566] : memref<10240x128xf32, #tpu.memory_space<vmem_shared>> -> memref<10240x128xf32, #tpu.memory_space<vmem_shared>>
          tpu.wait_indirect_dma semaphore(%arg21 : memref<!tpu.dma_semaphore, #tpu.memory_space<semaphore_mem>>) src(%arg14 : memref<80x128xf32, #tpu.memory_space<vmem>>) dst(%dma_wait3A_567 : memref<10240x128xf32, #tpu.memory_space<vmem_shared>>)
          %dma_wait3A_568 = arith.constant 0 : i32
          %dma_wait3A_569 = arith.constant 0 : i32
          %dma_wait3A_570 = tpu.memref_slice %arg8[%dma_wait3A_568, %dma_wait3A_569] : memref<10240x128xf32, #tpu.memory_space<vmem_shared>> -> memref<10240x128xf32, #tpu.memory_space<vmem_shared>>
          tpu.wait_indirect_dma semaphore(%arg21 : memref<!tpu.dma_semaphore, #tpu.memory_space<semaphore_mem>>) src(%arg16 : memref<80x128xf32, #tpu.memory_space<vmem>>) dst(%dma_wait3A_570 : memref<10240x128xf32, #tpu.memory_space<vmem_shared>>)
        } else {
        }
        %add3A_501 = arith.constant 1 : i32
        %add3A_502 = arith.addi %add3A_478, %add3A_501 : i32
        %mul3A_503 = arith.constant 20000 : i32
        %mul3A_504 = arith.muli %arg1, %mul3A_503 : i32
        %mul3A_505 = arith.constant 80 : i32
        %mul3A_506 = arith.muli %add3A_502, %mul3A_505 : i32
        %add3A_507 = arith.addi %mul3A_504, %mul3A_506 : i32
        %multiple_of3A_508 = tpu.assume_multiple %add3A_507, 8 : i32
        %dma_start3A_509 = tpu.memref_slice %arg4[%multiple_of3A_508] : memref<320000xi32, #tpu.memory_space<hbm>> -> memref<80xi32, #tpu.memory_space<hbm>>
        %dma_start3A_510 = tpu.memref_slice %arg4[%multiple_of3A_508] : memref<320000xi32, #tpu.memory_space<hbm>> -> memref<80xi32, #tpu.memory_space<hbm>>
        tpu.enqueue_dma source(%dma_start3A_510 : memref<80xi32, #tpu.memory_space<hbm>>) target(%arg10 : memref<80xi32, #tpu.memory_space<vmem>>) target_semaphore(%arg19 : memref<!tpu.dma_semaphore, #tpu.memory_space<semaphore_mem>>)
        %dma_start3A_511 = tpu.memref_slice %arg5[%multiple_of3A_508] : memref<320000xi32, #tpu.memory_space<hbm>> -> memref<80xi32, #tpu.memory_space<hbm>>
        %dma_start3A_512 = tpu.memref_slice %arg5[%multiple_of3A_508] : memref<320000xi32, #tpu.memory_space<hbm>> -> memref<80xi32, #tpu.memory_space<hbm>>
        tpu.enqueue_dma source(%dma_start3A_512 : memref<80xi32, #tpu.memory_space<hbm>>) target(%arg12 : memref<80xi32, #tpu.memory_space<vmem>>) target_semaphore(%arg19 : memref<!tpu.dma_semaphore, #tpu.memory_space<semaphore_mem>>)
        %dma_start3A_513 = arith.constant 128 : i32
        %dma_start3A_514 = tpu.memref_slice %arg2[%multiple_of3A_508, %dma_start3A_513] : memref<320000x512xf32, #tpu.memory_space<hbm>> -> memref<80x128xf32, #tpu.memory_space<hbm>>
        %dma_start3A_515 = arith.constant 128 : i32
        %dma_start3A_516 = tpu.memref_slice %arg2[%multiple_of3A_508, %dma_start3A_515] : memref<320000x512xf32, #tpu.memory_space<hbm>> -> memref<80x128xf32, #tpu.memory_space<hbm>>
        tpu.enqueue_dma source(%dma_start3A_516 : memref<80x128xf32, #tpu.memory_space<hbm>>) target(%arg14 : memref<80x128xf32, #tpu.memory_space<vmem>>) target_semaphore(%arg19 : memref<!tpu.dma_semaphore, #tpu.memory_space<semaphore_mem>>)
        %dma_start3A_517 = arith.constant 128 : i32
        %dma_start3A_518 = tpu.memref_slice %arg3[%multiple_of3A_508, %dma_start3A_517] : memref<320000x512xf32, #tpu.memory_space<hbm>> -> memref<80x128xf32, #tpu.memory_space<hbm>>
        %dma_start3A_519 = arith.constant 128 : i32
        %dma_start3A_520 = tpu.memref_slice %arg3[%multiple_of3A_508, %dma_start3A_519] : memref<320000x512xf32, #tpu.memory_space<hbm>> -> memref<80x128xf32, #tpu.memory_space<hbm>>
        tpu.enqueue_dma source(%dma_start3A_520 : memref<80x128xf32, #tpu.memory_space<hbm>>) target(%arg16 : memref<80x128xf32, #tpu.memory_space<vmem>>) target_semaphore(%arg19 : memref<!tpu.dma_semaphore, #tpu.memory_space<semaphore_mem>>)
        %dma_start3A_521 = arith.constant 0 : i32
        %dma_start3A_522 = arith.constant 0 : i32
        %dma_start3A_523 = tpu.memref_slice %arg8[%dma_start3A_521, %dma_start3A_522] : memref<10240x128xf32, #tpu.memory_space<vmem_shared>> -> memref<10240x128xf32, #tpu.memory_space<vmem_shared>>
        tpu.enqueue_indirect_dma source(%arg13 : memref<80x128xf32, #tpu.memory_space<vmem>>) target(%dma_start3A_523 : memref<10240x128xf32, #tpu.memory_space<vmem_shared>>) offsets(%arg9 : memref<80xi32, #tpu.memory_space<vmem>>) semaphore(%arg20 : memref<!tpu.dma_semaphore, #tpu.memory_space<semaphore_mem>>) {add = true}
        %dma_start3A_524 = arith.constant 0 : i32
        %dma_start3A_525 = arith.constant 0 : i32
        %dma_start3A_526 = tpu.memref_slice %arg8[%dma_start3A_524, %dma_start3A_525] : memref<10240x128xf32, #tpu.memory_space<vmem_shared>> -> memref<10240x128xf32, #tpu.memory_space<vmem_shared>>
        tpu.enqueue_indirect_dma source(%arg15 : memref<80x128xf32, #tpu.memory_space<vmem>>) target(%dma_start3A_526 : memref<10240x128xf32, #tpu.memory_space<vmem_shared>>) offsets(%arg11 : memref<80xi32, #tpu.memory_space<vmem>>) semaphore(%arg20 : memref<!tpu.dma_semaphore, #tpu.memory_space<semaphore_mem>>) {add = true}
        %mul3A_527 = arith.constant 2 : i32
        %mul3A_528 = arith.muli %while3A_474, %mul3A_527 : i32
        %add3A_529 = arith.constant 1 : i32
        %add3A_530 = arith.addi %mul3A_528, %add3A_529 : i32
        %mul3A_531 = arith.constant 20000 : i32
        %mul3A_532 = arith.muli %arg1, %mul3A_531 : i32
        %mul3A_533 = arith.constant 80 : i32
        %mul3A_534 = arith.muli %add3A_530, %mul3A_533 : i32
        %add3A_535 = arith.addi %mul3A_532, %mul3A_534 : i32
        %multiple_of3A_536 = tpu.assume_multiple %add3A_535, 8 : i32
        %dma_wait3A_537 = tpu.memref_slice %arg4[%multiple_of3A_536] : memref<320000xi32, #tpu.memory_space<hbm>> -> memref<80xi32, #tpu.memory_space<hbm>>
        %dma_wait3A_538 = tpu.memref_slice %arg4[%multiple_of3A_536] : memref<320000xi32, #tpu.memory_space<hbm>> -> memref<80xi32, #tpu.memory_space<hbm>>
        tpu.wait_dma2 semaphore(%arg19 : memref<!tpu.dma_semaphore, #tpu.memory_space<semaphore_mem>>) src(%dma_wait3A_538 : memref<80xi32, #tpu.memory_space<hbm>>) dst(%arg10 : memref<80xi32, #tpu.memory_space<vmem>>)
        %dma_wait3A_539 = tpu.memref_slice %arg5[%multiple_of3A_536] : memref<320000xi32, #tpu.memory_space<hbm>> -> memref<80xi32, #tpu.memory_space<hbm>>
        %dma_wait3A_540 = tpu.memref_slice %arg5[%multiple_of3A_536] : memref<320000xi32, #tpu.memory_space<hbm>> -> memref<80xi32, #tpu.memory_space<hbm>>
        tpu.wait_dma2 semaphore(%arg19 : memref<!tpu.dma_semaphore, #tpu.memory_space<semaphore_mem>>) src(%dma_wait3A_540 : memref<80xi32, #tpu.memory_space<hbm>>) dst(%arg12 : memref<80xi32, #tpu.memory_space<vmem>>)
        %dma_wait3A_541 = arith.constant 128 : i32
        %dma_wait3A_542 = tpu.memref_slice %arg2[%multiple_of3A_536, %dma_wait3A_541] : memref<320000x512xf32, #tpu.memory_space<hbm>> -> memref<80x128xf32, #tpu.memory_space<hbm>>
        %dma_wait3A_543 = arith.constant 128 : i32
        %dma_wait3A_544 = tpu.memref_slice %arg2[%multiple_of3A_536, %dma_wait3A_543] : memref<320000x512xf32, #tpu.memory_space<hbm>> -> memref<80x128xf32, #tpu.memory_space<hbm>>
        tpu.wait_dma2 semaphore(%arg19 : memref<!tpu.dma_semaphore, #tpu.memory_space<semaphore_mem>>) src(%dma_wait3A_544 : memref<80x128xf32, #tpu.memory_space<hbm>>) dst(%arg14 : memref<80x128xf32, #tpu.memory_space<vmem>>)
        %dma_wait3A_545 = arith.constant 128 : i32
        %dma_wait3A_546 = tpu.memref_slice %arg3[%multiple_of3A_536, %dma_wait3A_545] : memref<320000x512xf32, #tpu.memory_space<hbm>> -> memref<80x128xf32, #tpu.memory_space<hbm>>
        %dma_wait3A_547 = arith.constant 128 : i32
        %dma_wait3A_548 = tpu.memref_slice %arg3[%multiple_of3A_536, %dma_wait3A_547] : memref<320000x512xf32, #tpu.memory_space<hbm>> -> memref<80x128xf32, #tpu.memory_space<hbm>>
        tpu.wait_dma2 semaphore(%arg19 : memref<!tpu.dma_semaphore, #tpu.memory_space<semaphore_mem>>) src(%dma_wait3A_548 : memref<80x128xf32, #tpu.memory_space<hbm>>) dst(%arg16 : memref<80x128xf32, #tpu.memory_space<vmem>>)
        %dma_wait3A_549 = arith.constant 0 : i32
        %dma_wait3A_550 = arith.constant 0 : i32
        %dma_wait3A_551 = tpu.memref_slice %arg8[%dma_wait3A_549, %dma_wait3A_550] : memref<10240x128xf32, #tpu.memory_space<vmem_shared>> -> memref<10240x128xf32, #tpu.memory_space<vmem_shared>>
        tpu.wait_indirect_dma semaphore(%arg20 : memref<!tpu.dma_semaphore, #tpu.memory_space<semaphore_mem>>) src(%arg13 : memref<80x128xf32, #tpu.memory_space<vmem>>) dst(%dma_wait3A_551 : memref<10240x128xf32, #tpu.memory_space<vmem_shared>>)
        %dma_wait3A_552 = arith.constant 0 : i32
        %dma_wait3A_553 = arith.constant 0 : i32
        %dma_wait3A_554 = tpu.memref_slice %arg8[%dma_wait3A_552, %dma_wait3A_553] : memref<10240x128xf32, #tpu.memory_space<vmem_shared>> -> memref<10240x128xf32, #tpu.memory_space<vmem_shared>>
        tpu.wait_indirect_dma semaphore(%arg20 : memref<!tpu.dma_semaphore, #tpu.memory_space<semaphore_mem>>) src(%arg15 : memref<80x128xf32, #tpu.memory_space<vmem>>) dst(%dma_wait3A_554 : memref<10240x128xf32, #tpu.memory_space<vmem_shared>>)
        %lt3A = arith.constant 124 : i32
        %lt3A_555 = arith.cmpi slt, %while3A_474, %lt3A : i32
        %convert_element_type3A_556 = arith.extui %lt3A_555 : i1 to i32
        %cond3A_557 = arith.constant 0 : i32
        %cond3A_558 = arith.cmpi ne, %convert_element_type3A_556, %cond3A_557 : i32
        scf.if %cond3A_558 {
          %add3A_565 = arith.constant 1 : i32
          %add3A_566 = arith.addi %add3A_530, %add3A_565 : i32
          %mul3A_567 = arith.constant 20000 : i32
          %mul3A_568 = arith.muli %arg1, %mul3A_567 : i32
          %mul3A_569 = arith.constant 80 : i32
          %mul3A_570 = arith.muli %add3A_566, %mul3A_569 : i32
          %add3A_571 = arith.addi %mul3A_568, %mul3A_570 : i32
          %multiple_of3A_572 = tpu.assume_multiple %add3A_571, 8 : i32
          %dma_start3A_573 = tpu.memref_slice %arg4[%multiple_of3A_572] : memref<320000xi32, #tpu.memory_space<hbm>> -> memref<80xi32, #tpu.memory_space<hbm>>
          %dma_start3A_574 = tpu.memref_slice %arg4[%multiple_of3A_572] : memref<320000xi32, #tpu.memory_space<hbm>> -> memref<80xi32, #tpu.memory_space<hbm>>
          tpu.enqueue_dma source(%dma_start3A_574 : memref<80xi32, #tpu.memory_space<hbm>>) target(%arg9 : memref<80xi32, #tpu.memory_space<vmem>>) target_semaphore(%arg18 : memref<!tpu.dma_semaphore, #tpu.memory_space<semaphore_mem>>)
          %dma_start3A_575 = tpu.memref_slice %arg5[%multiple_of3A_572] : memref<320000xi32, #tpu.memory_space<hbm>> -> memref<80xi32, #tpu.memory_space<hbm>>
          %dma_start3A_576 = tpu.memref_slice %arg5[%multiple_of3A_572] : memref<320000xi32, #tpu.memory_space<hbm>> -> memref<80xi32, #tpu.memory_space<hbm>>
          tpu.enqueue_dma source(%dma_start3A_576 : memref<80xi32, #tpu.memory_space<hbm>>) target(%arg11 : memref<80xi32, #tpu.memory_space<vmem>>) target_semaphore(%arg18 : memref<!tpu.dma_semaphore, #tpu.memory_space<semaphore_mem>>)
          %dma_start3A_577 = arith.constant 128 : i32
          %dma_start3A_578 = tpu.memref_slice %arg2[%multiple_of3A_572, %dma_start3A_577] : memref<320000x512xf32, #tpu.memory_space<hbm>> -> memref<80x128xf32, #tpu.memory_space<hbm>>
          %dma_start3A_579 = arith.constant 128 : i32
          %dma_start3A_580 = tpu.memref_slice %arg2[%multiple_of3A_572, %dma_start3A_579] : memref<320000x512xf32, #tpu.memory_space<hbm>> -> memref<80x128xf32, #tpu.memory_space<hbm>>
          tpu.enqueue_dma source(%dma_start3A_580 : memref<80x128xf32, #tpu.memory_space<hbm>>) target(%arg13 : memref<80x128xf32, #tpu.memory_space<vmem>>) target_semaphore(%arg18 : memref<!tpu.dma_semaphore, #tpu.memory_space<semaphore_mem>>)
          %dma_start3A_581 = arith.constant 128 : i32
          %dma_start3A_582 = tpu.memref_slice %arg3[%multiple_of3A_572, %dma_start3A_581] : memref<320000x512xf32, #tpu.memory_space<hbm>> -> memref<80x128xf32, #tpu.memory_space<hbm>>
          %dma_start3A_583 = arith.constant 128 : i32
          %dma_start3A_584 = tpu.memref_slice %arg3[%multiple_of3A_572, %dma_start3A_583] : memref<320000x512xf32, #tpu.memory_space<hbm>> -> memref<80x128xf32, #tpu.memory_space<hbm>>
          tpu.enqueue_dma source(%dma_start3A_584 : memref<80x128xf32, #tpu.memory_space<hbm>>) target(%arg15 : memref<80x128xf32, #tpu.memory_space<vmem>>) target_semaphore(%arg18 : memref<!tpu.dma_semaphore, #tpu.memory_space<semaphore_mem>>)
        } else {
        }
        %dma_start3A_559 = arith.constant 0 : i32
        %dma_start3A_560 = arith.constant 0 : i32
        %dma_start3A_561 = tpu.memref_slice %arg8[%dma_start3A_559, %dma_start3A_560] : memref<10240x128xf32, #tpu.memory_space<vmem_shared>> -> memref<10240x128xf32, #tpu.memory_space<vmem_shared>>
        tpu.enqueue_indirect_dma source(%arg14 : memref<80x128xf32, #tpu.memory_space<vmem>>) target(%dma_start3A_561 : memref<10240x128xf32, #tpu.memory_space<vmem_shared>>) offsets(%arg10 : memref<80xi32, #tpu.memory_space<vmem>>) semaphore(%arg21 : memref<!tpu.dma_semaphore, #tpu.memory_space<semaphore_mem>>) {add = true}
        %dma_start3A_562 = arith.constant 0 : i32
        %dma_start3A_563 = arith.constant 0 : i32
        %dma_start3A_564 = tpu.memref_slice %arg8[%dma_start3A_562, %dma_start3A_563] : memref<10240x128xf32, #tpu.memory_space<vmem_shared>> -> memref<10240x128xf32, #tpu.memory_space<vmem_shared>>
        tpu.enqueue_indirect_dma source(%arg16 : memref<80x128xf32, #tpu.memory_space<vmem>>) target(%dma_start3A_564 : memref<10240x128xf32, #tpu.memory_space<vmem_shared>>) offsets(%arg12 : memref<80xi32, #tpu.memory_space<vmem>>) semaphore(%arg21 : memref<!tpu.dma_semaphore, #tpu.memory_space<semaphore_mem>>) {add = true}
      }
      %while3A_465 = arith.constant 1 : i32
      scf.for %while3A_474 = %while3A_463 to %while3A_459 step %while3A_465  : i32 {
        %mul3A_475 = arith.constant 2 : i32
        %mul3A_476 = arith.muli %while3A_474, %mul3A_475 : i32
        %add3A_477 = arith.constant 0 : i32
        %add3A_478 = arith.addi %mul3A_476, %add3A_477 : i32
        %mul3A_479 = arith.constant 20000 : i32
        %mul3A_480 = arith.muli %arg1, %mul3A_479 : i32
        %mul3A_481 = arith.constant 80 : i32
        %mul3A_482 = arith.muli %add3A_478, %mul3A_481 : i32
        %add3A_483 = arith.addi %mul3A_480, %mul3A_482 : i32
        %multiple_of3A_484 = tpu.assume_multiple %add3A_483, 8 : i32
        %dma_wait3A_485 = tpu.memref_slice %arg4[%multiple_of3A_484] : memref<320000xi32, #tpu.memory_space<hbm>> -> memref<80xi32, #tpu.memory_space<hbm>>
        %dma_wait3A_486 = tpu.memref_slice %arg4[%multiple_of3A_484] : memref<320000xi32, #tpu.memory_space<hbm>> -> memref<80xi32, #tpu.memory_space<hbm>>
        tpu.wait_dma2 semaphore(%arg18 : memref<!tpu.dma_semaphore, #tpu.memory_space<semaphore_mem>>) src(%dma_wait3A_486 : memref<80xi32, #tpu.memory_space<hbm>>) dst(%arg9 : memref<80xi32, #tpu.memory_space<vmem>>)
        %dma_wait3A_487 = tpu.memref_slice %arg5[%multiple_of3A_484] : memref<320000xi32, #tpu.memory_space<hbm>> -> memref<80xi32, #tpu.memory_space<hbm>>
        %dma_wait3A_488 = tpu.memref_slice %arg5[%multiple_of3A_484] : memref<320000xi32, #tpu.memory_space<hbm>> -> memref<80xi32, #tpu.memory_space<hbm>>
        tpu.wait_dma2 semaphore(%arg18 : memref<!tpu.dma_semaphore, #tpu.memory_space<semaphore_mem>>) src(%dma_wait3A_488 : memref<80xi32, #tpu.memory_space<hbm>>) dst(%arg11 : memref<80xi32, #tpu.memory_space<vmem>>)
        %dma_wait3A_489 = arith.constant 128 : i32
        %dma_wait3A_490 = tpu.memref_slice %arg2[%multiple_of3A_484, %dma_wait3A_489] : memref<320000x512xf32, #tpu.memory_space<hbm>> -> memref<80x128xf32, #tpu.memory_space<hbm>>
        %dma_wait3A_491 = arith.constant 128 : i32
        %dma_wait3A_492 = tpu.memref_slice %arg2[%multiple_of3A_484, %dma_wait3A_491] : memref<320000x512xf32, #tpu.memory_space<hbm>> -> memref<80x128xf32, #tpu.memory_space<hbm>>
        tpu.wait_dma2 semaphore(%arg18 : memref<!tpu.dma_semaphore, #tpu.memory_space<semaphore_mem>>) src(%dma_wait3A_492 : memref<80x128xf32, #tpu.memory_space<hbm>>) dst(%arg13 : memref<80x128xf32, #tpu.memory_space<vmem>>)
        %dma_wait3A_493 = arith.constant 128 : i32
        %dma_wait3A_494 = tpu.memref_slice %arg3[%multiple_of3A_484, %dma_wait3A_493] : memref<320000x512xf32, #tpu.memory_space<hbm>> -> memref<80x128xf32, #tpu.memory_space<hbm>>
        %dma_wait3A_495 = arith.constant 128 : i32
        %dma_wait3A_496 = tpu.memref_slice %arg3[%multiple_of3A_484, %dma_wait3A_495] : memref<320000x512xf32, #tpu.memory_space<hbm>> -> memref<80x128xf32, #tpu.memory_space<hbm>>
        tpu.wait_dma2 semaphore(%arg18 : memref<!tpu.dma_semaphore, #tpu.memory_space<semaphore_mem>>) src(%dma_wait3A_496 : memref<80x128xf32, #tpu.memory_space<hbm>>) dst(%arg15 : memref<80x128xf32, #tpu.memory_space<vmem>>)
        %gt3A = arith.constant 0 : i32
        %gt3A_497 = arith.cmpi sgt, %while3A_474, %gt3A : i32
        %convert_element_type3A_498 = arith.extui %gt3A_497 : i1 to i32
        %cond3A_499 = arith.constant 0 : i32
        %cond3A_500 = arith.cmpi ne, %convert_element_type3A_498, %cond3A_499 : i32
        scf.if %cond3A_500 {
          %dma_wait3A_565 = arith.constant 0 : i32
          %dma_wait3A_566 = arith.constant 0 : i32
          %dma_wait3A_567 = tpu.memref_slice %arg8[%dma_wait3A_565, %dma_wait3A_566] : memref<10240x128xf32, #tpu.memory_space<vmem_shared>> -> memref<10240x128xf32, #tpu.memory_space<vmem_shared>>
          tpu.wait_indirect_dma semaphore(%arg21 : memref<!tpu.dma_semaphore, #tpu.memory_space<semaphore_mem>>) src(%arg14 : memref<80x128xf32, #tpu.memory_space<vmem>>) dst(%dma_wait3A_567 : memref<10240x128xf32, #tpu.memory_space<vmem_shared>>)
          %dma_wait3A_568 = arith.constant 0 : i32
          %dma_wait3A_569 = arith.constant 0 : i32
          %dma_wait3A_570 = tpu.memref_slice %arg8[%dma_wait3A_568, %dma_wait3A_569] : memref<10240x128xf32, #tpu.memory_space<vmem_shared>> -> memref<10240x128xf32, #tpu.memory_space<vmem_shared>>
          tpu.wait_indirect_dma semaphore(%arg21 : memref<!tpu.dma_semaphore, #tpu.memory_space<semaphore_mem>>) src(%arg16 : memref<80x128xf32, #tpu.memory_space<vmem>>) dst(%dma_wait3A_570 : memref<10240x128xf32, #tpu.memory_space<vmem_shared>>)
        } else {
        }
        %add3A_501 = arith.constant 1 : i32
        %add3A_502 = arith.addi %add3A_478, %add3A_501 : i32
        %mul3A_503 = arith.constant 20000 : i32
        %mul3A_504 = arith.muli %arg1, %mul3A_503 : i32
        %mul3A_505 = arith.constant 80 : i32
        %mul3A_506 = arith.muli %add3A_502, %mul3A_505 : i32
        %add3A_507 = arith.addi %mul3A_504, %mul3A_506 : i32
        %multiple_of3A_508 = tpu.assume_multiple %add3A_507, 8 : i32
        %dma_start3A_509 = tpu.memref_slice %arg4[%multiple_of3A_508] : memref<320000xi32, #tpu.memory_space<hbm>> -> memref<80xi32, #tpu.memory_space<hbm>>
        %dma_start3A_510 = tpu.memref_slice %arg4[%multiple_of3A_508] : memref<320000xi32, #tpu.memory_space<hbm>> -> memref<80xi32, #tpu.memory_space<hbm>>
        tpu.enqueue_dma source(%dma_start3A_510 : memref<80xi32, #tpu.memory_space<hbm>>) target(%arg10 : memref<80xi32, #tpu.memory_space<vmem>>) target_semaphore(%arg19 : memref<!tpu.dma_semaphore, #tpu.memory_space<semaphore_mem>>)
        %dma_start3A_511 = tpu.memref_slice %arg5[%multiple_of3A_508] : memref<320000xi32, #tpu.memory_space<hbm>> -> memref<80xi32, #tpu.memory_space<hbm>>
        %dma_start3A_512 = tpu.memref_slice %arg5[%multiple_of3A_508] : memref<320000xi32, #tpu.memory_space<hbm>> -> memref<80xi32, #tpu.memory_space<hbm>>
        tpu.enqueue_dma source(%dma_start3A_512 : memref<80xi32, #tpu.memory_space<hbm>>) target(%arg12 : memref<80xi32, #tpu.memory_space<vmem>>) target_semaphore(%arg19 : memref<!tpu.dma_semaphore, #tpu.memory_space<semaphore_mem>>)
        %dma_start3A_513 = arith.constant 128 : i32
        %dma_start3A_514 = tpu.memref_slice %arg2[%multiple_of3A_508, %dma_start3A_513] : memref<320000x512xf32, #tpu.memory_space<hbm>> -> memref<80x128xf32, #tpu.memory_space<hbm>>
        %dma_start3A_515 = arith.constant 128 : i32
        %dma_start3A_516 = tpu.memref_slice %arg2[%multiple_of3A_508, %dma_start3A_515] : memref<320000x512xf32, #tpu.memory_space<hbm>> -> memref<80x128xf32, #tpu.memory_space<hbm>>
        tpu.enqueue_dma source(%dma_start3A_516 : memref<80x128xf32, #tpu.memory_space<hbm>>) target(%arg14 : memref<80x128xf32, #tpu.memory_space<vmem>>) target_semaphore(%arg19 : memref<!tpu.dma_semaphore, #tpu.memory_space<semaphore_mem>>)
        %dma_start3A_517 = arith.constant 128 : i32
        %dma_start3A_518 = tpu.memref_slice %arg3[%multiple_of3A_508, %dma_start3A_517] : memref<320000x512xf32, #tpu.memory_space<hbm>> -> memref<80x128xf32, #tpu.memory_space<hbm>>
        %dma_start3A_519 = arith.constant 128 : i32
        %dma_start3A_520 = tpu.memref_slice %arg3[%multiple_of3A_508, %dma_start3A_519] : memref<320000x512xf32, #tpu.memory_space<hbm>> -> memref<80x128xf32, #tpu.memory_space<hbm>>
        tpu.enqueue_dma source(%dma_start3A_520 : memref<80x128xf32, #tpu.memory_space<hbm>>) target(%arg16 : memref<80x128xf32, #tpu.memory_space<vmem>>) target_semaphore(%arg19 : memref<!tpu.dma_semaphore, #tpu.memory_space<semaphore_mem>>)
        %dma_start3A_521 = arith.constant 0 : i32
        %dma_start3A_522 = arith.constant 0 : i32
        %dma_start3A_523 = tpu.memref_slice %arg8[%dma_start3A_521, %dma_start3A_522] : memref<10240x128xf32, #tpu.memory_space<vmem_shared>> -> memref<10240x128xf32, #tpu.memory_space<vmem_shared>>
        tpu.enqueue_indirect_dma source(%arg13 : memref<80x128xf32, #tpu.memory_space<vmem>>) target(%dma_start3A_523 : memref<10240x128xf32, #tpu.memory_space<vmem_shared>>) offsets(%arg9 : memref<80xi32, #tpu.memory_space<vmem>>) semaphore(%arg20 : memref<!tpu.dma_semaphore, #tpu.memory_space<semaphore_mem>>) {add = true}
        %dma_start3A_524 = arith.constant 0 : i32
        %dma_start3A_525 = arith.constant 0 : i32
        %dma_start3A_526 = tpu.memref_slice %arg8[%dma_start3A_524, %dma_start3A_525] : memref<10240x128xf32, #tpu.memory_space<vmem_shared>> -> memref<10240x128xf32, #tpu.memory_space<vmem_shared>>
        tpu.enqueue_indirect_dma source(%arg15 : memref<80x128xf32, #tpu.memory_space<vmem>>) target(%dma_start3A_526 : memref<10240x128xf32, #tpu.memory_space<vmem_shared>>) offsets(%arg11 : memref<80xi32, #tpu.memory_space<vmem>>) semaphore(%arg20 : memref<!tpu.dma_semaphore, #tpu.memory_space<semaphore_mem>>) {add = true}
        %mul3A_527 = arith.constant 2 : i32
        %mul3A_528 = arith.muli %while3A_474, %mul3A_527 : i32
        %add3A_529 = arith.constant 1 : i32
        %add3A_530 = arith.addi %mul3A_528, %add3A_529 : i32
        %mul3A_531 = arith.constant 20000 : i32
        %mul3A_532 = arith.muli %arg1, %mul3A_531 : i32
        %mul3A_533 = arith.constant 80 : i32
        %mul3A_534 = arith.muli %add3A_530, %mul3A_533 : i32
        %add3A_535 = arith.addi %mul3A_532, %mul3A_534 : i32
        %multiple_of3A_536 = tpu.assume_multiple %add3A_535, 8 : i32
        %dma_wait3A_537 = tpu.memref_slice %arg4[%multiple_of3A_536] : memref<320000xi32, #tpu.memory_space<hbm>> -> memref<80xi32, #tpu.memory_space<hbm>>
        %dma_wait3A_538 = tpu.memref_slice %arg4[%multiple_of3A_536] : memref<320000xi32, #tpu.memory_space<hbm>> -> memref<80xi32, #tpu.memory_space<hbm>>
        tpu.wait_dma2 semaphore(%arg19 : memref<!tpu.dma_semaphore, #tpu.memory_space<semaphore_mem>>) src(%dma_wait3A_538 : memref<80xi32, #tpu.memory_space<hbm>>) dst(%arg10 : memref<80xi32, #tpu.memory_space<vmem>>)
        %dma_wait3A_539 = tpu.memref_slice %arg5[%multiple_of3A_536] : memref<320000xi32, #tpu.memory_space<hbm>> -> memref<80xi32, #tpu.memory_space<hbm>>
        %dma_wait3A_540 = tpu.memref_slice %arg5[%multiple_of3A_536] : memref<320000xi32, #tpu.memory_space<hbm>> -> memref<80xi32, #tpu.memory_space<hbm>>
        tpu.wait_dma2 semaphore(%arg19 : memref<!tpu.dma_semaphore, #tpu.memory_space<semaphore_mem>>) src(%dma_wait3A_540 : memref<80xi32, #tpu.memory_space<hbm>>) dst(%arg12 : memref<80xi32, #tpu.memory_space<vmem>>)
        %dma_wait3A_541 = arith.constant 128 : i32
        %dma_wait3A_542 = tpu.memref_slice %arg2[%multiple_of3A_536, %dma_wait3A_541] : memref<320000x512xf32, #tpu.memory_space<hbm>> -> memref<80x128xf32, #tpu.memory_space<hbm>>
        %dma_wait3A_543 = arith.constant 128 : i32
        %dma_wait3A_544 = tpu.memref_slice %arg2[%multiple_of3A_536, %dma_wait3A_543] : memref<320000x512xf32, #tpu.memory_space<hbm>> -> memref<80x128xf32, #tpu.memory_space<hbm>>
        tpu.wait_dma2 semaphore(%arg19 : memref<!tpu.dma_semaphore, #tpu.memory_space<semaphore_mem>>) src(%dma_wait3A_544 : memref<80x128xf32, #tpu.memory_space<hbm>>) dst(%arg14 : memref<80x128xf32, #tpu.memory_space<vmem>>)
        %dma_wait3A_545 = arith.constant 128 : i32
        %dma_wait3A_546 = tpu.memref_slice %arg3[%multiple_of3A_536, %dma_wait3A_545] : memref<320000x512xf32, #tpu.memory_space<hbm>> -> memref<80x128xf32, #tpu.memory_space<hbm>>
        %dma_wait3A_547 = arith.constant 128 : i32
        %dma_wait3A_548 = tpu.memref_slice %arg3[%multiple_of3A_536, %dma_wait3A_547] : memref<320000x512xf32, #tpu.memory_space<hbm>> -> memref<80x128xf32, #tpu.memory_space<hbm>>
        tpu.wait_dma2 semaphore(%arg19 : memref<!tpu.dma_semaphore, #tpu.memory_space<semaphore_mem>>) src(%dma_wait3A_548 : memref<80x128xf32, #tpu.memory_space<hbm>>) dst(%arg16 : memref<80x128xf32, #tpu.memory_space<vmem>>)
        %dma_wait3A_549 = arith.constant 0 : i32
        %dma_wait3A_550 = arith.constant 0 : i32
        %dma_wait3A_551 = tpu.memref_slice %arg8[%dma_wait3A_549, %dma_wait3A_550] : memref<10240x128xf32, #tpu.memory_space<vmem_shared>> -> memref<10240x128xf32, #tpu.memory_space<vmem_shared>>
        tpu.wait_indirect_dma semaphore(%arg20 : memref<!tpu.dma_semaphore, #tpu.memory_space<semaphore_mem>>) src(%arg13 : memref<80x128xf32, #tpu.memory_space<vmem>>) dst(%dma_wait3A_551 : memref<10240x128xf32, #tpu.memory_space<vmem_shared>>)
        %dma_wait3A_552 = arith.constant 0 : i32
        %dma_wait3A_553 = arith.constant 0 : i32
        %dma_wait3A_554 = tpu.memref_slice %arg8[%dma_wait3A_552, %dma_wait3A_553] : memref<10240x128xf32, #tpu.memory_space<vmem_shared>> -> memref<10240x128xf32, #tpu.memory_space<vmem_shared>>
        tpu.wait_indirect_dma semaphore(%arg20 : memref<!tpu.dma_semaphore, #tpu.memory_space<semaphore_mem>>) src(%arg15 : memref<80x128xf32, #tpu.memory_space<vmem>>) dst(%dma_wait3A_554 : memref<10240x128xf32, #tpu.memory_space<vmem_shared>>)
        %lt3A = arith.constant 124 : i32
        %lt3A_555 = arith.cmpi slt, %while3A_474, %lt3A : i32
        %convert_element_type3A_556 = arith.extui %lt3A_555 : i1 to i32
        %cond3A_557 = arith.constant 0 : i32
        %cond3A_558 = arith.cmpi ne, %convert_element_type3A_556, %cond3A_557 : i32
        scf.if %cond3A_558 {
          %add3A_565 = arith.constant 1 : i32
          %add3A_566 = arith.addi %add3A_530, %add3A_565 : i32
          %mul3A_567 = arith.constant 20000 : i32
          %mul3A_568 = arith.muli %arg1, %mul3A_567 : i32
          %mul3A_569 = arith.constant 80 : i32
          %mul3A_570 = arith.muli %add3A_566, %mul3A_569 : i32
          %add3A_571 = arith.addi %mul3A_568, %mul3A_570 : i32
          %multiple_of3A_572 = tpu.assume_multiple %add3A_571, 8 : i32
          %dma_start3A_573 = tpu.memref_slice %arg4[%multiple_of3A_572] : memref<320000xi32, #tpu.memory_space<hbm>> -> memref<80xi32, #tpu.memory_space<hbm>>
          %dma_start3A_574 = tpu.memref_slice %arg4[%multiple_of3A_572] : memref<320000xi32, #tpu.memory_space<hbm>> -> memref<80xi32, #tpu.memory_space<hbm>>
          tpu.enqueue_dma source(%dma_start3A_574 : memref<80xi32, #tpu.memory_space<hbm>>) target(%arg9 : memref<80xi32, #tpu.memory_space<vmem>>) target_semaphore(%arg18 : memref<!tpu.dma_semaphore, #tpu.memory_space<semaphore_mem>>)
          %dma_start3A_575 = tpu.memref_slice %arg5[%multiple_of3A_572] : memref<320000xi32, #tpu.memory_space<hbm>> -> memref<80xi32, #tpu.memory_space<hbm>>
          %dma_start3A_576 = tpu.memref_slice %arg5[%multiple_of3A_572] : memref<320000xi32, #tpu.memory_space<hbm>> -> memref<80xi32, #tpu.memory_space<hbm>>
          tpu.enqueue_dma source(%dma_start3A_576 : memref<80xi32, #tpu.memory_space<hbm>>) target(%arg11 : memref<80xi32, #tpu.memory_space<vmem>>) target_semaphore(%arg18 : memref<!tpu.dma_semaphore, #tpu.memory_space<semaphore_mem>>)
          %dma_start3A_577 = arith.constant 128 : i32
          %dma_start3A_578 = tpu.memref_slice %arg2[%multiple_of3A_572, %dma_start3A_577] : memref<320000x512xf32, #tpu.memory_space<hbm>> -> memref<80x128xf32, #tpu.memory_space<hbm>>
          %dma_start3A_579 = arith.constant 128 : i32
          %dma_start3A_580 = tpu.memref_slice %arg2[%multiple_of3A_572, %dma_start3A_579] : memref<320000x512xf32, #tpu.memory_space<hbm>> -> memref<80x128xf32, #tpu.memory_space<hbm>>
          tpu.enqueue_dma source(%dma_start3A_580 : memref<80x128xf32, #tpu.memory_space<hbm>>) target(%arg13 : memref<80x128xf32, #tpu.memory_space<vmem>>) target_semaphore(%arg18 : memref<!tpu.dma_semaphore, #tpu.memory_space<semaphore_mem>>)
          %dma_start3A_581 = arith.constant 128 : i32
          %dma_start3A_582 = tpu.memref_slice %arg3[%multiple_of3A_572, %dma_start3A_581] : memref<320000x512xf32, #tpu.memory_space<hbm>> -> memref<80x128xf32, #tpu.memory_space<hbm>>
          %dma_start3A_583 = arith.constant 128 : i32
          %dma_start3A_584 = tpu.memref_slice %arg3[%multiple_of3A_572, %dma_start3A_583] : memref<320000x512xf32, #tpu.memory_space<hbm>> -> memref<80x128xf32, #tpu.memory_space<hbm>>
          tpu.enqueue_dma source(%dma_start3A_584 : memref<80x128xf32, #tpu.memory_space<hbm>>) target(%arg15 : memref<80x128xf32, #tpu.memory_space<vmem>>) target_semaphore(%arg18 : memref<!tpu.dma_semaphore, #tpu.memory_space<semaphore_mem>>)
        } else {
        }
        %dma_start3A_559 = arith.constant 0 : i32
        %dma_start3A_560 = arith.constant 0 : i32
        %dma_start3A_561 = tpu.memref_slice %arg8[%dma_start3A_559, %dma_start3A_560] : memref<10240x128xf32, #tpu.memory_space<vmem_shared>> -> memref<10240x128xf32, #tpu.memory_space<vmem_shared>>
        tpu.enqueue_indirect_dma source(%arg14 : memref<80x128xf32, #tpu.memory_space<vmem>>) target(%dma_start3A_561 : memref<10240x128xf32, #tpu.memory_space<vmem_shared>>) offsets(%arg10 : memref<80xi32, #tpu.memory_space<vmem>>) semaphore(%arg21 : memref<!tpu.dma_semaphore, #tpu.memory_space<semaphore_mem>>) {add = true}
        %dma_start3A_562 = arith.constant 0 : i32
        %dma_start3A_563 = arith.constant 0 : i32
        %dma_start3A_564 = tpu.memref_slice %arg8[%dma_start3A_562, %dma_start3A_563] : memref<10240x128xf32, #tpu.memory_space<vmem_shared>> -> memref<10240x128xf32, #tpu.memory_space<vmem_shared>>
        tpu.enqueue_indirect_dma source(%arg16 : memref<80x128xf32, #tpu.memory_space<vmem>>) target(%dma_start3A_564 : memref<10240x128xf32, #tpu.memory_space<vmem_shared>>) offsets(%arg12 : memref<80xi32, #tpu.memory_space<vmem>>) semaphore(%arg21 : memref<!tpu.dma_semaphore, #tpu.memory_space<semaphore_mem>>) {add = true}
      }
      %dma_wait3A_466 = arith.constant 0 : i32
      %dma_wait3A_467 = arith.constant 0 : i32
      %dma_wait3A_468 = tpu.memref_slice %arg8[%dma_wait3A_466, %dma_wait3A_467] : memref<10240x128xf32, #tpu.memory_space<vmem_shared>> -> memref<10240x128xf32, #tpu.memory_space<vmem_shared>>
      tpu.wait_indirect_dma semaphore(%arg21 : memref<!tpu.dma_semaphore, #tpu.memory_space<semaphore_mem>>) src(%arg14 : memref<80x128xf32, #tpu.memory_space<vmem>>) dst(%dma_wait3A_468 : memref<10240x128xf32, #tpu.memory_space<vmem_shared>>)
      %dma_wait3A_469 = arith.constant 0 : i32
      %dma_wait3A_470 = arith.constant 0 : i32
      %dma_wait3A_471 = tpu.memref_slice %arg8[%dma_wait3A_469, %dma_wait3A_470] : memref<10240x128xf32, #tpu.memory_space<vmem_shared>> -> memref<10240x128xf32, #tpu.memory_space<vmem_shared>>
      tpu.wait_indirect_dma semaphore(%arg21 : memref<!tpu.dma_semaphore, #tpu.memory_space<semaphore_mem>>) src(%arg16 : memref<80x128xf32, #tpu.memory_space<vmem>>) dst(%dma_wait3A_471 : memref<10240x128xf32, #tpu.memory_space<vmem_shared>>)
      %barrier3A_472 = arith.constant 0 : index
      tpu.barrier barrier_id(%barrier3A_472)
      "tpu.region"() ({
        %run_scoped3A = tpu.sem_alloc : memref<!tpu.dma_semaphore, #tpu.memory_space<semaphore_mem>>
        %dma_start3A_474 = arith.constant 128 : i32
        %dma_start3A_475 = tpu.memref_slice %arg6[%mul3A_0, %dma_start3A_474] : memref<10240x512xf32, #tpu.memory_space<hbm>> -> memref<640x128xf32, #tpu.memory_space<hbm>>
        %dma_start3A_476 = arith.constant 0 : i32
        %dma_start3A_477 = tpu.memref_slice %arg8[%mul3A_0, %dma_start3A_476] : memref<10240x128xf32, #tpu.memory_space<vmem_shared>> -> memref<640x128xf32, #tpu.memory_space<vmem_shared>>
        tpu.enqueue_dma source(%dma_start3A_477 : memref<640x128xf32, #tpu.memory_space<vmem_shared>>) target(%dma_start3A_475 : memref<640x128xf32, #tpu.memory_space<hbm>>) target_semaphore(%run_scoped3A : memref<!tpu.dma_semaphore, #tpu.memory_space<semaphore_mem>>)
        %dma_wait3A_478 = arith.constant 128 : i32
        %dma_wait3A_479 = tpu.memref_slice %arg6[%mul3A_0, %dma_wait3A_478] : memref<10240x512xf32, #tpu.memory_space<hbm>> -> memref<640x128xf32, #tpu.memory_space<hbm>>
        %dma_wait3A_480 = arith.constant 0 : i32
        %dma_wait3A_481 = tpu.memref_slice %arg8[%mul3A_0, %dma_wait3A_480] : memref<10240x128xf32, #tpu.memory_space<vmem_shared>> -> memref<640x128xf32, #tpu.memory_space<vmem_shared>>
        tpu.wait_dma2 semaphore(%run_scoped3A : memref<!tpu.dma_semaphore, #tpu.memory_space<semaphore_mem>>) src(%dma_wait3A_481 : memref<640x128xf32, #tpu.memory_space<vmem_shared>>) dst(%dma_wait3A_479 : memref<640x128xf32, #tpu.memory_space<hbm>>)
        tpu.yield
      }) : () -> ()
      %barrier3A_473 = arith.constant 0 : index
      tpu.barrier barrier_id(%barrier3A_473)
    } else {
    }
    %eq3A_202 = arith.constant 1 : i32
    %eq3A_203 = arith.cmpi eq, %arg0, %eq3A_202 : i32
    %convert_element_type3A_204 = arith.extui %eq3A_203 : i1 to i32
    %cond3A_205 = arith.constant 0 : i32
    %cond3A_206 = arith.cmpi ne, %convert_element_type3A_204, %cond3A_205 : i32
    scf.if %cond3A_206 {
      %mul3A_207 = arith.constant 20000 : i32
      %mul3A_208 = arith.muli %arg1, %mul3A_207 : i32
      %mul3A_209 = arith.constant 0 : i32
      %mul3A_210 = arith.constant 80 : i32
      %mul3A_211 = arith.muli %mul3A_209, %mul3A_210 : i32
      %add3A_212 = arith.addi %mul3A_208, %mul3A_211 : i32
      %multiple_of3A = tpu.assume_multiple %add3A_212, 8 : i32
      %dma_start3A_213 = tpu.memref_slice %arg4[%multiple_of3A] : memref<320000xi32, #tpu.memory_space<hbm>> -> memref<80xi32, #tpu.memory_space<hbm>>
      %dma_start3A_214 = tpu.memref_slice %arg4[%multiple_of3A] : memref<320000xi32, #tpu.memory_space<hbm>> -> memref<80xi32, #tpu.memory_space<hbm>>
      tpu.enqueue_dma source(%dma_start3A_214 : memref<80xi32, #tpu.memory_space<hbm>>) target(%arg9 : memref<80xi32, #tpu.memory_space<vmem>>) target_semaphore(%arg18 : memref<!tpu.dma_semaphore, #tpu.memory_space<semaphore_mem>>)
      %dma_start3A_215 = tpu.memref_slice %arg5[%multiple_of3A] : memref<320000xi32, #tpu.memory_space<hbm>> -> memref<80xi32, #tpu.memory_space<hbm>>
      %dma_start3A_216 = tpu.memref_slice %arg5[%multiple_of3A] : memref<320000xi32, #tpu.memory_space<hbm>> -> memref<80xi32, #tpu.memory_space<hbm>>
      tpu.enqueue_dma source(%dma_start3A_216 : memref<80xi32, #tpu.memory_space<hbm>>) target(%arg11 : memref<80xi32, #tpu.memory_space<vmem>>) target_semaphore(%arg18 : memref<!tpu.dma_semaphore, #tpu.memory_space<semaphore_mem>>)
      %dma_start3A_217 = arith.constant 256 : i32
      %dma_start3A_218 = tpu.memref_slice %arg2[%multiple_of3A, %dma_start3A_217] : memref<320000x512xf32, #tpu.memory_space<hbm>> -> memref<80x128xf32, #tpu.memory_space<hbm>>
      %dma_start3A_219 = arith.constant 256 : i32
      %dma_start3A_220 = tpu.memref_slice %arg2[%multiple_of3A, %dma_start3A_219] : memref<320000x512xf32, #tpu.memory_space<hbm>> -> memref<80x128xf32, #tpu.memory_space<hbm>>
      tpu.enqueue_dma source(%dma_start3A_220 : memref<80x128xf32, #tpu.memory_space<hbm>>) target(%arg13 : memref<80x128xf32, #tpu.memory_space<vmem>>) target_semaphore(%arg18 : memref<!tpu.dma_semaphore, #tpu.memory_space<semaphore_mem>>)
      %dma_start3A_221 = arith.constant 256 : i32
      %dma_start3A_222 = tpu.memref_slice %arg3[%multiple_of3A, %dma_start3A_221] : memref<320000x512xf32, #tpu.memory_space<hbm>> -> memref<80x128xf32, #tpu.memory_space<hbm>>
      %dma_start3A_223 = arith.constant 256 : i32
      %dma_start3A_224 = tpu.memref_slice %arg3[%multiple_of3A, %dma_start3A_223] : memref<320000x512xf32, #tpu.memory_space<hbm>> -> memref<80x128xf32, #tpu.memory_space<hbm>>
      tpu.enqueue_dma source(%dma_start3A_224 : memref<80x128xf32, #tpu.memory_space<hbm>>) target(%arg15 : memref<80x128xf32, #tpu.memory_space<vmem>>) target_semaphore(%arg18 : memref<!tpu.dma_semaphore, #tpu.memory_space<semaphore_mem>>)
      %while3A_225 = arith.constant 0 : i32
      %while3A_226 = arith.constant 0 : i32
      %while3A_227 = arith.constant 125 : i32
      %while3A_228 = arith.subi %while3A_227, %while3A_226 : i32
      %while3A_229 = arith.addi %while3A_226, %while3A_228 : i32
      %while3A_230 = arith.constant 1 : i32
      %while3A_231 = arith.divsi %while3A_228, %while3A_230 : i32
      %while3A_232 = arith.muli %while3A_231, %while3A_230 : i32
      %while3A_233 = arith.addi %while3A_226, %while3A_232 : i32
      %while3A_234 = arith.constant 1 : i32
      scf.for %while3A_707 = %while3A_226 to %while3A_233 step %while3A_234  : i32 {
        %mul3A_708 = arith.constant 2 : i32
        %mul3A_709 = arith.muli %while3A_707, %mul3A_708 : i32
        %add3A_710 = arith.constant 0 : i32
        %add3A_711 = arith.addi %mul3A_709, %add3A_710 : i32
        %mul3A_712 = arith.constant 20000 : i32
        %mul3A_713 = arith.muli %arg1, %mul3A_712 : i32
        %mul3A_714 = arith.constant 80 : i32
        %mul3A_715 = arith.muli %add3A_711, %mul3A_714 : i32
        %add3A_716 = arith.addi %mul3A_713, %mul3A_715 : i32
        %multiple_of3A_717 = tpu.assume_multiple %add3A_716, 8 : i32
        %dma_wait3A_718 = tpu.memref_slice %arg4[%multiple_of3A_717] : memref<320000xi32, #tpu.memory_space<hbm>> -> memref<80xi32, #tpu.memory_space<hbm>>
        %dma_wait3A_719 = tpu.memref_slice %arg4[%multiple_of3A_717] : memref<320000xi32, #tpu.memory_space<hbm>> -> memref<80xi32, #tpu.memory_space<hbm>>
        tpu.wait_dma2 semaphore(%arg18 : memref<!tpu.dma_semaphore, #tpu.memory_space<semaphore_mem>>) src(%dma_wait3A_719 : memref<80xi32, #tpu.memory_space<hbm>>) dst(%arg9 : memref<80xi32, #tpu.memory_space<vmem>>)
        %dma_wait3A_720 = tpu.memref_slice %arg5[%multiple_of3A_717] : memref<320000xi32, #tpu.memory_space<hbm>> -> memref<80xi32, #tpu.memory_space<hbm>>
        %dma_wait3A_721 = tpu.memref_slice %arg5[%multiple_of3A_717] : memref<320000xi32, #tpu.memory_space<hbm>> -> memref<80xi32, #tpu.memory_space<hbm>>
        tpu.wait_dma2 semaphore(%arg18 : memref<!tpu.dma_semaphore, #tpu.memory_space<semaphore_mem>>) src(%dma_wait3A_721 : memref<80xi32, #tpu.memory_space<hbm>>) dst(%arg11 : memref<80xi32, #tpu.memory_space<vmem>>)
        %dma_wait3A_722 = arith.constant 256 : i32
        %dma_wait3A_723 = tpu.memref_slice %arg2[%multiple_of3A_717, %dma_wait3A_722] : memref<320000x512xf32, #tpu.memory_space<hbm>> -> memref<80x128xf32, #tpu.memory_space<hbm>>
        %dma_wait3A_724 = arith.constant 256 : i32
        %dma_wait3A_725 = tpu.memref_slice %arg2[%multiple_of3A_717, %dma_wait3A_724] : memref<320000x512xf32, #tpu.memory_space<hbm>> -> memref<80x128xf32, #tpu.memory_space<hbm>>
        tpu.wait_dma2 semaphore(%arg18 : memref<!tpu.dma_semaphore, #tpu.memory_space<semaphore_mem>>) src(%dma_wait3A_725 : memref<80x128xf32, #tpu.memory_space<hbm>>) dst(%arg13 : memref<80x128xf32, #tpu.memory_space<vmem>>)
        %dma_wait3A_726 = arith.constant 256 : i32
        %dma_wait3A_727 = tpu.memref_slice %arg3[%multiple_of3A_717, %dma_wait3A_726] : memref<320000x512xf32, #tpu.memory_space<hbm>> -> memref<80x128xf32, #tpu.memory_space<hbm>>
        %dma_wait3A_728 = arith.constant 256 : i32
        %dma_wait3A_729 = tpu.memref_slice %arg3[%multiple_of3A_717, %dma_wait3A_728] : memref<320000x512xf32, #tpu.memory_space<hbm>> -> memref<80x128xf32, #tpu.memory_space<hbm>>
        tpu.wait_dma2 semaphore(%arg18 : memref<!tpu.dma_semaphore, #tpu.memory_space<semaphore_mem>>) src(%dma_wait3A_729 : memref<80x128xf32, #tpu.memory_space<hbm>>) dst(%arg15 : memref<80x128xf32, #tpu.memory_space<vmem>>)
        %gt3A = arith.constant 0 : i32
        %gt3A_730 = arith.cmpi sgt, %while3A_707, %gt3A : i32
        %convert_element_type3A_731 = arith.extui %gt3A_730 : i1 to i32
        %cond3A_732 = arith.constant 0 : i32
        %cond3A_733 = arith.cmpi ne, %convert_element_type3A_731, %cond3A_732 : i32
        scf.if %cond3A_733 {
          %dma_wait3A_798 = arith.constant 0 : i32
          %dma_wait3A_799 = arith.constant 0 : i32
          %dma_wait3A_800 = tpu.memref_slice %arg8[%dma_wait3A_798, %dma_wait3A_799] : memref<10240x128xf32, #tpu.memory_space<vmem_shared>> -> memref<10240x128xf32, #tpu.memory_space<vmem_shared>>
          tpu.wait_indirect_dma semaphore(%arg21 : memref<!tpu.dma_semaphore, #tpu.memory_space<semaphore_mem>>) src(%arg14 : memref<80x128xf32, #tpu.memory_space<vmem>>) dst(%dma_wait3A_800 : memref<10240x128xf32, #tpu.memory_space<vmem_shared>>)
          %dma_wait3A_801 = arith.constant 0 : i32
          %dma_wait3A_802 = arith.constant 0 : i32
          %dma_wait3A_803 = tpu.memref_slice %arg8[%dma_wait3A_801, %dma_wait3A_802] : memref<10240x128xf32, #tpu.memory_space<vmem_shared>> -> memref<10240x128xf32, #tpu.memory_space<vmem_shared>>
          tpu.wait_indirect_dma semaphore(%arg21 : memref<!tpu.dma_semaphore, #tpu.memory_space<semaphore_mem>>) src(%arg16 : memref<80x128xf32, #tpu.memory_space<vmem>>) dst(%dma_wait3A_803 : memref<10240x128xf32, #tpu.memory_space<vmem_shared>>)
        } else {
        }
        %add3A_734 = arith.constant 1 : i32
        %add3A_735 = arith.addi %add3A_711, %add3A_734 : i32
        %mul3A_736 = arith.constant 20000 : i32
        %mul3A_737 = arith.muli %arg1, %mul3A_736 : i32
        %mul3A_738 = arith.constant 80 : i32
        %mul3A_739 = arith.muli %add3A_735, %mul3A_738 : i32
        %add3A_740 = arith.addi %mul3A_737, %mul3A_739 : i32
        %multiple_of3A_741 = tpu.assume_multiple %add3A_740, 8 : i32
        %dma_start3A_742 = tpu.memref_slice %arg4[%multiple_of3A_741] : memref<320000xi32, #tpu.memory_space<hbm>> -> memref<80xi32, #tpu.memory_space<hbm>>
        %dma_start3A_743 = tpu.memref_slice %arg4[%multiple_of3A_741] : memref<320000xi32, #tpu.memory_space<hbm>> -> memref<80xi32, #tpu.memory_space<hbm>>
        tpu.enqueue_dma source(%dma_start3A_743 : memref<80xi32, #tpu.memory_space<hbm>>) target(%arg10 : memref<80xi32, #tpu.memory_space<vmem>>) target_semaphore(%arg19 : memref<!tpu.dma_semaphore, #tpu.memory_space<semaphore_mem>>)
        %dma_start3A_744 = tpu.memref_slice %arg5[%multiple_of3A_741] : memref<320000xi32, #tpu.memory_space<hbm>> -> memref<80xi32, #tpu.memory_space<hbm>>
        %dma_start3A_745 = tpu.memref_slice %arg5[%multiple_of3A_741] : memref<320000xi32, #tpu.memory_space<hbm>> -> memref<80xi32, #tpu.memory_space<hbm>>
        tpu.enqueue_dma source(%dma_start3A_745 : memref<80xi32, #tpu.memory_space<hbm>>) target(%arg12 : memref<80xi32, #tpu.memory_space<vmem>>) target_semaphore(%arg19 : memref<!tpu.dma_semaphore, #tpu.memory_space<semaphore_mem>>)
        %dma_start3A_746 = arith.constant 256 : i32
        %dma_start3A_747 = tpu.memref_slice %arg2[%multiple_of3A_741, %dma_start3A_746] : memref<320000x512xf32, #tpu.memory_space<hbm>> -> memref<80x128xf32, #tpu.memory_space<hbm>>
        %dma_start3A_748 = arith.constant 256 : i32
        %dma_start3A_749 = tpu.memref_slice %arg2[%multiple_of3A_741, %dma_start3A_748] : memref<320000x512xf32, #tpu.memory_space<hbm>> -> memref<80x128xf32, #tpu.memory_space<hbm>>
        tpu.enqueue_dma source(%dma_start3A_749 : memref<80x128xf32, #tpu.memory_space<hbm>>) target(%arg14 : memref<80x128xf32, #tpu.memory_space<vmem>>) target_semaphore(%arg19 : memref<!tpu.dma_semaphore, #tpu.memory_space<semaphore_mem>>)
        %dma_start3A_750 = arith.constant 256 : i32
        %dma_start3A_751 = tpu.memref_slice %arg3[%multiple_of3A_741, %dma_start3A_750] : memref<320000x512xf32, #tpu.memory_space<hbm>> -> memref<80x128xf32, #tpu.memory_space<hbm>>
        %dma_start3A_752 = arith.constant 256 : i32
        %dma_start3A_753 = tpu.memref_slice %arg3[%multiple_of3A_741, %dma_start3A_752] : memref<320000x512xf32, #tpu.memory_space<hbm>> -> memref<80x128xf32, #tpu.memory_space<hbm>>
        tpu.enqueue_dma source(%dma_start3A_753 : memref<80x128xf32, #tpu.memory_space<hbm>>) target(%arg16 : memref<80x128xf32, #tpu.memory_space<vmem>>) target_semaphore(%arg19 : memref<!tpu.dma_semaphore, #tpu.memory_space<semaphore_mem>>)
        %dma_start3A_754 = arith.constant 0 : i32
        %dma_start3A_755 = arith.constant 0 : i32
        %dma_start3A_756 = tpu.memref_slice %arg8[%dma_start3A_754, %dma_start3A_755] : memref<10240x128xf32, #tpu.memory_space<vmem_shared>> -> memref<10240x128xf32, #tpu.memory_space<vmem_shared>>
        tpu.enqueue_indirect_dma source(%arg13 : memref<80x128xf32, #tpu.memory_space<vmem>>) target(%dma_start3A_756 : memref<10240x128xf32, #tpu.memory_space<vmem_shared>>) offsets(%arg9 : memref<80xi32, #tpu.memory_space<vmem>>) semaphore(%arg20 : memref<!tpu.dma_semaphore, #tpu.memory_space<semaphore_mem>>) {add = true}
        %dma_start3A_757 = arith.constant 0 : i32
        %dma_start3A_758 = arith.constant 0 : i32
        %dma_start3A_759 = tpu.memref_slice %arg8[%dma_start3A_757, %dma_start3A_758] : memref<10240x128xf32, #tpu.memory_space<vmem_shared>> -> memref<10240x128xf32, #tpu.memory_space<vmem_shared>>
        tpu.enqueue_indirect_dma source(%arg15 : memref<80x128xf32, #tpu.memory_space<vmem>>) target(%dma_start3A_759 : memref<10240x128xf32, #tpu.memory_space<vmem_shared>>) offsets(%arg11 : memref<80xi32, #tpu.memory_space<vmem>>) semaphore(%arg20 : memref<!tpu.dma_semaphore, #tpu.memory_space<semaphore_mem>>) {add = true}
        %mul3A_760 = arith.constant 2 : i32
        %mul3A_761 = arith.muli %while3A_707, %mul3A_760 : i32
        %add3A_762 = arith.constant 1 : i32
        %add3A_763 = arith.addi %mul3A_761, %add3A_762 : i32
        %mul3A_764 = arith.constant 20000 : i32
        %mul3A_765 = arith.muli %arg1, %mul3A_764 : i32
        %mul3A_766 = arith.constant 80 : i32
        %mul3A_767 = arith.muli %add3A_763, %mul3A_766 : i32
        %add3A_768 = arith.addi %mul3A_765, %mul3A_767 : i32
        %multiple_of3A_769 = tpu.assume_multiple %add3A_768, 8 : i32
        %dma_wait3A_770 = tpu.memref_slice %arg4[%multiple_of3A_769] : memref<320000xi32, #tpu.memory_space<hbm>> -> memref<80xi32, #tpu.memory_space<hbm>>
        %dma_wait3A_771 = tpu.memref_slice %arg4[%multiple_of3A_769] : memref<320000xi32, #tpu.memory_space<hbm>> -> memref<80xi32, #tpu.memory_space<hbm>>
        tpu.wait_dma2 semaphore(%arg19 : memref<!tpu.dma_semaphore, #tpu.memory_space<semaphore_mem>>) src(%dma_wait3A_771 : memref<80xi32, #tpu.memory_space<hbm>>) dst(%arg10 : memref<80xi32, #tpu.memory_space<vmem>>)
        %dma_wait3A_772 = tpu.memref_slice %arg5[%multiple_of3A_769] : memref<320000xi32, #tpu.memory_space<hbm>> -> memref<80xi32, #tpu.memory_space<hbm>>
        %dma_wait3A_773 = tpu.memref_slice %arg5[%multiple_of3A_769] : memref<320000xi32, #tpu.memory_space<hbm>> -> memref<80xi32, #tpu.memory_space<hbm>>
        tpu.wait_dma2 semaphore(%arg19 : memref<!tpu.dma_semaphore, #tpu.memory_space<semaphore_mem>>) src(%dma_wait3A_773 : memref<80xi32, #tpu.memory_space<hbm>>) dst(%arg12 : memref<80xi32, #tpu.memory_space<vmem>>)
        %dma_wait3A_774 = arith.constant 256 : i32
        %dma_wait3A_775 = tpu.memref_slice %arg2[%multiple_of3A_769, %dma_wait3A_774] : memref<320000x512xf32, #tpu.memory_space<hbm>> -> memref<80x128xf32, #tpu.memory_space<hbm>>
        %dma_wait3A_776 = arith.constant 256 : i32
        %dma_wait3A_777 = tpu.memref_slice %arg2[%multiple_of3A_769, %dma_wait3A_776] : memref<320000x512xf32, #tpu.memory_space<hbm>> -> memref<80x128xf32, #tpu.memory_space<hbm>>
        tpu.wait_dma2 semaphore(%arg19 : memref<!tpu.dma_semaphore, #tpu.memory_space<semaphore_mem>>) src(%dma_wait3A_777 : memref<80x128xf32, #tpu.memory_space<hbm>>) dst(%arg14 : memref<80x128xf32, #tpu.memory_space<vmem>>)
        %dma_wait3A_778 = arith.constant 256 : i32
        %dma_wait3A_779 = tpu.memref_slice %arg3[%multiple_of3A_769, %dma_wait3A_778] : memref<320000x512xf32, #tpu.memory_space<hbm>> -> memref<80x128xf32, #tpu.memory_space<hbm>>
        %dma_wait3A_780 = arith.constant 256 : i32
        %dma_wait3A_781 = tpu.memref_slice %arg3[%multiple_of3A_769, %dma_wait3A_780] : memref<320000x512xf32, #tpu.memory_space<hbm>> -> memref<80x128xf32, #tpu.memory_space<hbm>>
        tpu.wait_dma2 semaphore(%arg19 : memref<!tpu.dma_semaphore, #tpu.memory_space<semaphore_mem>>) src(%dma_wait3A_781 : memref<80x128xf32, #tpu.memory_space<hbm>>) dst(%arg16 : memref<80x128xf32, #tpu.memory_space<vmem>>)
        %dma_wait3A_782 = arith.constant 0 : i32
        %dma_wait3A_783 = arith.constant 0 : i32
        %dma_wait3A_784 = tpu.memref_slice %arg8[%dma_wait3A_782, %dma_wait3A_783] : memref<10240x128xf32, #tpu.memory_space<vmem_shared>> -> memref<10240x128xf32, #tpu.memory_space<vmem_shared>>
        tpu.wait_indirect_dma semaphore(%arg20 : memref<!tpu.dma_semaphore, #tpu.memory_space<semaphore_mem>>) src(%arg13 : memref<80x128xf32, #tpu.memory_space<vmem>>) dst(%dma_wait3A_784 : memref<10240x128xf32, #tpu.memory_space<vmem_shared>>)
        %dma_wait3A_785 = arith.constant 0 : i32
        %dma_wait3A_786 = arith.constant 0 : i32
        %dma_wait3A_787 = tpu.memref_slice %arg8[%dma_wait3A_785, %dma_wait3A_786] : memref<10240x128xf32, #tpu.memory_space<vmem_shared>> -> memref<10240x128xf32, #tpu.memory_space<vmem_shared>>
        tpu.wait_indirect_dma semaphore(%arg20 : memref<!tpu.dma_semaphore, #tpu.memory_space<semaphore_mem>>) src(%arg15 : memref<80x128xf32, #tpu.memory_space<vmem>>) dst(%dma_wait3A_787 : memref<10240x128xf32, #tpu.memory_space<vmem_shared>>)
        %lt3A = arith.constant 124 : i32
        %lt3A_788 = arith.cmpi slt, %while3A_707, %lt3A : i32
        %convert_element_type3A_789 = arith.extui %lt3A_788 : i1 to i32
        %cond3A_790 = arith.constant 0 : i32
        %cond3A_791 = arith.cmpi ne, %convert_element_type3A_789, %cond3A_790 : i32
        scf.if %cond3A_791 {
          %add3A_798 = arith.constant 1 : i32
          %add3A_799 = arith.addi %add3A_763, %add3A_798 : i32
          %mul3A_800 = arith.constant 20000 : i32
          %mul3A_801 = arith.muli %arg1, %mul3A_800 : i32
          %mul3A_802 = arith.constant 80 : i32
          %mul3A_803 = arith.muli %add3A_799, %mul3A_802 : i32
          %add3A_804 = arith.addi %mul3A_801, %mul3A_803 : i32
          %multiple_of3A_805 = tpu.assume_multiple %add3A_804, 8 : i32
          %dma_start3A_806 = tpu.memref_slice %arg4[%multiple_of3A_805] : memref<320000xi32, #tpu.memory_space<hbm>> -> memref<80xi32, #tpu.memory_space<hbm>>
          %dma_start3A_807 = tpu.memref_slice %arg4[%multiple_of3A_805] : memref<320000xi32, #tpu.memory_space<hbm>> -> memref<80xi32, #tpu.memory_space<hbm>>
          tpu.enqueue_dma source(%dma_start3A_807 : memref<80xi32, #tpu.memory_space<hbm>>) target(%arg9 : memref<80xi32, #tpu.memory_space<vmem>>) target_semaphore(%arg18 : memref<!tpu.dma_semaphore, #tpu.memory_space<semaphore_mem>>)
          %dma_start3A_808 = tpu.memref_slice %arg5[%multiple_of3A_805] : memref<320000xi32, #tpu.memory_space<hbm>> -> memref<80xi32, #tpu.memory_space<hbm>>
          %dma_start3A_809 = tpu.memref_slice %arg5[%multiple_of3A_805] : memref<320000xi32, #tpu.memory_space<hbm>> -> memref<80xi32, #tpu.memory_space<hbm>>
          tpu.enqueue_dma source(%dma_start3A_809 : memref<80xi32, #tpu.memory_space<hbm>>) target(%arg11 : memref<80xi32, #tpu.memory_space<vmem>>) target_semaphore(%arg18 : memref<!tpu.dma_semaphore, #tpu.memory_space<semaphore_mem>>)
          %dma_start3A_810 = arith.constant 256 : i32
          %dma_start3A_811 = tpu.memref_slice %arg2[%multiple_of3A_805, %dma_start3A_810] : memref<320000x512xf32, #tpu.memory_space<hbm>> -> memref<80x128xf32, #tpu.memory_space<hbm>>
          %dma_start3A_812 = arith.constant 256 : i32
          %dma_start3A_813 = tpu.memref_slice %arg2[%multiple_of3A_805, %dma_start3A_812] : memref<320000x512xf32, #tpu.memory_space<hbm>> -> memref<80x128xf32, #tpu.memory_space<hbm>>
          tpu.enqueue_dma source(%dma_start3A_813 : memref<80x128xf32, #tpu.memory_space<hbm>>) target(%arg13 : memref<80x128xf32, #tpu.memory_space<vmem>>) target_semaphore(%arg18 : memref<!tpu.dma_semaphore, #tpu.memory_space<semaphore_mem>>)
          %dma_start3A_814 = arith.constant 256 : i32
          %dma_start3A_815 = tpu.memref_slice %arg3[%multiple_of3A_805, %dma_start3A_814] : memref<320000x512xf32, #tpu.memory_space<hbm>> -> memref<80x128xf32, #tpu.memory_space<hbm>>
          %dma_start3A_816 = arith.constant 256 : i32
          %dma_start3A_817 = tpu.memref_slice %arg3[%multiple_of3A_805, %dma_start3A_816] : memref<320000x512xf32, #tpu.memory_space<hbm>> -> memref<80x128xf32, #tpu.memory_space<hbm>>
          tpu.enqueue_dma source(%dma_start3A_817 : memref<80x128xf32, #tpu.memory_space<hbm>>) target(%arg15 : memref<80x128xf32, #tpu.memory_space<vmem>>) target_semaphore(%arg18 : memref<!tpu.dma_semaphore, #tpu.memory_space<semaphore_mem>>)
        } else {
        }
        %dma_start3A_792 = arith.constant 0 : i32
        %dma_start3A_793 = arith.constant 0 : i32
        %dma_start3A_794 = tpu.memref_slice %arg8[%dma_start3A_792, %dma_start3A_793] : memref<10240x128xf32, #tpu.memory_space<vmem_shared>> -> memref<10240x128xf32, #tpu.memory_space<vmem_shared>>
        tpu.enqueue_indirect_dma source(%arg14 : memref<80x128xf32, #tpu.memory_space<vmem>>) target(%dma_start3A_794 : memref<10240x128xf32, #tpu.memory_space<vmem_shared>>) offsets(%arg10 : memref<80xi32, #tpu.memory_space<vmem>>) semaphore(%arg21 : memref<!tpu.dma_semaphore, #tpu.memory_space<semaphore_mem>>) {add = true}
        %dma_start3A_795 = arith.constant 0 : i32
        %dma_start3A_796 = arith.constant 0 : i32
        %dma_start3A_797 = tpu.memref_slice %arg8[%dma_start3A_795, %dma_start3A_796] : memref<10240x128xf32, #tpu.memory_space<vmem_shared>> -> memref<10240x128xf32, #tpu.memory_space<vmem_shared>>
        tpu.enqueue_indirect_dma source(%arg16 : memref<80x128xf32, #tpu.memory_space<vmem>>) target(%dma_start3A_797 : memref<10240x128xf32, #tpu.memory_space<vmem_shared>>) offsets(%arg12 : memref<80xi32, #tpu.memory_space<vmem>>) semaphore(%arg21 : memref<!tpu.dma_semaphore, #tpu.memory_space<semaphore_mem>>) {add = true}
      }
      %while3A_235 = arith.constant 1 : i32
      scf.for %while3A_707 = %while3A_233 to %while3A_229 step %while3A_235  : i32 {
        %mul3A_708 = arith.constant 2 : i32
        %mul3A_709 = arith.muli %while3A_707, %mul3A_708 : i32
        %add3A_710 = arith.constant 0 : i32
        %add3A_711 = arith.addi %mul3A_709, %add3A_710 : i32
        %mul3A_712 = arith.constant 20000 : i32
        %mul3A_713 = arith.muli %arg1, %mul3A_712 : i32
        %mul3A_714 = arith.constant 80 : i32
        %mul3A_715 = arith.muli %add3A_711, %mul3A_714 : i32
        %add3A_716 = arith.addi %mul3A_713, %mul3A_715 : i32
        %multiple_of3A_717 = tpu.assume_multiple %add3A_716, 8 : i32
        %dma_wait3A_718 = tpu.memref_slice %arg4[%multiple_of3A_717] : memref<320000xi32, #tpu.memory_space<hbm>> -> memref<80xi32, #tpu.memory_space<hbm>>
        %dma_wait3A_719 = tpu.memref_slice %arg4[%multiple_of3A_717] : memref<320000xi32, #tpu.memory_space<hbm>> -> memref<80xi32, #tpu.memory_space<hbm>>
        tpu.wait_dma2 semaphore(%arg18 : memref<!tpu.dma_semaphore, #tpu.memory_space<semaphore_mem>>) src(%dma_wait3A_719 : memref<80xi32, #tpu.memory_space<hbm>>) dst(%arg9 : memref<80xi32, #tpu.memory_space<vmem>>)
        %dma_wait3A_720 = tpu.memref_slice %arg5[%multiple_of3A_717] : memref<320000xi32, #tpu.memory_space<hbm>> -> memref<80xi32, #tpu.memory_space<hbm>>
        %dma_wait3A_721 = tpu.memref_slice %arg5[%multiple_of3A_717] : memref<320000xi32, #tpu.memory_space<hbm>> -> memref<80xi32, #tpu.memory_space<hbm>>
        tpu.wait_dma2 semaphore(%arg18 : memref<!tpu.dma_semaphore, #tpu.memory_space<semaphore_mem>>) src(%dma_wait3A_721 : memref<80xi32, #tpu.memory_space<hbm>>) dst(%arg11 : memref<80xi32, #tpu.memory_space<vmem>>)
        %dma_wait3A_722 = arith.constant 256 : i32
        %dma_wait3A_723 = tpu.memref_slice %arg2[%multiple_of3A_717, %dma_wait3A_722] : memref<320000x512xf32, #tpu.memory_space<hbm>> -> memref<80x128xf32, #tpu.memory_space<hbm>>
        %dma_wait3A_724 = arith.constant 256 : i32
        %dma_wait3A_725 = tpu.memref_slice %arg2[%multiple_of3A_717, %dma_wait3A_724] : memref<320000x512xf32, #tpu.memory_space<hbm>> -> memref<80x128xf32, #tpu.memory_space<hbm>>
        tpu.wait_dma2 semaphore(%arg18 : memref<!tpu.dma_semaphore, #tpu.memory_space<semaphore_mem>>) src(%dma_wait3A_725 : memref<80x128xf32, #tpu.memory_space<hbm>>) dst(%arg13 : memref<80x128xf32, #tpu.memory_space<vmem>>)
        %dma_wait3A_726 = arith.constant 256 : i32
        %dma_wait3A_727 = tpu.memref_slice %arg3[%multiple_of3A_717, %dma_wait3A_726] : memref<320000x512xf32, #tpu.memory_space<hbm>> -> memref<80x128xf32, #tpu.memory_space<hbm>>
        %dma_wait3A_728 = arith.constant 256 : i32
        %dma_wait3A_729 = tpu.memref_slice %arg3[%multiple_of3A_717, %dma_wait3A_728] : memref<320000x512xf32, #tpu.memory_space<hbm>> -> memref<80x128xf32, #tpu.memory_space<hbm>>
        tpu.wait_dma2 semaphore(%arg18 : memref<!tpu.dma_semaphore, #tpu.memory_space<semaphore_mem>>) src(%dma_wait3A_729 : memref<80x128xf32, #tpu.memory_space<hbm>>) dst(%arg15 : memref<80x128xf32, #tpu.memory_space<vmem>>)
        %gt3A = arith.constant 0 : i32
        %gt3A_730 = arith.cmpi sgt, %while3A_707, %gt3A : i32
        %convert_element_type3A_731 = arith.extui %gt3A_730 : i1 to i32
        %cond3A_732 = arith.constant 0 : i32
        %cond3A_733 = arith.cmpi ne, %convert_element_type3A_731, %cond3A_732 : i32
        scf.if %cond3A_733 {
          %dma_wait3A_798 = arith.constant 0 : i32
          %dma_wait3A_799 = arith.constant 0 : i32
          %dma_wait3A_800 = tpu.memref_slice %arg8[%dma_wait3A_798, %dma_wait3A_799] : memref<10240x128xf32, #tpu.memory_space<vmem_shared>> -> memref<10240x128xf32, #tpu.memory_space<vmem_shared>>
          tpu.wait_indirect_dma semaphore(%arg21 : memref<!tpu.dma_semaphore, #tpu.memory_space<semaphore_mem>>) src(%arg14 : memref<80x128xf32, #tpu.memory_space<vmem>>) dst(%dma_wait3A_800 : memref<10240x128xf32, #tpu.memory_space<vmem_shared>>)
          %dma_wait3A_801 = arith.constant 0 : i32
          %dma_wait3A_802 = arith.constant 0 : i32
          %dma_wait3A_803 = tpu.memref_slice %arg8[%dma_wait3A_801, %dma_wait3A_802] : memref<10240x128xf32, #tpu.memory_space<vmem_shared>> -> memref<10240x128xf32, #tpu.memory_space<vmem_shared>>
          tpu.wait_indirect_dma semaphore(%arg21 : memref<!tpu.dma_semaphore, #tpu.memory_space<semaphore_mem>>) src(%arg16 : memref<80x128xf32, #tpu.memory_space<vmem>>) dst(%dma_wait3A_803 : memref<10240x128xf32, #tpu.memory_space<vmem_shared>>)
        } else {
        }
        %add3A_734 = arith.constant 1 : i32
        %add3A_735 = arith.addi %add3A_711, %add3A_734 : i32
        %mul3A_736 = arith.constant 20000 : i32
        %mul3A_737 = arith.muli %arg1, %mul3A_736 : i32
        %mul3A_738 = arith.constant 80 : i32
        %mul3A_739 = arith.muli %add3A_735, %mul3A_738 : i32
        %add3A_740 = arith.addi %mul3A_737, %mul3A_739 : i32
        %multiple_of3A_741 = tpu.assume_multiple %add3A_740, 8 : i32
        %dma_start3A_742 = tpu.memref_slice %arg4[%multiple_of3A_741] : memref<320000xi32, #tpu.memory_space<hbm>> -> memref<80xi32, #tpu.memory_space<hbm>>
        %dma_start3A_743 = tpu.memref_slice %arg4[%multiple_of3A_741] : memref<320000xi32, #tpu.memory_space<hbm>> -> memref<80xi32, #tpu.memory_space<hbm>>
        tpu.enqueue_dma source(%dma_start3A_743 : memref<80xi32, #tpu.memory_space<hbm>>) target(%arg10 : memref<80xi32, #tpu.memory_space<vmem>>) target_semaphore(%arg19 : memref<!tpu.dma_semaphore, #tpu.memory_space<semaphore_mem>>)
        %dma_start3A_744 = tpu.memref_slice %arg5[%multiple_of3A_741] : memref<320000xi32, #tpu.memory_space<hbm>> -> memref<80xi32, #tpu.memory_space<hbm>>
        %dma_start3A_745 = tpu.memref_slice %arg5[%multiple_of3A_741] : memref<320000xi32, #tpu.memory_space<hbm>> -> memref<80xi32, #tpu.memory_space<hbm>>
        tpu.enqueue_dma source(%dma_start3A_745 : memref<80xi32, #tpu.memory_space<hbm>>) target(%arg12 : memref<80xi32, #tpu.memory_space<vmem>>) target_semaphore(%arg19 : memref<!tpu.dma_semaphore, #tpu.memory_space<semaphore_mem>>)
        %dma_start3A_746 = arith.constant 256 : i32
        %dma_start3A_747 = tpu.memref_slice %arg2[%multiple_of3A_741, %dma_start3A_746] : memref<320000x512xf32, #tpu.memory_space<hbm>> -> memref<80x128xf32, #tpu.memory_space<hbm>>
        %dma_start3A_748 = arith.constant 256 : i32
        %dma_start3A_749 = tpu.memref_slice %arg2[%multiple_of3A_741, %dma_start3A_748] : memref<320000x512xf32, #tpu.memory_space<hbm>> -> memref<80x128xf32, #tpu.memory_space<hbm>>
        tpu.enqueue_dma source(%dma_start3A_749 : memref<80x128xf32, #tpu.memory_space<hbm>>) target(%arg14 : memref<80x128xf32, #tpu.memory_space<vmem>>) target_semaphore(%arg19 : memref<!tpu.dma_semaphore, #tpu.memory_space<semaphore_mem>>)
        %dma_start3A_750 = arith.constant 256 : i32
        %dma_start3A_751 = tpu.memref_slice %arg3[%multiple_of3A_741, %dma_start3A_750] : memref<320000x512xf32, #tpu.memory_space<hbm>> -> memref<80x128xf32, #tpu.memory_space<hbm>>
        %dma_start3A_752 = arith.constant 256 : i32
        %dma_start3A_753 = tpu.memref_slice %arg3[%multiple_of3A_741, %dma_start3A_752] : memref<320000x512xf32, #tpu.memory_space<hbm>> -> memref<80x128xf32, #tpu.memory_space<hbm>>
        tpu.enqueue_dma source(%dma_start3A_753 : memref<80x128xf32, #tpu.memory_space<hbm>>) target(%arg16 : memref<80x128xf32, #tpu.memory_space<vmem>>) target_semaphore(%arg19 : memref<!tpu.dma_semaphore, #tpu.memory_space<semaphore_mem>>)
        %dma_start3A_754 = arith.constant 0 : i32
        %dma_start3A_755 = arith.constant 0 : i32
        %dma_start3A_756 = tpu.memref_slice %arg8[%dma_start3A_754, %dma_start3A_755] : memref<10240x128xf32, #tpu.memory_space<vmem_shared>> -> memref<10240x128xf32, #tpu.memory_space<vmem_shared>>
        tpu.enqueue_indirect_dma source(%arg13 : memref<80x128xf32, #tpu.memory_space<vmem>>) target(%dma_start3A_756 : memref<10240x128xf32, #tpu.memory_space<vmem_shared>>) offsets(%arg9 : memref<80xi32, #tpu.memory_space<vmem>>) semaphore(%arg20 : memref<!tpu.dma_semaphore, #tpu.memory_space<semaphore_mem>>) {add = true}
        %dma_start3A_757 = arith.constant 0 : i32
        %dma_start3A_758 = arith.constant 0 : i32
        %dma_start3A_759 = tpu.memref_slice %arg8[%dma_start3A_757, %dma_start3A_758] : memref<10240x128xf32, #tpu.memory_space<vmem_shared>> -> memref<10240x128xf32, #tpu.memory_space<vmem_shared>>
        tpu.enqueue_indirect_dma source(%arg15 : memref<80x128xf32, #tpu.memory_space<vmem>>) target(%dma_start3A_759 : memref<10240x128xf32, #tpu.memory_space<vmem_shared>>) offsets(%arg11 : memref<80xi32, #tpu.memory_space<vmem>>) semaphore(%arg20 : memref<!tpu.dma_semaphore, #tpu.memory_space<semaphore_mem>>) {add = true}
        %mul3A_760 = arith.constant 2 : i32
        %mul3A_761 = arith.muli %while3A_707, %mul3A_760 : i32
        %add3A_762 = arith.constant 1 : i32
        %add3A_763 = arith.addi %mul3A_761, %add3A_762 : i32
        %mul3A_764 = arith.constant 20000 : i32
        %mul3A_765 = arith.muli %arg1, %mul3A_764 : i32
        %mul3A_766 = arith.constant 80 : i32
        %mul3A_767 = arith.muli %add3A_763, %mul3A_766 : i32
        %add3A_768 = arith.addi %mul3A_765, %mul3A_767 : i32
        %multiple_of3A_769 = tpu.assume_multiple %add3A_768, 8 : i32
        %dma_wait3A_770 = tpu.memref_slice %arg4[%multiple_of3A_769] : memref<320000xi32, #tpu.memory_space<hbm>> -> memref<80xi32, #tpu.memory_space<hbm>>
        %dma_wait3A_771 = tpu.memref_slice %arg4[%multiple_of3A_769] : memref<320000xi32, #tpu.memory_space<hbm>> -> memref<80xi32, #tpu.memory_space<hbm>>
        tpu.wait_dma2 semaphore(%arg19 : memref<!tpu.dma_semaphore, #tpu.memory_space<semaphore_mem>>) src(%dma_wait3A_771 : memref<80xi32, #tpu.memory_space<hbm>>) dst(%arg10 : memref<80xi32, #tpu.memory_space<vmem>>)
        %dma_wait3A_772 = tpu.memref_slice %arg5[%multiple_of3A_769] : memref<320000xi32, #tpu.memory_space<hbm>> -> memref<80xi32, #tpu.memory_space<hbm>>
        %dma_wait3A_773 = tpu.memref_slice %arg5[%multiple_of3A_769] : memref<320000xi32, #tpu.memory_space<hbm>> -> memref<80xi32, #tpu.memory_space<hbm>>
        tpu.wait_dma2 semaphore(%arg19 : memref<!tpu.dma_semaphore, #tpu.memory_space<semaphore_mem>>) src(%dma_wait3A_773 : memref<80xi32, #tpu.memory_space<hbm>>) dst(%arg12 : memref<80xi32, #tpu.memory_space<vmem>>)
        %dma_wait3A_774 = arith.constant 256 : i32
        %dma_wait3A_775 = tpu.memref_slice %arg2[%multiple_of3A_769, %dma_wait3A_774] : memref<320000x512xf32, #tpu.memory_space<hbm>> -> memref<80x128xf32, #tpu.memory_space<hbm>>
        %dma_wait3A_776 = arith.constant 256 : i32
        %dma_wait3A_777 = tpu.memref_slice %arg2[%multiple_of3A_769, %dma_wait3A_776] : memref<320000x512xf32, #tpu.memory_space<hbm>> -> memref<80x128xf32, #tpu.memory_space<hbm>>
        tpu.wait_dma2 semaphore(%arg19 : memref<!tpu.dma_semaphore, #tpu.memory_space<semaphore_mem>>) src(%dma_wait3A_777 : memref<80x128xf32, #tpu.memory_space<hbm>>) dst(%arg14 : memref<80x128xf32, #tpu.memory_space<vmem>>)
        %dma_wait3A_778 = arith.constant 256 : i32
        %dma_wait3A_779 = tpu.memref_slice %arg3[%multiple_of3A_769, %dma_wait3A_778] : memref<320000x512xf32, #tpu.memory_space<hbm>> -> memref<80x128xf32, #tpu.memory_space<hbm>>
        %dma_wait3A_780 = arith.constant 256 : i32
        %dma_wait3A_781 = tpu.memref_slice %arg3[%multiple_of3A_769, %dma_wait3A_780] : memref<320000x512xf32, #tpu.memory_space<hbm>> -> memref<80x128xf32, #tpu.memory_space<hbm>>
        tpu.wait_dma2 semaphore(%arg19 : memref<!tpu.dma_semaphore, #tpu.memory_space<semaphore_mem>>) src(%dma_wait3A_781 : memref<80x128xf32, #tpu.memory_space<hbm>>) dst(%arg16 : memref<80x128xf32, #tpu.memory_space<vmem>>)
        %dma_wait3A_782 = arith.constant 0 : i32
        %dma_wait3A_783 = arith.constant 0 : i32
        %dma_wait3A_784 = tpu.memref_slice %arg8[%dma_wait3A_782, %dma_wait3A_783] : memref<10240x128xf32, #tpu.memory_space<vmem_shared>> -> memref<10240x128xf32, #tpu.memory_space<vmem_shared>>
        tpu.wait_indirect_dma semaphore(%arg20 : memref<!tpu.dma_semaphore, #tpu.memory_space<semaphore_mem>>) src(%arg13 : memref<80x128xf32, #tpu.memory_space<vmem>>) dst(%dma_wait3A_784 : memref<10240x128xf32, #tpu.memory_space<vmem_shared>>)
        %dma_wait3A_785 = arith.constant 0 : i32
        %dma_wait3A_786 = arith.constant 0 : i32
        %dma_wait3A_787 = tpu.memref_slice %arg8[%dma_wait3A_785, %dma_wait3A_786] : memref<10240x128xf32, #tpu.memory_space<vmem_shared>> -> memref<10240x128xf32, #tpu.memory_space<vmem_shared>>
        tpu.wait_indirect_dma semaphore(%arg20 : memref<!tpu.dma_semaphore, #tpu.memory_space<semaphore_mem>>) src(%arg15 : memref<80x128xf32, #tpu.memory_space<vmem>>) dst(%dma_wait3A_787 : memref<10240x128xf32, #tpu.memory_space<vmem_shared>>)
        %lt3A = arith.constant 124 : i32
        %lt3A_788 = arith.cmpi slt, %while3A_707, %lt3A : i32
        %convert_element_type3A_789 = arith.extui %lt3A_788 : i1 to i32
        %cond3A_790 = arith.constant 0 : i32
        %cond3A_791 = arith.cmpi ne, %convert_element_type3A_789, %cond3A_790 : i32
        scf.if %cond3A_791 {
          %add3A_798 = arith.constant 1 : i32
          %add3A_799 = arith.addi %add3A_763, %add3A_798 : i32
          %mul3A_800 = arith.constant 20000 : i32
          %mul3A_801 = arith.muli %arg1, %mul3A_800 : i32
          %mul3A_802 = arith.constant 80 : i32
          %mul3A_803 = arith.muli %add3A_799, %mul3A_802 : i32
          %add3A_804 = arith.addi %mul3A_801, %mul3A_803 : i32
          %multiple_of3A_805 = tpu.assume_multiple %add3A_804, 8 : i32
          %dma_start3A_806 = tpu.memref_slice %arg4[%multiple_of3A_805] : memref<320000xi32, #tpu.memory_space<hbm>> -> memref<80xi32, #tpu.memory_space<hbm>>
          %dma_start3A_807 = tpu.memref_slice %arg4[%multiple_of3A_805] : memref<320000xi32, #tpu.memory_space<hbm>> -> memref<80xi32, #tpu.memory_space<hbm>>
          tpu.enqueue_dma source(%dma_start3A_807 : memref<80xi32, #tpu.memory_space<hbm>>) target(%arg9 : memref<80xi32, #tpu.memory_space<vmem>>) target_semaphore(%arg18 : memref<!tpu.dma_semaphore, #tpu.memory_space<semaphore_mem>>)
          %dma_start3A_808 = tpu.memref_slice %arg5[%multiple_of3A_805] : memref<320000xi32, #tpu.memory_space<hbm>> -> memref<80xi32, #tpu.memory_space<hbm>>
          %dma_start3A_809 = tpu.memref_slice %arg5[%multiple_of3A_805] : memref<320000xi32, #tpu.memory_space<hbm>> -> memref<80xi32, #tpu.memory_space<hbm>>
          tpu.enqueue_dma source(%dma_start3A_809 : memref<80xi32, #tpu.memory_space<hbm>>) target(%arg11 : memref<80xi32, #tpu.memory_space<vmem>>) target_semaphore(%arg18 : memref<!tpu.dma_semaphore, #tpu.memory_space<semaphore_mem>>)
          %dma_start3A_810 = arith.constant 256 : i32
          %dma_start3A_811 = tpu.memref_slice %arg2[%multiple_of3A_805, %dma_start3A_810] : memref<320000x512xf32, #tpu.memory_space<hbm>> -> memref<80x128xf32, #tpu.memory_space<hbm>>
          %dma_start3A_812 = arith.constant 256 : i32
          %dma_start3A_813 = tpu.memref_slice %arg2[%multiple_of3A_805, %dma_start3A_812] : memref<320000x512xf32, #tpu.memory_space<hbm>> -> memref<80x128xf32, #tpu.memory_space<hbm>>
          tpu.enqueue_dma source(%dma_start3A_813 : memref<80x128xf32, #tpu.memory_space<hbm>>) target(%arg13 : memref<80x128xf32, #tpu.memory_space<vmem>>) target_semaphore(%arg18 : memref<!tpu.dma_semaphore, #tpu.memory_space<semaphore_mem>>)
          %dma_start3A_814 = arith.constant 256 : i32
          %dma_start3A_815 = tpu.memref_slice %arg3[%multiple_of3A_805, %dma_start3A_814] : memref<320000x512xf32, #tpu.memory_space<hbm>> -> memref<80x128xf32, #tpu.memory_space<hbm>>
          %dma_start3A_816 = arith.constant 256 : i32
          %dma_start3A_817 = tpu.memref_slice %arg3[%multiple_of3A_805, %dma_start3A_816] : memref<320000x512xf32, #tpu.memory_space<hbm>> -> memref<80x128xf32, #tpu.memory_space<hbm>>
          tpu.enqueue_dma source(%dma_start3A_817 : memref<80x128xf32, #tpu.memory_space<hbm>>) target(%arg15 : memref<80x128xf32, #tpu.memory_space<vmem>>) target_semaphore(%arg18 : memref<!tpu.dma_semaphore, #tpu.memory_space<semaphore_mem>>)
        } else {
        }
        %dma_start3A_792 = arith.constant 0 : i32
        %dma_start3A_793 = arith.constant 0 : i32
        %dma_start3A_794 = tpu.memref_slice %arg8[%dma_start3A_792, %dma_start3A_793] : memref<10240x128xf32, #tpu.memory_space<vmem_shared>> -> memref<10240x128xf32, #tpu.memory_space<vmem_shared>>
        tpu.enqueue_indirect_dma source(%arg14 : memref<80x128xf32, #tpu.memory_space<vmem>>) target(%dma_start3A_794 : memref<10240x128xf32, #tpu.memory_space<vmem_shared>>) offsets(%arg10 : memref<80xi32, #tpu.memory_space<vmem>>) semaphore(%arg21 : memref<!tpu.dma_semaphore, #tpu.memory_space<semaphore_mem>>) {add = true}
        %dma_start3A_795 = arith.constant 0 : i32
        %dma_start3A_796 = arith.constant 0 : i32
        %dma_start3A_797 = tpu.memref_slice %arg8[%dma_start3A_795, %dma_start3A_796] : memref<10240x128xf32, #tpu.memory_space<vmem_shared>> -> memref<10240x128xf32, #tpu.memory_space<vmem_shared>>
        tpu.enqueue_indirect_dma source(%arg16 : memref<80x128xf32, #tpu.memory_space<vmem>>) target(%dma_start3A_797 : memref<10240x128xf32, #tpu.memory_space<vmem_shared>>) offsets(%arg12 : memref<80xi32, #tpu.memory_space<vmem>>) semaphore(%arg21 : memref<!tpu.dma_semaphore, #tpu.memory_space<semaphore_mem>>) {add = true}
      }
      %dma_wait3A_236 = arith.constant 0 : i32
      %dma_wait3A_237 = arith.constant 0 : i32
      %dma_wait3A_238 = tpu.memref_slice %arg8[%dma_wait3A_236, %dma_wait3A_237] : memref<10240x128xf32, #tpu.memory_space<vmem_shared>> -> memref<10240x128xf32, #tpu.memory_space<vmem_shared>>
      tpu.wait_indirect_dma semaphore(%arg21 : memref<!tpu.dma_semaphore, #tpu.memory_space<semaphore_mem>>) src(%arg14 : memref<80x128xf32, #tpu.memory_space<vmem>>) dst(%dma_wait3A_238 : memref<10240x128xf32, #tpu.memory_space<vmem_shared>>)
      %dma_wait3A_239 = arith.constant 0 : i32
      %dma_wait3A_240 = arith.constant 0 : i32
      %dma_wait3A_241 = tpu.memref_slice %arg8[%dma_wait3A_239, %dma_wait3A_240] : memref<10240x128xf32, #tpu.memory_space<vmem_shared>> -> memref<10240x128xf32, #tpu.memory_space<vmem_shared>>
      tpu.wait_indirect_dma semaphore(%arg21 : memref<!tpu.dma_semaphore, #tpu.memory_space<semaphore_mem>>) src(%arg16 : memref<80x128xf32, #tpu.memory_space<vmem>>) dst(%dma_wait3A_241 : memref<10240x128xf32, #tpu.memory_space<vmem_shared>>)
      %barrier3A_242 = arith.constant 0 : index
      tpu.barrier barrier_id(%barrier3A_242)
      "tpu.region"() ({
        %run_scoped3A = tpu.sem_alloc : memref<!tpu.dma_semaphore, #tpu.memory_space<semaphore_mem>>
        %dma_start3A_707 = arith.constant 256 : i32
        %dma_start3A_708 = tpu.memref_slice %arg6[%mul3A_0, %dma_start3A_707] : memref<10240x512xf32, #tpu.memory_space<hbm>> -> memref<640x128xf32, #tpu.memory_space<hbm>>
        %dma_start3A_709 = arith.constant 0 : i32
        %dma_start3A_710 = tpu.memref_slice %arg8[%mul3A_0, %dma_start3A_709] : memref<10240x128xf32, #tpu.memory_space<vmem_shared>> -> memref<640x128xf32, #tpu.memory_space<vmem_shared>>
        tpu.enqueue_dma source(%dma_start3A_710 : memref<640x128xf32, #tpu.memory_space<vmem_shared>>) target(%dma_start3A_708 : memref<640x128xf32, #tpu.memory_space<hbm>>) target_semaphore(%run_scoped3A : memref<!tpu.dma_semaphore, #tpu.memory_space<semaphore_mem>>)
        %dma_wait3A_711 = arith.constant 256 : i32
        %dma_wait3A_712 = tpu.memref_slice %arg6[%mul3A_0, %dma_wait3A_711] : memref<10240x512xf32, #tpu.memory_space<hbm>> -> memref<640x128xf32, #tpu.memory_space<hbm>>
        %dma_wait3A_713 = arith.constant 0 : i32
        %dma_wait3A_714 = tpu.memref_slice %arg8[%mul3A_0, %dma_wait3A_713] : memref<10240x128xf32, #tpu.memory_space<vmem_shared>> -> memref<640x128xf32, #tpu.memory_space<vmem_shared>>
        tpu.wait_dma2 semaphore(%run_scoped3A : memref<!tpu.dma_semaphore, #tpu.memory_space<semaphore_mem>>) src(%dma_wait3A_714 : memref<640x128xf32, #tpu.memory_space<vmem_shared>>) dst(%dma_wait3A_712 : memref<640x128xf32, #tpu.memory_space<hbm>>)
        tpu.yield
      }) : () -> ()
      %add3A_243 = arith.constant 0 : i32
      %add3A_244 = arith.addi %mul3A_0, %add3A_243 : i32
      %dma_start3A_245 = arith.constant 0 : i32
      %dma_start3A_246 = tpu.memref_slice %arg8[%add3A_244, %dma_start3A_245] : memref<10240x128xf32, #tpu.memory_space<vmem_shared>> -> memref<40x128xf32, #tpu.memory_space<vmem_shared>>
      %dma_start3A_247 = arith.constant 0 : i32
      %dma_start3A_248 = tpu.memref_slice %arg8[%add3A_244, %dma_start3A_247] : memref<10240x128xf32, #tpu.memory_space<vmem_shared>> -> memref<40x128xf32, #tpu.memory_space<vmem_shared>>
      tpu.enqueue_dma source(%arg17 : memref<40x128xf32, #tpu.memory_space<vmem>>) target(%dma_start3A_248 : memref<40x128xf32, #tpu.memory_space<vmem_shared>>) target_semaphore(%arg22 : memref<!tpu.dma_semaphore, #tpu.memory_space<semaphore_mem>>)
      %add3A_249 = arith.constant 40 : i32
      %add3A_250 = arith.addi %mul3A_0, %add3A_249 : i32
      %dma_start3A_251 = arith.constant 0 : i32
      %dma_start3A_252 = tpu.memref_slice %arg8[%add3A_250, %dma_start3A_251] : memref<10240x128xf32, #tpu.memory_space<vmem_shared>> -> memref<40x128xf32, #tpu.memory_space<vmem_shared>>
      %dma_start3A_253 = arith.constant 0 : i32
      %dma_start3A_254 = tpu.memref_slice %arg8[%add3A_250, %dma_start3A_253] : memref<10240x128xf32, #tpu.memory_space<vmem_shared>> -> memref<40x128xf32, #tpu.memory_space<vmem_shared>>
      tpu.enqueue_dma source(%arg17 : memref<40x128xf32, #tpu.memory_space<vmem>>) target(%dma_start3A_254 : memref<40x128xf32, #tpu.memory_space<vmem_shared>>) target_semaphore(%arg22 : memref<!tpu.dma_semaphore, #tpu.memory_space<semaphore_mem>>)
      %add3A_255 = arith.constant 80 : i32
      %add3A_256 = arith.addi %mul3A_0, %add3A_255 : i32
      %dma_start3A_257 = arith.constant 0 : i32
      %dma_start3A_258 = tpu.memref_slice %arg8[%add3A_256, %dma_start3A_257] : memref<10240x128xf32, #tpu.memory_space<vmem_shared>> -> memref<40x128xf32, #tpu.memory_space<vmem_shared>>
      %dma_start3A_259 = arith.constant 0 : i32
      %dma_start3A_260 = tpu.memref_slice %arg8[%add3A_256, %dma_start3A_259] : memref<10240x128xf32, #tpu.memory_space<vmem_shared>> -> memref<40x128xf32, #tpu.memory_space<vmem_shared>>
      tpu.enqueue_dma source(%arg17 : memref<40x128xf32, #tpu.memory_space<vmem>>) target(%dma_start3A_260 : memref<40x128xf32, #tpu.memory_space<vmem_shared>>) target_semaphore(%arg22 : memref<!tpu.dma_semaphore, #tpu.memory_space<semaphore_mem>>)
      %add3A_261 = arith.constant 120 : i32
      %add3A_262 = arith.addi %mul3A_0, %add3A_261 : i32
      %dma_start3A_263 = arith.constant 0 : i32
      %dma_start3A_264 = tpu.memref_slice %arg8[%add3A_262, %dma_start3A_263] : memref<10240x128xf32, #tpu.memory_space<vmem_shared>> -> memref<40x128xf32, #tpu.memory_space<vmem_shared>>
      %dma_start3A_265 = arith.constant 0 : i32
      %dma_start3A_266 = tpu.memref_slice %arg8[%add3A_262, %dma_start3A_265] : memref<10240x128xf32, #tpu.memory_space<vmem_shared>> -> memref<40x128xf32, #tpu.memory_space<vmem_shared>>
      tpu.enqueue_dma source(%arg17 : memref<40x128xf32, #tpu.memory_space<vmem>>) target(%dma_start3A_266 : memref<40x128xf32, #tpu.memory_space<vmem_shared>>) target_semaphore(%arg22 : memref<!tpu.dma_semaphore, #tpu.memory_space<semaphore_mem>>)
      %add3A_267 = arith.constant 160 : i32
      %add3A_268 = arith.addi %mul3A_0, %add3A_267 : i32
      %dma_start3A_269 = arith.constant 0 : i32
      %dma_start3A_270 = tpu.memref_slice %arg8[%add3A_268, %dma_start3A_269] : memref<10240x128xf32, #tpu.memory_space<vmem_shared>> -> memref<40x128xf32, #tpu.memory_space<vmem_shared>>
      %dma_start3A_271 = arith.constant 0 : i32
      %dma_start3A_272 = tpu.memref_slice %arg8[%add3A_268, %dma_start3A_271] : memref<10240x128xf32, #tpu.memory_space<vmem_shared>> -> memref<40x128xf32, #tpu.memory_space<vmem_shared>>
      tpu.enqueue_dma source(%arg17 : memref<40x128xf32, #tpu.memory_space<vmem>>) target(%dma_start3A_272 : memref<40x128xf32, #tpu.memory_space<vmem_shared>>) target_semaphore(%arg22 : memref<!tpu.dma_semaphore, #tpu.memory_space<semaphore_mem>>)
      %add3A_273 = arith.constant 200 : i32
      %add3A_274 = arith.addi %mul3A_0, %add3A_273 : i32
      %dma_start3A_275 = arith.constant 0 : i32
      %dma_start3A_276 = tpu.memref_slice %arg8[%add3A_274, %dma_start3A_275] : memref<10240x128xf32, #tpu.memory_space<vmem_shared>> -> memref<40x128xf32, #tpu.memory_space<vmem_shared>>
      %dma_start3A_277 = arith.constant 0 : i32
      %dma_start3A_278 = tpu.memref_slice %arg8[%add3A_274, %dma_start3A_277] : memref<10240x128xf32, #tpu.memory_space<vmem_shared>> -> memref<40x128xf32, #tpu.memory_space<vmem_shared>>
      tpu.enqueue_dma source(%arg17 : memref<40x128xf32, #tpu.memory_space<vmem>>) target(%dma_start3A_278 : memref<40x128xf32, #tpu.memory_space<vmem_shared>>) target_semaphore(%arg22 : memref<!tpu.dma_semaphore, #tpu.memory_space<semaphore_mem>>)
      %add3A_279 = arith.constant 240 : i32
      %add3A_280 = arith.addi %mul3A_0, %add3A_279 : i32
      %dma_start3A_281 = arith.constant 0 : i32
      %dma_start3A_282 = tpu.memref_slice %arg8[%add3A_280, %dma_start3A_281] : memref<10240x128xf32, #tpu.memory_space<vmem_shared>> -> memref<40x128xf32, #tpu.memory_space<vmem_shared>>
      %dma_start3A_283 = arith.constant 0 : i32
      %dma_start3A_284 = tpu.memref_slice %arg8[%add3A_280, %dma_start3A_283] : memref<10240x128xf32, #tpu.memory_space<vmem_shared>> -> memref<40x128xf32, #tpu.memory_space<vmem_shared>>
      tpu.enqueue_dma source(%arg17 : memref<40x128xf32, #tpu.memory_space<vmem>>) target(%dma_start3A_284 : memref<40x128xf32, #tpu.memory_space<vmem_shared>>) target_semaphore(%arg22 : memref<!tpu.dma_semaphore, #tpu.memory_space<semaphore_mem>>)
      %add3A_285 = arith.constant 280 : i32
      %add3A_286 = arith.addi %mul3A_0, %add3A_285 : i32
      %dma_start3A_287 = arith.constant 0 : i32
      %dma_start3A_288 = tpu.memref_slice %arg8[%add3A_286, %dma_start3A_287] : memref<10240x128xf32, #tpu.memory_space<vmem_shared>> -> memref<40x128xf32, #tpu.memory_space<vmem_shared>>
      %dma_start3A_289 = arith.constant 0 : i32
      %dma_start3A_290 = tpu.memref_slice %arg8[%add3A_286, %dma_start3A_289] : memref<10240x128xf32, #tpu.memory_space<vmem_shared>> -> memref<40x128xf32, #tpu.memory_space<vmem_shared>>
      tpu.enqueue_dma source(%arg17 : memref<40x128xf32, #tpu.memory_space<vmem>>) target(%dma_start3A_290 : memref<40x128xf32, #tpu.memory_space<vmem_shared>>) target_semaphore(%arg22 : memref<!tpu.dma_semaphore, #tpu.memory_space<semaphore_mem>>)
      %add3A_291 = arith.constant 320 : i32
      %add3A_292 = arith.addi %mul3A_0, %add3A_291 : i32
      %dma_start3A_293 = arith.constant 0 : i32
      %dma_start3A_294 = tpu.memref_slice %arg8[%add3A_292, %dma_start3A_293] : memref<10240x128xf32, #tpu.memory_space<vmem_shared>> -> memref<40x128xf32, #tpu.memory_space<vmem_shared>>
      %dma_start3A_295 = arith.constant 0 : i32
      %dma_start3A_296 = tpu.memref_slice %arg8[%add3A_292, %dma_start3A_295] : memref<10240x128xf32, #tpu.memory_space<vmem_shared>> -> memref<40x128xf32, #tpu.memory_space<vmem_shared>>
      tpu.enqueue_dma source(%arg17 : memref<40x128xf32, #tpu.memory_space<vmem>>) target(%dma_start3A_296 : memref<40x128xf32, #tpu.memory_space<vmem_shared>>) target_semaphore(%arg22 : memref<!tpu.dma_semaphore, #tpu.memory_space<semaphore_mem>>)
      %add3A_297 = arith.constant 360 : i32
      %add3A_298 = arith.addi %mul3A_0, %add3A_297 : i32
      %dma_start3A_299 = arith.constant 0 : i32
      %dma_start3A_300 = tpu.memref_slice %arg8[%add3A_298, %dma_start3A_299] : memref<10240x128xf32, #tpu.memory_space<vmem_shared>> -> memref<40x128xf32, #tpu.memory_space<vmem_shared>>
      %dma_start3A_301 = arith.constant 0 : i32
      %dma_start3A_302 = tpu.memref_slice %arg8[%add3A_298, %dma_start3A_301] : memref<10240x128xf32, #tpu.memory_space<vmem_shared>> -> memref<40x128xf32, #tpu.memory_space<vmem_shared>>
      tpu.enqueue_dma source(%arg17 : memref<40x128xf32, #tpu.memory_space<vmem>>) target(%dma_start3A_302 : memref<40x128xf32, #tpu.memory_space<vmem_shared>>) target_semaphore(%arg22 : memref<!tpu.dma_semaphore, #tpu.memory_space<semaphore_mem>>)
      %add3A_303 = arith.constant 400 : i32
      %add3A_304 = arith.addi %mul3A_0, %add3A_303 : i32
      %dma_start3A_305 = arith.constant 0 : i32
      %dma_start3A_306 = tpu.memref_slice %arg8[%add3A_304, %dma_start3A_305] : memref<10240x128xf32, #tpu.memory_space<vmem_shared>> -> memref<40x128xf32, #tpu.memory_space<vmem_shared>>
      %dma_start3A_307 = arith.constant 0 : i32
      %dma_start3A_308 = tpu.memref_slice %arg8[%add3A_304, %dma_start3A_307] : memref<10240x128xf32, #tpu.memory_space<vmem_shared>> -> memref<40x128xf32, #tpu.memory_space<vmem_shared>>
      tpu.enqueue_dma source(%arg17 : memref<40x128xf32, #tpu.memory_space<vmem>>) target(%dma_start3A_308 : memref<40x128xf32, #tpu.memory_space<vmem_shared>>) target_semaphore(%arg22 : memref<!tpu.dma_semaphore, #tpu.memory_space<semaphore_mem>>)
      %add3A_309 = arith.constant 440 : i32
      %add3A_310 = arith.addi %mul3A_0, %add3A_309 : i32
      %dma_start3A_311 = arith.constant 0 : i32
      %dma_start3A_312 = tpu.memref_slice %arg8[%add3A_310, %dma_start3A_311] : memref<10240x128xf32, #tpu.memory_space<vmem_shared>> -> memref<40x128xf32, #tpu.memory_space<vmem_shared>>
      %dma_start3A_313 = arith.constant 0 : i32
      %dma_start3A_314 = tpu.memref_slice %arg8[%add3A_310, %dma_start3A_313] : memref<10240x128xf32, #tpu.memory_space<vmem_shared>> -> memref<40x128xf32, #tpu.memory_space<vmem_shared>>
      tpu.enqueue_dma source(%arg17 : memref<40x128xf32, #tpu.memory_space<vmem>>) target(%dma_start3A_314 : memref<40x128xf32, #tpu.memory_space<vmem_shared>>) target_semaphore(%arg22 : memref<!tpu.dma_semaphore, #tpu.memory_space<semaphore_mem>>)
      %add3A_315 = arith.constant 480 : i32
      %add3A_316 = arith.addi %mul3A_0, %add3A_315 : i32
      %dma_start3A_317 = arith.constant 0 : i32
      %dma_start3A_318 = tpu.memref_slice %arg8[%add3A_316, %dma_start3A_317] : memref<10240x128xf32, #tpu.memory_space<vmem_shared>> -> memref<40x128xf32, #tpu.memory_space<vmem_shared>>
      %dma_start3A_319 = arith.constant 0 : i32
      %dma_start3A_320 = tpu.memref_slice %arg8[%add3A_316, %dma_start3A_319] : memref<10240x128xf32, #tpu.memory_space<vmem_shared>> -> memref<40x128xf32, #tpu.memory_space<vmem_shared>>
      tpu.enqueue_dma source(%arg17 : memref<40x128xf32, #tpu.memory_space<vmem>>) target(%dma_start3A_320 : memref<40x128xf32, #tpu.memory_space<vmem_shared>>) target_semaphore(%arg22 : memref<!tpu.dma_semaphore, #tpu.memory_space<semaphore_mem>>)
      %add3A_321 = arith.constant 520 : i32
      %add3A_322 = arith.addi %mul3A_0, %add3A_321 : i32
      %dma_start3A_323 = arith.constant 0 : i32
      %dma_start3A_324 = tpu.memref_slice %arg8[%add3A_322, %dma_start3A_323] : memref<10240x128xf32, #tpu.memory_space<vmem_shared>> -> memref<40x128xf32, #tpu.memory_space<vmem_shared>>
      %dma_start3A_325 = arith.constant 0 : i32
      %dma_start3A_326 = tpu.memref_slice %arg8[%add3A_322, %dma_start3A_325] : memref<10240x128xf32, #tpu.memory_space<vmem_shared>> -> memref<40x128xf32, #tpu.memory_space<vmem_shared>>
      tpu.enqueue_dma source(%arg17 : memref<40x128xf32, #tpu.memory_space<vmem>>) target(%dma_start3A_326 : memref<40x128xf32, #tpu.memory_space<vmem_shared>>) target_semaphore(%arg22 : memref<!tpu.dma_semaphore, #tpu.memory_space<semaphore_mem>>)
      %add3A_327 = arith.constant 560 : i32
      %add3A_328 = arith.addi %mul3A_0, %add3A_327 : i32
      %dma_start3A_329 = arith.constant 0 : i32
      %dma_start3A_330 = tpu.memref_slice %arg8[%add3A_328, %dma_start3A_329] : memref<10240x128xf32, #tpu.memory_space<vmem_shared>> -> memref<40x128xf32, #tpu.memory_space<vmem_shared>>
      %dma_start3A_331 = arith.constant 0 : i32
      %dma_start3A_332 = tpu.memref_slice %arg8[%add3A_328, %dma_start3A_331] : memref<10240x128xf32, #tpu.memory_space<vmem_shared>> -> memref<40x128xf32, #tpu.memory_space<vmem_shared>>
      tpu.enqueue_dma source(%arg17 : memref<40x128xf32, #tpu.memory_space<vmem>>) target(%dma_start3A_332 : memref<40x128xf32, #tpu.memory_space<vmem_shared>>) target_semaphore(%arg22 : memref<!tpu.dma_semaphore, #tpu.memory_space<semaphore_mem>>)
      %add3A_333 = arith.constant 600 : i32
      %add3A_334 = arith.addi %mul3A_0, %add3A_333 : i32
      %dma_start3A_335 = arith.constant 0 : i32
      %dma_start3A_336 = tpu.memref_slice %arg8[%add3A_334, %dma_start3A_335] : memref<10240x128xf32, #tpu.memory_space<vmem_shared>> -> memref<40x128xf32, #tpu.memory_space<vmem_shared>>
      %dma_start3A_337 = arith.constant 0 : i32
      %dma_start3A_338 = tpu.memref_slice %arg8[%add3A_334, %dma_start3A_337] : memref<10240x128xf32, #tpu.memory_space<vmem_shared>> -> memref<40x128xf32, #tpu.memory_space<vmem_shared>>
      tpu.enqueue_dma source(%arg17 : memref<40x128xf32, #tpu.memory_space<vmem>>) target(%dma_start3A_338 : memref<40x128xf32, #tpu.memory_space<vmem_shared>>) target_semaphore(%arg22 : memref<!tpu.dma_semaphore, #tpu.memory_space<semaphore_mem>>)
      %add3A_339 = arith.constant 0 : i32
      %add3A_340 = arith.addi %mul3A_0, %add3A_339 : i32
      %dma_wait3A_341 = arith.constant 0 : i32
      %dma_wait3A_342 = tpu.memref_slice %arg8[%add3A_340, %dma_wait3A_341] : memref<10240x128xf32, #tpu.memory_space<vmem_shared>> -> memref<40x128xf32, #tpu.memory_space<vmem_shared>>
      %dma_wait3A_343 = arith.constant 0 : i32
      %dma_wait3A_344 = tpu.memref_slice %arg8[%add3A_340, %dma_wait3A_343] : memref<10240x128xf32, #tpu.memory_space<vmem_shared>> -> memref<40x128xf32, #tpu.memory_space<vmem_shared>>
      tpu.wait_dma2 semaphore(%arg22 : memref<!tpu.dma_semaphore, #tpu.memory_space<semaphore_mem>>) src(%arg17 : memref<40x128xf32, #tpu.memory_space<vmem>>) dst(%dma_wait3A_344 : memref<40x128xf32, #tpu.memory_space<vmem_shared>>)
      %add3A_345 = arith.constant 40 : i32
      %add3A_346 = arith.addi %mul3A_0, %add3A_345 : i32
      %dma_wait3A_347 = arith.constant 0 : i32
      %dma_wait3A_348 = tpu.memref_slice %arg8[%add3A_346, %dma_wait3A_347] : memref<10240x128xf32, #tpu.memory_space<vmem_shared>> -> memref<40x128xf32, #tpu.memory_space<vmem_shared>>
      %dma_wait3A_349 = arith.constant 0 : i32
      %dma_wait3A_350 = tpu.memref_slice %arg8[%add3A_346, %dma_wait3A_349] : memref<10240x128xf32, #tpu.memory_space<vmem_shared>> -> memref<40x128xf32, #tpu.memory_space<vmem_shared>>
      tpu.wait_dma2 semaphore(%arg22 : memref<!tpu.dma_semaphore, #tpu.memory_space<semaphore_mem>>) src(%arg17 : memref<40x128xf32, #tpu.memory_space<vmem>>) dst(%dma_wait3A_350 : memref<40x128xf32, #tpu.memory_space<vmem_shared>>)
      %add3A_351 = arith.constant 80 : i32
      %add3A_352 = arith.addi %mul3A_0, %add3A_351 : i32
      %dma_wait3A_353 = arith.constant 0 : i32
      %dma_wait3A_354 = tpu.memref_slice %arg8[%add3A_352, %dma_wait3A_353] : memref<10240x128xf32, #tpu.memory_space<vmem_shared>> -> memref<40x128xf32, #tpu.memory_space<vmem_shared>>
      %dma_wait3A_355 = arith.constant 0 : i32
      %dma_wait3A_356 = tpu.memref_slice %arg8[%add3A_352, %dma_wait3A_355] : memref<10240x128xf32, #tpu.memory_space<vmem_shared>> -> memref<40x128xf32, #tpu.memory_space<vmem_shared>>
      tpu.wait_dma2 semaphore(%arg22 : memref<!tpu.dma_semaphore, #tpu.memory_space<semaphore_mem>>) src(%arg17 : memref<40x128xf32, #tpu.memory_space<vmem>>) dst(%dma_wait3A_356 : memref<40x128xf32, #tpu.memory_space<vmem_shared>>)
      %add3A_357 = arith.constant 120 : i32
      %add3A_358 = arith.addi %mul3A_0, %add3A_357 : i32
      %dma_wait3A_359 = arith.constant 0 : i32
      %dma_wait3A_360 = tpu.memref_slice %arg8[%add3A_358, %dma_wait3A_359] : memref<10240x128xf32, #tpu.memory_space<vmem_shared>> -> memref<40x128xf32, #tpu.memory_space<vmem_shared>>
      %dma_wait3A_361 = arith.constant 0 : i32
      %dma_wait3A_362 = tpu.memref_slice %arg8[%add3A_358, %dma_wait3A_361] : memref<10240x128xf32, #tpu.memory_space<vmem_shared>> -> memref<40x128xf32, #tpu.memory_space<vmem_shared>>
      tpu.wait_dma2 semaphore(%arg22 : memref<!tpu.dma_semaphore, #tpu.memory_space<semaphore_mem>>) src(%arg17 : memref<40x128xf32, #tpu.memory_space<vmem>>) dst(%dma_wait3A_362 : memref<40x128xf32, #tpu.memory_space<vmem_shared>>)
      %add3A_363 = arith.constant 160 : i32
      %add3A_364 = arith.addi %mul3A_0, %add3A_363 : i32
      %dma_wait3A_365 = arith.constant 0 : i32
      %dma_wait3A_366 = tpu.memref_slice %arg8[%add3A_364, %dma_wait3A_365] : memref<10240x128xf32, #tpu.memory_space<vmem_shared>> -> memref<40x128xf32, #tpu.memory_space<vmem_shared>>
      %dma_wait3A_367 = arith.constant 0 : i32
      %dma_wait3A_368 = tpu.memref_slice %arg8[%add3A_364, %dma_wait3A_367] : memref<10240x128xf32, #tpu.memory_space<vmem_shared>> -> memref<40x128xf32, #tpu.memory_space<vmem_shared>>
      tpu.wait_dma2 semaphore(%arg22 : memref<!tpu.dma_semaphore, #tpu.memory_space<semaphore_mem>>) src(%arg17 : memref<40x128xf32, #tpu.memory_space<vmem>>) dst(%dma_wait3A_368 : memref<40x128xf32, #tpu.memory_space<vmem_shared>>)
      %add3A_369 = arith.constant 200 : i32
      %add3A_370 = arith.addi %mul3A_0, %add3A_369 : i32
      %dma_wait3A_371 = arith.constant 0 : i32
      %dma_wait3A_372 = tpu.memref_slice %arg8[%add3A_370, %dma_wait3A_371] : memref<10240x128xf32, #tpu.memory_space<vmem_shared>> -> memref<40x128xf32, #tpu.memory_space<vmem_shared>>
      %dma_wait3A_373 = arith.constant 0 : i32
      %dma_wait3A_374 = tpu.memref_slice %arg8[%add3A_370, %dma_wait3A_373] : memref<10240x128xf32, #tpu.memory_space<vmem_shared>> -> memref<40x128xf32, #tpu.memory_space<vmem_shared>>
      tpu.wait_dma2 semaphore(%arg22 : memref<!tpu.dma_semaphore, #tpu.memory_space<semaphore_mem>>) src(%arg17 : memref<40x128xf32, #tpu.memory_space<vmem>>) dst(%dma_wait3A_374 : memref<40x128xf32, #tpu.memory_space<vmem_shared>>)
      %add3A_375 = arith.constant 240 : i32
      %add3A_376 = arith.addi %mul3A_0, %add3A_375 : i32
      %dma_wait3A_377 = arith.constant 0 : i32
      %dma_wait3A_378 = tpu.memref_slice %arg8[%add3A_376, %dma_wait3A_377] : memref<10240x128xf32, #tpu.memory_space<vmem_shared>> -> memref<40x128xf32, #tpu.memory_space<vmem_shared>>
      %dma_wait3A_379 = arith.constant 0 : i32
      %dma_wait3A_380 = tpu.memref_slice %arg8[%add3A_376, %dma_wait3A_379] : memref<10240x128xf32, #tpu.memory_space<vmem_shared>> -> memref<40x128xf32, #tpu.memory_space<vmem_shared>>
      tpu.wait_dma2 semaphore(%arg22 : memref<!tpu.dma_semaphore, #tpu.memory_space<semaphore_mem>>) src(%arg17 : memref<40x128xf32, #tpu.memory_space<vmem>>) dst(%dma_wait3A_380 : memref<40x128xf32, #tpu.memory_space<vmem_shared>>)
      %add3A_381 = arith.constant 280 : i32
      %add3A_382 = arith.addi %mul3A_0, %add3A_381 : i32
      %dma_wait3A_383 = arith.constant 0 : i32
      %dma_wait3A_384 = tpu.memref_slice %arg8[%add3A_382, %dma_wait3A_383] : memref<10240x128xf32, #tpu.memory_space<vmem_shared>> -> memref<40x128xf32, #tpu.memory_space<vmem_shared>>
      %dma_wait3A_385 = arith.constant 0 : i32
      %dma_wait3A_386 = tpu.memref_slice %arg8[%add3A_382, %dma_wait3A_385] : memref<10240x128xf32, #tpu.memory_space<vmem_shared>> -> memref<40x128xf32, #tpu.memory_space<vmem_shared>>
      tpu.wait_dma2 semaphore(%arg22 : memref<!tpu.dma_semaphore, #tpu.memory_space<semaphore_mem>>) src(%arg17 : memref<40x128xf32, #tpu.memory_space<vmem>>) dst(%dma_wait3A_386 : memref<40x128xf32, #tpu.memory_space<vmem_shared>>)
      %add3A_387 = arith.constant 320 : i32
      %add3A_388 = arith.addi %mul3A_0, %add3A_387 : i32
      %dma_wait3A_389 = arith.constant 0 : i32
      %dma_wait3A_390 = tpu.memref_slice %arg8[%add3A_388, %dma_wait3A_389] : memref<10240x128xf32, #tpu.memory_space<vmem_shared>> -> memref<40x128xf32, #tpu.memory_space<vmem_shared>>
      %dma_wait3A_391 = arith.constant 0 : i32
      %dma_wait3A_392 = tpu.memref_slice %arg8[%add3A_388, %dma_wait3A_391] : memref<10240x128xf32, #tpu.memory_space<vmem_shared>> -> memref<40x128xf32, #tpu.memory_space<vmem_shared>>
      tpu.wait_dma2 semaphore(%arg22 : memref<!tpu.dma_semaphore, #tpu.memory_space<semaphore_mem>>) src(%arg17 : memref<40x128xf32, #tpu.memory_space<vmem>>) dst(%dma_wait3A_392 : memref<40x128xf32, #tpu.memory_space<vmem_shared>>)
      %add3A_393 = arith.constant 360 : i32
      %add3A_394 = arith.addi %mul3A_0, %add3A_393 : i32
      %dma_wait3A_395 = arith.constant 0 : i32
      %dma_wait3A_396 = tpu.memref_slice %arg8[%add3A_394, %dma_wait3A_395] : memref<10240x128xf32, #tpu.memory_space<vmem_shared>> -> memref<40x128xf32, #tpu.memory_space<vmem_shared>>
      %dma_wait3A_397 = arith.constant 0 : i32
      %dma_wait3A_398 = tpu.memref_slice %arg8[%add3A_394, %dma_wait3A_397] : memref<10240x128xf32, #tpu.memory_space<vmem_shared>> -> memref<40x128xf32, #tpu.memory_space<vmem_shared>>
      tpu.wait_dma2 semaphore(%arg22 : memref<!tpu.dma_semaphore, #tpu.memory_space<semaphore_mem>>) src(%arg17 : memref<40x128xf32, #tpu.memory_space<vmem>>) dst(%dma_wait3A_398 : memref<40x128xf32, #tpu.memory_space<vmem_shared>>)
      %add3A_399 = arith.constant 400 : i32
      %add3A_400 = arith.addi %mul3A_0, %add3A_399 : i32
      %dma_wait3A_401 = arith.constant 0 : i32
      %dma_wait3A_402 = tpu.memref_slice %arg8[%add3A_400, %dma_wait3A_401] : memref<10240x128xf32, #tpu.memory_space<vmem_shared>> -> memref<40x128xf32, #tpu.memory_space<vmem_shared>>
      %dma_wait3A_403 = arith.constant 0 : i32
      %dma_wait3A_404 = tpu.memref_slice %arg8[%add3A_400, %dma_wait3A_403] : memref<10240x128xf32, #tpu.memory_space<vmem_shared>> -> memref<40x128xf32, #tpu.memory_space<vmem_shared>>
      tpu.wait_dma2 semaphore(%arg22 : memref<!tpu.dma_semaphore, #tpu.memory_space<semaphore_mem>>) src(%arg17 : memref<40x128xf32, #tpu.memory_space<vmem>>) dst(%dma_wait3A_404 : memref<40x128xf32, #tpu.memory_space<vmem_shared>>)
      %add3A_405 = arith.constant 440 : i32
      %add3A_406 = arith.addi %mul3A_0, %add3A_405 : i32
      %dma_wait3A_407 = arith.constant 0 : i32
      %dma_wait3A_408 = tpu.memref_slice %arg8[%add3A_406, %dma_wait3A_407] : memref<10240x128xf32, #tpu.memory_space<vmem_shared>> -> memref<40x128xf32, #tpu.memory_space<vmem_shared>>
      %dma_wait3A_409 = arith.constant 0 : i32
      %dma_wait3A_410 = tpu.memref_slice %arg8[%add3A_406, %dma_wait3A_409] : memref<10240x128xf32, #tpu.memory_space<vmem_shared>> -> memref<40x128xf32, #tpu.memory_space<vmem_shared>>
      tpu.wait_dma2 semaphore(%arg22 : memref<!tpu.dma_semaphore, #tpu.memory_space<semaphore_mem>>) src(%arg17 : memref<40x128xf32, #tpu.memory_space<vmem>>) dst(%dma_wait3A_410 : memref<40x128xf32, #tpu.memory_space<vmem_shared>>)
      %add3A_411 = arith.constant 480 : i32
      %add3A_412 = arith.addi %mul3A_0, %add3A_411 : i32
      %dma_wait3A_413 = arith.constant 0 : i32
      %dma_wait3A_414 = tpu.memref_slice %arg8[%add3A_412, %dma_wait3A_413] : memref<10240x128xf32, #tpu.memory_space<vmem_shared>> -> memref<40x128xf32, #tpu.memory_space<vmem_shared>>
      %dma_wait3A_415 = arith.constant 0 : i32
      %dma_wait3A_416 = tpu.memref_slice %arg8[%add3A_412, %dma_wait3A_415] : memref<10240x128xf32, #tpu.memory_space<vmem_shared>> -> memref<40x128xf32, #tpu.memory_space<vmem_shared>>
      tpu.wait_dma2 semaphore(%arg22 : memref<!tpu.dma_semaphore, #tpu.memory_space<semaphore_mem>>) src(%arg17 : memref<40x128xf32, #tpu.memory_space<vmem>>) dst(%dma_wait3A_416 : memref<40x128xf32, #tpu.memory_space<vmem_shared>>)
      %add3A_417 = arith.constant 520 : i32
      %add3A_418 = arith.addi %mul3A_0, %add3A_417 : i32
      %dma_wait3A_419 = arith.constant 0 : i32
      %dma_wait3A_420 = tpu.memref_slice %arg8[%add3A_418, %dma_wait3A_419] : memref<10240x128xf32, #tpu.memory_space<vmem_shared>> -> memref<40x128xf32, #tpu.memory_space<vmem_shared>>
      %dma_wait3A_421 = arith.constant 0 : i32
      %dma_wait3A_422 = tpu.memref_slice %arg8[%add3A_418, %dma_wait3A_421] : memref<10240x128xf32, #tpu.memory_space<vmem_shared>> -> memref<40x128xf32, #tpu.memory_space<vmem_shared>>
      tpu.wait_dma2 semaphore(%arg22 : memref<!tpu.dma_semaphore, #tpu.memory_space<semaphore_mem>>) src(%arg17 : memref<40x128xf32, #tpu.memory_space<vmem>>) dst(%dma_wait3A_422 : memref<40x128xf32, #tpu.memory_space<vmem_shared>>)
      %add3A_423 = arith.constant 560 : i32
      %add3A_424 = arith.addi %mul3A_0, %add3A_423 : i32
      %dma_wait3A_425 = arith.constant 0 : i32
      %dma_wait3A_426 = tpu.memref_slice %arg8[%add3A_424, %dma_wait3A_425] : memref<10240x128xf32, #tpu.memory_space<vmem_shared>> -> memref<40x128xf32, #tpu.memory_space<vmem_shared>>
      %dma_wait3A_427 = arith.constant 0 : i32
      %dma_wait3A_428 = tpu.memref_slice %arg8[%add3A_424, %dma_wait3A_427] : memref<10240x128xf32, #tpu.memory_space<vmem_shared>> -> memref<40x128xf32, #tpu.memory_space<vmem_shared>>
      tpu.wait_dma2 semaphore(%arg22 : memref<!tpu.dma_semaphore, #tpu.memory_space<semaphore_mem>>) src(%arg17 : memref<40x128xf32, #tpu.memory_space<vmem>>) dst(%dma_wait3A_428 : memref<40x128xf32, #tpu.memory_space<vmem_shared>>)
      %add3A_429 = arith.constant 600 : i32
      %add3A_430 = arith.addi %mul3A_0, %add3A_429 : i32
      %dma_wait3A_431 = arith.constant 0 : i32
      %dma_wait3A_432 = tpu.memref_slice %arg8[%add3A_430, %dma_wait3A_431] : memref<10240x128xf32, #tpu.memory_space<vmem_shared>> -> memref<40x128xf32, #tpu.memory_space<vmem_shared>>
      %dma_wait3A_433 = arith.constant 0 : i32
      %dma_wait3A_434 = tpu.memref_slice %arg8[%add3A_430, %dma_wait3A_433] : memref<10240x128xf32, #tpu.memory_space<vmem_shared>> -> memref<40x128xf32, #tpu.memory_space<vmem_shared>>
      tpu.wait_dma2 semaphore(%arg22 : memref<!tpu.dma_semaphore, #tpu.memory_space<semaphore_mem>>) src(%arg17 : memref<40x128xf32, #tpu.memory_space<vmem>>) dst(%dma_wait3A_434 : memref<40x128xf32, #tpu.memory_space<vmem_shared>>)
      %barrier3A_435 = arith.constant 0 : index
      tpu.barrier barrier_id(%barrier3A_435)
      %mul3A_436 = arith.constant 20000 : i32
      %mul3A_437 = arith.muli %arg1, %mul3A_436 : i32
      %mul3A_438 = arith.constant 0 : i32
      %mul3A_439 = arith.constant 80 : i32
      %mul3A_440 = arith.muli %mul3A_438, %mul3A_439 : i32
      %add3A_441 = arith.addi %mul3A_437, %mul3A_440 : i32
      %multiple_of3A_442 = tpu.assume_multiple %add3A_441, 8 : i32
      %dma_start3A_443 = tpu.memref_slice %arg4[%multiple_of3A_442] : memref<320000xi32, #tpu.memory_space<hbm>> -> memref<80xi32, #tpu.memory_space<hbm>>
      %dma_start3A_444 = tpu.memref_slice %arg4[%multiple_of3A_442] : memref<320000xi32, #tpu.memory_space<hbm>> -> memref<80xi32, #tpu.memory_space<hbm>>
      tpu.enqueue_dma source(%dma_start3A_444 : memref<80xi32, #tpu.memory_space<hbm>>) target(%arg9 : memref<80xi32, #tpu.memory_space<vmem>>) target_semaphore(%arg18 : memref<!tpu.dma_semaphore, #tpu.memory_space<semaphore_mem>>)
      %dma_start3A_445 = tpu.memref_slice %arg5[%multiple_of3A_442] : memref<320000xi32, #tpu.memory_space<hbm>> -> memref<80xi32, #tpu.memory_space<hbm>>
      %dma_start3A_446 = tpu.memref_slice %arg5[%multiple_of3A_442] : memref<320000xi32, #tpu.memory_space<hbm>> -> memref<80xi32, #tpu.memory_space<hbm>>
      tpu.enqueue_dma source(%dma_start3A_446 : memref<80xi32, #tpu.memory_space<hbm>>) target(%arg11 : memref<80xi32, #tpu.memory_space<vmem>>) target_semaphore(%arg18 : memref<!tpu.dma_semaphore, #tpu.memory_space<semaphore_mem>>)
      %dma_start3A_447 = arith.constant 384 : i32
      %dma_start3A_448 = tpu.memref_slice %arg2[%multiple_of3A_442, %dma_start3A_447] : memref<320000x512xf32, #tpu.memory_space<hbm>> -> memref<80x128xf32, #tpu.memory_space<hbm>>
      %dma_start3A_449 = arith.constant 384 : i32
      %dma_start3A_450 = tpu.memref_slice %arg2[%multiple_of3A_442, %dma_start3A_449] : memref<320000x512xf32, #tpu.memory_space<hbm>> -> memref<80x128xf32, #tpu.memory_space<hbm>>
      tpu.enqueue_dma source(%dma_start3A_450 : memref<80x128xf32, #tpu.memory_space<hbm>>) target(%arg13 : memref<80x128xf32, #tpu.memory_space<vmem>>) target_semaphore(%arg18 : memref<!tpu.dma_semaphore, #tpu.memory_space<semaphore_mem>>)
      %dma_start3A_451 = arith.constant 384 : i32
      %dma_start3A_452 = tpu.memref_slice %arg3[%multiple_of3A_442, %dma_start3A_451] : memref<320000x512xf32, #tpu.memory_space<hbm>> -> memref<80x128xf32, #tpu.memory_space<hbm>>
      %dma_start3A_453 = arith.constant 384 : i32
      %dma_start3A_454 = tpu.memref_slice %arg3[%multiple_of3A_442, %dma_start3A_453] : memref<320000x512xf32, #tpu.memory_space<hbm>> -> memref<80x128xf32, #tpu.memory_space<hbm>>
      tpu.enqueue_dma source(%dma_start3A_454 : memref<80x128xf32, #tpu.memory_space<hbm>>) target(%arg15 : memref<80x128xf32, #tpu.memory_space<vmem>>) target_semaphore(%arg18 : memref<!tpu.dma_semaphore, #tpu.memory_space<semaphore_mem>>)
      %while3A_455 = arith.constant 0 : i32
      %while3A_456 = arith.constant 0 : i32
      %while3A_457 = arith.constant 125 : i32
      %while3A_458 = arith.subi %while3A_457, %while3A_456 : i32
      %while3A_459 = arith.addi %while3A_456, %while3A_458 : i32
      %while3A_460 = arith.constant 1 : i32
      %while3A_461 = arith.divsi %while3A_458, %while3A_460 : i32
      %while3A_462 = arith.muli %while3A_461, %while3A_460 : i32
      %while3A_463 = arith.addi %while3A_456, %while3A_462 : i32
      %while3A_464 = arith.constant 1 : i32
      scf.for %while3A_707 = %while3A_456 to %while3A_463 step %while3A_464  : i32 {
        %mul3A_708 = arith.constant 2 : i32
        %mul3A_709 = arith.muli %while3A_707, %mul3A_708 : i32
        %add3A_710 = arith.constant 0 : i32
        %add3A_711 = arith.addi %mul3A_709, %add3A_710 : i32
        %mul3A_712 = arith.constant 20000 : i32
        %mul3A_713 = arith.muli %arg1, %mul3A_712 : i32
        %mul3A_714 = arith.constant 80 : i32
        %mul3A_715 = arith.muli %add3A_711, %mul3A_714 : i32
        %add3A_716 = arith.addi %mul3A_713, %mul3A_715 : i32
        %multiple_of3A_717 = tpu.assume_multiple %add3A_716, 8 : i32
        %dma_wait3A_718 = tpu.memref_slice %arg4[%multiple_of3A_717] : memref<320000xi32, #tpu.memory_space<hbm>> -> memref<80xi32, #tpu.memory_space<hbm>>
        %dma_wait3A_719 = tpu.memref_slice %arg4[%multiple_of3A_717] : memref<320000xi32, #tpu.memory_space<hbm>> -> memref<80xi32, #tpu.memory_space<hbm>>
        tpu.wait_dma2 semaphore(%arg18 : memref<!tpu.dma_semaphore, #tpu.memory_space<semaphore_mem>>) src(%dma_wait3A_719 : memref<80xi32, #tpu.memory_space<hbm>>) dst(%arg9 : memref<80xi32, #tpu.memory_space<vmem>>)
        %dma_wait3A_720 = tpu.memref_slice %arg5[%multiple_of3A_717] : memref<320000xi32, #tpu.memory_space<hbm>> -> memref<80xi32, #tpu.memory_space<hbm>>
        %dma_wait3A_721 = tpu.memref_slice %arg5[%multiple_of3A_717] : memref<320000xi32, #tpu.memory_space<hbm>> -> memref<80xi32, #tpu.memory_space<hbm>>
        tpu.wait_dma2 semaphore(%arg18 : memref<!tpu.dma_semaphore, #tpu.memory_space<semaphore_mem>>) src(%dma_wait3A_721 : memref<80xi32, #tpu.memory_space<hbm>>) dst(%arg11 : memref<80xi32, #tpu.memory_space<vmem>>)
        %dma_wait3A_722 = arith.constant 384 : i32
        %dma_wait3A_723 = tpu.memref_slice %arg2[%multiple_of3A_717, %dma_wait3A_722] : memref<320000x512xf32, #tpu.memory_space<hbm>> -> memref<80x128xf32, #tpu.memory_space<hbm>>
        %dma_wait3A_724 = arith.constant 384 : i32
        %dma_wait3A_725 = tpu.memref_slice %arg2[%multiple_of3A_717, %dma_wait3A_724] : memref<320000x512xf32, #tpu.memory_space<hbm>> -> memref<80x128xf32, #tpu.memory_space<hbm>>
        tpu.wait_dma2 semaphore(%arg18 : memref<!tpu.dma_semaphore, #tpu.memory_space<semaphore_mem>>) src(%dma_wait3A_725 : memref<80x128xf32, #tpu.memory_space<hbm>>) dst(%arg13 : memref<80x128xf32, #tpu.memory_space<vmem>>)
        %dma_wait3A_726 = arith.constant 384 : i32
        %dma_wait3A_727 = tpu.memref_slice %arg3[%multiple_of3A_717, %dma_wait3A_726] : memref<320000x512xf32, #tpu.memory_space<hbm>> -> memref<80x128xf32, #tpu.memory_space<hbm>>
        %dma_wait3A_728 = arith.constant 384 : i32
        %dma_wait3A_729 = tpu.memref_slice %arg3[%multiple_of3A_717, %dma_wait3A_728] : memref<320000x512xf32, #tpu.memory_space<hbm>> -> memref<80x128xf32, #tpu.memory_space<hbm>>
        tpu.wait_dma2 semaphore(%arg18 : memref<!tpu.dma_semaphore, #tpu.memory_space<semaphore_mem>>) src(%dma_wait3A_729 : memref<80x128xf32, #tpu.memory_space<hbm>>) dst(%arg15 : memref<80x128xf32, #tpu.memory_space<vmem>>)
        %gt3A = arith.constant 0 : i32
        %gt3A_730 = arith.cmpi sgt, %while3A_707, %gt3A : i32
        %convert_element_type3A_731 = arith.extui %gt3A_730 : i1 to i32
        %cond3A_732 = arith.constant 0 : i32
        %cond3A_733 = arith.cmpi ne, %convert_element_type3A_731, %cond3A_732 : i32
        scf.if %cond3A_733 {
          %dma_wait3A_798 = arith.constant 0 : i32
          %dma_wait3A_799 = arith.constant 0 : i32
          %dma_wait3A_800 = tpu.memref_slice %arg8[%dma_wait3A_798, %dma_wait3A_799] : memref<10240x128xf32, #tpu.memory_space<vmem_shared>> -> memref<10240x128xf32, #tpu.memory_space<vmem_shared>>
          tpu.wait_indirect_dma semaphore(%arg21 : memref<!tpu.dma_semaphore, #tpu.memory_space<semaphore_mem>>) src(%arg14 : memref<80x128xf32, #tpu.memory_space<vmem>>) dst(%dma_wait3A_800 : memref<10240x128xf32, #tpu.memory_space<vmem_shared>>)
          %dma_wait3A_801 = arith.constant 0 : i32
          %dma_wait3A_802 = arith.constant 0 : i32
          %dma_wait3A_803 = tpu.memref_slice %arg8[%dma_wait3A_801, %dma_wait3A_802] : memref<10240x128xf32, #tpu.memory_space<vmem_shared>> -> memref<10240x128xf32, #tpu.memory_space<vmem_shared>>
          tpu.wait_indirect_dma semaphore(%arg21 : memref<!tpu.dma_semaphore, #tpu.memory_space<semaphore_mem>>) src(%arg16 : memref<80x128xf32, #tpu.memory_space<vmem>>) dst(%dma_wait3A_803 : memref<10240x128xf32, #tpu.memory_space<vmem_shared>>)
        } else {
        }
        %add3A_734 = arith.constant 1 : i32
        %add3A_735 = arith.addi %add3A_711, %add3A_734 : i32
        %mul3A_736 = arith.constant 20000 : i32
        %mul3A_737 = arith.muli %arg1, %mul3A_736 : i32
        %mul3A_738 = arith.constant 80 : i32
        %mul3A_739 = arith.muli %add3A_735, %mul3A_738 : i32
        %add3A_740 = arith.addi %mul3A_737, %mul3A_739 : i32
        %multiple_of3A_741 = tpu.assume_multiple %add3A_740, 8 : i32
        %dma_start3A_742 = tpu.memref_slice %arg4[%multiple_of3A_741] : memref<320000xi32, #tpu.memory_space<hbm>> -> memref<80xi32, #tpu.memory_space<hbm>>
        %dma_start3A_743 = tpu.memref_slice %arg4[%multiple_of3A_741] : memref<320000xi32, #tpu.memory_space<hbm>> -> memref<80xi32, #tpu.memory_space<hbm>>
        tpu.enqueue_dma source(%dma_start3A_743 : memref<80xi32, #tpu.memory_space<hbm>>) target(%arg10 : memref<80xi32, #tpu.memory_space<vmem>>) target_semaphore(%arg19 : memref<!tpu.dma_semaphore, #tpu.memory_space<semaphore_mem>>)
        %dma_start3A_744 = tpu.memref_slice %arg5[%multiple_of3A_741] : memref<320000xi32, #tpu.memory_space<hbm>> -> memref<80xi32, #tpu.memory_space<hbm>>
        %dma_start3A_745 = tpu.memref_slice %arg5[%multiple_of3A_741] : memref<320000xi32, #tpu.memory_space<hbm>> -> memref<80xi32, #tpu.memory_space<hbm>>
        tpu.enqueue_dma source(%dma_start3A_745 : memref<80xi32, #tpu.memory_space<hbm>>) target(%arg12 : memref<80xi32, #tpu.memory_space<vmem>>) target_semaphore(%arg19 : memref<!tpu.dma_semaphore, #tpu.memory_space<semaphore_mem>>)
        %dma_start3A_746 = arith.constant 384 : i32
        %dma_start3A_747 = tpu.memref_slice %arg2[%multiple_of3A_741, %dma_start3A_746] : memref<320000x512xf32, #tpu.memory_space<hbm>> -> memref<80x128xf32, #tpu.memory_space<hbm>>
        %dma_start3A_748 = arith.constant 384 : i32
        %dma_start3A_749 = tpu.memref_slice %arg2[%multiple_of3A_741, %dma_start3A_748] : memref<320000x512xf32, #tpu.memory_space<hbm>> -> memref<80x128xf32, #tpu.memory_space<hbm>>
        tpu.enqueue_dma source(%dma_start3A_749 : memref<80x128xf32, #tpu.memory_space<hbm>>) target(%arg14 : memref<80x128xf32, #tpu.memory_space<vmem>>) target_semaphore(%arg19 : memref<!tpu.dma_semaphore, #tpu.memory_space<semaphore_mem>>)
        %dma_start3A_750 = arith.constant 384 : i32
        %dma_start3A_751 = tpu.memref_slice %arg3[%multiple_of3A_741, %dma_start3A_750] : memref<320000x512xf32, #tpu.memory_space<hbm>> -> memref<80x128xf32, #tpu.memory_space<hbm>>
        %dma_start3A_752 = arith.constant 384 : i32
        %dma_start3A_753 = tpu.memref_slice %arg3[%multiple_of3A_741, %dma_start3A_752] : memref<320000x512xf32, #tpu.memory_space<hbm>> -> memref<80x128xf32, #tpu.memory_space<hbm>>
        tpu.enqueue_dma source(%dma_start3A_753 : memref<80x128xf32, #tpu.memory_space<hbm>>) target(%arg16 : memref<80x128xf32, #tpu.memory_space<vmem>>) target_semaphore(%arg19 : memref<!tpu.dma_semaphore, #tpu.memory_space<semaphore_mem>>)
        %dma_start3A_754 = arith.constant 0 : i32
        %dma_start3A_755 = arith.constant 0 : i32
        %dma_start3A_756 = tpu.memref_slice %arg8[%dma_start3A_754, %dma_start3A_755] : memref<10240x128xf32, #tpu.memory_space<vmem_shared>> -> memref<10240x128xf32, #tpu.memory_space<vmem_shared>>
        tpu.enqueue_indirect_dma source(%arg13 : memref<80x128xf32, #tpu.memory_space<vmem>>) target(%dma_start3A_756 : memref<10240x128xf32, #tpu.memory_space<vmem_shared>>) offsets(%arg9 : memref<80xi32, #tpu.memory_space<vmem>>) semaphore(%arg20 : memref<!tpu.dma_semaphore, #tpu.memory_space<semaphore_mem>>) {add = true}
        %dma_start3A_757 = arith.constant 0 : i32
        %dma_start3A_758 = arith.constant 0 : i32
        %dma_start3A_759 = tpu.memref_slice %arg8[%dma_start3A_757, %dma_start3A_758] : memref<10240x128xf32, #tpu.memory_space<vmem_shared>> -> memref<10240x128xf32, #tpu.memory_space<vmem_shared>>
        tpu.enqueue_indirect_dma source(%arg15 : memref<80x128xf32, #tpu.memory_space<vmem>>) target(%dma_start3A_759 : memref<10240x128xf32, #tpu.memory_space<vmem_shared>>) offsets(%arg11 : memref<80xi32, #tpu.memory_space<vmem>>) semaphore(%arg20 : memref<!tpu.dma_semaphore, #tpu.memory_space<semaphore_mem>>) {add = true}
        %mul3A_760 = arith.constant 2 : i32
        %mul3A_761 = arith.muli %while3A_707, %mul3A_760 : i32
        %add3A_762 = arith.constant 1 : i32
        %add3A_763 = arith.addi %mul3A_761, %add3A_762 : i32
        %mul3A_764 = arith.constant 20000 : i32
        %mul3A_765 = arith.muli %arg1, %mul3A_764 : i32
        %mul3A_766 = arith.constant 80 : i32
        %mul3A_767 = arith.muli %add3A_763, %mul3A_766 : i32
        %add3A_768 = arith.addi %mul3A_765, %mul3A_767 : i32
        %multiple_of3A_769 = tpu.assume_multiple %add3A_768, 8 : i32
        %dma_wait3A_770 = tpu.memref_slice %arg4[%multiple_of3A_769] : memref<320000xi32, #tpu.memory_space<hbm>> -> memref<80xi32, #tpu.memory_space<hbm>>
        %dma_wait3A_771 = tpu.memref_slice %arg4[%multiple_of3A_769] : memref<320000xi32, #tpu.memory_space<hbm>> -> memref<80xi32, #tpu.memory_space<hbm>>
        tpu.wait_dma2 semaphore(%arg19 : memref<!tpu.dma_semaphore, #tpu.memory_space<semaphore_mem>>) src(%dma_wait3A_771 : memref<80xi32, #tpu.memory_space<hbm>>) dst(%arg10 : memref<80xi32, #tpu.memory_space<vmem>>)
        %dma_wait3A_772 = tpu.memref_slice %arg5[%multiple_of3A_769] : memref<320000xi32, #tpu.memory_space<hbm>> -> memref<80xi32, #tpu.memory_space<hbm>>
        %dma_wait3A_773 = tpu.memref_slice %arg5[%multiple_of3A_769] : memref<320000xi32, #tpu.memory_space<hbm>> -> memref<80xi32, #tpu.memory_space<hbm>>
        tpu.wait_dma2 semaphore(%arg19 : memref<!tpu.dma_semaphore, #tpu.memory_space<semaphore_mem>>) src(%dma_wait3A_773 : memref<80xi32, #tpu.memory_space<hbm>>) dst(%arg12 : memref<80xi32, #tpu.memory_space<vmem>>)
        %dma_wait3A_774 = arith.constant 384 : i32
        %dma_wait3A_775 = tpu.memref_slice %arg2[%multiple_of3A_769, %dma_wait3A_774] : memref<320000x512xf32, #tpu.memory_space<hbm>> -> memref<80x128xf32, #tpu.memory_space<hbm>>
        %dma_wait3A_776 = arith.constant 384 : i32
        %dma_wait3A_777 = tpu.memref_slice %arg2[%multiple_of3A_769, %dma_wait3A_776] : memref<320000x512xf32, #tpu.memory_space<hbm>> -> memref<80x128xf32, #tpu.memory_space<hbm>>
        tpu.wait_dma2 semaphore(%arg19 : memref<!tpu.dma_semaphore, #tpu.memory_space<semaphore_mem>>) src(%dma_wait3A_777 : memref<80x128xf32, #tpu.memory_space<hbm>>) dst(%arg14 : memref<80x128xf32, #tpu.memory_space<vmem>>)
        %dma_wait3A_778 = arith.constant 384 : i32
        %dma_wait3A_779 = tpu.memref_slice %arg3[%multiple_of3A_769, %dma_wait3A_778] : memref<320000x512xf32, #tpu.memory_space<hbm>> -> memref<80x128xf32, #tpu.memory_space<hbm>>
        %dma_wait3A_780 = arith.constant 384 : i32
        %dma_wait3A_781 = tpu.memref_slice %arg3[%multiple_of3A_769, %dma_wait3A_780] : memref<320000x512xf32, #tpu.memory_space<hbm>> -> memref<80x128xf32, #tpu.memory_space<hbm>>
        tpu.wait_dma2 semaphore(%arg19 : memref<!tpu.dma_semaphore, #tpu.memory_space<semaphore_mem>>) src(%dma_wait3A_781 : memref<80x128xf32, #tpu.memory_space<hbm>>) dst(%arg16 : memref<80x128xf32, #tpu.memory_space<vmem>>)
        %dma_wait3A_782 = arith.constant 0 : i32
        %dma_wait3A_783 = arith.constant 0 : i32
        %dma_wait3A_784 = tpu.memref_slice %arg8[%dma_wait3A_782, %dma_wait3A_783] : memref<10240x128xf32, #tpu.memory_space<vmem_shared>> -> memref<10240x128xf32, #tpu.memory_space<vmem_shared>>
        tpu.wait_indirect_dma semaphore(%arg20 : memref<!tpu.dma_semaphore, #tpu.memory_space<semaphore_mem>>) src(%arg13 : memref<80x128xf32, #tpu.memory_space<vmem>>) dst(%dma_wait3A_784 : memref<10240x128xf32, #tpu.memory_space<vmem_shared>>)
        %dma_wait3A_785 = arith.constant 0 : i32
        %dma_wait3A_786 = arith.constant 0 : i32
        %dma_wait3A_787 = tpu.memref_slice %arg8[%dma_wait3A_785, %dma_wait3A_786] : memref<10240x128xf32, #tpu.memory_space<vmem_shared>> -> memref<10240x128xf32, #tpu.memory_space<vmem_shared>>
        tpu.wait_indirect_dma semaphore(%arg20 : memref<!tpu.dma_semaphore, #tpu.memory_space<semaphore_mem>>) src(%arg15 : memref<80x128xf32, #tpu.memory_space<vmem>>) dst(%dma_wait3A_787 : memref<10240x128xf32, #tpu.memory_space<vmem_shared>>)
        %lt3A = arith.constant 124 : i32
        %lt3A_788 = arith.cmpi slt, %while3A_707, %lt3A : i32
        %convert_element_type3A_789 = arith.extui %lt3A_788 : i1 to i32
        %cond3A_790 = arith.constant 0 : i32
        %cond3A_791 = arith.cmpi ne, %convert_element_type3A_789, %cond3A_790 : i32
        scf.if %cond3A_791 {
          %add3A_798 = arith.constant 1 : i32
          %add3A_799 = arith.addi %add3A_763, %add3A_798 : i32
          %mul3A_800 = arith.constant 20000 : i32
          %mul3A_801 = arith.muli %arg1, %mul3A_800 : i32
          %mul3A_802 = arith.constant 80 : i32
          %mul3A_803 = arith.muli %add3A_799, %mul3A_802 : i32
          %add3A_804 = arith.addi %mul3A_801, %mul3A_803 : i32
          %multiple_of3A_805 = tpu.assume_multiple %add3A_804, 8 : i32
          %dma_start3A_806 = tpu.memref_slice %arg4[%multiple_of3A_805] : memref<320000xi32, #tpu.memory_space<hbm>> -> memref<80xi32, #tpu.memory_space<hbm>>
          %dma_start3A_807 = tpu.memref_slice %arg4[%multiple_of3A_805] : memref<320000xi32, #tpu.memory_space<hbm>> -> memref<80xi32, #tpu.memory_space<hbm>>
          tpu.enqueue_dma source(%dma_start3A_807 : memref<80xi32, #tpu.memory_space<hbm>>) target(%arg9 : memref<80xi32, #tpu.memory_space<vmem>>) target_semaphore(%arg18 : memref<!tpu.dma_semaphore, #tpu.memory_space<semaphore_mem>>)
          %dma_start3A_808 = tpu.memref_slice %arg5[%multiple_of3A_805] : memref<320000xi32, #tpu.memory_space<hbm>> -> memref<80xi32, #tpu.memory_space<hbm>>
          %dma_start3A_809 = tpu.memref_slice %arg5[%multiple_of3A_805] : memref<320000xi32, #tpu.memory_space<hbm>> -> memref<80xi32, #tpu.memory_space<hbm>>
          tpu.enqueue_dma source(%dma_start3A_809 : memref<80xi32, #tpu.memory_space<hbm>>) target(%arg11 : memref<80xi32, #tpu.memory_space<vmem>>) target_semaphore(%arg18 : memref<!tpu.dma_semaphore, #tpu.memory_space<semaphore_mem>>)
          %dma_start3A_810 = arith.constant 384 : i32
          %dma_start3A_811 = tpu.memref_slice %arg2[%multiple_of3A_805, %dma_start3A_810] : memref<320000x512xf32, #tpu.memory_space<hbm>> -> memref<80x128xf32, #tpu.memory_space<hbm>>
          %dma_start3A_812 = arith.constant 384 : i32
          %dma_start3A_813 = tpu.memref_slice %arg2[%multiple_of3A_805, %dma_start3A_812] : memref<320000x512xf32, #tpu.memory_space<hbm>> -> memref<80x128xf32, #tpu.memory_space<hbm>>
          tpu.enqueue_dma source(%dma_start3A_813 : memref<80x128xf32, #tpu.memory_space<hbm>>) target(%arg13 : memref<80x128xf32, #tpu.memory_space<vmem>>) target_semaphore(%arg18 : memref<!tpu.dma_semaphore, #tpu.memory_space<semaphore_mem>>)
          %dma_start3A_814 = arith.constant 384 : i32
          %dma_start3A_815 = tpu.memref_slice %arg3[%multiple_of3A_805, %dma_start3A_814] : memref<320000x512xf32, #tpu.memory_space<hbm>> -> memref<80x128xf32, #tpu.memory_space<hbm>>
          %dma_start3A_816 = arith.constant 384 : i32
          %dma_start3A_817 = tpu.memref_slice %arg3[%multiple_of3A_805, %dma_start3A_816] : memref<320000x512xf32, #tpu.memory_space<hbm>> -> memref<80x128xf32, #tpu.memory_space<hbm>>
          tpu.enqueue_dma source(%dma_start3A_817 : memref<80x128xf32, #tpu.memory_space<hbm>>) target(%arg15 : memref<80x128xf32, #tpu.memory_space<vmem>>) target_semaphore(%arg18 : memref<!tpu.dma_semaphore, #tpu.memory_space<semaphore_mem>>)
        } else {
        }
        %dma_start3A_792 = arith.constant 0 : i32
        %dma_start3A_793 = arith.constant 0 : i32
        %dma_start3A_794 = tpu.memref_slice %arg8[%dma_start3A_792, %dma_start3A_793] : memref<10240x128xf32, #tpu.memory_space<vmem_shared>> -> memref<10240x128xf32, #tpu.memory_space<vmem_shared>>
        tpu.enqueue_indirect_dma source(%arg14 : memref<80x128xf32, #tpu.memory_space<vmem>>) target(%dma_start3A_794 : memref<10240x128xf32, #tpu.memory_space<vmem_shared>>) offsets(%arg10 : memref<80xi32, #tpu.memory_space<vmem>>) semaphore(%arg21 : memref<!tpu.dma_semaphore, #tpu.memory_space<semaphore_mem>>) {add = true}
        %dma_start3A_795 = arith.constant 0 : i32
        %dma_start3A_796 = arith.constant 0 : i32
        %dma_start3A_797 = tpu.memref_slice %arg8[%dma_start3A_795, %dma_start3A_796] : memref<10240x128xf32, #tpu.memory_space<vmem_shared>> -> memref<10240x128xf32, #tpu.memory_space<vmem_shared>>
        tpu.enqueue_indirect_dma source(%arg16 : memref<80x128xf32, #tpu.memory_space<vmem>>) target(%dma_start3A_797 : memref<10240x128xf32, #tpu.memory_space<vmem_shared>>) offsets(%arg12 : memref<80xi32, #tpu.memory_space<vmem>>) semaphore(%arg21 : memref<!tpu.dma_semaphore, #tpu.memory_space<semaphore_mem>>) {add = true}
      }
      %while3A_465 = arith.constant 1 : i32
      scf.for %while3A_707 = %while3A_463 to %while3A_459 step %while3A_465  : i32 {
        %mul3A_708 = arith.constant 2 : i32
        %mul3A_709 = arith.muli %while3A_707, %mul3A_708 : i32
        %add3A_710 = arith.constant 0 : i32
        %add3A_711 = arith.addi %mul3A_709, %add3A_710 : i32
        %mul3A_712 = arith.constant 20000 : i32
        %mul3A_713 = arith.muli %arg1, %mul3A_712 : i32
        %mul3A_714 = arith.constant 80 : i32
        %mul3A_715 = arith.muli %add3A_711, %mul3A_714 : i32
        %add3A_716 = arith.addi %mul3A_713, %mul3A_715 : i32
        %multiple_of3A_717 = tpu.assume_multiple %add3A_716, 8 : i32
        %dma_wait3A_718 = tpu.memref_slice %arg4[%multiple_of3A_717] : memref<320000xi32, #tpu.memory_space<hbm>> -> memref<80xi32, #tpu.memory_space<hbm>>
        %dma_wait3A_719 = tpu.memref_slice %arg4[%multiple_of3A_717] : memref<320000xi32, #tpu.memory_space<hbm>> -> memref<80xi32, #tpu.memory_space<hbm>>
        tpu.wait_dma2 semaphore(%arg18 : memref<!tpu.dma_semaphore, #tpu.memory_space<semaphore_mem>>) src(%dma_wait3A_719 : memref<80xi32, #tpu.memory_space<hbm>>) dst(%arg9 : memref<80xi32, #tpu.memory_space<vmem>>)
        %dma_wait3A_720 = tpu.memref_slice %arg5[%multiple_of3A_717] : memref<320000xi32, #tpu.memory_space<hbm>> -> memref<80xi32, #tpu.memory_space<hbm>>
        %dma_wait3A_721 = tpu.memref_slice %arg5[%multiple_of3A_717] : memref<320000xi32, #tpu.memory_space<hbm>> -> memref<80xi32, #tpu.memory_space<hbm>>
        tpu.wait_dma2 semaphore(%arg18 : memref<!tpu.dma_semaphore, #tpu.memory_space<semaphore_mem>>) src(%dma_wait3A_721 : memref<80xi32, #tpu.memory_space<hbm>>) dst(%arg11 : memref<80xi32, #tpu.memory_space<vmem>>)
        %dma_wait3A_722 = arith.constant 384 : i32
        %dma_wait3A_723 = tpu.memref_slice %arg2[%multiple_of3A_717, %dma_wait3A_722] : memref<320000x512xf32, #tpu.memory_space<hbm>> -> memref<80x128xf32, #tpu.memory_space<hbm>>
        %dma_wait3A_724 = arith.constant 384 : i32
        %dma_wait3A_725 = tpu.memref_slice %arg2[%multiple_of3A_717, %dma_wait3A_724] : memref<320000x512xf32, #tpu.memory_space<hbm>> -> memref<80x128xf32, #tpu.memory_space<hbm>>
        tpu.wait_dma2 semaphore(%arg18 : memref<!tpu.dma_semaphore, #tpu.memory_space<semaphore_mem>>) src(%dma_wait3A_725 : memref<80x128xf32, #tpu.memory_space<hbm>>) dst(%arg13 : memref<80x128xf32, #tpu.memory_space<vmem>>)
        %dma_wait3A_726 = arith.constant 384 : i32
        %dma_wait3A_727 = tpu.memref_slice %arg3[%multiple_of3A_717, %dma_wait3A_726] : memref<320000x512xf32, #tpu.memory_space<hbm>> -> memref<80x128xf32, #tpu.memory_space<hbm>>
        %dma_wait3A_728 = arith.constant 384 : i32
        %dma_wait3A_729 = tpu.memref_slice %arg3[%multiple_of3A_717, %dma_wait3A_728] : memref<320000x512xf32, #tpu.memory_space<hbm>> -> memref<80x128xf32, #tpu.memory_space<hbm>>
        tpu.wait_dma2 semaphore(%arg18 : memref<!tpu.dma_semaphore, #tpu.memory_space<semaphore_mem>>) src(%dma_wait3A_729 : memref<80x128xf32, #tpu.memory_space<hbm>>) dst(%arg15 : memref<80x128xf32, #tpu.memory_space<vmem>>)
        %gt3A = arith.constant 0 : i32
        %gt3A_730 = arith.cmpi sgt, %while3A_707, %gt3A : i32
        %convert_element_type3A_731 = arith.extui %gt3A_730 : i1 to i32
        %cond3A_732 = arith.constant 0 : i32
        %cond3A_733 = arith.cmpi ne, %convert_element_type3A_731, %cond3A_732 : i32
        scf.if %cond3A_733 {
          %dma_wait3A_798 = arith.constant 0 : i32
          %dma_wait3A_799 = arith.constant 0 : i32
          %dma_wait3A_800 = tpu.memref_slice %arg8[%dma_wait3A_798, %dma_wait3A_799] : memref<10240x128xf32, #tpu.memory_space<vmem_shared>> -> memref<10240x128xf32, #tpu.memory_space<vmem_shared>>
          tpu.wait_indirect_dma semaphore(%arg21 : memref<!tpu.dma_semaphore, #tpu.memory_space<semaphore_mem>>) src(%arg14 : memref<80x128xf32, #tpu.memory_space<vmem>>) dst(%dma_wait3A_800 : memref<10240x128xf32, #tpu.memory_space<vmem_shared>>)
          %dma_wait3A_801 = arith.constant 0 : i32
          %dma_wait3A_802 = arith.constant 0 : i32
          %dma_wait3A_803 = tpu.memref_slice %arg8[%dma_wait3A_801, %dma_wait3A_802] : memref<10240x128xf32, #tpu.memory_space<vmem_shared>> -> memref<10240x128xf32, #tpu.memory_space<vmem_shared>>
          tpu.wait_indirect_dma semaphore(%arg21 : memref<!tpu.dma_semaphore, #tpu.memory_space<semaphore_mem>>) src(%arg16 : memref<80x128xf32, #tpu.memory_space<vmem>>) dst(%dma_wait3A_803 : memref<10240x128xf32, #tpu.memory_space<vmem_shared>>)
        } else {
        }
        %add3A_734 = arith.constant 1 : i32
        %add3A_735 = arith.addi %add3A_711, %add3A_734 : i32
        %mul3A_736 = arith.constant 20000 : i32
        %mul3A_737 = arith.muli %arg1, %mul3A_736 : i32
        %mul3A_738 = arith.constant 80 : i32
        %mul3A_739 = arith.muli %add3A_735, %mul3A_738 : i32
        %add3A_740 = arith.addi %mul3A_737, %mul3A_739 : i32
        %multiple_of3A_741 = tpu.assume_multiple %add3A_740, 8 : i32
        %dma_start3A_742 = tpu.memref_slice %arg4[%multiple_of3A_741] : memref<320000xi32, #tpu.memory_space<hbm>> -> memref<80xi32, #tpu.memory_space<hbm>>
        %dma_start3A_743 = tpu.memref_slice %arg4[%multiple_of3A_741] : memref<320000xi32, #tpu.memory_space<hbm>> -> memref<80xi32, #tpu.memory_space<hbm>>
        tpu.enqueue_dma source(%dma_start3A_743 : memref<80xi32, #tpu.memory_space<hbm>>) target(%arg10 : memref<80xi32, #tpu.memory_space<vmem>>) target_semaphore(%arg19 : memref<!tpu.dma_semaphore, #tpu.memory_space<semaphore_mem>>)
        %dma_start3A_744 = tpu.memref_slice %arg5[%multiple_of3A_741] : memref<320000xi32, #tpu.memory_space<hbm>> -> memref<80xi32, #tpu.memory_space<hbm>>
        %dma_start3A_745 = tpu.memref_slice %arg5[%multiple_of3A_741] : memref<320000xi32, #tpu.memory_space<hbm>> -> memref<80xi32, #tpu.memory_space<hbm>>
        tpu.enqueue_dma source(%dma_start3A_745 : memref<80xi32, #tpu.memory_space<hbm>>) target(%arg12 : memref<80xi32, #tpu.memory_space<vmem>>) target_semaphore(%arg19 : memref<!tpu.dma_semaphore, #tpu.memory_space<semaphore_mem>>)
        %dma_start3A_746 = arith.constant 384 : i32
        %dma_start3A_747 = tpu.memref_slice %arg2[%multiple_of3A_741, %dma_start3A_746] : memref<320000x512xf32, #tpu.memory_space<hbm>> -> memref<80x128xf32, #tpu.memory_space<hbm>>
        %dma_start3A_748 = arith.constant 384 : i32
        %dma_start3A_749 = tpu.memref_slice %arg2[%multiple_of3A_741, %dma_start3A_748] : memref<320000x512xf32, #tpu.memory_space<hbm>> -> memref<80x128xf32, #tpu.memory_space<hbm>>
        tpu.enqueue_dma source(%dma_start3A_749 : memref<80x128xf32, #tpu.memory_space<hbm>>) target(%arg14 : memref<80x128xf32, #tpu.memory_space<vmem>>) target_semaphore(%arg19 : memref<!tpu.dma_semaphore, #tpu.memory_space<semaphore_mem>>)
        %dma_start3A_750 = arith.constant 384 : i32
        %dma_start3A_751 = tpu.memref_slice %arg3[%multiple_of3A_741, %dma_start3A_750] : memref<320000x512xf32, #tpu.memory_space<hbm>> -> memref<80x128xf32, #tpu.memory_space<hbm>>
        %dma_start3A_752 = arith.constant 384 : i32
        %dma_start3A_753 = tpu.memref_slice %arg3[%multiple_of3A_741, %dma_start3A_752] : memref<320000x512xf32, #tpu.memory_space<hbm>> -> memref<80x128xf32, #tpu.memory_space<hbm>>
        tpu.enqueue_dma source(%dma_start3A_753 : memref<80x128xf32, #tpu.memory_space<hbm>>) target(%arg16 : memref<80x128xf32, #tpu.memory_space<vmem>>) target_semaphore(%arg19 : memref<!tpu.dma_semaphore, #tpu.memory_space<semaphore_mem>>)
        %dma_start3A_754 = arith.constant 0 : i32
        %dma_start3A_755 = arith.constant 0 : i32
        %dma_start3A_756 = tpu.memref_slice %arg8[%dma_start3A_754, %dma_start3A_755] : memref<10240x128xf32, #tpu.memory_space<vmem_shared>> -> memref<10240x128xf32, #tpu.memory_space<vmem_shared>>
        tpu.enqueue_indirect_dma source(%arg13 : memref<80x128xf32, #tpu.memory_space<vmem>>) target(%dma_start3A_756 : memref<10240x128xf32, #tpu.memory_space<vmem_shared>>) offsets(%arg9 : memref<80xi32, #tpu.memory_space<vmem>>) semaphore(%arg20 : memref<!tpu.dma_semaphore, #tpu.memory_space<semaphore_mem>>) {add = true}
        %dma_start3A_757 = arith.constant 0 : i32
        %dma_start3A_758 = arith.constant 0 : i32
        %dma_start3A_759 = tpu.memref_slice %arg8[%dma_start3A_757, %dma_start3A_758] : memref<10240x128xf32, #tpu.memory_space<vmem_shared>> -> memref<10240x128xf32, #tpu.memory_space<vmem_shared>>
        tpu.enqueue_indirect_dma source(%arg15 : memref<80x128xf32, #tpu.memory_space<vmem>>) target(%dma_start3A_759 : memref<10240x128xf32, #tpu.memory_space<vmem_shared>>) offsets(%arg11 : memref<80xi32, #tpu.memory_space<vmem>>) semaphore(%arg20 : memref<!tpu.dma_semaphore, #tpu.memory_space<semaphore_mem>>) {add = true}
        %mul3A_760 = arith.constant 2 : i32
        %mul3A_761 = arith.muli %while3A_707, %mul3A_760 : i32
        %add3A_762 = arith.constant 1 : i32
        %add3A_763 = arith.addi %mul3A_761, %add3A_762 : i32
        %mul3A_764 = arith.constant 20000 : i32
        %mul3A_765 = arith.muli %arg1, %mul3A_764 : i32
        %mul3A_766 = arith.constant 80 : i32
        %mul3A_767 = arith.muli %add3A_763, %mul3A_766 : i32
        %add3A_768 = arith.addi %mul3A_765, %mul3A_767 : i32
        %multiple_of3A_769 = tpu.assume_multiple %add3A_768, 8 : i32
        %dma_wait3A_770 = tpu.memref_slice %arg4[%multiple_of3A_769] : memref<320000xi32, #tpu.memory_space<hbm>> -> memref<80xi32, #tpu.memory_space<hbm>>
        %dma_wait3A_771 = tpu.memref_slice %arg4[%multiple_of3A_769] : memref<320000xi32, #tpu.memory_space<hbm>> -> memref<80xi32, #tpu.memory_space<hbm>>
        tpu.wait_dma2 semaphore(%arg19 : memref<!tpu.dma_semaphore, #tpu.memory_space<semaphore_mem>>) src(%dma_wait3A_771 : memref<80xi32, #tpu.memory_space<hbm>>) dst(%arg10 : memref<80xi32, #tpu.memory_space<vmem>>)
        %dma_wait3A_772 = tpu.memref_slice %arg5[%multiple_of3A_769] : memref<320000xi32, #tpu.memory_space<hbm>> -> memref<80xi32, #tpu.memory_space<hbm>>
        %dma_wait3A_773 = tpu.memref_slice %arg5[%multiple_of3A_769] : memref<320000xi32, #tpu.memory_space<hbm>> -> memref<80xi32, #tpu.memory_space<hbm>>
        tpu.wait_dma2 semaphore(%arg19 : memref<!tpu.dma_semaphore, #tpu.memory_space<semaphore_mem>>) src(%dma_wait3A_773 : memref<80xi32, #tpu.memory_space<hbm>>) dst(%arg12 : memref<80xi32, #tpu.memory_space<vmem>>)
        %dma_wait3A_774 = arith.constant 384 : i32
        %dma_wait3A_775 = tpu.memref_slice %arg2[%multiple_of3A_769, %dma_wait3A_774] : memref<320000x512xf32, #tpu.memory_space<hbm>> -> memref<80x128xf32, #tpu.memory_space<hbm>>
        %dma_wait3A_776 = arith.constant 384 : i32
        %dma_wait3A_777 = tpu.memref_slice %arg2[%multiple_of3A_769, %dma_wait3A_776] : memref<320000x512xf32, #tpu.memory_space<hbm>> -> memref<80x128xf32, #tpu.memory_space<hbm>>
        tpu.wait_dma2 semaphore(%arg19 : memref<!tpu.dma_semaphore, #tpu.memory_space<semaphore_mem>>) src(%dma_wait3A_777 : memref<80x128xf32, #tpu.memory_space<hbm>>) dst(%arg14 : memref<80x128xf32, #tpu.memory_space<vmem>>)
        %dma_wait3A_778 = arith.constant 384 : i32
        %dma_wait3A_779 = tpu.memref_slice %arg3[%multiple_of3A_769, %dma_wait3A_778] : memref<320000x512xf32, #tpu.memory_space<hbm>> -> memref<80x128xf32, #tpu.memory_space<hbm>>
        %dma_wait3A_780 = arith.constant 384 : i32
        %dma_wait3A_781 = tpu.memref_slice %arg3[%multiple_of3A_769, %dma_wait3A_780] : memref<320000x512xf32, #tpu.memory_space<hbm>> -> memref<80x128xf32, #tpu.memory_space<hbm>>
        tpu.wait_dma2 semaphore(%arg19 : memref<!tpu.dma_semaphore, #tpu.memory_space<semaphore_mem>>) src(%dma_wait3A_781 : memref<80x128xf32, #tpu.memory_space<hbm>>) dst(%arg16 : memref<80x128xf32, #tpu.memory_space<vmem>>)
        %dma_wait3A_782 = arith.constant 0 : i32
        %dma_wait3A_783 = arith.constant 0 : i32
        %dma_wait3A_784 = tpu.memref_slice %arg8[%dma_wait3A_782, %dma_wait3A_783] : memref<10240x128xf32, #tpu.memory_space<vmem_shared>> -> memref<10240x128xf32, #tpu.memory_space<vmem_shared>>
        tpu.wait_indirect_dma semaphore(%arg20 : memref<!tpu.dma_semaphore, #tpu.memory_space<semaphore_mem>>) src(%arg13 : memref<80x128xf32, #tpu.memory_space<vmem>>) dst(%dma_wait3A_784 : memref<10240x128xf32, #tpu.memory_space<vmem_shared>>)
        %dma_wait3A_785 = arith.constant 0 : i32
        %dma_wait3A_786 = arith.constant 0 : i32
        %dma_wait3A_787 = tpu.memref_slice %arg8[%dma_wait3A_785, %dma_wait3A_786] : memref<10240x128xf32, #tpu.memory_space<vmem_shared>> -> memref<10240x128xf32, #tpu.memory_space<vmem_shared>>
        tpu.wait_indirect_dma semaphore(%arg20 : memref<!tpu.dma_semaphore, #tpu.memory_space<semaphore_mem>>) src(%arg15 : memref<80x128xf32, #tpu.memory_space<vmem>>) dst(%dma_wait3A_787 : memref<10240x128xf32, #tpu.memory_space<vmem_shared>>)
        %lt3A = arith.constant 124 : i32
        %lt3A_788 = arith.cmpi slt, %while3A_707, %lt3A : i32
        %convert_element_type3A_789 = arith.extui %lt3A_788 : i1 to i32
        %cond3A_790 = arith.constant 0 : i32
        %cond3A_791 = arith.cmpi ne, %convert_element_type3A_789, %cond3A_790 : i32
        scf.if %cond3A_791 {
          %add3A_798 = arith.constant 1 : i32
          %add3A_799 = arith.addi %add3A_763, %add3A_798 : i32
          %mul3A_800 = arith.constant 20000 : i32
          %mul3A_801 = arith.muli %arg1, %mul3A_800 : i32
          %mul3A_802 = arith.constant 80 : i32
          %mul3A_803 = arith.muli %add3A_799, %mul3A_802 : i32
          %add3A_804 = arith.addi %mul3A_801, %mul3A_803 : i32
          %multiple_of3A_805 = tpu.assume_multiple %add3A_804, 8 : i32
          %dma_start3A_806 = tpu.memref_slice %arg4[%multiple_of3A_805] : memref<320000xi32, #tpu.memory_space<hbm>> -> memref<80xi32, #tpu.memory_space<hbm>>
          %dma_start3A_807 = tpu.memref_slice %arg4[%multiple_of3A_805] : memref<320000xi32, #tpu.memory_space<hbm>> -> memref<80xi32, #tpu.memory_space<hbm>>
          tpu.enqueue_dma source(%dma_start3A_807 : memref<80xi32, #tpu.memory_space<hbm>>) target(%arg9 : memref<80xi32, #tpu.memory_space<vmem>>) target_semaphore(%arg18 : memref<!tpu.dma_semaphore, #tpu.memory_space<semaphore_mem>>)
          %dma_start3A_808 = tpu.memref_slice %arg5[%multiple_of3A_805] : memref<320000xi32, #tpu.memory_space<hbm>> -> memref<80xi32, #tpu.memory_space<hbm>>
          %dma_start3A_809 = tpu.memref_slice %arg5[%multiple_of3A_805] : memref<320000xi32, #tpu.memory_space<hbm>> -> memref<80xi32, #tpu.memory_space<hbm>>
          tpu.enqueue_dma source(%dma_start3A_809 : memref<80xi32, #tpu.memory_space<hbm>>) target(%arg11 : memref<80xi32, #tpu.memory_space<vmem>>) target_semaphore(%arg18 : memref<!tpu.dma_semaphore, #tpu.memory_space<semaphore_mem>>)
          %dma_start3A_810 = arith.constant 384 : i32
          %dma_start3A_811 = tpu.memref_slice %arg2[%multiple_of3A_805, %dma_start3A_810] : memref<320000x512xf32, #tpu.memory_space<hbm>> -> memref<80x128xf32, #tpu.memory_space<hbm>>
          %dma_start3A_812 = arith.constant 384 : i32
          %dma_start3A_813 = tpu.memref_slice %arg2[%multiple_of3A_805, %dma_start3A_812] : memref<320000x512xf32, #tpu.memory_space<hbm>> -> memref<80x128xf32, #tpu.memory_space<hbm>>
          tpu.enqueue_dma source(%dma_start3A_813 : memref<80x128xf32, #tpu.memory_space<hbm>>) target(%arg13 : memref<80x128xf32, #tpu.memory_space<vmem>>) target_semaphore(%arg18 : memref<!tpu.dma_semaphore, #tpu.memory_space<semaphore_mem>>)
          %dma_start3A_814 = arith.constant 384 : i32
          %dma_start3A_815 = tpu.memref_slice %arg3[%multiple_of3A_805, %dma_start3A_814] : memref<320000x512xf32, #tpu.memory_space<hbm>> -> memref<80x128xf32, #tpu.memory_space<hbm>>
          %dma_start3A_816 = arith.constant 384 : i32
          %dma_start3A_817 = tpu.memref_slice %arg3[%multiple_of3A_805, %dma_start3A_816] : memref<320000x512xf32, #tpu.memory_space<hbm>> -> memref<80x128xf32, #tpu.memory_space<hbm>>
          tpu.enqueue_dma source(%dma_start3A_817 : memref<80x128xf32, #tpu.memory_space<hbm>>) target(%arg15 : memref<80x128xf32, #tpu.memory_space<vmem>>) target_semaphore(%arg18 : memref<!tpu.dma_semaphore, #tpu.memory_space<semaphore_mem>>)
        } else {
        }
        %dma_start3A_792 = arith.constant 0 : i32
        %dma_start3A_793 = arith.constant 0 : i32
        %dma_start3A_794 = tpu.memref_slice %arg8[%dma_start3A_792, %dma_start3A_793] : memref<10240x128xf32, #tpu.memory_space<vmem_shared>> -> memref<10240x128xf32, #tpu.memory_space<vmem_shared>>
        tpu.enqueue_indirect_dma source(%arg14 : memref<80x128xf32, #tpu.memory_space<vmem>>) target(%dma_start3A_794 : memref<10240x128xf32, #tpu.memory_space<vmem_shared>>) offsets(%arg10 : memref<80xi32, #tpu.memory_space<vmem>>) semaphore(%arg21 : memref<!tpu.dma_semaphore, #tpu.memory_space<semaphore_mem>>) {add = true}
        %dma_start3A_795 = arith.constant 0 : i32
        %dma_start3A_796 = arith.constant 0 : i32
        %dma_start3A_797 = tpu.memref_slice %arg8[%dma_start3A_795, %dma_start3A_796] : memref<10240x128xf32, #tpu.memory_space<vmem_shared>> -> memref<10240x128xf32, #tpu.memory_space<vmem_shared>>
        tpu.enqueue_indirect_dma source(%arg16 : memref<80x128xf32, #tpu.memory_space<vmem>>) target(%dma_start3A_797 : memref<10240x128xf32, #tpu.memory_space<vmem_shared>>) offsets(%arg12 : memref<80xi32, #tpu.memory_space<vmem>>) semaphore(%arg21 : memref<!tpu.dma_semaphore, #tpu.memory_space<semaphore_mem>>) {add = true}
      }
      %dma_wait3A_466 = arith.constant 0 : i32
      %dma_wait3A_467 = arith.constant 0 : i32
      %dma_wait3A_468 = tpu.memref_slice %arg8[%dma_wait3A_466, %dma_wait3A_467] : memref<10240x128xf32, #tpu.memory_space<vmem_shared>> -> memref<10240x128xf32, #tpu.memory_space<vmem_shared>>
      tpu.wait_indirect_dma semaphore(%arg21 : memref<!tpu.dma_semaphore, #tpu.memory_space<semaphore_mem>>) src(%arg14 : memref<80x128xf32, #tpu.memory_space<vmem>>) dst(%dma_wait3A_468 : memref<10240x128xf32, #tpu.memory_space<vmem_shared>>)
      %dma_wait3A_469 = arith.constant 0 : i32
      %dma_wait3A_470 = arith.constant 0 : i32
      %dma_wait3A_471 = tpu.memref_slice %arg8[%dma_wait3A_469, %dma_wait3A_470] : memref<10240x128xf32, #tpu.memory_space<vmem_shared>> -> memref<10240x128xf32, #tpu.memory_space<vmem_shared>>
      tpu.wait_indirect_dma semaphore(%arg21 : memref<!tpu.dma_semaphore, #tpu.memory_space<semaphore_mem>>) src(%arg16 : memref<80x128xf32, #tpu.memory_space<vmem>>) dst(%dma_wait3A_471 : memref<10240x128xf32, #tpu.memory_space<vmem_shared>>)
      %barrier3A_472 = arith.constant 0 : index
      tpu.barrier barrier_id(%barrier3A_472)
      "tpu.region"() ({
        %run_scoped3A = tpu.sem_alloc : memref<!tpu.dma_semaphore, #tpu.memory_space<semaphore_mem>>
        %dma_start3A_707 = arith.constant 384 : i32
        %dma_start3A_708 = tpu.memref_slice %arg6[%mul3A_0, %dma_start3A_707] : memref<10240x512xf32, #tpu.memory_space<hbm>> -> memref<640x128xf32, #tpu.memory_space<hbm>>
        %dma_start3A_709 = arith.constant 0 : i32
        %dma_start3A_710 = tpu.memref_slice %arg8[%mul3A_0, %dma_start3A_709] : memref<10240x128xf32, #tpu.memory_space<vmem_shared>> -> memref<640x128xf32, #tpu.memory_space<vmem_shared>>
        tpu.enqueue_dma source(%dma_start3A_710 : memref<640x128xf32, #tpu.memory_space<vmem_shared>>) target(%dma_start3A_708 : memref<640x128xf32, #tpu.memory_space<hbm>>) target_semaphore(%run_scoped3A : memref<!tpu.dma_semaphore, #tpu.memory_space<semaphore_mem>>)
        %dma_wait3A_711 = arith.constant 384 : i32
        %dma_wait3A_712 = tpu.memref_slice %arg6[%mul3A_0, %dma_wait3A_711] : memref<10240x512xf32, #tpu.memory_space<hbm>> -> memref<640x128xf32, #tpu.memory_space<hbm>>
        %dma_wait3A_713 = arith.constant 0 : i32
        %dma_wait3A_714 = tpu.memref_slice %arg8[%mul3A_0, %dma_wait3A_713] : memref<10240x128xf32, #tpu.memory_space<vmem_shared>> -> memref<640x128xf32, #tpu.memory_space<vmem_shared>>
        tpu.wait_dma2 semaphore(%run_scoped3A : memref<!tpu.dma_semaphore, #tpu.memory_space<semaphore_mem>>) src(%dma_wait3A_714 : memref<640x128xf32, #tpu.memory_space<vmem_shared>>) dst(%dma_wait3A_712 : memref<640x128xf32, #tpu.memory_space<hbm>>)
        tpu.yield
      }) : () -> ()
      %add3A_473 = arith.constant 0 : i32
      %add3A_474 = arith.addi %mul3A_0, %add3A_473 : i32
      %dma_start3A_475 = arith.constant 0 : i32
      %dma_start3A_476 = tpu.memref_slice %arg8[%add3A_474, %dma_start3A_475] : memref<10240x128xf32, #tpu.memory_space<vmem_shared>> -> memref<40x128xf32, #tpu.memory_space<vmem_shared>>
      %dma_start3A_477 = arith.constant 0 : i32
      %dma_start3A_478 = tpu.memref_slice %arg8[%add3A_474, %dma_start3A_477] : memref<10240x128xf32, #tpu.memory_space<vmem_shared>> -> memref<40x128xf32, #tpu.memory_space<vmem_shared>>
      tpu.enqueue_dma source(%arg17 : memref<40x128xf32, #tpu.memory_space<vmem>>) target(%dma_start3A_478 : memref<40x128xf32, #tpu.memory_space<vmem_shared>>) target_semaphore(%arg22 : memref<!tpu.dma_semaphore, #tpu.memory_space<semaphore_mem>>)
      %add3A_479 = arith.constant 40 : i32
      %add3A_480 = arith.addi %mul3A_0, %add3A_479 : i32
      %dma_start3A_481 = arith.constant 0 : i32
      %dma_start3A_482 = tpu.memref_slice %arg8[%add3A_480, %dma_start3A_481] : memref<10240x128xf32, #tpu.memory_space<vmem_shared>> -> memref<40x128xf32, #tpu.memory_space<vmem_shared>>
      %dma_start3A_483 = arith.constant 0 : i32
      %dma_start3A_484 = tpu.memref_slice %arg8[%add3A_480, %dma_start3A_483] : memref<10240x128xf32, #tpu.memory_space<vmem_shared>> -> memref<40x128xf32, #tpu.memory_space<vmem_shared>>
      tpu.enqueue_dma source(%arg17 : memref<40x128xf32, #tpu.memory_space<vmem>>) target(%dma_start3A_484 : memref<40x128xf32, #tpu.memory_space<vmem_shared>>) target_semaphore(%arg22 : memref<!tpu.dma_semaphore, #tpu.memory_space<semaphore_mem>>)
      %add3A_485 = arith.constant 80 : i32
      %add3A_486 = arith.addi %mul3A_0, %add3A_485 : i32
      %dma_start3A_487 = arith.constant 0 : i32
      %dma_start3A_488 = tpu.memref_slice %arg8[%add3A_486, %dma_start3A_487] : memref<10240x128xf32, #tpu.memory_space<vmem_shared>> -> memref<40x128xf32, #tpu.memory_space<vmem_shared>>
      %dma_start3A_489 = arith.constant 0 : i32
      %dma_start3A_490 = tpu.memref_slice %arg8[%add3A_486, %dma_start3A_489] : memref<10240x128xf32, #tpu.memory_space<vmem_shared>> -> memref<40x128xf32, #tpu.memory_space<vmem_shared>>
      tpu.enqueue_dma source(%arg17 : memref<40x128xf32, #tpu.memory_space<vmem>>) target(%dma_start3A_490 : memref<40x128xf32, #tpu.memory_space<vmem_shared>>) target_semaphore(%arg22 : memref<!tpu.dma_semaphore, #tpu.memory_space<semaphore_mem>>)
      %add3A_491 = arith.constant 120 : i32
      %add3A_492 = arith.addi %mul3A_0, %add3A_491 : i32
      %dma_start3A_493 = arith.constant 0 : i32
      %dma_start3A_494 = tpu.memref_slice %arg8[%add3A_492, %dma_start3A_493] : memref<10240x128xf32, #tpu.memory_space<vmem_shared>> -> memref<40x128xf32, #tpu.memory_space<vmem_shared>>
      %dma_start3A_495 = arith.constant 0 : i32
      %dma_start3A_496 = tpu.memref_slice %arg8[%add3A_492, %dma_start3A_495] : memref<10240x128xf32, #tpu.memory_space<vmem_shared>> -> memref<40x128xf32, #tpu.memory_space<vmem_shared>>
      tpu.enqueue_dma source(%arg17 : memref<40x128xf32, #tpu.memory_space<vmem>>) target(%dma_start3A_496 : memref<40x128xf32, #tpu.memory_space<vmem_shared>>) target_semaphore(%arg22 : memref<!tpu.dma_semaphore, #tpu.memory_space<semaphore_mem>>)
      %add3A_497 = arith.constant 160 : i32
      %add3A_498 = arith.addi %mul3A_0, %add3A_497 : i32
      %dma_start3A_499 = arith.constant 0 : i32
      %dma_start3A_500 = tpu.memref_slice %arg8[%add3A_498, %dma_start3A_499] : memref<10240x128xf32, #tpu.memory_space<vmem_shared>> -> memref<40x128xf32, #tpu.memory_space<vmem_shared>>
      %dma_start3A_501 = arith.constant 0 : i32
      %dma_start3A_502 = tpu.memref_slice %arg8[%add3A_498, %dma_start3A_501] : memref<10240x128xf32, #tpu.memory_space<vmem_shared>> -> memref<40x128xf32, #tpu.memory_space<vmem_shared>>
      tpu.enqueue_dma source(%arg17 : memref<40x128xf32, #tpu.memory_space<vmem>>) target(%dma_start3A_502 : memref<40x128xf32, #tpu.memory_space<vmem_shared>>) target_semaphore(%arg22 : memref<!tpu.dma_semaphore, #tpu.memory_space<semaphore_mem>>)
      %add3A_503 = arith.constant 200 : i32
      %add3A_504 = arith.addi %mul3A_0, %add3A_503 : i32
      %dma_start3A_505 = arith.constant 0 : i32
      %dma_start3A_506 = tpu.memref_slice %arg8[%add3A_504, %dma_start3A_505] : memref<10240x128xf32, #tpu.memory_space<vmem_shared>> -> memref<40x128xf32, #tpu.memory_space<vmem_shared>>
      %dma_start3A_507 = arith.constant 0 : i32
      %dma_start3A_508 = tpu.memref_slice %arg8[%add3A_504, %dma_start3A_507] : memref<10240x128xf32, #tpu.memory_space<vmem_shared>> -> memref<40x128xf32, #tpu.memory_space<vmem_shared>>
      tpu.enqueue_dma source(%arg17 : memref<40x128xf32, #tpu.memory_space<vmem>>) target(%dma_start3A_508 : memref<40x128xf32, #tpu.memory_space<vmem_shared>>) target_semaphore(%arg22 : memref<!tpu.dma_semaphore, #tpu.memory_space<semaphore_mem>>)
      %add3A_509 = arith.constant 240 : i32
      %add3A_510 = arith.addi %mul3A_0, %add3A_509 : i32
      %dma_start3A_511 = arith.constant 0 : i32
      %dma_start3A_512 = tpu.memref_slice %arg8[%add3A_510, %dma_start3A_511] : memref<10240x128xf32, #tpu.memory_space<vmem_shared>> -> memref<40x128xf32, #tpu.memory_space<vmem_shared>>
      %dma_start3A_513 = arith.constant 0 : i32
      %dma_start3A_514 = tpu.memref_slice %arg8[%add3A_510, %dma_start3A_513] : memref<10240x128xf32, #tpu.memory_space<vmem_shared>> -> memref<40x128xf32, #tpu.memory_space<vmem_shared>>
      tpu.enqueue_dma source(%arg17 : memref<40x128xf32, #tpu.memory_space<vmem>>) target(%dma_start3A_514 : memref<40x128xf32, #tpu.memory_space<vmem_shared>>) target_semaphore(%arg22 : memref<!tpu.dma_semaphore, #tpu.memory_space<semaphore_mem>>)
      %add3A_515 = arith.constant 280 : i32
      %add3A_516 = arith.addi %mul3A_0, %add3A_515 : i32
      %dma_start3A_517 = arith.constant 0 : i32
      %dma_start3A_518 = tpu.memref_slice %arg8[%add3A_516, %dma_start3A_517] : memref<10240x128xf32, #tpu.memory_space<vmem_shared>> -> memref<40x128xf32, #tpu.memory_space<vmem_shared>>
      %dma_start3A_519 = arith.constant 0 : i32
      %dma_start3A_520 = tpu.memref_slice %arg8[%add3A_516, %dma_start3A_519] : memref<10240x128xf32, #tpu.memory_space<vmem_shared>> -> memref<40x128xf32, #tpu.memory_space<vmem_shared>>
      tpu.enqueue_dma source(%arg17 : memref<40x128xf32, #tpu.memory_space<vmem>>) target(%dma_start3A_520 : memref<40x128xf32, #tpu.memory_space<vmem_shared>>) target_semaphore(%arg22 : memref<!tpu.dma_semaphore, #tpu.memory_space<semaphore_mem>>)
      %add3A_521 = arith.constant 320 : i32
      %add3A_522 = arith.addi %mul3A_0, %add3A_521 : i32
      %dma_start3A_523 = arith.constant 0 : i32
      %dma_start3A_524 = tpu.memref_slice %arg8[%add3A_522, %dma_start3A_523] : memref<10240x128xf32, #tpu.memory_space<vmem_shared>> -> memref<40x128xf32, #tpu.memory_space<vmem_shared>>
      %dma_start3A_525 = arith.constant 0 : i32
      %dma_start3A_526 = tpu.memref_slice %arg8[%add3A_522, %dma_start3A_525] : memref<10240x128xf32, #tpu.memory_space<vmem_shared>> -> memref<40x128xf32, #tpu.memory_space<vmem_shared>>
      tpu.enqueue_dma source(%arg17 : memref<40x128xf32, #tpu.memory_space<vmem>>) target(%dma_start3A_526 : memref<40x128xf32, #tpu.memory_space<vmem_shared>>) target_semaphore(%arg22 : memref<!tpu.dma_semaphore, #tpu.memory_space<semaphore_mem>>)
      %add3A_527 = arith.constant 360 : i32
      %add3A_528 = arith.addi %mul3A_0, %add3A_527 : i32
      %dma_start3A_529 = arith.constant 0 : i32
      %dma_start3A_530 = tpu.memref_slice %arg8[%add3A_528, %dma_start3A_529] : memref<10240x128xf32, #tpu.memory_space<vmem_shared>> -> memref<40x128xf32, #tpu.memory_space<vmem_shared>>
      %dma_start3A_531 = arith.constant 0 : i32
      %dma_start3A_532 = tpu.memref_slice %arg8[%add3A_528, %dma_start3A_531] : memref<10240x128xf32, #tpu.memory_space<vmem_shared>> -> memref<40x128xf32, #tpu.memory_space<vmem_shared>>
      tpu.enqueue_dma source(%arg17 : memref<40x128xf32, #tpu.memory_space<vmem>>) target(%dma_start3A_532 : memref<40x128xf32, #tpu.memory_space<vmem_shared>>) target_semaphore(%arg22 : memref<!tpu.dma_semaphore, #tpu.memory_space<semaphore_mem>>)
      %add3A_533 = arith.constant 400 : i32
      %add3A_534 = arith.addi %mul3A_0, %add3A_533 : i32
      %dma_start3A_535 = arith.constant 0 : i32
      %dma_start3A_536 = tpu.memref_slice %arg8[%add3A_534, %dma_start3A_535] : memref<10240x128xf32, #tpu.memory_space<vmem_shared>> -> memref<40x128xf32, #tpu.memory_space<vmem_shared>>
      %dma_start3A_537 = arith.constant 0 : i32
      %dma_start3A_538 = tpu.memref_slice %arg8[%add3A_534, %dma_start3A_537] : memref<10240x128xf32, #tpu.memory_space<vmem_shared>> -> memref<40x128xf32, #tpu.memory_space<vmem_shared>>
      tpu.enqueue_dma source(%arg17 : memref<40x128xf32, #tpu.memory_space<vmem>>) target(%dma_start3A_538 : memref<40x128xf32, #tpu.memory_space<vmem_shared>>) target_semaphore(%arg22 : memref<!tpu.dma_semaphore, #tpu.memory_space<semaphore_mem>>)
      %add3A_539 = arith.constant 440 : i32
      %add3A_540 = arith.addi %mul3A_0, %add3A_539 : i32
      %dma_start3A_541 = arith.constant 0 : i32
      %dma_start3A_542 = tpu.memref_slice %arg8[%add3A_540, %dma_start3A_541] : memref<10240x128xf32, #tpu.memory_space<vmem_shared>> -> memref<40x128xf32, #tpu.memory_space<vmem_shared>>
      %dma_start3A_543 = arith.constant 0 : i32
      %dma_start3A_544 = tpu.memref_slice %arg8[%add3A_540, %dma_start3A_543] : memref<10240x128xf32, #tpu.memory_space<vmem_shared>> -> memref<40x128xf32, #tpu.memory_space<vmem_shared>>
      tpu.enqueue_dma source(%arg17 : memref<40x128xf32, #tpu.memory_space<vmem>>) target(%dma_start3A_544 : memref<40x128xf32, #tpu.memory_space<vmem_shared>>) target_semaphore(%arg22 : memref<!tpu.dma_semaphore, #tpu.memory_space<semaphore_mem>>)
      %add3A_545 = arith.constant 480 : i32
      %add3A_546 = arith.addi %mul3A_0, %add3A_545 : i32
      %dma_start3A_547 = arith.constant 0 : i32
      %dma_start3A_548 = tpu.memref_slice %arg8[%add3A_546, %dma_start3A_547] : memref<10240x128xf32, #tpu.memory_space<vmem_shared>> -> memref<40x128xf32, #tpu.memory_space<vmem_shared>>
      %dma_start3A_549 = arith.constant 0 : i32
      %dma_start3A_550 = tpu.memref_slice %arg8[%add3A_546, %dma_start3A_549] : memref<10240x128xf32, #tpu.memory_space<vmem_shared>> -> memref<40x128xf32, #tpu.memory_space<vmem_shared>>
      tpu.enqueue_dma source(%arg17 : memref<40x128xf32, #tpu.memory_space<vmem>>) target(%dma_start3A_550 : memref<40x128xf32, #tpu.memory_space<vmem_shared>>) target_semaphore(%arg22 : memref<!tpu.dma_semaphore, #tpu.memory_space<semaphore_mem>>)
      %add3A_551 = arith.constant 520 : i32
      %add3A_552 = arith.addi %mul3A_0, %add3A_551 : i32
      %dma_start3A_553 = arith.constant 0 : i32
      %dma_start3A_554 = tpu.memref_slice %arg8[%add3A_552, %dma_start3A_553] : memref<10240x128xf32, #tpu.memory_space<vmem_shared>> -> memref<40x128xf32, #tpu.memory_space<vmem_shared>>
      %dma_start3A_555 = arith.constant 0 : i32
      %dma_start3A_556 = tpu.memref_slice %arg8[%add3A_552, %dma_start3A_555] : memref<10240x128xf32, #tpu.memory_space<vmem_shared>> -> memref<40x128xf32, #tpu.memory_space<vmem_shared>>
      tpu.enqueue_dma source(%arg17 : memref<40x128xf32, #tpu.memory_space<vmem>>) target(%dma_start3A_556 : memref<40x128xf32, #tpu.memory_space<vmem_shared>>) target_semaphore(%arg22 : memref<!tpu.dma_semaphore, #tpu.memory_space<semaphore_mem>>)
      %add3A_557 = arith.constant 560 : i32
      %add3A_558 = arith.addi %mul3A_0, %add3A_557 : i32
      %dma_start3A_559 = arith.constant 0 : i32
      %dma_start3A_560 = tpu.memref_slice %arg8[%add3A_558, %dma_start3A_559] : memref<10240x128xf32, #tpu.memory_space<vmem_shared>> -> memref<40x128xf32, #tpu.memory_space<vmem_shared>>
      %dma_start3A_561 = arith.constant 0 : i32
      %dma_start3A_562 = tpu.memref_slice %arg8[%add3A_558, %dma_start3A_561] : memref<10240x128xf32, #tpu.memory_space<vmem_shared>> -> memref<40x128xf32, #tpu.memory_space<vmem_shared>>
      tpu.enqueue_dma source(%arg17 : memref<40x128xf32, #tpu.memory_space<vmem>>) target(%dma_start3A_562 : memref<40x128xf32, #tpu.memory_space<vmem_shared>>) target_semaphore(%arg22 : memref<!tpu.dma_semaphore, #tpu.memory_space<semaphore_mem>>)
      %add3A_563 = arith.constant 600 : i32
      %add3A_564 = arith.addi %mul3A_0, %add3A_563 : i32
      %dma_start3A_565 = arith.constant 0 : i32
      %dma_start3A_566 = tpu.memref_slice %arg8[%add3A_564, %dma_start3A_565] : memref<10240x128xf32, #tpu.memory_space<vmem_shared>> -> memref<40x128xf32, #tpu.memory_space<vmem_shared>>
      %dma_start3A_567 = arith.constant 0 : i32
      %dma_start3A_568 = tpu.memref_slice %arg8[%add3A_564, %dma_start3A_567] : memref<10240x128xf32, #tpu.memory_space<vmem_shared>> -> memref<40x128xf32, #tpu.memory_space<vmem_shared>>
      tpu.enqueue_dma source(%arg17 : memref<40x128xf32, #tpu.memory_space<vmem>>) target(%dma_start3A_568 : memref<40x128xf32, #tpu.memory_space<vmem_shared>>) target_semaphore(%arg22 : memref<!tpu.dma_semaphore, #tpu.memory_space<semaphore_mem>>)
      %add3A_569 = arith.constant 0 : i32
      %add3A_570 = arith.addi %mul3A_0, %add3A_569 : i32
      %dma_wait3A_571 = arith.constant 0 : i32
      %dma_wait3A_572 = tpu.memref_slice %arg8[%add3A_570, %dma_wait3A_571] : memref<10240x128xf32, #tpu.memory_space<vmem_shared>> -> memref<40x128xf32, #tpu.memory_space<vmem_shared>>
      %dma_wait3A_573 = arith.constant 0 : i32
      %dma_wait3A_574 = tpu.memref_slice %arg8[%add3A_570, %dma_wait3A_573] : memref<10240x128xf32, #tpu.memory_space<vmem_shared>> -> memref<40x128xf32, #tpu.memory_space<vmem_shared>>
      tpu.wait_dma2 semaphore(%arg22 : memref<!tpu.dma_semaphore, #tpu.memory_space<semaphore_mem>>) src(%arg17 : memref<40x128xf32, #tpu.memory_space<vmem>>) dst(%dma_wait3A_574 : memref<40x128xf32, #tpu.memory_space<vmem_shared>>)
      %add3A_575 = arith.constant 40 : i32
      %add3A_576 = arith.addi %mul3A_0, %add3A_575 : i32
      %dma_wait3A_577 = arith.constant 0 : i32
      %dma_wait3A_578 = tpu.memref_slice %arg8[%add3A_576, %dma_wait3A_577] : memref<10240x128xf32, #tpu.memory_space<vmem_shared>> -> memref<40x128xf32, #tpu.memory_space<vmem_shared>>
      %dma_wait3A_579 = arith.constant 0 : i32
      %dma_wait3A_580 = tpu.memref_slice %arg8[%add3A_576, %dma_wait3A_579] : memref<10240x128xf32, #tpu.memory_space<vmem_shared>> -> memref<40x128xf32, #tpu.memory_space<vmem_shared>>
      tpu.wait_dma2 semaphore(%arg22 : memref<!tpu.dma_semaphore, #tpu.memory_space<semaphore_mem>>) src(%arg17 : memref<40x128xf32, #tpu.memory_space<vmem>>) dst(%dma_wait3A_580 : memref<40x128xf32, #tpu.memory_space<vmem_shared>>)
      %add3A_581 = arith.constant 80 : i32
      %add3A_582 = arith.addi %mul3A_0, %add3A_581 : i32
      %dma_wait3A_583 = arith.constant 0 : i32
      %dma_wait3A_584 = tpu.memref_slice %arg8[%add3A_582, %dma_wait3A_583] : memref<10240x128xf32, #tpu.memory_space<vmem_shared>> -> memref<40x128xf32, #tpu.memory_space<vmem_shared>>
      %dma_wait3A_585 = arith.constant 0 : i32
      %dma_wait3A_586 = tpu.memref_slice %arg8[%add3A_582, %dma_wait3A_585] : memref<10240x128xf32, #tpu.memory_space<vmem_shared>> -> memref<40x128xf32, #tpu.memory_space<vmem_shared>>
      tpu.wait_dma2 semaphore(%arg22 : memref<!tpu.dma_semaphore, #tpu.memory_space<semaphore_mem>>) src(%arg17 : memref<40x128xf32, #tpu.memory_space<vmem>>) dst(%dma_wait3A_586 : memref<40x128xf32, #tpu.memory_space<vmem_shared>>)
      %add3A_587 = arith.constant 120 : i32
      %add3A_588 = arith.addi %mul3A_0, %add3A_587 : i32
      %dma_wait3A_589 = arith.constant 0 : i32
      %dma_wait3A_590 = tpu.memref_slice %arg8[%add3A_588, %dma_wait3A_589] : memref<10240x128xf32, #tpu.memory_space<vmem_shared>> -> memref<40x128xf32, #tpu.memory_space<vmem_shared>>
      %dma_wait3A_591 = arith.constant 0 : i32
      %dma_wait3A_592 = tpu.memref_slice %arg8[%add3A_588, %dma_wait3A_591] : memref<10240x128xf32, #tpu.memory_space<vmem_shared>> -> memref<40x128xf32, #tpu.memory_space<vmem_shared>>
      tpu.wait_dma2 semaphore(%arg22 : memref<!tpu.dma_semaphore, #tpu.memory_space<semaphore_mem>>) src(%arg17 : memref<40x128xf32, #tpu.memory_space<vmem>>) dst(%dma_wait3A_592 : memref<40x128xf32, #tpu.memory_space<vmem_shared>>)
      %add3A_593 = arith.constant 160 : i32
      %add3A_594 = arith.addi %mul3A_0, %add3A_593 : i32
      %dma_wait3A_595 = arith.constant 0 : i32
      %dma_wait3A_596 = tpu.memref_slice %arg8[%add3A_594, %dma_wait3A_595] : memref<10240x128xf32, #tpu.memory_space<vmem_shared>> -> memref<40x128xf32, #tpu.memory_space<vmem_shared>>
      %dma_wait3A_597 = arith.constant 0 : i32
      %dma_wait3A_598 = tpu.memref_slice %arg8[%add3A_594, %dma_wait3A_597] : memref<10240x128xf32, #tpu.memory_space<vmem_shared>> -> memref<40x128xf32, #tpu.memory_space<vmem_shared>>
      tpu.wait_dma2 semaphore(%arg22 : memref<!tpu.dma_semaphore, #tpu.memory_space<semaphore_mem>>) src(%arg17 : memref<40x128xf32, #tpu.memory_space<vmem>>) dst(%dma_wait3A_598 : memref<40x128xf32, #tpu.memory_space<vmem_shared>>)
      %add3A_599 = arith.constant 200 : i32
      %add3A_600 = arith.addi %mul3A_0, %add3A_599 : i32
      %dma_wait3A_601 = arith.constant 0 : i32
      %dma_wait3A_602 = tpu.memref_slice %arg8[%add3A_600, %dma_wait3A_601] : memref<10240x128xf32, #tpu.memory_space<vmem_shared>> -> memref<40x128xf32, #tpu.memory_space<vmem_shared>>
      %dma_wait3A_603 = arith.constant 0 : i32
      %dma_wait3A_604 = tpu.memref_slice %arg8[%add3A_600, %dma_wait3A_603] : memref<10240x128xf32, #tpu.memory_space<vmem_shared>> -> memref<40x128xf32, #tpu.memory_space<vmem_shared>>
      tpu.wait_dma2 semaphore(%arg22 : memref<!tpu.dma_semaphore, #tpu.memory_space<semaphore_mem>>) src(%arg17 : memref<40x128xf32, #tpu.memory_space<vmem>>) dst(%dma_wait3A_604 : memref<40x128xf32, #tpu.memory_space<vmem_shared>>)
      %add3A_605 = arith.constant 240 : i32
      %add3A_606 = arith.addi %mul3A_0, %add3A_605 : i32
      %dma_wait3A_607 = arith.constant 0 : i32
      %dma_wait3A_608 = tpu.memref_slice %arg8[%add3A_606, %dma_wait3A_607] : memref<10240x128xf32, #tpu.memory_space<vmem_shared>> -> memref<40x128xf32, #tpu.memory_space<vmem_shared>>
      %dma_wait3A_609 = arith.constant 0 : i32
      %dma_wait3A_610 = tpu.memref_slice %arg8[%add3A_606, %dma_wait3A_609] : memref<10240x128xf32, #tpu.memory_space<vmem_shared>> -> memref<40x128xf32, #tpu.memory_space<vmem_shared>>
      tpu.wait_dma2 semaphore(%arg22 : memref<!tpu.dma_semaphore, #tpu.memory_space<semaphore_mem>>) src(%arg17 : memref<40x128xf32, #tpu.memory_space<vmem>>) dst(%dma_wait3A_610 : memref<40x128xf32, #tpu.memory_space<vmem_shared>>)
      %add3A_611 = arith.constant 280 : i32
      %add3A_612 = arith.addi %mul3A_0, %add3A_611 : i32
      %dma_wait3A_613 = arith.constant 0 : i32
      %dma_wait3A_614 = tpu.memref_slice %arg8[%add3A_612, %dma_wait3A_613] : memref<10240x128xf32, #tpu.memory_space<vmem_shared>> -> memref<40x128xf32, #tpu.memory_space<vmem_shared>>
      %dma_wait3A_615 = arith.constant 0 : i32
      %dma_wait3A_616 = tpu.memref_slice %arg8[%add3A_612, %dma_wait3A_615] : memref<10240x128xf32, #tpu.memory_space<vmem_shared>> -> memref<40x128xf32, #tpu.memory_space<vmem_shared>>
      tpu.wait_dma2 semaphore(%arg22 : memref<!tpu.dma_semaphore, #tpu.memory_space<semaphore_mem>>) src(%arg17 : memref<40x128xf32, #tpu.memory_space<vmem>>) dst(%dma_wait3A_616 : memref<40x128xf32, #tpu.memory_space<vmem_shared>>)
      %add3A_617 = arith.constant 320 : i32
      %add3A_618 = arith.addi %mul3A_0, %add3A_617 : i32
      %dma_wait3A_619 = arith.constant 0 : i32
      %dma_wait3A_620 = tpu.memref_slice %arg8[%add3A_618, %dma_wait3A_619] : memref<10240x128xf32, #tpu.memory_space<vmem_shared>> -> memref<40x128xf32, #tpu.memory_space<vmem_shared>>
      %dma_wait3A_621 = arith.constant 0 : i32
      %dma_wait3A_622 = tpu.memref_slice %arg8[%add3A_618, %dma_wait3A_621] : memref<10240x128xf32, #tpu.memory_space<vmem_shared>> -> memref<40x128xf32, #tpu.memory_space<vmem_shared>>
      tpu.wait_dma2 semaphore(%arg22 : memref<!tpu.dma_semaphore, #tpu.memory_space<semaphore_mem>>) src(%arg17 : memref<40x128xf32, #tpu.memory_space<vmem>>) dst(%dma_wait3A_622 : memref<40x128xf32, #tpu.memory_space<vmem_shared>>)
      %add3A_623 = arith.constant 360 : i32
      %add3A_624 = arith.addi %mul3A_0, %add3A_623 : i32
      %dma_wait3A_625 = arith.constant 0 : i32
      %dma_wait3A_626 = tpu.memref_slice %arg8[%add3A_624, %dma_wait3A_625] : memref<10240x128xf32, #tpu.memory_space<vmem_shared>> -> memref<40x128xf32, #tpu.memory_space<vmem_shared>>
      %dma_wait3A_627 = arith.constant 0 : i32
      %dma_wait3A_628 = tpu.memref_slice %arg8[%add3A_624, %dma_wait3A_627] : memref<10240x128xf32, #tpu.memory_space<vmem_shared>> -> memref<40x128xf32, #tpu.memory_space<vmem_shared>>
      tpu.wait_dma2 semaphore(%arg22 : memref<!tpu.dma_semaphore, #tpu.memory_space<semaphore_mem>>) src(%arg17 : memref<40x128xf32, #tpu.memory_space<vmem>>) dst(%dma_wait3A_628 : memref<40x128xf32, #tpu.memory_space<vmem_shared>>)
      %add3A_629 = arith.constant 400 : i32
      %add3A_630 = arith.addi %mul3A_0, %add3A_629 : i32
      %dma_wait3A_631 = arith.constant 0 : i32
      %dma_wait3A_632 = tpu.memref_slice %arg8[%add3A_630, %dma_wait3A_631] : memref<10240x128xf32, #tpu.memory_space<vmem_shared>> -> memref<40x128xf32, #tpu.memory_space<vmem_shared>>
      %dma_wait3A_633 = arith.constant 0 : i32
      %dma_wait3A_634 = tpu.memref_slice %arg8[%add3A_630, %dma_wait3A_633] : memref<10240x128xf32, #tpu.memory_space<vmem_shared>> -> memref<40x128xf32, #tpu.memory_space<vmem_shared>>
      tpu.wait_dma2 semaphore(%arg22 : memref<!tpu.dma_semaphore, #tpu.memory_space<semaphore_mem>>) src(%arg17 : memref<40x128xf32, #tpu.memory_space<vmem>>) dst(%dma_wait3A_634 : memref<40x128xf32, #tpu.memory_space<vmem_shared>>)
      %add3A_635 = arith.constant 440 : i32
      %add3A_636 = arith.addi %mul3A_0, %add3A_635 : i32
      %dma_wait3A_637 = arith.constant 0 : i32
      %dma_wait3A_638 = tpu.memref_slice %arg8[%add3A_636, %dma_wait3A_637] : memref<10240x128xf32, #tpu.memory_space<vmem_shared>> -> memref<40x128xf32, #tpu.memory_space<vmem_shared>>
      %dma_wait3A_639 = arith.constant 0 : i32
      %dma_wait3A_640 = tpu.memref_slice %arg8[%add3A_636, %dma_wait3A_639] : memref<10240x128xf32, #tpu.memory_space<vmem_shared>> -> memref<40x128xf32, #tpu.memory_space<vmem_shared>>
      tpu.wait_dma2 semaphore(%arg22 : memref<!tpu.dma_semaphore, #tpu.memory_space<semaphore_mem>>) src(%arg17 : memref<40x128xf32, #tpu.memory_space<vmem>>) dst(%dma_wait3A_640 : memref<40x128xf32, #tpu.memory_space<vmem_shared>>)
      %add3A_641 = arith.constant 480 : i32
      %add3A_642 = arith.addi %mul3A_0, %add3A_641 : i32
      %dma_wait3A_643 = arith.constant 0 : i32
      %dma_wait3A_644 = tpu.memref_slice %arg8[%add3A_642, %dma_wait3A_643] : memref<10240x128xf32, #tpu.memory_space<vmem_shared>> -> memref<40x128xf32, #tpu.memory_space<vmem_shared>>
      %dma_wait3A_645 = arith.constant 0 : i32
      %dma_wait3A_646 = tpu.memref_slice %arg8[%add3A_642, %dma_wait3A_645] : memref<10240x128xf32, #tpu.memory_space<vmem_shared>> -> memref<40x128xf32, #tpu.memory_space<vmem_shared>>
      tpu.wait_dma2 semaphore(%arg22 : memref<!tpu.dma_semaphore, #tpu.memory_space<semaphore_mem>>) src(%arg17 : memref<40x128xf32, #tpu.memory_space<vmem>>) dst(%dma_wait3A_646 : memref<40x128xf32, #tpu.memory_space<vmem_shared>>)
      %add3A_647 = arith.constant 520 : i32
      %add3A_648 = arith.addi %mul3A_0, %add3A_647 : i32
      %dma_wait3A_649 = arith.constant 0 : i32
      %dma_wait3A_650 = tpu.memref_slice %arg8[%add3A_648, %dma_wait3A_649] : memref<10240x128xf32, #tpu.memory_space<vmem_shared>> -> memref<40x128xf32, #tpu.memory_space<vmem_shared>>
      %dma_wait3A_651 = arith.constant 0 : i32
      %dma_wait3A_652 = tpu.memref_slice %arg8[%add3A_648, %dma_wait3A_651] : memref<10240x128xf32, #tpu.memory_space<vmem_shared>> -> memref<40x128xf32, #tpu.memory_space<vmem_shared>>
      tpu.wait_dma2 semaphore(%arg22 : memref<!tpu.dma_semaphore, #tpu.memory_space<semaphore_mem>>) src(%arg17 : memref<40x128xf32, #tpu.memory_space<vmem>>) dst(%dma_wait3A_652 : memref<40x128xf32, #tpu.memory_space<vmem_shared>>)
      %add3A_653 = arith.constant 560 : i32
      %add3A_654 = arith.addi %mul3A_0, %add3A_653 : i32
      %dma_wait3A_655 = arith.constant 0 : i32
      %dma_wait3A_656 = tpu.memref_slice %arg8[%add3A_654, %dma_wait3A_655] : memref<10240x128xf32, #tpu.memory_space<vmem_shared>> -> memref<40x128xf32, #tpu.memory_space<vmem_shared>>
      %dma_wait3A_657 = arith.constant 0 : i32
      %dma_wait3A_658 = tpu.memref_slice %arg8[%add3A_654, %dma_wait3A_657] : memref<10240x128xf32, #tpu.memory_space<vmem_shared>> -> memref<40x128xf32, #tpu.memory_space<vmem_shared>>
      tpu.wait_dma2 semaphore(%arg22 : memref<!tpu.dma_semaphore, #tpu.memory_space<semaphore_mem>>) src(%arg17 : memref<40x128xf32, #tpu.memory_space<vmem>>) dst(%dma_wait3A_658 : memref<40x128xf32, #tpu.memory_space<vmem_shared>>)
      %add3A_659 = arith.constant 600 : i32
      %add3A_660 = arith.addi %mul3A_0, %add3A_659 : i32
      %dma_wait3A_661 = arith.constant 0 : i32
      %dma_wait3A_662 = tpu.memref_slice %arg8[%add3A_660, %dma_wait3A_661] : memref<10240x128xf32, #tpu.memory_space<vmem_shared>> -> memref<40x128xf32, #tpu.memory_space<vmem_shared>>
      %dma_wait3A_663 = arith.constant 0 : i32
      %dma_wait3A_664 = tpu.memref_slice %arg8[%add3A_660, %dma_wait3A_663] : memref<10240x128xf32, #tpu.memory_space<vmem_shared>> -> memref<40x128xf32, #tpu.memory_space<vmem_shared>>
      tpu.wait_dma2 semaphore(%arg22 : memref<!tpu.dma_semaphore, #tpu.memory_space<semaphore_mem>>) src(%arg17 : memref<40x128xf32, #tpu.memory_space<vmem>>) dst(%dma_wait3A_664 : memref<40x128xf32, #tpu.memory_space<vmem_shared>>)
      %barrier3A_665 = arith.constant 0 : index
      tpu.barrier barrier_id(%barrier3A_665)
      %while3A_666 = arith.constant 0 : i32
      %while3A_667 = arith.constant 0 : i32
      %while3A_668 = arith.constant 640 : i32
      %while3A_669 = arith.subi %while3A_668, %while3A_667 : i32
      %while3A_670 = arith.addi %while3A_667, %while3A_669 : i32
      %while3A_671 = arith.constant 1 : i32
      %while3A_672 = arith.divsi %while3A_669, %while3A_671 : i32
      %while3A_673 = arith.muli %while3A_672, %while3A_671 : i32
      %while3A_674 = arith.addi %while3A_667, %while3A_673 : i32
      %while3A_675 = arith.constant 1 : i32
      scf.for %while3A_707 = %while3A_667 to %while3A_674 step %while3A_675  : i32 {
        %jit3A = arith.constant 8 : i32
        %div3A = arith.divsi %while3A_707, %jit3A : i32
        %sign3A = arith.constant 0 : i32
        %sign3A_708 = arith.cmpi sgt, %while3A_707, %sign3A : i32
        %sign3A_709 = arith.extui %sign3A_708 : i1 to i32
        %sign3A_710 = arith.constant 0 : i32
        %sign3A_711 = arith.cmpi slt, %while3A_707, %sign3A_710 : i32
        %sign3A_712 = arith.extui %sign3A_711 : i1 to i32
        %sign3A_713 = arith.subi %sign3A_709, %sign3A_712 : i32
        %sign3A_714 = arith.constant 0 : i32
        %sign3A_715 = arith.cmpi sgt, %jit3A, %sign3A_714 : i32
        %sign3A_716 = arith.extui %sign3A_715 : i1 to i32
        %sign3A_717 = arith.constant 0 : i32
        %sign3A_718 = arith.cmpi slt, %jit3A, %sign3A_717 : i32
        %sign3A_719 = arith.extui %sign3A_718 : i1 to i32
        %sign3A_720 = arith.subi %sign3A_716, %sign3A_719 : i32
        %ne3A = arith.cmpi ne, %sign3A_713, %sign3A_720 : i32
        %rem3A = arith.remsi %while3A_707, %jit3A : i32
        %ne3A_721 = arith.constant 0 : i32
        %ne3A_722 = arith.cmpi ne, %rem3A, %ne3A_721 : i32
        %and3A = arith.andi %ne3A, %ne3A_722 : i1
        %sub3A = arith.constant 1 : i32
        %sub3A_723 = arith.subi %div3A, %sub3A : i32
        %select_n3A = arith.select %and3A, %sub3A_723, %div3A : i32
        %jit3A_724 = arith.constant 8 : i32
        %eq3A_725 = arith.constant 0 : i32
        %eq3A_726 = arith.cmpi eq, %jit3A_724, %eq3A_725 : i32
        %jit3A_727 = arith.constant 1 : i32
        %select_n3A_728 = arith.select %eq3A_726, %jit3A_727, %jit3A_724 : i32
        %rem3A_729 = arith.remsi %while3A_707, %select_n3A_728 : i32
        %ne3A_730 = arith.constant 0 : i32
        %ne3A_731 = arith.cmpi ne, %rem3A_729, %ne3A_730 : i32
        %lt3A = arith.constant 0 : i32
        %lt3A_732 = arith.cmpi slt, %rem3A_729, %lt3A : i32
        %lt3A_733 = arith.constant 0 : i32
        %lt3A_734 = arith.cmpi slt, %select_n3A_728, %lt3A_733 : i32
        %ne3A_735 = arith.xori %lt3A_732, %lt3A_734 : i1
        %and3A_736 = arith.andi %ne3A_735, %ne3A_731 : i1
        %add3A_737 = arith.addi %rem3A_729, %select_n3A_728 : i32
        %select_n3A_738 = arith.select %and3A_736, %add3A_737, %rem3A_729 : i32
        %broadcast_in_dim3A = arith.constant 1.000000e+00 : f32
        %broadcast_in_dim3A_739 = vector.broadcast %broadcast_in_dim3A : f32 to vector<16xf32>
        %mul3A_740 = arith.constant 16 : i32
        %mul3A_741 = arith.muli %select_n3A_738, %mul3A_740 : i32
        %swap3A = arith.index_cast %select_n3A : i32 to index
        %swap3A_742 = arith.index_cast %mul3A_741 : i32 to index
        %swap3A_743 = tpu.vector_load %arg13[%swap3A, %swap3A_742] {strides = array<i32>} : memref<80x128xf32, #tpu.memory_space<vmem>>, vector<1x16xf32>,
        %swap3A_744 = vector.shape_cast %swap3A_743 : vector<1x16xf32> to vector<16xf32>
        %swap3A_745 = vector.shape_cast %broadcast_in_dim3A_739 : vector<16xf32> to vector<1x16xf32>
        tpu.vector_store %arg13[%swap3A, %swap3A_742], %swap3A_745 {strides = array<i32>} : memref<80x128xf32, #tpu.memory_space<vmem>>, vector<1x16xf32>,
        %mul3A_746 = arith.constant 16 : i32
        %mul3A_747 = arith.muli %select_n3A_738, %mul3A_746 : i32
        %swap3A_748 = arith.index_cast %select_n3A : i32 to index
        %swap3A_749 = arith.index_cast %mul3A_747 : i32 to index
        %swap3A_750 = tpu.vector_load %arg14[%swap3A_748, %swap3A_749] {strides = array<i32>} : memref<80x128xf32, #tpu.memory_space<vmem>>, vector<1x16xf32>,
        %swap3A_751 = vector.shape_cast %swap3A_750 : vector<1x16xf32> to vector<16xf32>
        %swap3A_752 = vector.shape_cast %broadcast_in_dim3A_739 : vector<16xf32> to vector<1x16xf32>
        tpu.vector_store %arg14[%swap3A_748, %swap3A_749], %swap3A_752 {strides = array<i32>} : memref<80x128xf32, #tpu.memory_space<vmem>>, vector<1x16xf32>,
        %mul3A_753 = arith.constant 16 : i32
        %mul3A_754 = arith.muli %select_n3A_738, %mul3A_753 : i32
        %swap3A_755 = arith.index_cast %select_n3A : i32 to index
        %swap3A_756 = arith.index_cast %mul3A_754 : i32 to index
        %swap3A_757 = tpu.vector_load %arg15[%swap3A_755, %swap3A_756] {strides = array<i32>} : memref<80x128xf32, #tpu.memory_space<vmem>>, vector<1x16xf32>,
        %swap3A_758 = vector.shape_cast %swap3A_757 : vector<1x16xf32> to vector<16xf32>
        %swap3A_759 = vector.shape_cast %broadcast_in_dim3A_739 : vector<16xf32> to vector<1x16xf32>
        tpu.vector_store %arg15[%swap3A_755, %swap3A_756], %swap3A_759 {strides = array<i32>} : memref<80x128xf32, #tpu.memory_space<vmem>>, vector<1x16xf32>,
        %mul3A_760 = arith.constant 16 : i32
        %mul3A_761 = arith.muli %select_n3A_738, %mul3A_760 : i32
        %swap3A_762 = arith.index_cast %select_n3A : i32 to index
        %swap3A_763 = arith.index_cast %mul3A_761 : i32 to index
        %swap3A_764 = tpu.vector_load %arg16[%swap3A_762, %swap3A_763] {strides = array<i32>} : memref<80x128xf32, #tpu.memory_space<vmem>>, vector<1x16xf32>,
        %swap3A_765 = vector.shape_cast %swap3A_764 : vector<1x16xf32> to vector<16xf32>
        %swap3A_766 = vector.shape_cast %broadcast_in_dim3A_739 : vector<16xf32> to vector<1x16xf32>
        tpu.vector_store %arg16[%swap3A_762, %swap3A_763], %swap3A_766 {strides = array<i32>} : memref<80x128xf32, #tpu.memory_space<vmem>>, vector<1x16xf32>,
      }
      %while3A_676 = arith.constant 1 : i32
      scf.for %while3A_707 = %while3A_674 to %while3A_670 step %while3A_676  : i32 {
        %jit3A = arith.constant 8 : i32
        %div3A = arith.divsi %while3A_707, %jit3A : i32
        %sign3A = arith.constant 0 : i32
        %sign3A_708 = arith.cmpi sgt, %while3A_707, %sign3A : i32
        %sign3A_709 = arith.extui %sign3A_708 : i1 to i32
        %sign3A_710 = arith.constant 0 : i32
        %sign3A_711 = arith.cmpi slt, %while3A_707, %sign3A_710 : i32
        %sign3A_712 = arith.extui %sign3A_711 : i1 to i32
        %sign3A_713 = arith.subi %sign3A_709, %sign3A_712 : i32
        %sign3A_714 = arith.constant 0 : i32
        %sign3A_715 = arith.cmpi sgt, %jit3A, %sign3A_714 : i32
        %sign3A_716 = arith.extui %sign3A_715 : i1 to i32
        %sign3A_717 = arith.constant 0 : i32
        %sign3A_718 = arith.cmpi slt, %jit3A, %sign3A_717 : i32
        %sign3A_719 = arith.extui %sign3A_718 : i1 to i32
        %sign3A_720 = arith.subi %sign3A_716, %sign3A_719 : i32
        %ne3A = arith.cmpi ne, %sign3A_713, %sign3A_720 : i32
        %rem3A = arith.remsi %while3A_707, %jit3A : i32
        %ne3A_721 = arith.constant 0 : i32
        %ne3A_722 = arith.cmpi ne, %rem3A, %ne3A_721 : i32
        %and3A = arith.andi %ne3A, %ne3A_722 : i1
        %sub3A = arith.constant 1 : i32
        %sub3A_723 = arith.subi %div3A, %sub3A : i32
        %select_n3A = arith.select %and3A, %sub3A_723, %div3A : i32
        %jit3A_724 = arith.constant 8 : i32
        %eq3A_725 = arith.constant 0 : i32
        %eq3A_726 = arith.cmpi eq, %jit3A_724, %eq3A_725 : i32
        %jit3A_727 = arith.constant 1 : i32
        %select_n3A_728 = arith.select %eq3A_726, %jit3A_727, %jit3A_724 : i32
        %rem3A_729 = arith.remsi %while3A_707, %select_n3A_728 : i32
        %ne3A_730 = arith.constant 0 : i32
        %ne3A_731 = arith.cmpi ne, %rem3A_729, %ne3A_730 : i32
        %lt3A = arith.constant 0 : i32
        %lt3A_732 = arith.cmpi slt, %rem3A_729, %lt3A : i32
        %lt3A_733 = arith.constant 0 : i32
        %lt3A_734 = arith.cmpi slt, %select_n3A_728, %lt3A_733 : i32
        %ne3A_735 = arith.xori %lt3A_732, %lt3A_734 : i1
        %and3A_736 = arith.andi %ne3A_735, %ne3A_731 : i1
        %add3A_737 = arith.addi %rem3A_729, %select_n3A_728 : i32
        %select_n3A_738 = arith.select %and3A_736, %add3A_737, %rem3A_729 : i32
        %broadcast_in_dim3A = arith.constant 1.000000e+00 : f32
        %broadcast_in_dim3A_739 = vector.broadcast %broadcast_in_dim3A : f32 to vector<16xf32>
        %mul3A_740 = arith.constant 16 : i32
        %mul3A_741 = arith.muli %select_n3A_738, %mul3A_740 : i32
        %swap3A = arith.index_cast %select_n3A : i32 to index
        %swap3A_742 = arith.index_cast %mul3A_741 : i32 to index
        %swap3A_743 = tpu.vector_load %arg13[%swap3A, %swap3A_742] {strides = array<i32>} : memref<80x128xf32, #tpu.memory_space<vmem>>, vector<1x16xf32>,
        %swap3A_744 = vector.shape_cast %swap3A_743 : vector<1x16xf32> to vector<16xf32>
        %swap3A_745 = vector.shape_cast %broadcast_in_dim3A_739 : vector<16xf32> to vector<1x16xf32>
        tpu.vector_store %arg13[%swap3A, %swap3A_742], %swap3A_745 {strides = array<i32>} : memref<80x128xf32, #tpu.memory_space<vmem>>, vector<1x16xf32>,
        %mul3A_746 = arith.constant 16 : i32
        %mul3A_747 = arith.muli %select_n3A_738, %mul3A_746 : i32
        %swap3A_748 = arith.index_cast %select_n3A : i32 to index
        %swap3A_749 = arith.index_cast %mul3A_747 : i32 to index
        %swap3A_750 = tpu.vector_load %arg14[%swap3A_748, %swap3A_749] {strides = array<i32>} : memref<80x128xf32, #tpu.memory_space<vmem>>, vector<1x16xf32>,
        %swap3A_751 = vector.shape_cast %swap3A_750 : vector<1x16xf32> to vector<16xf32>
        %swap3A_752 = vector.shape_cast %broadcast_in_dim3A_739 : vector<16xf32> to vector<1x16xf32>
        tpu.vector_store %arg14[%swap3A_748, %swap3A_749], %swap3A_752 {strides = array<i32>} : memref<80x128xf32, #tpu.memory_space<vmem>>, vector<1x16xf32>,
        %mul3A_753 = arith.constant 16 : i32
        %mul3A_754 = arith.muli %select_n3A_738, %mul3A_753 : i32
        %swap3A_755 = arith.index_cast %select_n3A : i32 to index
        %swap3A_756 = arith.index_cast %mul3A_754 : i32 to index
        %swap3A_757 = tpu.vector_load %arg15[%swap3A_755, %swap3A_756] {strides = array<i32>} : memref<80x128xf32, #tpu.memory_space<vmem>>, vector<1x16xf32>,
        %swap3A_758 = vector.shape_cast %swap3A_757 : vector<1x16xf32> to vector<16xf32>
        %swap3A_759 = vector.shape_cast %broadcast_in_dim3A_739 : vector<16xf32> to vector<1x16xf32>
        tpu.vector_store %arg15[%swap3A_755, %swap3A_756], %swap3A_759 {strides = array<i32>} : memref<80x128xf32, #tpu.memory_space<vmem>>, vector<1x16xf32>,
        %mul3A_760 = arith.constant 16 : i32
        %mul3A_761 = arith.muli %select_n3A_738, %mul3A_760 : i32
        %swap3A_762 = arith.index_cast %select_n3A : i32 to index
        %swap3A_763 = arith.index_cast %mul3A_761 : i32 to index
        %swap3A_764 = tpu.vector_load %arg16[%swap3A_762, %swap3A_763] {strides = array<i32>} : memref<80x128xf32, #tpu.memory_space<vmem>>, vector<1x16xf32>,
        %swap3A_765 = vector.shape_cast %swap3A_764 : vector<1x16xf32> to vector<16xf32>
        %swap3A_766 = vector.shape_cast %broadcast_in_dim3A_739 : vector<16xf32> to vector<1x16xf32>
        tpu.vector_store %arg16[%swap3A_762, %swap3A_763], %swap3A_766 {strides = array<i32>} : memref<80x128xf32, #tpu.memory_space<vmem>>, vector<1x16xf32>,
      }
      %mul3A_677 = arith.constant 20000 : i32
      %mul3A_678 = arith.muli %arg1, %mul3A_677 : i32
      %mul3A_679 = arith.constant 0 : i32
      %mul3A_680 = arith.constant 80 : i32
      %mul3A_681 = arith.muli %mul3A_679, %mul3A_680 : i32
      %add3A_682 = arith.addi %mul3A_678, %mul3A_681 : i32
      %multiple_of3A_683 = tpu.assume_multiple %add3A_682, 8 : i32
      %dma_start3A_684 = tpu.memref_slice %arg4[%multiple_of3A_683] : memref<320000xi32, #tpu.memory_space<hbm>> -> memref<80xi32, #tpu.memory_space<hbm>>
      %dma_start3A_685 = tpu.memref_slice %arg4[%multiple_of3A_683] : memref<320000xi32, #tpu.memory_space<hbm>> -> memref<80xi32, #tpu.memory_space<hbm>>
      tpu.enqueue_dma source(%dma_start3A_685 : memref<80xi32, #tpu.memory_space<hbm>>) target(%arg9 : memref<80xi32, #tpu.memory_space<vmem>>) target_semaphore(%arg18 : memref<!tpu.dma_semaphore, #tpu.memory_space<semaphore_mem>>)
      %dma_start3A_686 = tpu.memref_slice %arg5[%multiple_of3A_683] : memref<320000xi32, #tpu.memory_space<hbm>> -> memref<80xi32, #tpu.memory_space<hbm>>
      %dma_start3A_687 = tpu.memref_slice %arg5[%multiple_of3A_683] : memref<320000xi32, #tpu.memory_space<hbm>> -> memref<80xi32, #tpu.memory_space<hbm>>
      tpu.enqueue_dma source(%dma_start3A_687 : memref<80xi32, #tpu.memory_space<hbm>>) target(%arg11 : memref<80xi32, #tpu.memory_space<vmem>>) target_semaphore(%arg18 : memref<!tpu.dma_semaphore, #tpu.memory_space<semaphore_mem>>)
      %while3A_688 = arith.constant 0 : i32
      %while3A_689 = arith.constant 0 : i32
      %while3A_690 = arith.constant 125 : i32
      %while3A_691 = arith.subi %while3A_690, %while3A_689 : i32
      %while3A_692 = arith.addi %while3A_689, %while3A_691 : i32
      %while3A_693 = arith.constant 1 : i32
      %while3A_694 = arith.divsi %while3A_691, %while3A_693 : i32
      %while3A_695 = arith.muli %while3A_694, %while3A_693 : i32
      %while3A_696 = arith.addi %while3A_689, %while3A_695 : i32
      %while3A_697 = arith.constant 1 : i32
      scf.for %while3A_707 = %while3A_689 to %while3A_696 step %while3A_697  : i32 {
        %mul3A_708 = arith.constant 2 : i32
        %mul3A_709 = arith.muli %while3A_707, %mul3A_708 : i32
        %add3A_710 = arith.constant 0 : i32
        %add3A_711 = arith.addi %mul3A_709, %add3A_710 : i32
        %mul3A_712 = arith.constant 20000 : i32
        %mul3A_713 = arith.muli %arg1, %mul3A_712 : i32
        %mul3A_714 = arith.constant 80 : i32
        %mul3A_715 = arith.muli %add3A_711, %mul3A_714 : i32
        %add3A_716 = arith.addi %mul3A_713, %mul3A_715 : i32
        %multiple_of3A_717 = tpu.assume_multiple %add3A_716, 8 : i32
        %dma_wait3A_718 = tpu.memref_slice %arg4[%multiple_of3A_717] : memref<320000xi32, #tpu.memory_space<hbm>> -> memref<80xi32, #tpu.memory_space<hbm>>
        %dma_wait3A_719 = tpu.memref_slice %arg4[%multiple_of3A_717] : memref<320000xi32, #tpu.memory_space<hbm>> -> memref<80xi32, #tpu.memory_space<hbm>>
        tpu.wait_dma2 semaphore(%arg18 : memref<!tpu.dma_semaphore, #tpu.memory_space<semaphore_mem>>) src(%dma_wait3A_719 : memref<80xi32, #tpu.memory_space<hbm>>) dst(%arg9 : memref<80xi32, #tpu.memory_space<vmem>>)
        %dma_wait3A_720 = tpu.memref_slice %arg5[%multiple_of3A_717] : memref<320000xi32, #tpu.memory_space<hbm>> -> memref<80xi32, #tpu.memory_space<hbm>>
        %dma_wait3A_721 = tpu.memref_slice %arg5[%multiple_of3A_717] : memref<320000xi32, #tpu.memory_space<hbm>> -> memref<80xi32, #tpu.memory_space<hbm>>
        tpu.wait_dma2 semaphore(%arg18 : memref<!tpu.dma_semaphore, #tpu.memory_space<semaphore_mem>>) src(%dma_wait3A_721 : memref<80xi32, #tpu.memory_space<hbm>>) dst(%arg11 : memref<80xi32, #tpu.memory_space<vmem>>)
        %gt3A = arith.constant 0 : i32
        %gt3A_722 = arith.cmpi sgt, %while3A_707, %gt3A : i32
        %convert_element_type3A_723 = arith.extui %gt3A_722 : i1 to i32
        %cond3A_724 = arith.constant 0 : i32
        %cond3A_725 = arith.cmpi ne, %convert_element_type3A_723, %cond3A_724 : i32
        scf.if %cond3A_725 {
          %dma_wait3A_774 = arith.constant 0 : i32
          %dma_wait3A_775 = arith.constant 0 : i32
          %dma_wait3A_776 = tpu.memref_slice %arg8[%dma_wait3A_774, %dma_wait3A_775] : memref<10240x128xf32, #tpu.memory_space<vmem_shared>> -> memref<10240x128xf32, #tpu.memory_space<vmem_shared>>
          tpu.wait_indirect_dma semaphore(%arg21 : memref<!tpu.dma_semaphore, #tpu.memory_space<semaphore_mem>>) src(%arg14 : memref<80x128xf32, #tpu.memory_space<vmem>>) dst(%dma_wait3A_776 : memref<10240x128xf32, #tpu.memory_space<vmem_shared>>)
          %dma_wait3A_777 = arith.constant 0 : i32
          %dma_wait3A_778 = arith.constant 0 : i32
          %dma_wait3A_779 = tpu.memref_slice %arg8[%dma_wait3A_777, %dma_wait3A_778] : memref<10240x128xf32, #tpu.memory_space<vmem_shared>> -> memref<10240x128xf32, #tpu.memory_space<vmem_shared>>
          tpu.wait_indirect_dma semaphore(%arg21 : memref<!tpu.dma_semaphore, #tpu.memory_space<semaphore_mem>>) src(%arg16 : memref<80x128xf32, #tpu.memory_space<vmem>>) dst(%dma_wait3A_779 : memref<10240x128xf32, #tpu.memory_space<vmem_shared>>)
        } else {
        }
        %add3A_726 = arith.constant 1 : i32
        %add3A_727 = arith.addi %add3A_711, %add3A_726 : i32
        %mul3A_728 = arith.constant 20000 : i32
        %mul3A_729 = arith.muli %arg1, %mul3A_728 : i32
        %mul3A_730 = arith.constant 80 : i32
        %mul3A_731 = arith.muli %add3A_727, %mul3A_730 : i32
        %add3A_732 = arith.addi %mul3A_729, %mul3A_731 : i32
        %multiple_of3A_733 = tpu.assume_multiple %add3A_732, 8 : i32
        %dma_start3A_734 = tpu.memref_slice %arg4[%multiple_of3A_733] : memref<320000xi32, #tpu.memory_space<hbm>> -> memref<80xi32, #tpu.memory_space<hbm>>
        %dma_start3A_735 = tpu.memref_slice %arg4[%multiple_of3A_733] : memref<320000xi32, #tpu.memory_space<hbm>> -> memref<80xi32, #tpu.memory_space<hbm>>
        tpu.enqueue_dma source(%dma_start3A_735 : memref<80xi32, #tpu.memory_space<hbm>>) target(%arg10 : memref<80xi32, #tpu.memory_space<vmem>>) target_semaphore(%arg19 : memref<!tpu.dma_semaphore, #tpu.memory_space<semaphore_mem>>)
        %dma_start3A_736 = tpu.memref_slice %arg5[%multiple_of3A_733] : memref<320000xi32, #tpu.memory_space<hbm>> -> memref<80xi32, #tpu.memory_space<hbm>>
        %dma_start3A_737 = tpu.memref_slice %arg5[%multiple_of3A_733] : memref<320000xi32, #tpu.memory_space<hbm>> -> memref<80xi32, #tpu.memory_space<hbm>>
        tpu.enqueue_dma source(%dma_start3A_737 : memref<80xi32, #tpu.memory_space<hbm>>) target(%arg12 : memref<80xi32, #tpu.memory_space<vmem>>) target_semaphore(%arg19 : memref<!tpu.dma_semaphore, #tpu.memory_space<semaphore_mem>>)
        %dma_start3A_738 = arith.constant 0 : i32
        %dma_start3A_739 = arith.constant 0 : i32
        %dma_start3A_740 = tpu.memref_slice %arg8[%dma_start3A_738, %dma_start3A_739] : memref<10240x128xf32, #tpu.memory_space<vmem_shared>> -> memref<10240x128xf32, #tpu.memory_space<vmem_shared>>
        tpu.enqueue_indirect_dma source(%arg13 : memref<80x128xf32, #tpu.memory_space<vmem>>) target(%dma_start3A_740 : memref<10240x128xf32, #tpu.memory_space<vmem_shared>>) offsets(%arg9 : memref<80xi32, #tpu.memory_space<vmem>>) semaphore(%arg20 : memref<!tpu.dma_semaphore, #tpu.memory_space<semaphore_mem>>) {add = true}
        %dma_start3A_741 = arith.constant 0 : i32
        %dma_start3A_742 = arith.constant 0 : i32
        %dma_start3A_743 = tpu.memref_slice %arg8[%dma_start3A_741, %dma_start3A_742] : memref<10240x128xf32, #tpu.memory_space<vmem_shared>> -> memref<10240x128xf32, #tpu.memory_space<vmem_shared>>
        tpu.enqueue_indirect_dma source(%arg15 : memref<80x128xf32, #tpu.memory_space<vmem>>) target(%dma_start3A_743 : memref<10240x128xf32, #tpu.memory_space<vmem_shared>>) offsets(%arg11 : memref<80xi32, #tpu.memory_space<vmem>>) semaphore(%arg20 : memref<!tpu.dma_semaphore, #tpu.memory_space<semaphore_mem>>) {add = true}
        %mul3A_744 = arith.constant 2 : i32
        %mul3A_745 = arith.muli %while3A_707, %mul3A_744 : i32
        %add3A_746 = arith.constant 1 : i32
        %add3A_747 = arith.addi %mul3A_745, %add3A_746 : i32
        %mul3A_748 = arith.constant 20000 : i32
        %mul3A_749 = arith.muli %arg1, %mul3A_748 : i32
        %mul3A_750 = arith.constant 80 : i32
        %mul3A_751 = arith.muli %add3A_747, %mul3A_750 : i32
        %add3A_752 = arith.addi %mul3A_749, %mul3A_751 : i32
        %multiple_of3A_753 = tpu.assume_multiple %add3A_752, 8 : i32
        %dma_wait3A_754 = tpu.memref_slice %arg4[%multiple_of3A_753] : memref<320000xi32, #tpu.memory_space<hbm>> -> memref<80xi32, #tpu.memory_space<hbm>>
        %dma_wait3A_755 = tpu.memref_slice %arg4[%multiple_of3A_753] : memref<320000xi32, #tpu.memory_space<hbm>> -> memref<80xi32, #tpu.memory_space<hbm>>
        tpu.wait_dma2 semaphore(%arg19 : memref<!tpu.dma_semaphore, #tpu.memory_space<semaphore_mem>>) src(%dma_wait3A_755 : memref<80xi32, #tpu.memory_space<hbm>>) dst(%arg10 : memref<80xi32, #tpu.memory_space<vmem>>)
        %dma_wait3A_756 = tpu.memref_slice %arg5[%multiple_of3A_753] : memref<320000xi32, #tpu.memory_space<hbm>> -> memref<80xi32, #tpu.memory_space<hbm>>
        %dma_wait3A_757 = tpu.memref_slice %arg5[%multiple_of3A_753] : memref<320000xi32, #tpu.memory_space<hbm>> -> memref<80xi32, #tpu.memory_space<hbm>>
        tpu.wait_dma2 semaphore(%arg19 : memref<!tpu.dma_semaphore, #tpu.memory_space<semaphore_mem>>) src(%dma_wait3A_757 : memref<80xi32, #tpu.memory_space<hbm>>) dst(%arg12 : memref<80xi32, #tpu.memory_space<vmem>>)
        %dma_wait3A_758 = arith.constant 0 : i32
        %dma_wait3A_759 = arith.constant 0 : i32
        %dma_wait3A_760 = tpu.memref_slice %arg8[%dma_wait3A_758, %dma_wait3A_759] : memref<10240x128xf32, #tpu.memory_space<vmem_shared>> -> memref<10240x128xf32, #tpu.memory_space<vmem_shared>>
        tpu.wait_indirect_dma semaphore(%arg20 : memref<!tpu.dma_semaphore, #tpu.memory_space<semaphore_mem>>) src(%arg13 : memref<80x128xf32, #tpu.memory_space<vmem>>) dst(%dma_wait3A_760 : memref<10240x128xf32, #tpu.memory_space<vmem_shared>>)
        %dma_wait3A_761 = arith.constant 0 : i32
        %dma_wait3A_762 = arith.constant 0 : i32
        %dma_wait3A_763 = tpu.memref_slice %arg8[%dma_wait3A_761, %dma_wait3A_762] : memref<10240x128xf32, #tpu.memory_space<vmem_shared>> -> memref<10240x128xf32, #tpu.memory_space<vmem_shared>>
        tpu.wait_indirect_dma semaphore(%arg20 : memref<!tpu.dma_semaphore, #tpu.memory_space<semaphore_mem>>) src(%arg15 : memref<80x128xf32, #tpu.memory_space<vmem>>) dst(%dma_wait3A_763 : memref<10240x128xf32, #tpu.memory_space<vmem_shared>>)
        %lt3A = arith.constant 124 : i32
        %lt3A_764 = arith.cmpi slt, %while3A_707, %lt3A : i32
        %convert_element_type3A_765 = arith.extui %lt3A_764 : i1 to i32
        %cond3A_766 = arith.constant 0 : i32
        %cond3A_767 = arith.cmpi ne, %convert_element_type3A_765, %cond3A_766 : i32
        scf.if %cond3A_767 {
          %add3A_774 = arith.constant 1 : i32
          %add3A_775 = arith.addi %add3A_747, %add3A_774 : i32
          %mul3A_776 = arith.constant 20000 : i32
          %mul3A_777 = arith.muli %arg1, %mul3A_776 : i32
          %mul3A_778 = arith.constant 80 : i32
          %mul3A_779 = arith.muli %add3A_775, %mul3A_778 : i32
          %add3A_780 = arith.addi %mul3A_777, %mul3A_779 : i32
          %multiple_of3A_781 = tpu.assume_multiple %add3A_780, 8 : i32
          %dma_start3A_782 = tpu.memref_slice %arg4[%multiple_of3A_781] : memref<320000xi32, #tpu.memory_space<hbm>> -> memref<80xi32, #tpu.memory_space<hbm>>
          %dma_start3A_783 = tpu.memref_slice %arg4[%multiple_of3A_781] : memref<320000xi32, #tpu.memory_space<hbm>> -> memref<80xi32, #tpu.memory_space<hbm>>
          tpu.enqueue_dma source(%dma_start3A_783 : memref<80xi32, #tpu.memory_space<hbm>>) target(%arg9 : memref<80xi32, #tpu.memory_space<vmem>>) target_semaphore(%arg18 : memref<!tpu.dma_semaphore, #tpu.memory_space<semaphore_mem>>)
          %dma_start3A_784 = tpu.memref_slice %arg5[%multiple_of3A_781] : memref<320000xi32, #tpu.memory_space<hbm>> -> memref<80xi32, #tpu.memory_space<hbm>>
          %dma_start3A_785 = tpu.memref_slice %arg5[%multiple_of3A_781] : memref<320000xi32, #tpu.memory_space<hbm>> -> memref<80xi32, #tpu.memory_space<hbm>>
          tpu.enqueue_dma source(%dma_start3A_785 : memref<80xi32, #tpu.memory_space<hbm>>) target(%arg11 : memref<80xi32, #tpu.memory_space<vmem>>) target_semaphore(%arg18 : memref<!tpu.dma_semaphore, #tpu.memory_space<semaphore_mem>>)
        } else {
        }
        %dma_start3A_768 = arith.constant 0 : i32
        %dma_start3A_769 = arith.constant 0 : i32
        %dma_start3A_770 = tpu.memref_slice %arg8[%dma_start3A_768, %dma_start3A_769] : memref<10240x128xf32, #tpu.memory_space<vmem_shared>> -> memref<10240x128xf32, #tpu.memory_space<vmem_shared>>
        tpu.enqueue_indirect_dma source(%arg14 : memref<80x128xf32, #tpu.memory_space<vmem>>) target(%dma_start3A_770 : memref<10240x128xf32, #tpu.memory_space<vmem_shared>>) offsets(%arg10 : memref<80xi32, #tpu.memory_space<vmem>>) semaphore(%arg21 : memref<!tpu.dma_semaphore, #tpu.memory_space<semaphore_mem>>) {add = true}
        %dma_start3A_771 = arith.constant 0 : i32
        %dma_start3A_772 = arith.constant 0 : i32
        %dma_start3A_773 = tpu.memref_slice %arg8[%dma_start3A_771, %dma_start3A_772] : memref<10240x128xf32, #tpu.memory_space<vmem_shared>> -> memref<10240x128xf32, #tpu.memory_space<vmem_shared>>
        tpu.enqueue_indirect_dma source(%arg16 : memref<80x128xf32, #tpu.memory_space<vmem>>) target(%dma_start3A_773 : memref<10240x128xf32, #tpu.memory_space<vmem_shared>>) offsets(%arg12 : memref<80xi32, #tpu.memory_space<vmem>>) semaphore(%arg21 : memref<!tpu.dma_semaphore, #tpu.memory_space<semaphore_mem>>) {add = true}
      }
      %while3A_698 = arith.constant 1 : i32
      scf.for %while3A_707 = %while3A_696 to %while3A_692 step %while3A_698  : i32 {
        %mul3A_708 = arith.constant 2 : i32
        %mul3A_709 = arith.muli %while3A_707, %mul3A_708 : i32
        %add3A_710 = arith.constant 0 : i32
        %add3A_711 = arith.addi %mul3A_709, %add3A_710 : i32
        %mul3A_712 = arith.constant 20000 : i32
        %mul3A_713 = arith.muli %arg1, %mul3A_712 : i32
        %mul3A_714 = arith.constant 80 : i32
        %mul3A_715 = arith.muli %add3A_711, %mul3A_714 : i32
        %add3A_716 = arith.addi %mul3A_713, %mul3A_715 : i32
        %multiple_of3A_717 = tpu.assume_multiple %add3A_716, 8 : i32
        %dma_wait3A_718 = tpu.memref_slice %arg4[%multiple_of3A_717] : memref<320000xi32, #tpu.memory_space<hbm>> -> memref<80xi32, #tpu.memory_space<hbm>>
        %dma_wait3A_719 = tpu.memref_slice %arg4[%multiple_of3A_717] : memref<320000xi32, #tpu.memory_space<hbm>> -> memref<80xi32, #tpu.memory_space<hbm>>
        tpu.wait_dma2 semaphore(%arg18 : memref<!tpu.dma_semaphore, #tpu.memory_space<semaphore_mem>>) src(%dma_wait3A_719 : memref<80xi32, #tpu.memory_space<hbm>>) dst(%arg9 : memref<80xi32, #tpu.memory_space<vmem>>)
        %dma_wait3A_720 = tpu.memref_slice %arg5[%multiple_of3A_717] : memref<320000xi32, #tpu.memory_space<hbm>> -> memref<80xi32, #tpu.memory_space<hbm>>
        %dma_wait3A_721 = tpu.memref_slice %arg5[%multiple_of3A_717] : memref<320000xi32, #tpu.memory_space<hbm>> -> memref<80xi32, #tpu.memory_space<hbm>>
        tpu.wait_dma2 semaphore(%arg18 : memref<!tpu.dma_semaphore, #tpu.memory_space<semaphore_mem>>) src(%dma_wait3A_721 : memref<80xi32, #tpu.memory_space<hbm>>) dst(%arg11 : memref<80xi32, #tpu.memory_space<vmem>>)
        %gt3A = arith.constant 0 : i32
        %gt3A_722 = arith.cmpi sgt, %while3A_707, %gt3A : i32
        %convert_element_type3A_723 = arith.extui %gt3A_722 : i1 to i32
        %cond3A_724 = arith.constant 0 : i32
        %cond3A_725 = arith.cmpi ne, %convert_element_type3A_723, %cond3A_724 : i32
        scf.if %cond3A_725 {
          %dma_wait3A_774 = arith.constant 0 : i32
          %dma_wait3A_775 = arith.constant 0 : i32
          %dma_wait3A_776 = tpu.memref_slice %arg8[%dma_wait3A_774, %dma_wait3A_775] : memref<10240x128xf32, #tpu.memory_space<vmem_shared>> -> memref<10240x128xf32, #tpu.memory_space<vmem_shared>>
          tpu.wait_indirect_dma semaphore(%arg21 : memref<!tpu.dma_semaphore, #tpu.memory_space<semaphore_mem>>) src(%arg14 : memref<80x128xf32, #tpu.memory_space<vmem>>) dst(%dma_wait3A_776 : memref<10240x128xf32, #tpu.memory_space<vmem_shared>>)
          %dma_wait3A_777 = arith.constant 0 : i32
          %dma_wait3A_778 = arith.constant 0 : i32
          %dma_wait3A_779 = tpu.memref_slice %arg8[%dma_wait3A_777, %dma_wait3A_778] : memref<10240x128xf32, #tpu.memory_space<vmem_shared>> -> memref<10240x128xf32, #tpu.memory_space<vmem_shared>>
          tpu.wait_indirect_dma semaphore(%arg21 : memref<!tpu.dma_semaphore, #tpu.memory_space<semaphore_mem>>) src(%arg16 : memref<80x128xf32, #tpu.memory_space<vmem>>) dst(%dma_wait3A_779 : memref<10240x128xf32, #tpu.memory_space<vmem_shared>>)
        } else {
        }
        %add3A_726 = arith.constant 1 : i32
        %add3A_727 = arith.addi %add3A_711, %add3A_726 : i32
        %mul3A_728 = arith.constant 20000 : i32
        %mul3A_729 = arith.muli %arg1, %mul3A_728 : i32
        %mul3A_730 = arith.constant 80 : i32
        %mul3A_731 = arith.muli %add3A_727, %mul3A_730 : i32
        %add3A_732 = arith.addi %mul3A_729, %mul3A_731 : i32
        %multiple_of3A_733 = tpu.assume_multiple %add3A_732, 8 : i32
        %dma_start3A_734 = tpu.memref_slice %arg4[%multiple_of3A_733] : memref<320000xi32, #tpu.memory_space<hbm>> -> memref<80xi32, #tpu.memory_space<hbm>>
        %dma_start3A_735 = tpu.memref_slice %arg4[%multiple_of3A_733] : memref<320000xi32, #tpu.memory_space<hbm>> -> memref<80xi32, #tpu.memory_space<hbm>>
        tpu.enqueue_dma source(%dma_start3A_735 : memref<80xi32, #tpu.memory_space<hbm>>) target(%arg10 : memref<80xi32, #tpu.memory_space<vmem>>) target_semaphore(%arg19 : memref<!tpu.dma_semaphore, #tpu.memory_space<semaphore_mem>>)
        %dma_start3A_736 = tpu.memref_slice %arg5[%multiple_of3A_733] : memref<320000xi32, #tpu.memory_space<hbm>> -> memref<80xi32, #tpu.memory_space<hbm>>
        %dma_start3A_737 = tpu.memref_slice %arg5[%multiple_of3A_733] : memref<320000xi32, #tpu.memory_space<hbm>> -> memref<80xi32, #tpu.memory_space<hbm>>
        tpu.enqueue_dma source(%dma_start3A_737 : memref<80xi32, #tpu.memory_space<hbm>>) target(%arg12 : memref<80xi32, #tpu.memory_space<vmem>>) target_semaphore(%arg19 : memref<!tpu.dma_semaphore, #tpu.memory_space<semaphore_mem>>)
        %dma_start3A_738 = arith.constant 0 : i32
        %dma_start3A_739 = arith.constant 0 : i32
        %dma_start3A_740 = tpu.memref_slice %arg8[%dma_start3A_738, %dma_start3A_739] : memref<10240x128xf32, #tpu.memory_space<vmem_shared>> -> memref<10240x128xf32, #tpu.memory_space<vmem_shared>>
        tpu.enqueue_indirect_dma source(%arg13 : memref<80x128xf32, #tpu.memory_space<vmem>>) target(%dma_start3A_740 : memref<10240x128xf32, #tpu.memory_space<vmem_shared>>) offsets(%arg9 : memref<80xi32, #tpu.memory_space<vmem>>) semaphore(%arg20 : memref<!tpu.dma_semaphore, #tpu.memory_space<semaphore_mem>>) {add = true}
        %dma_start3A_741 = arith.constant 0 : i32
        %dma_start3A_742 = arith.constant 0 : i32
        %dma_start3A_743 = tpu.memref_slice %arg8[%dma_start3A_741, %dma_start3A_742] : memref<10240x128xf32, #tpu.memory_space<vmem_shared>> -> memref<10240x128xf32, #tpu.memory_space<vmem_shared>>
        tpu.enqueue_indirect_dma source(%arg15 : memref<80x128xf32, #tpu.memory_space<vmem>>) target(%dma_start3A_743 : memref<10240x128xf32, #tpu.memory_space<vmem_shared>>) offsets(%arg11 : memref<80xi32, #tpu.memory_space<vmem>>) semaphore(%arg20 : memref<!tpu.dma_semaphore, #tpu.memory_space<semaphore_mem>>) {add = true}
        %mul3A_744 = arith.constant 2 : i32
        %mul3A_745 = arith.muli %while3A_707, %mul3A_744 : i32
        %add3A_746 = arith.constant 1 : i32
        %add3A_747 = arith.addi %mul3A_745, %add3A_746 : i32
        %mul3A_748 = arith.constant 20000 : i32
        %mul3A_749 = arith.muli %arg1, %mul3A_748 : i32
        %mul3A_750 = arith.constant 80 : i32
        %mul3A_751 = arith.muli %add3A_747, %mul3A_750 : i32
        %add3A_752 = arith.addi %mul3A_749, %mul3A_751 : i32
        %multiple_of3A_753 = tpu.assume_multiple %add3A_752, 8 : i32
        %dma_wait3A_754 = tpu.memref_slice %arg4[%multiple_of3A_753] : memref<320000xi32, #tpu.memory_space<hbm>> -> memref<80xi32, #tpu.memory_space<hbm>>
        %dma_wait3A_755 = tpu.memref_slice %arg4[%multiple_of3A_753] : memref<320000xi32, #tpu.memory_space<hbm>> -> memref<80xi32, #tpu.memory_space<hbm>>
        tpu.wait_dma2 semaphore(%arg19 : memref<!tpu.dma_semaphore, #tpu.memory_space<semaphore_mem>>) src(%dma_wait3A_755 : memref<80xi32, #tpu.memory_space<hbm>>) dst(%arg10 : memref<80xi32, #tpu.memory_space<vmem>>)
        %dma_wait3A_756 = tpu.memref_slice %arg5[%multiple_of3A_753] : memref<320000xi32, #tpu.memory_space<hbm>> -> memref<80xi32, #tpu.memory_space<hbm>>
        %dma_wait3A_757 = tpu.memref_slice %arg5[%multiple_of3A_753] : memref<320000xi32, #tpu.memory_space<hbm>> -> memref<80xi32, #tpu.memory_space<hbm>>
        tpu.wait_dma2 semaphore(%arg19 : memref<!tpu.dma_semaphore, #tpu.memory_space<semaphore_mem>>) src(%dma_wait3A_757 : memref<80xi32, #tpu.memory_space<hbm>>) dst(%arg12 : memref<80xi32, #tpu.memory_space<vmem>>)
        %dma_wait3A_758 = arith.constant 0 : i32
        %dma_wait3A_759 = arith.constant 0 : i32
        %dma_wait3A_760 = tpu.memref_slice %arg8[%dma_wait3A_758, %dma_wait3A_759] : memref<10240x128xf32, #tpu.memory_space<vmem_shared>> -> memref<10240x128xf32, #tpu.memory_space<vmem_shared>>
        tpu.wait_indirect_dma semaphore(%arg20 : memref<!tpu.dma_semaphore, #tpu.memory_space<semaphore_mem>>) src(%arg13 : memref<80x128xf32, #tpu.memory_space<vmem>>) dst(%dma_wait3A_760 : memref<10240x128xf32, #tpu.memory_space<vmem_shared>>)
        %dma_wait3A_761 = arith.constant 0 : i32
        %dma_wait3A_762 = arith.constant 0 : i32
        %dma_wait3A_763 = tpu.memref_slice %arg8[%dma_wait3A_761, %dma_wait3A_762] : memref<10240x128xf32, #tpu.memory_space<vmem_shared>> -> memref<10240x128xf32, #tpu.memory_space<vmem_shared>>
        tpu.wait_indirect_dma semaphore(%arg20 : memref<!tpu.dma_semaphore, #tpu.memory_space<semaphore_mem>>) src(%arg15 : memref<80x128xf32, #tpu.memory_space<vmem>>) dst(%dma_wait3A_763 : memref<10240x128xf32, #tpu.memory_space<vmem_shared>>)
        %lt3A = arith.constant 124 : i32
        %lt3A_764 = arith.cmpi slt, %while3A_707, %lt3A : i32
        %convert_element_type3A_765 = arith.extui %lt3A_764 : i1 to i32
        %cond3A_766 = arith.constant 0 : i32
        %cond3A_767 = arith.cmpi ne, %convert_element_type3A_765, %cond3A_766 : i32
        scf.if %cond3A_767 {
          %add3A_774 = arith.constant 1 : i32
          %add3A_775 = arith.addi %add3A_747, %add3A_774 : i32
          %mul3A_776 = arith.constant 20000 : i32
          %mul3A_777 = arith.muli %arg1, %mul3A_776 : i32
          %mul3A_778 = arith.constant 80 : i32
          %mul3A_779 = arith.muli %add3A_775, %mul3A_778 : i32
          %add3A_780 = arith.addi %mul3A_777, %mul3A_779 : i32
          %multiple_of3A_781 = tpu.assume_multiple %add3A_780, 8 : i32
          %dma_start3A_782 = tpu.memref_slice %arg4[%multiple_of3A_781] : memref<320000xi32, #tpu.memory_space<hbm>> -> memref<80xi32, #tpu.memory_space<hbm>>
          %dma_start3A_783 = tpu.memref_slice %arg4[%multiple_of3A_781] : memref<320000xi32, #tpu.memory_space<hbm>> -> memref<80xi32, #tpu.memory_space<hbm>>
          tpu.enqueue_dma source(%dma_start3A_783 : memref<80xi32, #tpu.memory_space<hbm>>) target(%arg9 : memref<80xi32, #tpu.memory_space<vmem>>) target_semaphore(%arg18 : memref<!tpu.dma_semaphore, #tpu.memory_space<semaphore_mem>>)
          %dma_start3A_784 = tpu.memref_slice %arg5[%multiple_of3A_781] : memref<320000xi32, #tpu.memory_space<hbm>> -> memref<80xi32, #tpu.memory_space<hbm>>
          %dma_start3A_785 = tpu.memref_slice %arg5[%multiple_of3A_781] : memref<320000xi32, #tpu.memory_space<hbm>> -> memref<80xi32, #tpu.memory_space<hbm>>
          tpu.enqueue_dma source(%dma_start3A_785 : memref<80xi32, #tpu.memory_space<hbm>>) target(%arg11 : memref<80xi32, #tpu.memory_space<vmem>>) target_semaphore(%arg18 : memref<!tpu.dma_semaphore, #tpu.memory_space<semaphore_mem>>)
        } else {
        }
        %dma_start3A_768 = arith.constant 0 : i32
        %dma_start3A_769 = arith.constant 0 : i32
        %dma_start3A_770 = tpu.memref_slice %arg8[%dma_start3A_768, %dma_start3A_769] : memref<10240x128xf32, #tpu.memory_space<vmem_shared>> -> memref<10240x128xf32, #tpu.memory_space<vmem_shared>>
        tpu.enqueue_indirect_dma source(%arg14 : memref<80x128xf32, #tpu.memory_space<vmem>>) target(%dma_start3A_770 : memref<10240x128xf32, #tpu.memory_space<vmem_shared>>) offsets(%arg10 : memref<80xi32, #tpu.memory_space<vmem>>) semaphore(%arg21 : memref<!tpu.dma_semaphore, #tpu.memory_space<semaphore_mem>>) {add = true}
        %dma_start3A_771 = arith.constant 0 : i32
        %dma_start3A_772 = arith.constant 0 : i32
        %dma_start3A_773 = tpu.memref_slice %arg8[%dma_start3A_771, %dma_start3A_772] : memref<10240x128xf32, #tpu.memory_space<vmem_shared>> -> memref<10240x128xf32, #tpu.memory_space<vmem_shared>>
        tpu.enqueue_indirect_dma source(%arg16 : memref<80x128xf32, #tpu.memory_space<vmem>>) target(%dma_start3A_773 : memref<10240x128xf32, #tpu.memory_space<vmem_shared>>) offsets(%arg12 : memref<80xi32, #tpu.memory_space<vmem>>) semaphore(%arg21 : memref<!tpu.dma_semaphore, #tpu.memory_space<semaphore_mem>>) {add = true}
      }
      %dma_wait3A_699 = arith.constant 0 : i32
      %dma_wait3A_700 = arith.constant 0 : i32
      %dma_wait3A_701 = tpu.memref_slice %arg8[%dma_wait3A_699, %dma_wait3A_700] : memref<10240x128xf32, #tpu.memory_space<vmem_shared>> -> memref<10240x128xf32, #tpu.memory_space<vmem_shared>>
      tpu.wait_indirect_dma semaphore(%arg21 : memref<!tpu.dma_semaphore, #tpu.memory_space<semaphore_mem>>) src(%arg14 : memref<80x128xf32, #tpu.memory_space<vmem>>) dst(%dma_wait3A_701 : memref<10240x128xf32, #tpu.memory_space<vmem_shared>>)
      %dma_wait3A_702 = arith.constant 0 : i32
      %dma_wait3A_703 = arith.constant 0 : i32
      %dma_wait3A_704 = tpu.memref_slice %arg8[%dma_wait3A_702, %dma_wait3A_703] : memref<10240x128xf32, #tpu.memory_space<vmem_shared>> -> memref<10240x128xf32, #tpu.memory_space<vmem_shared>>
      tpu.wait_indirect_dma semaphore(%arg21 : memref<!tpu.dma_semaphore, #tpu.memory_space<semaphore_mem>>) src(%arg16 : memref<80x128xf32, #tpu.memory_space<vmem>>) dst(%dma_wait3A_704 : memref<10240x128xf32, #tpu.memory_space<vmem_shared>>)
      %barrier3A_705 = arith.constant 0 : index
      tpu.barrier barrier_id(%barrier3A_705)
      "tpu.region"() ({
        %run_scoped3A = tpu.sem_alloc : memref<!tpu.dma_semaphore, #tpu.memory_space<semaphore_mem>>
        %dma_start3A_707 = arith.constant 0 : i32
        %dma_start3A_708 = tpu.memref_slice %arg7[%mul3A_0, %dma_start3A_707] : memref<10240x128xf32, #tpu.memory_space<hbm>> -> memref<640x128xf32, #tpu.memory_space<hbm>>
        %dma_start3A_709 = arith.constant 0 : i32
        %dma_start3A_710 = tpu.memref_slice %arg8[%mul3A_0, %dma_start3A_709] : memref<10240x128xf32, #tpu.memory_space<vmem_shared>> -> memref<640x128xf32, #tpu.memory_space<vmem_shared>>
        tpu.enqueue_dma source(%dma_start3A_710 : memref<640x128xf32, #tpu.memory_space<vmem_shared>>) target(%dma_start3A_708 : memref<640x128xf32, #tpu.memory_space<hbm>>) target_semaphore(%run_scoped3A : memref<!tpu.dma_semaphore, #tpu.memory_space<semaphore_mem>>)
        %dma_wait3A_711 = arith.constant 0 : i32
        %dma_wait3A_712 = tpu.memref_slice %arg7[%mul3A_0, %dma_wait3A_711] : memref<10240x128xf32, #tpu.memory_space<hbm>> -> memref<640x128xf32, #tpu.memory_space<hbm>>
        %dma_wait3A_713 = arith.constant 0 : i32
        %dma_wait3A_714 = tpu.memref_slice %arg8[%mul3A_0, %dma_wait3A_713] : memref<10240x128xf32, #tpu.memory_space<vmem_shared>> -> memref<640x128xf32, #tpu.memory_space<vmem_shared>>
        tpu.wait_dma2 semaphore(%run_scoped3A : memref<!tpu.dma_semaphore, #tpu.memory_space<semaphore_mem>>) src(%dma_wait3A_714 : memref<640x128xf32, #tpu.memory_space<vmem_shared>>) dst(%dma_wait3A_712 : memref<640x128xf32, #tpu.memory_space<hbm>>)
        tpu.yield
      }) : () -> ()
      %barrier3A_706 = arith.constant 0 : index
      tpu.barrier barrier_id(%barrier3A_706)
    } else {
    }
    return
  }
}

#map = affine_map<(d0, d1) -> (0, 0)>
#map1 = affine_map<(d0, d1) -> (0)>
module attributes {stable_mosaic.version = 14 : i64} {
  func.func @_gather_sc(%arg0: i32, %arg1: i32, %arg2: memref<10000x128xf32, #tpu.memory_space<hbm>>, %arg3: memref<320000xi32, #tpu.memory_space<hbm>>, %arg4: memref<320000xi32, #tpu.memory_space<hbm>>, %arg5: memref<320000x128xf32, #tpu.memory_space<hbm>>, %arg6: memref<320000x128xf32, #tpu.memory_space<hbm>>, %arg7: memref<400xi32, #tpu.memory_space<vmem>>, %arg8: memref<400xi32, #tpu.memory_space<vmem>>, %arg9: memref<400x128xf32, #tpu.memory_space<vmem>>, %arg10: memref<400x128xf32, #tpu.memory_space<vmem>>, %arg11: memref<!tpu.dma_semaphore, #tpu.memory_space<semaphore_mem>>, %arg12: memref<!tpu.dma_semaphore, #tpu.memory_space<semaphore_mem>>) attributes {dimension_semantics = [#tpu.dimension_semantics<core_parallel>, #tpu.dimension_semantics<subcore_parallel>], iteration_bounds = array<i64: 2, 16>, scalar_prefetch = 0 : i64, scratch_operands = 6 : i64, tpu.core_type = #tpu.core_type<sc_vector_subcore>, window_params = [{transform_indices = #map}, {transform_indices = #map1}, {transform_indices = #map1}, {transform_indices = #map}, {transform_indices = #map}]} {
    %mul3A = arith.constant 2 : i32
    %mul3A_0 = arith.muli %arg1, %mul3A : i32
    %add3A = arith.addi %mul3A_0, %arg0 : i32
    %mul3A_1 = arith.constant 10000 : i32
    %mul3A_2 = arith.muli %add3A, %mul3A_1 : i32
    %while3A = arith.constant 0 : i32
    %while3A_3 = arith.constant 0 : i32
    %while3A_4 = arith.constant 25 : i32
    %while3A_5 = arith.subi %while3A_4, %while3A_3 : i32
    %while3A_6 = arith.addi %while3A_3, %while3A_5 : i32
    %while3A_7 = arith.constant 1 : i32
    %while3A_8 = arith.divsi %while3A_5, %while3A_7 : i32
    %while3A_9 = arith.muli %while3A_8, %while3A_7 : i32
    %while3A_10 = arith.addi %while3A_3, %while3A_9 : i32
    %while3A_11 = arith.constant 1 : i32
    scf.for %while3A_13 = %while3A_3 to %while3A_10 step %while3A_11  : i32 {
      %mul3A_14 = arith.constant 400 : i32
      %mul3A_15 = arith.muli %while3A_13, %mul3A_14 : i32
      %add3A_16 = arith.addi %mul3A_2, %mul3A_15 : i32
      %multiple_of3A = tpu.assume_multiple %add3A_16, 8 : i32
      "tpu.region"() ({
        %run_scoped3A = tpu.sem_alloc : memref<!tpu.dma_semaphore, #tpu.memory_space<semaphore_mem>>
        %dma_start3A_27 = tpu.memref_slice %arg3[%multiple_of3A] : memref<320000xi32, #tpu.memory_space<hbm>> -> memref<400xi32, #tpu.memory_space<hbm>>
        %dma_start3A_28 = tpu.memref_slice %arg3[%multiple_of3A] : memref<320000xi32, #tpu.memory_space<hbm>> -> memref<400xi32, #tpu.memory_space<hbm>>
        tpu.enqueue_dma source(%dma_start3A_28 : memref<400xi32, #tpu.memory_space<hbm>>) target(%arg7 : memref<400xi32, #tpu.memory_space<vmem>>) target_semaphore(%run_scoped3A : memref<!tpu.dma_semaphore, #tpu.memory_space<semaphore_mem>>)
        %dma_wait3A_29 = tpu.memref_slice %arg3[%multiple_of3A] : memref<320000xi32, #tpu.memory_space<hbm>> -> memref<400xi32, #tpu.memory_space<hbm>>
        %dma_wait3A_30 = tpu.memref_slice %arg3[%multiple_of3A] : memref<320000xi32, #tpu.memory_space<hbm>> -> memref<400xi32, #tpu.memory_space<hbm>>
        tpu.wait_dma2 semaphore(%run_scoped3A : memref<!tpu.dma_semaphore, #tpu.memory_space<semaphore_mem>>) src(%dma_wait3A_30 : memref<400xi32, #tpu.memory_space<hbm>>) dst(%arg7 : memref<400xi32, #tpu.memory_space<vmem>>)
        tpu.yield
      }) : () -> ()
      "tpu.region"() ({
        %run_scoped3A = tpu.sem_alloc : memref<!tpu.dma_semaphore, #tpu.memory_space<semaphore_mem>>
        %dma_start3A_27 = tpu.memref_slice %arg4[%multiple_of3A] : memref<320000xi32, #tpu.memory_space<hbm>> -> memref<400xi32, #tpu.memory_space<hbm>>
        %dma_start3A_28 = tpu.memref_slice %arg4[%multiple_of3A] : memref<320000xi32, #tpu.memory_space<hbm>> -> memref<400xi32, #tpu.memory_space<hbm>>
        tpu.enqueue_dma source(%dma_start3A_28 : memref<400xi32, #tpu.memory_space<hbm>>) target(%arg8 : memref<400xi32, #tpu.memory_space<vmem>>) target_semaphore(%run_scoped3A : memref<!tpu.dma_semaphore, #tpu.memory_space<semaphore_mem>>)
        %dma_wait3A_29 = tpu.memref_slice %arg4[%multiple_of3A] : memref<320000xi32, #tpu.memory_space<hbm>> -> memref<400xi32, #tpu.memory_space<hbm>>
        %dma_wait3A_30 = tpu.memref_slice %arg4[%multiple_of3A] : memref<320000xi32, #tpu.memory_space<hbm>> -> memref<400xi32, #tpu.memory_space<hbm>>
        tpu.wait_dma2 semaphore(%run_scoped3A : memref<!tpu.dma_semaphore, #tpu.memory_space<semaphore_mem>>) src(%dma_wait3A_30 : memref<400xi32, #tpu.memory_space<hbm>>) dst(%arg8 : memref<400xi32, #tpu.memory_space<vmem>>)
        tpu.yield
      }) : () -> ()
      %dma_start3A = arith.constant 0 : i32
      %dma_start3A_17 = arith.constant 0 : i32
      %dma_start3A_18 = tpu.memref_slice %arg2[%dma_start3A, %dma_start3A_17] : memref<10000x128xf32, #tpu.memory_space<hbm>> -> memref<10000x128xf32, #tpu.memory_space<hbm>>
      tpu.enqueue_indirect_dma source(%dma_start3A_18 : memref<10000x128xf32, #tpu.memory_space<hbm>>) target(%arg9 : memref<400x128xf32, #tpu.memory_space<vmem>>) offsets(%arg7 : memref<400xi32, #tpu.memory_space<vmem>>) semaphore(%arg11 : memref<!tpu.dma_semaphore, #tpu.memory_space<semaphore_mem>>)
      %dma_start3A_19 = arith.constant 0 : i32
      %dma_start3A_20 = arith.constant 0 : i32
      %dma_start3A_21 = tpu.memref_slice %arg2[%dma_start3A_19, %dma_start3A_20] : memref<10000x128xf32, #tpu.memory_space<hbm>> -> memref<10000x128xf32, #tpu.memory_space<hbm>>
      tpu.enqueue_indirect_dma source(%dma_start3A_21 : memref<10000x128xf32, #tpu.memory_space<hbm>>) target(%arg10 : memref<400x128xf32, #tpu.memory_space<vmem>>) offsets(%arg8 : memref<400xi32, #tpu.memory_space<vmem>>) semaphore(%arg12 : memref<!tpu.dma_semaphore, #tpu.memory_space<semaphore_mem>>)
      %dma_wait3A = arith.constant 0 : i32
      %dma_wait3A_22 = arith.constant 0 : i32
      %dma_wait3A_23 = tpu.memref_slice %arg2[%dma_wait3A, %dma_wait3A_22] : memref<10000x128xf32, #tpu.memory_space<hbm>> -> memref<10000x128xf32, #tpu.memory_space<hbm>>
      tpu.wait_indirect_dma semaphore(%arg11 : memref<!tpu.dma_semaphore, #tpu.memory_space<semaphore_mem>>) src(%dma_wait3A_23 : memref<10000x128xf32, #tpu.memory_space<hbm>>) dst(%arg9 : memref<400x128xf32, #tpu.memory_space<vmem>>)
      %dma_wait3A_24 = arith.constant 0 : i32
      %dma_wait3A_25 = arith.constant 0 : i32
      %dma_wait3A_26 = tpu.memref_slice %arg2[%dma_wait3A_24, %dma_wait3A_25] : memref<10000x128xf32, #tpu.memory_space<hbm>> -> memref<10000x128xf32, #tpu.memory_space<hbm>>
      tpu.wait_indirect_dma semaphore(%arg12 : memref<!tpu.dma_semaphore, #tpu.memory_space<semaphore_mem>>) src(%dma_wait3A_26 : memref<10000x128xf32, #tpu.memory_space<hbm>>) dst(%arg10 : memref<400x128xf32, #tpu.memory_space<vmem>>)
      "tpu.region"() ({
        %run_scoped3A = tpu.sem_alloc : memref<!tpu.dma_semaphore, #tpu.memory_space<semaphore_mem>>
        %dma_start3A_27 = arith.constant 0 : i32
        %dma_start3A_28 = tpu.memref_slice %arg5[%multiple_of3A, %dma_start3A_27] : memref<320000x128xf32, #tpu.memory_space<hbm>> -> memref<400x128xf32, #tpu.memory_space<hbm>>
        %dma_start3A_29 = arith.constant 0 : i32
        %dma_start3A_30 = tpu.memref_slice %arg5[%multiple_of3A, %dma_start3A_29] : memref<320000x128xf32, #tpu.memory_space<hbm>> -> memref<400x128xf32, #tpu.memory_space<hbm>>
        tpu.enqueue_dma source(%arg9 : memref<400x128xf32, #tpu.memory_space<vmem>>) target(%dma_start3A_30 : memref<400x128xf32, #tpu.memory_space<hbm>>) target_semaphore(%run_scoped3A : memref<!tpu.dma_semaphore, #tpu.memory_space<semaphore_mem>>)
        %dma_wait3A_31 = arith.constant 0 : i32
        %dma_wait3A_32 = tpu.memref_slice %arg5[%multiple_of3A, %dma_wait3A_31] : memref<320000x128xf32, #tpu.memory_space<hbm>> -> memref<400x128xf32, #tpu.memory_space<hbm>>
        %dma_wait3A_33 = arith.constant 0 : i32
        %dma_wait3A_34 = tpu.memref_slice %arg5[%multiple_of3A, %dma_wait3A_33] : memref<320000x128xf32, #tpu.memory_space<hbm>> -> memref<400x128xf32, #tpu.memory_space<hbm>>
        tpu.wait_dma2 semaphore(%run_scoped3A : memref<!tpu.dma_semaphore, #tpu.memory_space<semaphore_mem>>) src(%arg9 : memref<400x128xf32, #tpu.memory_space<vmem>>) dst(%dma_wait3A_34 : memref<400x128xf32, #tpu.memory_space<hbm>>)
        tpu.yield
      }) : () -> ()
      "tpu.region"() ({
        %run_scoped3A = tpu.sem_alloc : memref<!tpu.dma_semaphore, #tpu.memory_space<semaphore_mem>>
        %dma_start3A_27 = arith.constant 0 : i32
        %dma_start3A_28 = tpu.memref_slice %arg6[%multiple_of3A, %dma_start3A_27] : memref<320000x128xf32, #tpu.memory_space<hbm>> -> memref<400x128xf32, #tpu.memory_space<hbm>>
        %dma_start3A_29 = arith.constant 0 : i32
        %dma_start3A_30 = tpu.memref_slice %arg6[%multiple_of3A, %dma_start3A_29] : memref<320000x128xf32, #tpu.memory_space<hbm>> -> memref<400x128xf32, #tpu.memory_space<hbm>>
        tpu.enqueue_dma source(%arg10 : memref<400x128xf32, #tpu.memory_space<vmem>>) target(%dma_start3A_30 : memref<400x128xf32, #tpu.memory_space<hbm>>) target_semaphore(%run_scoped3A : memref<!tpu.dma_semaphore, #tpu.memory_space<semaphore_mem>>)
        %dma_wait3A_31 = arith.constant 0 : i32
        %dma_wait3A_32 = tpu.memref_slice %arg6[%multiple_of3A, %dma_wait3A_31] : memref<320000x128xf32, #tpu.memory_space<hbm>> -> memref<400x128xf32, #tpu.memory_space<hbm>>
        %dma_wait3A_33 = arith.constant 0 : i32
        %dma_wait3A_34 = tpu.memref_slice %arg6[%multiple_of3A, %dma_wait3A_33] : memref<320000x128xf32, #tpu.memory_space<hbm>> -> memref<400x128xf32, #tpu.memory_space<hbm>>
        tpu.wait_dma2 semaphore(%run_scoped3A : memref<!tpu.dma_semaphore, #tpu.memory_space<semaphore_mem>>) src(%arg10 : memref<400x128xf32, #tpu.memory_space<vmem>>) dst(%dma_wait3A_34 : memref<400x128xf32, #tpu.memory_space<hbm>>)
        tpu.yield
      }) : () -> ()
    }
    %while3A_12 = arith.constant 1 : i32
    scf.for %while3A_13 = %while3A_10 to %while3A_6 step %while3A_12  : i32 {
      %mul3A_14 = arith.constant 400 : i32
      %mul3A_15 = arith.muli %while3A_13, %mul3A_14 : i32
      %add3A_16 = arith.addi %mul3A_2, %mul3A_15 : i32
      %multiple_of3A = tpu.assume_multiple %add3A_16, 8 : i32
      "tpu.region"() ({
        %run_scoped3A = tpu.sem_alloc : memref<!tpu.dma_semaphore, #tpu.memory_space<semaphore_mem>>
        %dma_start3A_27 = tpu.memref_slice %arg3[%multiple_of3A] : memref<320000xi32, #tpu.memory_space<hbm>> -> memref<400xi32, #tpu.memory_space<hbm>>
        %dma_start3A_28 = tpu.memref_slice %arg3[%multiple_of3A] : memref<320000xi32, #tpu.memory_space<hbm>> -> memref<400xi32, #tpu.memory_space<hbm>>
        tpu.enqueue_dma source(%dma_start3A_28 : memref<400xi32, #tpu.memory_space<hbm>>) target(%arg7 : memref<400xi32, #tpu.memory_space<vmem>>) target_semaphore(%run_scoped3A : memref<!tpu.dma_semaphore, #tpu.memory_space<semaphore_mem>>)
        %dma_wait3A_29 = tpu.memref_slice %arg3[%multiple_of3A] : memref<320000xi32, #tpu.memory_space<hbm>> -> memref<400xi32, #tpu.memory_space<hbm>>
        %dma_wait3A_30 = tpu.memref_slice %arg3[%multiple_of3A] : memref<320000xi32, #tpu.memory_space<hbm>> -> memref<400xi32, #tpu.memory_space<hbm>>
        tpu.wait_dma2 semaphore(%run_scoped3A : memref<!tpu.dma_semaphore, #tpu.memory_space<semaphore_mem>>) src(%dma_wait3A_30 : memref<400xi32, #tpu.memory_space<hbm>>) dst(%arg7 : memref<400xi32, #tpu.memory_space<vmem>>)
        tpu.yield
      }) : () -> ()
      "tpu.region"() ({
        %run_scoped3A = tpu.sem_alloc : memref<!tpu.dma_semaphore, #tpu.memory_space<semaphore_mem>>
        %dma_start3A_27 = tpu.memref_slice %arg4[%multiple_of3A] : memref<320000xi32, #tpu.memory_space<hbm>> -> memref<400xi32, #tpu.memory_space<hbm>>
        %dma_start3A_28 = tpu.memref_slice %arg4[%multiple_of3A] : memref<320000xi32, #tpu.memory_space<hbm>> -> memref<400xi32, #tpu.memory_space<hbm>>
        tpu.enqueue_dma source(%dma_start3A_28 : memref<400xi32, #tpu.memory_space<hbm>>) target(%arg8 : memref<400xi32, #tpu.memory_space<vmem>>) target_semaphore(%run_scoped3A : memref<!tpu.dma_semaphore, #tpu.memory_space<semaphore_mem>>)
        %dma_wait3A_29 = tpu.memref_slice %arg4[%multiple_of3A] : memref<320000xi32, #tpu.memory_space<hbm>> -> memref<400xi32, #tpu.memory_space<hbm>>
        %dma_wait3A_30 = tpu.memref_slice %arg4[%multiple_of3A] : memref<320000xi32, #tpu.memory_space<hbm>> -> memref<400xi32, #tpu.memory_space<hbm>>
        tpu.wait_dma2 semaphore(%run_scoped3A : memref<!tpu.dma_semaphore, #tpu.memory_space<semaphore_mem>>) src(%dma_wait3A_30 : memref<400xi32, #tpu.memory_space<hbm>>) dst(%arg8 : memref<400xi32, #tpu.memory_space<vmem>>)
        tpu.yield
      }) : () -> ()
      %dma_start3A = arith.constant 0 : i32
      %dma_start3A_17 = arith.constant 0 : i32
      %dma_start3A_18 = tpu.memref_slice %arg2[%dma_start3A, %dma_start3A_17] : memref<10000x128xf32, #tpu.memory_space<hbm>> -> memref<10000x128xf32, #tpu.memory_space<hbm>>
      tpu.enqueue_indirect_dma source(%dma_start3A_18 : memref<10000x128xf32, #tpu.memory_space<hbm>>) target(%arg9 : memref<400x128xf32, #tpu.memory_space<vmem>>) offsets(%arg7 : memref<400xi32, #tpu.memory_space<vmem>>) semaphore(%arg11 : memref<!tpu.dma_semaphore, #tpu.memory_space<semaphore_mem>>)
      %dma_start3A_19 = arith.constant 0 : i32
      %dma_start3A_20 = arith.constant 0 : i32
      %dma_start3A_21 = tpu.memref_slice %arg2[%dma_start3A_19, %dma_start3A_20] : memref<10000x128xf32, #tpu.memory_space<hbm>> -> memref<10000x128xf32, #tpu.memory_space<hbm>>
      tpu.enqueue_indirect_dma source(%dma_start3A_21 : memref<10000x128xf32, #tpu.memory_space<hbm>>) target(%arg10 : memref<400x128xf32, #tpu.memory_space<vmem>>) offsets(%arg8 : memref<400xi32, #tpu.memory_space<vmem>>) semaphore(%arg12 : memref<!tpu.dma_semaphore, #tpu.memory_space<semaphore_mem>>)
      %dma_wait3A = arith.constant 0 : i32
      %dma_wait3A_22 = arith.constant 0 : i32
      %dma_wait3A_23 = tpu.memref_slice %arg2[%dma_wait3A, %dma_wait3A_22] : memref<10000x128xf32, #tpu.memory_space<hbm>> -> memref<10000x128xf32, #tpu.memory_space<hbm>>
      tpu.wait_indirect_dma semaphore(%arg11 : memref<!tpu.dma_semaphore, #tpu.memory_space<semaphore_mem>>) src(%dma_wait3A_23 : memref<10000x128xf32, #tpu.memory_space<hbm>>) dst(%arg9 : memref<400x128xf32, #tpu.memory_space<vmem>>)
      %dma_wait3A_24 = arith.constant 0 : i32
      %dma_wait3A_25 = arith.constant 0 : i32
      %dma_wait3A_26 = tpu.memref_slice %arg2[%dma_wait3A_24, %dma_wait3A_25] : memref<10000x128xf32, #tpu.memory_space<hbm>> -> memref<10000x128xf32, #tpu.memory_space<hbm>>
      tpu.wait_indirect_dma semaphore(%arg12 : memref<!tpu.dma_semaphore, #tpu.memory_space<semaphore_mem>>) src(%dma_wait3A_26 : memref<10000x128xf32, #tpu.memory_space<hbm>>) dst(%arg10 : memref<400x128xf32, #tpu.memory_space<vmem>>)
      "tpu.region"() ({
        %run_scoped3A = tpu.sem_alloc : memref<!tpu.dma_semaphore, #tpu.memory_space<semaphore_mem>>
        %dma_start3A_27 = arith.constant 0 : i32
        %dma_start3A_28 = tpu.memref_slice %arg5[%multiple_of3A, %dma_start3A_27] : memref<320000x128xf32, #tpu.memory_space<hbm>> -> memref<400x128xf32, #tpu.memory_space<hbm>>
        %dma_start3A_29 = arith.constant 0 : i32
        %dma_start3A_30 = tpu.memref_slice %arg5[%multiple_of3A, %dma_start3A_29] : memref<320000x128xf32, #tpu.memory_space<hbm>> -> memref<400x128xf32, #tpu.memory_space<hbm>>
        tpu.enqueue_dma source(%arg9 : memref<400x128xf32, #tpu.memory_space<vmem>>) target(%dma_start3A_30 : memref<400x128xf32, #tpu.memory_space<hbm>>) target_semaphore(%run_scoped3A : memref<!tpu.dma_semaphore, #tpu.memory_space<semaphore_mem>>)
        %dma_wait3A_31 = arith.constant 0 : i32
        %dma_wait3A_32 = tpu.memref_slice %arg5[%multiple_of3A, %dma_wait3A_31] : memref<320000x128xf32, #tpu.memory_space<hbm>> -> memref<400x128xf32, #tpu.memory_space<hbm>>
        %dma_wait3A_33 = arith.constant 0 : i32
        %dma_wait3A_34 = tpu.memref_slice %arg5[%multiple_of3A, %dma_wait3A_33] : memref<320000x128xf32, #tpu.memory_space<hbm>> -> memref<400x128xf32, #tpu.memory_space<hbm>>
        tpu.wait_dma2 semaphore(%run_scoped3A : memref<!tpu.dma_semaphore, #tpu.memory_space<semaphore_mem>>) src(%arg9 : memref<400x128xf32, #tpu.memory_space<vmem>>) dst(%dma_wait3A_34 : memref<400x128xf32, #tpu.memory_space<hbm>>)
        tpu.yield
      }) : () -> ()
      "tpu.region"() ({
        %run_scoped3A = tpu.sem_alloc : memref<!tpu.dma_semaphore, #tpu.memory_space<semaphore_mem>>
        %dma_start3A_27 = arith.constant 0 : i32
        %dma_start3A_28 = tpu.memref_slice %arg6[%multiple_of3A, %dma_start3A_27] : memref<320000x128xf32, #tpu.memory_space<hbm>> -> memref<400x128xf32, #tpu.memory_space<hbm>>
        %dma_start3A_29 = arith.constant 0 : i32
        %dma_start3A_30 = tpu.memref_slice %arg6[%multiple_of3A, %dma_start3A_29] : memref<320000x128xf32, #tpu.memory_space<hbm>> -> memref<400x128xf32, #tpu.memory_space<hbm>>
        tpu.enqueue_dma source(%arg10 : memref<400x128xf32, #tpu.memory_space<vmem>>) target(%dma_start3A_30 : memref<400x128xf32, #tpu.memory_space<hbm>>) target_semaphore(%run_scoped3A : memref<!tpu.dma_semaphore, #tpu.memory_space<semaphore_mem>>)
        %dma_wait3A_31 = arith.constant 0 : i32
        %dma_wait3A_32 = tpu.memref_slice %arg6[%multiple_of3A, %dma_wait3A_31] : memref<320000x128xf32, #tpu.memory_space<hbm>> -> memref<400x128xf32, #tpu.memory_space<hbm>>
        %dma_wait3A_33 = arith.constant 0 : i32
        %dma_wait3A_34 = tpu.memref_slice %arg6[%multiple_of3A, %dma_wait3A_33] : memref<320000x128xf32, #tpu.memory_space<hbm>> -> memref<400x128xf32, #tpu.memory_space<hbm>>
        tpu.wait_dma2 semaphore(%run_scoped3A : memref<!tpu.dma_semaphore, #tpu.memory_space<semaphore_mem>>) src(%arg10 : memref<400x128xf32, #tpu.memory_space<vmem>>) dst(%dma_wait3A_34 : memref<400x128xf32, #tpu.memory_space<hbm>>)
        tpu.yield
      }) : () -> ()
    }
    return
  }
}

module attributes {stable_mosaic.version = 14 : i64} {
  func.func @_mlp_body(%arg0: i32, %arg1: memref<1280x128xf32, #tpu.memory_space<vmem>>, %arg2: memref<1280x128xf32, #tpu.memory_space<vmem>>, %arg3: memref<1280x128xf32, #tpu.memory_space<vmem>>, %arg4: memref<512x128xbf16, #tpu.memory_space<vmem>>, %arg5: memref<512x128xbf16, #tpu.memory_space<vmem>>, %arg6: memref<512x128xbf16, #tpu.memory_space<vmem>>, %arg7: memref<1x512xf32, #tpu.memory_space<vmem>>, %arg8: memref<512x512xbf16, #tpu.memory_space<vmem>>, %arg9: memref<128x512xbf16, #tpu.memory_space<vmem>>, %arg10: memref<512x512xbf16, #tpu.memory_space<vmem>>, %arg11: memref<1x512xf32, #tpu.memory_space<vmem>>, %arg12: memref<1x128xf32, #tpu.memory_space<vmem>>, %arg13: memref<1x512xf32, #tpu.memory_space<vmem>>, %arg14: memref<1280x512xf32, #tpu.memory_space<vmem>>, %arg15: memref<1280x128xf32, #tpu.memory_space<vmem>>, %arg16: memref<1280x512xf32, #tpu.memory_space<vmem>>) attributes {dimension_semantics = [#tpu.dimension_semantics<arbitrary>], iteration_bounds = array<i64: 250>, scalar_prefetch = 0 : i64, scratch_operands = 0 : i64, tpu.core_type = #tpu.core_type<tc>, window_params = [{transform_indices = @transform_0, window_bounds = array<i64: 1280, 128>}, {transform_indices = @transform_1, window_bounds = array<i64: 1280, 128>}, {transform_indices = @transform_2, window_bounds = array<i64: 1280, 128>}, {pipeline_mode = #tpu.pipeline_mode<synchronous>, transform_indices = @transform_3, window_bounds = array<i64: 512, 128>}, {pipeline_mode = #tpu.pipeline_mode<synchronous>, transform_indices = @transform_4, window_bounds = array<i64: 512, 128>}, {pipeline_mode = #tpu.pipeline_mode<synchronous>, transform_indices = @transform_5, window_bounds = array<i64: 512, 128>}, {pipeline_mode = #tpu.pipeline_mode<synchronous>, transform_indices = @transform_6, window_bounds = array<i64: 1, 512>}, {pipeline_mode = #tpu.pipeline_mode<synchronous>, transform_indices = @transform_7, window_bounds = array<i64: 512, 512>}, {pipeline_mode = #tpu.pipeline_mode<synchronous>, transform_indices = @transform_8, window_bounds = array<i64: 128, 512>}, {pipeline_mode = #tpu.pipeline_mode<synchronous>, transform_indices = @transform_9, window_bounds = array<i64: 512, 512>}, {pipeline_mode = #tpu.pipeline_mode<synchronous>, transform_indices = @transform_10, window_bounds = array<i64: 1, 512>}, {pipeline_mode = #tpu.pipeline_mode<synchronous>, transform_indices = @transform_11, window_bounds = array<i64: 1, 128>}, {pipeline_mode = #tpu.pipeline_mode<synchronous>, transform_indices = @transform_12, window_bounds = array<i64: 1, 512>}, {transform_indices = @transform_13, window_bounds = array<i64: 1280, 512>}, {transform_indices = @transform_14, window_bounds = array<i64: 1280, 128>}, {transform_indices = @transform_15, window_bounds = array<i64: 1280, 512>}]} {
    %get3A = arith.constant 0 : index
    %get3A_0 = arith.constant 0 : index
    %get3A_1 = vector.load %arg1[%get3A, %get3A_0] : memref<1280x128xf32, #tpu.memory_space<vmem>>, vector<1280x128xf32>
    %convert_element_type3A = arith.truncf %get3A_1 : vector<1280x128xf32> to vector<1280x128xbf16>
    %get3A_2 = arith.constant 0 : index
    %get3A_3 = arith.constant 0 : index
    %get3A_4 = vector.load %arg2[%get3A_2, %get3A_3] : memref<1280x128xf32, #tpu.memory_space<vmem>>, vector<1280x128xf32>
    %convert_element_type3A_5 = arith.truncf %get3A_4 : vector<1280x128xf32> to vector<1280x128xbf16>
    %get3A_6 = arith.constant 0 : index
    %get3A_7 = arith.constant 0 : index
    %get3A_8 = vector.load %arg3[%get3A_6, %get3A_7] : memref<1280x128xf32, #tpu.memory_space<vmem>>, vector<1280x128xf32>
    %convert_element_type3A_9 = arith.truncf %get3A_8 : vector<1280x128xf32> to vector<1280x128xbf16>
    %get3A_10 = arith.constant 0 : index
    %get3A_11 = arith.constant 0 : index
    %get3A_12 = vector.load %arg4[%get3A_10, %get3A_11] : memref<512x128xbf16, #tpu.memory_space<vmem>>, vector<512x128xbf16>
    %dot_general3A = arith.constant dense<0.000000e+00> : vector<1280x512xf32>
    %dot_general3A_13 = tpu.matmul %convert_element_type3A, %get3A_12, %dot_general3A {dimension_numbers = #tpu.dot_dimension_numbers<[1], [1], [0], [0], [0, 0, 1, 0], [], []>, transpose_lhs_hint = false} : vector<1280x128xbf16>, vector<512x128xbf16>, vector<1280x512xf32> -> vector<1280x512xf32>
    %get3A_14 = arith.constant 0 : index
    %get3A_15 = arith.constant 0 : index
    %get3A_16 = vector.load %arg5[%get3A_14, %get3A_15] : memref<512x128xbf16, #tpu.memory_space<vmem>>, vector<512x128xbf16>
    %dot_general3A_17 = arith.constant dense<0.000000e+00> : vector<1280x512xf32>
    %dot_general3A_18 = tpu.matmul %convert_element_type3A_5, %get3A_16, %dot_general3A_17 {dimension_numbers = #tpu.dot_dimension_numbers<[1], [1], [0], [0], [0, 0, 1, 0], [], []>, transpose_lhs_hint = false} : vector<1280x128xbf16>, vector<512x128xbf16>, vector<1280x512xf32> -> vector<1280x512xf32>
    %add3A = arith.addf %dot_general3A_13, %dot_general3A_18 : vector<1280x512xf32>
    %get3A_19 = arith.constant 0 : index
    %get3A_20 = arith.constant 0 : index
    %get3A_21 = vector.load %arg6[%get3A_19, %get3A_20] : memref<512x128xbf16, #tpu.memory_space<vmem>>, vector<512x128xbf16>
    %dot_general3A_22 = arith.constant dense<0.000000e+00> : vector<1280x512xf32>
    %dot_general3A_23 = tpu.matmul %convert_element_type3A_9, %get3A_21, %dot_general3A_22 {dimension_numbers = #tpu.dot_dimension_numbers<[1], [1], [0], [0], [0, 0, 1, 0], [], []>, transpose_lhs_hint = false} : vector<1280x128xbf16>, vector<512x128xbf16>, vector<1280x512xf32> -> vector<1280x512xf32>
    %add3A_24 = arith.addf %add3A, %dot_general3A_23 : vector<1280x512xf32>
    %get3A_25 = arith.constant 0 : index
    %get3A_26 = arith.constant 0 : index
    %get3A_27 = vector.load %arg7[%get3A_25, %get3A_26] : memref<1x512xf32, #tpu.memory_space<vmem>>, vector<1x512xf32>
    %add3A_28 = vector.broadcast %get3A_27 : vector<1x512xf32> to vector<1280x512xf32>
    %add3A_29 = arith.addf %add3A_24, %add3A_28 : vector<1280x512xf32>
    %max3A = arith.constant 0.000000e+00 : f32
    %max3A_30 = vector.broadcast %max3A : f32 to vector<1280x512xf32>
    %max3A_31 = arith.maximumf %add3A_29, %max3A_30 : vector<1280x512xf32>
    %convert_element_type3A_32 = arith.truncf %max3A_31 : vector<1280x512xf32> to vector<1280x512xbf16>
    %get3A_33 = arith.constant 0 : index
    %get3A_34 = arith.constant 0 : index
    %get3A_35 = vector.load %arg8[%get3A_33, %get3A_34] : memref<512x512xbf16, #tpu.memory_space<vmem>>, vector<512x512xbf16>
    %dot_general3A_36 = arith.constant dense<0.000000e+00> : vector<1280x512xf32>
    %dot_general3A_37 = tpu.matmul %convert_element_type3A_32, %get3A_35, %dot_general3A_36 {dimension_numbers = #tpu.dot_dimension_numbers<[1], [1], [0], [0], [0, 0, 1, 0], [], []>, transpose_lhs_hint = false} : vector<1280x512xbf16>, vector<512x512xbf16>, vector<1280x512xf32> -> vector<1280x512xf32>
    %get3A_38 = arith.constant 0 : index
    %get3A_39 = arith.constant 0 : index
    %get3A_40 = vector.load %arg11[%get3A_38, %get3A_39] : memref<1x512xf32, #tpu.memory_space<vmem>>, vector<1x512xf32>
    %add3A_41 = vector.broadcast %get3A_40 : vector<1x512xf32> to vector<1280x512xf32>
    %add3A_42 = arith.addf %dot_general3A_37, %add3A_41 : vector<1280x512xf32>
    %max3A_43 = arith.constant 0.000000e+00 : f32
    %max3A_44 = vector.broadcast %max3A_43 : f32 to vector<1280x512xf32>
    %max3A_45 = arith.maximumf %add3A_42, %max3A_44 : vector<1280x512xf32>
    %swap3A = arith.constant 0 : index
    %swap3A_46 = arith.constant 0 : index
    %swap3A_47 = vector.load %arg14[%swap3A, %swap3A_46] : memref<1280x512xf32, #tpu.memory_space<vmem>>, vector<1280x512xf32>
    tpu.vector_store %arg14[%swap3A, %swap3A_46], %max3A_45 {strides = array<i32>} : memref<1280x512xf32, #tpu.memory_space<vmem>>, vector<1280x512xf32>,
    %get3A_48 = arith.constant 0 : index
    %get3A_49 = arith.constant 0 : index
    %get3A_50 = vector.load %arg9[%get3A_48, %get3A_49] : memref<128x512xbf16, #tpu.memory_space<vmem>>, vector<128x512xbf16>
    %dot_general3A_51 = arith.constant dense<0.000000e+00> : vector<1280x128xf32>
    %dot_general3A_52 = tpu.matmul %convert_element_type3A_32, %get3A_50, %dot_general3A_51 {dimension_numbers = #tpu.dot_dimension_numbers<[1], [1], [0], [0], [0, 0, 1, 0], [], []>, transpose_lhs_hint = false} : vector<1280x512xbf16>, vector<128x512xbf16>, vector<1280x128xf32> -> vector<1280x128xf32>
    %get3A_53 = arith.constant 0 : index
    %get3A_54 = arith.constant 0 : index
    %get3A_55 = vector.load %arg12[%get3A_53, %get3A_54] : memref<1x128xf32, #tpu.memory_space<vmem>>, vector<1x128xf32>
    %add3A_56 = vector.broadcast %get3A_55 : vector<1x128xf32> to vector<1280x128xf32>
    %add3A_57 = arith.addf %dot_general3A_52, %add3A_56 : vector<1280x128xf32>
    %max3A_58 = arith.constant 0.000000e+00 : f32
    %max3A_59 = vector.broadcast %max3A_58 : f32 to vector<1280x128xf32>
    %max3A_60 = arith.maximumf %add3A_57, %max3A_59 : vector<1280x128xf32>
    %swap3A_61 = arith.constant 0 : index
    %swap3A_62 = arith.constant 0 : index
    %swap3A_63 = vector.load %arg15[%swap3A_61, %swap3A_62] : memref<1280x128xf32, #tpu.memory_space<vmem>>, vector<1280x128xf32>
    tpu.vector_store %arg15[%swap3A_61, %swap3A_62], %max3A_60 {strides = array<i32>} : memref<1280x128xf32, #tpu.memory_space<vmem>>, vector<1280x128xf32>,
    %get3A_64 = arith.constant 0 : index
    %get3A_65 = arith.constant 0 : index
    %get3A_66 = vector.load %arg10[%get3A_64, %get3A_65] : memref<512x512xbf16, #tpu.memory_space<vmem>>, vector<512x512xbf16>
    %dot_general3A_67 = arith.constant dense<0.000000e+00> : vector<1280x512xf32>
    %dot_general3A_68 = tpu.matmul %convert_element_type3A_32, %get3A_66, %dot_general3A_67 {dimension_numbers = #tpu.dot_dimension_numbers<[1], [1], [0], [0], [0, 0, 1, 0], [], []>, transpose_lhs_hint = false} : vector<1280x512xbf16>, vector<512x512xbf16>, vector<1280x512xf32> -> vector<1280x512xf32>
    %get3A_69 = arith.constant 0 : index
    %get3A_70 = arith.constant 0 : index
    %get3A_71 = vector.load %arg13[%get3A_69, %get3A_70] : memref<1x512xf32, #tpu.memory_space<vmem>>, vector<1x512xf32>
    %add3A_72 = vector.broadcast %get3A_71 : vector<1x512xf32> to vector<1280x512xf32>
    %add3A_73 = arith.addf %dot_general3A_68, %add3A_72 : vector<1280x512xf32>
    %max3A_74 = arith.constant 0.000000e+00 : f32
    %max3A_75 = vector.broadcast %max3A_74 : f32 to vector<1280x512xf32>
    %max3A_76 = arith.maximumf %add3A_73, %max3A_75 : vector<1280x512xf32>
    %swap3A_77 = arith.constant 0 : index
    %swap3A_78 = arith.constant 0 : index
    %swap3A_79 = vector.load %arg16[%swap3A_77, %swap3A_78] : memref<1280x512xf32, #tpu.memory_space<vmem>>, vector<1280x512xf32>
    tpu.vector_store %arg16[%swap3A_77, %swap3A_78], %max3A_76 {strides = array<i32>} : memref<1280x512xf32, #tpu.memory_space<vmem>>, vector<1280x512xf32>,
    return
  }
  func.func @transform_0(%arg0: i32) -> (i32, i32) {
    %c0_i32 = arith.constant 0 : i32
    %c0_i32_0 = arith.constant 0 : i32
    return %arg0, %c0_i32 : i32, i32
  }
  func.func @transform_1(%arg0: i32) -> (i32, i32) {
    %c0_i32 = arith.constant 0 : i32
    %c0_i32_0 = arith.constant 0 : i32
    return %arg0, %c0_i32 : i32, i32
  }
  func.func @transform_2(%arg0: i32) -> (i32, i32) {
    %c0_i32 = arith.constant 0 : i32
    %c0_i32_0 = arith.constant 0 : i32
    return %arg0, %c0_i32 : i32, i32
  }
  func.func @transform_3(%arg0: i32) -> (i32, i32) {
    %c0_i32 = arith.constant 0 : i32
    %c0_i32_0 = arith.constant 0 : i32
    %c0_i32_1 = arith.constant 0 : i32
    return %c0_i32, %c0_i32_0 : i32, i32
  }
  func.func @transform_4(%arg0: i32) -> (i32, i32) {
    %c0_i32 = arith.constant 0 : i32
    %c0_i32_0 = arith.constant 0 : i32
    %c0_i32_1 = arith.constant 0 : i32
    return %c0_i32, %c0_i32_0 : i32, i32
  }
  func.func @transform_5(%arg0: i32) -> (i32, i32) {
    %c0_i32 = arith.constant 0 : i32
    %c0_i32_0 = arith.constant 0 : i32
    %c0_i32_1 = arith.constant 0 : i32
    return %c0_i32, %c0_i32_0 : i32, i32
  }
  func.func @transform_6(%arg0: i32) -> (i32, i32) {
    %c0_i32 = arith.constant 0 : i32
    %c0_i32_0 = arith.constant 0 : i32
    %c0_i32_1 = arith.constant 0 : i32
    return %c0_i32, %c0_i32_0 : i32, i32
  }
  func.func @transform_7(%arg0: i32) -> (i32, i32) {
    %c0_i32 = arith.constant 0 : i32
    %c0_i32_0 = arith.constant 0 : i32
    %c0_i32_1 = arith.constant 0 : i32
    return %c0_i32, %c0_i32_0 : i32, i32
  }
  func.func @transform_8(%arg0: i32) -> (i32, i32) {
    %c0_i32 = arith.constant 0 : i32
    %c0_i32_0 = arith.constant 0 : i32
    %c0_i32_1 = arith.constant 0 : i32
    return %c0_i32, %c0_i32_0 : i32, i32
  }
  func.func @transform_9(%arg0: i32) -> (i32, i32) {
    %c0_i32 = arith.constant 0 : i32
    %c0_i32_0 = arith.constant 0 : i32
    %c0_i32_1 = arith.constant 0 : i32
    return %c0_i32, %c0_i32_0 : i32, i32
  }
  func.func @transform_10(%arg0: i32) -> (i32, i32) {
    %c0_i32 = arith.constant 0 : i32
    %c0_i32_0 = arith.constant 0 : i32
    %c0_i32_1 = arith.constant 0 : i32
    return %c0_i32, %c0_i32_0 : i32, i32
  }
  func.func @transform_11(%arg0: i32) -> (i32, i32) {
    %c0_i32 = arith.constant 0 : i32
    %c0_i32_0 = arith.constant 0 : i32
    %c0_i32_1 = arith.constant 0 : i32
    return %c0_i32, %c0_i32_0 : i32, i32
  }
  func.func @transform_12(%arg0: i32) -> (i32, i32) {
    %c0_i32 = arith.constant 0 : i32
    %c0_i32_0 = arith.constant 0 : i32
    %c0_i32_1 = arith.constant 0 : i32
    return %c0_i32, %c0_i32_0 : i32, i32
  }
  func.func @transform_13(%arg0: i32) -> (i32, i32) {
    %c0_i32 = arith.constant 0 : i32
    %c0_i32_0 = arith.constant 0 : i32
    return %arg0, %c0_i32 : i32, i32
  }
  func.func @transform_14(%arg0: i32) -> (i32, i32) {
    %c0_i32 = arith.constant 0 : i32
    %c0_i32_0 = arith.constant 0 : i32
    return %arg0, %c0_i32 : i32, i32
  }
  func.func @transform_15(%arg0: i32) -> (i32, i32) {
    %c0_i32 = arith.constant 0 : i32
    %c0_i32_0 = arith.constant 0 : i32
    return %arg0, %c0_i32 : i32, i32
  }
}

module attributes {stable_mosaic.version = 14 : i64} {
  func.func @_net2_body(%arg0: i32, %arg1: memref<1024x512xf32, #tpu.memory_space<vmem>>, %arg2: memref<1024x128xf32, #tpu.memory_space<vmem>>, %arg3: memref<512x512xbf16, #tpu.memory_space<vmem>>, %arg4: memref<1x512xf32, #tpu.memory_space<vmem>>, %arg5: memref<128x512xbf16, #tpu.memory_space<vmem>>, %arg6: memref<1x128xf32, #tpu.memory_space<vmem>>, %arg7: memref<1024x128xf32, #tpu.memory_space<vmem>>) attributes {dimension_semantics = [#tpu.dimension_semantics<arbitrary>], iteration_bounds = array<i64: 10>, scalar_prefetch = 0 : i64, scratch_operands = 0 : i64, tpu.core_type = #tpu.core_type<tc>, window_params = [{transform_indices = @transform_0, window_bounds = array<i64: 1024, 512>}, {transform_indices = @transform_1, window_bounds = array<i64: 1024, 128>}, {pipeline_mode = #tpu.pipeline_mode<synchronous>, transform_indices = @transform_2, window_bounds = array<i64: 512, 512>}, {pipeline_mode = #tpu.pipeline_mode<synchronous>, transform_indices = @transform_3, window_bounds = array<i64: 1, 512>}, {pipeline_mode = #tpu.pipeline_mode<synchronous>, transform_indices = @transform_4, window_bounds = array<i64: 128, 512>}, {pipeline_mode = #tpu.pipeline_mode<synchronous>, transform_indices = @transform_5, window_bounds = array<i64: 1, 128>}, {transform_indices = @transform_6, window_bounds = array<i64: 1024, 128>}]} {
    %get3A = arith.constant 0 : index
    %get3A_0 = arith.constant 0 : index
    %get3A_1 = vector.load %arg2[%get3A, %get3A_0] : memref<1024x128xf32, #tpu.memory_space<vmem>>, vector<1024x1xf32>
    %max3A = arith.constant 1.000000e+00 : f32
    %max3A_2 = vector.broadcast %max3A : f32 to vector<1024x1xf32>
    %max3A_3 = arith.maximumf %get3A_1, %max3A_2 : vector<1024x1xf32>
    %get3A_4 = arith.constant 0 : index
    %get3A_5 = arith.constant 0 : index
    %get3A_6 = vector.load %arg1[%get3A_4, %get3A_5] : memref<1024x512xf32, #tpu.memory_space<vmem>>, vector<1024x512xf32>
    %div3A = vector.broadcast %max3A_3 : vector<1024x1xf32> to vector<1024x512xf32>
    %div3A_7 = arith.divf %get3A_6, %div3A : vector<1024x512xf32>
    %convert_element_type3A = arith.truncf %div3A_7 : vector<1024x512xf32> to vector<1024x512xbf16>
    %get3A_8 = arith.constant 0 : index
    %get3A_9 = arith.constant 0 : index
    %get3A_10 = vector.load %arg3[%get3A_8, %get3A_9] : memref<512x512xbf16, #tpu.memory_space<vmem>>, vector<512x512xbf16>
    %dot_general3A = arith.constant dense<0.000000e+00> : vector<1024x512xf32>
    %dot_general3A_11 = tpu.matmul %convert_element_type3A, %get3A_10, %dot_general3A {dimension_numbers = #tpu.dot_dimension_numbers<[1], [1], [0], [0], [0, 0, 1, 0], [], []>, transpose_lhs_hint = false} : vector<1024x512xbf16>, vector<512x512xbf16>, vector<1024x512xf32> -> vector<1024x512xf32>
    %get3A_12 = arith.constant 0 : index
    %get3A_13 = arith.constant 0 : index
    %get3A_14 = vector.load %arg4[%get3A_12, %get3A_13] : memref<1x512xf32, #tpu.memory_space<vmem>>, vector<1x512xf32>
    %add3A = vector.broadcast %get3A_14 : vector<1x512xf32> to vector<1024x512xf32>
    %add3A_15 = arith.addf %dot_general3A_11, %add3A : vector<1024x512xf32>
    %max3A_16 = arith.constant 0.000000e+00 : f32
    %max3A_17 = vector.broadcast %max3A_16 : f32 to vector<1024x512xf32>
    %max3A_18 = arith.maximumf %add3A_15, %max3A_17 : vector<1024x512xf32>
    %convert_element_type3A_19 = arith.truncf %max3A_18 : vector<1024x512xf32> to vector<1024x512xbf16>
    %get3A_20 = arith.constant 0 : index
    %get3A_21 = arith.constant 0 : index
    %get3A_22 = vector.load %arg5[%get3A_20, %get3A_21] : memref<128x512xbf16, #tpu.memory_space<vmem>>, vector<128x512xbf16>
    %dot_general3A_23 = arith.constant dense<0.000000e+00> : vector<1024x128xf32>
    %dot_general3A_24 = tpu.matmul %convert_element_type3A_19, %get3A_22, %dot_general3A_23 {dimension_numbers = #tpu.dot_dimension_numbers<[1], [1], [0], [0], [0, 0, 1, 0], [], []>, transpose_lhs_hint = false} : vector<1024x512xbf16>, vector<128x512xbf16>, vector<1024x128xf32> -> vector<1024x128xf32>
    %get3A_25 = arith.constant 0 : index
    %get3A_26 = arith.constant 0 : index
    %get3A_27 = vector.load %arg6[%get3A_25, %get3A_26] : memref<1x128xf32, #tpu.memory_space<vmem>>, vector<1x128xf32>
    %add3A_28 = vector.broadcast %get3A_27 : vector<1x128xf32> to vector<1024x128xf32>
    %add3A_29 = arith.addf %dot_general3A_24, %add3A_28 : vector<1024x128xf32>
    %max3A_30 = arith.constant 0.000000e+00 : f32
    %max3A_31 = vector.broadcast %max3A_30 : f32 to vector<1024x128xf32>
    %max3A_32 = arith.maximumf %add3A_29, %max3A_31 : vector<1024x128xf32>
    %swap3A = arith.constant 0 : index
    %swap3A_33 = arith.constant 0 : index
    %swap3A_34 = vector.load %arg7[%swap3A, %swap3A_33] : memref<1024x128xf32, #tpu.memory_space<vmem>>, vector<1024x128xf32>
    tpu.vector_store %arg7[%swap3A, %swap3A_33], %max3A_32 {strides = array<i32>} : memref<1024x128xf32, #tpu.memory_space<vmem>>, vector<1024x128xf32>,
    return
  }
  func.func @transform_0(%arg0: i32) -> (i32, i32) {
    %c0_i32 = arith.constant 0 : i32
    %c0_i32_0 = arith.constant 0 : i32
    return %arg0, %c0_i32 : i32, i32
  }
  func.func @transform_1(%arg0: i32) -> (i32, i32) {
    %c0_i32 = arith.constant 0 : i32
    %c0_i32_0 = arith.constant 0 : i32
    return %arg0, %c0_i32 : i32, i32
  }
  func.func @transform_2(%arg0: i32) -> (i32, i32) {
    %c0_i32 = arith.constant 0 : i32
    %c0_i32_0 = arith.constant 0 : i32
    %c0_i32_1 = arith.constant 0 : i32
    return %c0_i32, %c0_i32_0 : i32, i32
  }
  func.func @transform_3(%arg0: i32) -> (i32, i32) {
    %c0_i32 = arith.constant 0 : i32
    %c0_i32_0 = arith.constant 0 : i32
    %c0_i32_1 = arith.constant 0 : i32
    return %c0_i32, %c0_i32_0 : i32, i32
  }
  func.func @transform_4(%arg0: i32) -> (i32, i32) {
    %c0_i32 = arith.constant 0 : i32
    %c0_i32_0 = arith.constant 0 : i32
    %c0_i32_1 = arith.constant 0 : i32
    return %c0_i32, %c0_i32_0 : i32, i32
  }
  func.func @transform_5(%arg0: i32) -> (i32, i32) {
    %c0_i32 = arith.constant 0 : i32
    %c0_i32_0 = arith.constant 0 : i32
    %c0_i32_1 = arith.constant 0 : i32
    return %c0_i32, %c0_i32_0 : i32, i32
  }
  func.func @transform_6(%arg0: i32) -> (i32, i32) {
    %c0_i32 = arith.constant 0 : i32
    %c0_i32_0 = arith.constant 0 : i32
    return %arg0, %c0_i32 : i32, i32
  }
}

</mosaic_0001>

<sc_bundles>
// kernel: kernel.6.cloned.1.call-start
scs
__scs_entry_jumppad:
0x0: {  	(pc) =	sbr.rel $0x88, $3  }
0x1: {  	(tag) =	ssettag $0x0;
	lr =	simm.s32 $0x1  }
0x2: {  	[smem:$0x3F96] =	sst lr;
	_ =	strace $0xD0000000  }
0x3: {  	_ = 	snop  }
0x4: {  	_ = 	snop  }
0x5: {  	_ = 	snop  }
0x6: {  	_ = 	snop  }
0x7: {  	_ = 	snop  }
__scs_overlays_trampoline_lowered:
0x8: {  	[smem:$0x3FA5] =	sst s0  }
0x9: {  	[smem:$0x3FA6] =	sst s1  }
0xa: {  	[smem:$0x3FA7] =	sst s2  }
0xb: {  	[smem:$0x3FA8] =	sst s3  }
0xc: {  	[smem:$0x3FA9] =	sst s4  }
0xd: {  	[smem:$0x3FAA] =	sst s5  }
0xe: {  	[smem:$0x3FAB] =	sst s6  }
0xf: {  	[smem:$0x3FAC] =	sst s7  }
0x10: {  	[smem:$0x3FAD] =	sst s8  }
0x11: {  	[smem:$0x3FAE] =	sst s9;
	s0 =	simm.s32 @!p0 $0x0  }
0x12: {  	s1 =	sld [smem:$0x3F94];
	s0 =	simm.s32 @p0 $0x1  }
0x13: {  	[smem:$0x3FAF] =	sst s0;
	s0 =	simm.s32 @!p1 $0x0  }
0x14: {  	s2 =	sld [smem:$0x3F93];
	s0 =	simm.s32 @p1 $0x1  }
0x15: {  	[smem:$0x3FB0] =	sst s0;
	s0 =	simm.s32 @!p2 $0x0  }
0x16: {  	s3 =	sld [smem:$0x3FDB];
	s0 =	simm.s32 @p2 $0x1  }
0x17: {  	s4 =	simm.s32 $0x1BF5;
	[smem:$0x3FB2] =	sst s0  }
0x18: {  	s0 =	sld [smem:$0x3F95];
	_ =	swait.ge [sflag:s4], $0x0  }
0x19: {  	s7 =	sld [smem:$0x3F96]  }
0x1a: {  	s8 =	sadd.s32 $0xFFFFE003, lr  }
0x1b: {  	s9 =	sadd.s32 $0xFFFFFEF7, lr;
	s5 =	simm.s32 $0xFFFFFFFF;
	p2 =	slt.u32 s8, $0xFFFFF086  }
0x1c: {  	p1 =	slt.u32 s9, $0xF7A;
	s5 =	simm.s32 @!p2 $0x0  }
0x1d: {  	s5 =	simm.s32 @p1 $0x1;
	p0 =	seq.s32 s7, s2  }
0x1e: {  	s7 =	smul.u32 @!p0 $0xF7A, s2;
	p2 =	seq.s32 @!p0 s5, $0x0  }
0x1f: {  	s9 =	smul.u32 $0xF7A, s1;
	s8 =	simm.s32 @!p0 $0x1BF5;
	p2 =	por !p2, p0  }
0x20: {  	[sflag:s8] =	ssyncset.s32 @!p0 $0xFFFFF086;
	s6 =	sadd.s32 @!p0 s3, s7;
	s7 =	simm.s32 @!p0 $0x108  }
0x21: {  	s3 =	sadd.s32 s3, s9;
	s6 =	sadd.s32 @!p0 $0x88, s6;
	s7 =	simm.s32 @p2 $0x1082  }
0x22: {  	[simem:s7], [sflag:s8] =	dma.local @!p0 [hbm:s6], $0xF7A  }
0x23: {  	s9 =	sor.u32 $0xD0000000, s2;
	s6 =	simm.s32 $0x108;
	_ =	swait.ge @!p0 [sflag:s8], $0x0  }
0x24: {  	s3 =	sadd.s32 $0x88, s3;
	s6 =	simm.s32 @!p1 $0x1082;
	[sflag:s4] =	ssyncset.s32 $0xFFFFF086  }
0x25: {  	[simem:s6], [sflag:s4] =	dma.local [hbm:s3], $0xF7A  }
0x26: {  	[smem:$0x3F96] =	sst s1;
	(tag) =	ssettag s2;
	_ =	strace s9  }
0x27: {  	s1 =	sld [smem:$0x3FA6]  }
0x28: {  	s2 =	sld [smem:$0x3FA7]  }
0x29: {  	s4 =	sld [smem:$0x3FA9]  }
0x2a: {  	p0 =	seq.s32 s5, $0x0;
	s5 =	sld [smem:$0x3FAA]  }
0x2b: {  	s6 =	sld [smem:$0x3FAB]  }
0x2c: {  	s7 =	sld [smem:$0x3FAC]  }
0x2d: {  	s3 =	simm.s32 $0x108;
	s8 =	sld [smem:$0x3FAD]  }
0x2e: {  	s3 =	simm.s32 @!p0 $0x1082;
	s9 =	sld [smem:$0x3FAE]  }
0x2f: {  	lr =	sadd.s32 s0, s3;
	s0 =	sld [smem:$0x3FA5]  }
0x30: {  	s3 =	sld [smem:$0x3FA8]  }
0x31: {  	[smem:$0x3FB1] =	sst s10  }
0x32: {  	s10 =	sld [smem:$0x3FAF];
	_ =	sdelay $0x3  }
0x33: {  	p0 =	seq.s32 s10, $0x1;
	s10 =	sld [smem:$0x3FB1];
	_ =	sdelay $0x3  }
0x34: {  	[smem:$0x3FB1] =	sst s10  }
0x35: {  	s10 =	sld [smem:$0x3FB0];
	_ =	sdelay $0x3  }
0x36: {  	p1 =	seq.s32 s10, $0x1;
	s10 =	sld [smem:$0x3FB1];
	_ =	sdelay $0x3  }
0x37: {  	[smem:$0x3FB1] =	sst s10  }
0x38: {  	s10 =	sld [smem:$0x3FB2]  }
0x39: {  	_ = 	snop;
	(pc) =	sbr.ind lr, $3  }
0x3a: {  	_ = 	snop  }
0x3b: {  	_ = 	snop  }
0x3c: {  	p2 =	seq.s32 s10, $0x1;
	s10 =	sld [smem:$0x3FB1]  }
0x3d: {  	_ =	shalt  }
0x3e: {  	_ =	shalt  }
0x3f: {  	_ =	shalt  }
0x40: {  	_ =	shalt  }
0x41: {  	_ =	shalt  }
0x42: {  	_ =	shalt  }
0x43: {  	_ =	shalt  }
0x44: {  	_ =	shalt  }
0x45: {  	_ =	shalt  }
0x46: {  	_ =	shalt  }
0x47: {  	_ =	shalt  }
0x48: {  	_ =	shalt  }
0x49: {  	_ =	shalt  }
0x4a: {  	_ =	shalt  }
0x4b: {  	_ =	shalt  }
0x4c: {  	_ =	shalt  }
0x4d: {  	_ =	shalt  }
0x4e: {  	_ =	shalt  }
0x4f: {  	_ =	shalt  }
0x50: {  	_ =	shalt  }
0x51: {  	_ =	shalt  }
0x52: {  	_ =	shalt  }
0x53: {  	_ =	shalt  }
0x54: {  	_ =	shalt  }
0x55: {  	_ =	shalt  }
0x56: {  	_ =	shalt  }
0x57: {  	_ =	shalt  }
0x58: {  	_ =	shalt  }
0x59: {  	_ =	shalt  }
0x5a: {  	_ =	shalt  }
0x5b: {  	_ =	shalt  }
0x5c: {  	_ =	shalt  }
0x5d: {  	_ =	shalt  }
0x5e: {  	_ =	shalt  }
0x5f: {  	_ =	shalt  }
0x60: {  	_ =	shalt  }
0x61: {  	_ =	shalt  }
0x62: {  	_ =	shalt  }
0x63: {  	_ =	shalt  }
0x64: {  	_ =	shalt  }
0x65: {  	_ =	shalt  }
0x66: {  	_ =	shalt  }
0x67: {  	_ =	shalt  }
0x68: {  	_ =	shalt  }
0x69: {  	_ =	shalt  }
0x6a: {  	_ =	shalt  }
0x6b: {  	_ =	shalt  }
0x6c: {  	_ =	shalt  }
0x6d: {  	_ =	shalt  }
0x6e: {  	_ =	shalt  }
0x6f: {  	_ =	shalt  }
0x70: {  	_ =	shalt  }
0x71: {  	_ =	shalt  }
0x72: {  	_ =	shalt  }
0x73: {  	_ =	shalt  }
0x74: {  	_ =	shalt  }
0x75: {  	_ =	shalt  }
0x76: {  	_ =	shalt  }
0x77: {  	_ =	shalt  }
0x78: {  	_ =	shalt  }
0x79: {  	_ =	shalt  }
0x7a: {  	_ =	shalt  }
0x7b: {  	_ =	shalt  }
0x7c: {  	_ =	shalt  }
0x7d: {  	_ =	shalt  }
0x7e: {  	_ =	shalt  }
0x7f: {  	_ =	shalt  }
0x80: {  	_ =	shalt  }
0x81: {  	_ =	shalt  }
0x82: {  	_ =	shalt  }
0x83: {  	_ =	shalt  }
0x84: {  	_ =	shalt  }
0x85: {  	_ =	shalt  }
0x86: {  	_ =	shalt  }
0x87: {  	_ =	shalt  }
.Lfunc_end0:
.L_simem_size_0:
called_computation_lowered:
.L_overlay_start_0:
0x88: {  	s2 =	sld [smem:$0x3FD9]  }
0x89: {  	s3 =	sld [smem:$0x3FFE];
	_ =	sdelay $0x1  }
0x8a: {  	s1 =	srdreg.scid  }
0x8b: {  	s0 =	sand.u32 $0x1, s1  }
0x8c: {  	s14 =	sshll.u32 s0, $0xA;
	s2 =	sadd.s32 s3, s2  }
0x8d: {  	s2 =	sadd.s32 s2, s14  }
0x8e: {  	[smem:$0x3FBD] =	sst s2  }
0x8f: {  	_ = 	snop  }
0x90: {  	s2 =	sld [smem:$0x3FD0];
	_ =	sdelay $0x2  }
0x91: {  	s4 =	simm.s32 $0xA;
	s5 =	simm.s32 $0x10;
	s15 =	sld [smem:$0x3FC9]  }
0x92: {  	[smem:s5], [sflag:s4] =	dma.local [hbm:s2], $0x1  }
0x93: {  	_ =	swait.eq [sflag:s4], $0x1  }
0x94: {  	[sflag:s4] =	ssyncset.done $0x0  }
0x95: {  	[sflag:s4] =	ssyncadd.s32 $0xFFFFFFFF  }
0x96: {  	s16 =	sld [smem:$0x11];
	(tm) =	ssettm $0x1  }
0x97: {  	s17 =	sld [smem:$0x3FFB];
	_ =	sdelay $0x3  }
0x98: {  	_ =	strace s17  }
0x99: {  	s4 =	sld [smem:$0x3FFC];
	_ =	sdelay $0x3  }
0x9a: {  	_ =	strace s4  }
0x9b: {  	s4 =	sld [smem:$0x3FFD];
	_ =	sdelay $0x3  }
0x9c: {  	_ =	strace s4  }
0x9d: {  	_ =	strace $0x8FFFFFFF  }
0x9e: {  	s18 =	sld [smem:$0x3FDB];
	_ =	sdelay $0x1  }
0x9f: {  	s19 =	simm.s32 $_scs_section_size  }
0xa0: {  	s6 =	simm.s32 $_size__tile_overlayer_lowered;
	s7 =	simm.s32 $_tile_overlayer_lowered  }
0xa1: {  	s22 =	simm.s32 $0x1BFF;
	s21 =	sshll.u32 s7, $0x1;
	s4 =	sadd.s32 s19, s18  }
0xa2: {  	s8 =	simm.s32 $0x0;
	s20 =	sshll.u32 s6, $0x1;
	s6 =	sadd.s32 s21, s4  }
0xa3: {  	[timem:s8], [sflag:s22] =	dma.local [hbm:s6], s20  }
0xa4: {  	_ =	swait.ge [sflag:s22], s20  }
0xa5: {  	s5 =	ssub.s32 $0x0, s20;
	[sflag:s22] =	ssyncset.done $0x0  }
0xa6: {  	[sflag:s22] =	ssyncadd.s32 s5;
	_ =	sdelay $0x1  }
0xa7: {  	s23 =	simm.s32 $0x1B8B  }
0xa8: {  	_ =	swait.ge [sflag:s23], $0x1  }
0xa9: {  	[sflag:s23] =	ssyncset.done $0x0  }
0xaa: {  	s25 =	simm.s32 $0x1B8E;
	s24 =	sld [smem:$0x3FFE];
	[sflag:s23] =	ssyncadd.s32 $0xFFFFFFFF  }
0xab: {  	s26 =	simm.s32 $execute0_lowered;
	[smem:$0x3FD2] =	sst s25  }
0xac: {  	s6 =	sshll.u32 s26, $0x1;
	_ =	strace $0x80000046;
	[dreg:$0x1] =	wrdreg $0xFFFFFFFF  }
0xad: {  	s28 =	simm.s32 $_size_execute0_lowered;
	s4 =	sadd.s32 s4, s6;
	[dreg:$0x0] =	wrdreg $0x0  }
0xae: {  	s6 =	sshll.u32 s28, $0x1;
	[dreg:$0x2] =	wrdreg s4  }
0xaf: {  	[dreg:$0x3] =	wrdreg s6  }
0xb0: {  	[dreg:$0x4] =	wrdreg $0xC0  }
0xb1: {  	_ =	task [dreg:s8], $0x5FFFF  }
0xb2: {  	[dreg:$0x1] =	wrdreg $0xFFFFFFFF  }
0xb3: {  	[dreg:$0x0] =	wrdreg $0x60  }
0xb4: {  	[dreg:$0x2] =	wrdreg s15  }
0xb5: {  	[dreg:$0x3] =	wrdreg s24  }
0xb6: {  	[dreg:$0x4] =	wrdreg s16  }
0xb7: {  	[dreg:$0x5] =	wrdreg $0x9  }
0xb8: {  	_ =	task.clear_ibuf [dreg:s8], $0x6FFFF;
	_ =	strace $0x90000046  }
0xb9: {  	s29 =	simm.s32 $0x9;
	_ =	strace $0x80000048  }
0xba: {  	_ =	swait.ge [sflag:s29], $0x1  }
0xbb: {  	[sflag:s29] =	ssyncadd.s32 $0xFFFFFFFF  }
0xbc: {  	_ =	strace $0x90000048  }
0xbd: {  	_ =	sfence  }
0xbe: {  	s30 =	sld [smem:$0x0];
	_ =	sdelay $0x2  }
0xbf: {  	s31 =	sshll.u32 s1, $0xD;
	s1 =	sshrl.u32 s1, $0x2  }
0xc0: {  	s3 =	sand.u32 $0x4000, s31;
	s1 =	sadd.s32 s1, s30  }
0xc1: {  	s0 =	sor.u32 s3, s0;
	s1 =	sshll.u32 s1, $0x11  }
0xc2: {  	s0 =	sor.u32 s1, s0  }
0xc3: {  	s0 =	sadd.s32 $0x8F2B, s0  }
0xc4: {  	[sflag:s0] =	ssyncadd.remote.s32 $0x1  }
0xc5: {  	_ =	sfence.sel $0xFFFF  }
0xc6: {  	[dreg:$0x0] =	wrdreg $0xFFFFFFFF;
	(pc) =	sbr.abs _section_cstart, $3  }
0xc7: {  	[dreg:$0x1] =	wrdreg $0xFFFFFFFF  }
0xc8: {  	_ =	task.clear_ibuf [dreg:s8], $0x2FFFF;
	_ =	strace $0x9FFFFFFF  }
0xc9: {  	(tm) =	ssettm $0x7FFFFFFF  }
tec
execute0_lowered:
.L_overlay_start_1:
0x0: {  	(tag) =	ssettag $0x1  }
0x1: {  	s1 =	rddreg [dreg:$0x0]  }
0x2: {  	s4 =	rddreg [dreg:$0x1]  }
0x3: {  	s5 =	rddreg [dreg:$0x2]  }
0x4: {  	s0 =	rddreg [dreg:$0x3]  }
0x5: {  	s6 =	srdreg.scid;
	s2 =	stileid.u32  }
0x6: {  	s3 =	simm.s32 $0x0;
	s12 =	simm.s32 $0x400;
	s13 =	simm.s32 $0xCC00  }
0x7: {  	s14 =	simm.s32 $0x1;
	s15 =	simm.s32 $0x2;
	s7 =	smul.u32 $0x4E20, s2  }
0x8: {  	s16 =	simm.s32 $0x0;
	s6 =	sand.u32 $0x1, s6;
	s29 =	smul.u32 $0x4E200, s2  }
0x9: {  	[smem:$0x7FF] =	sst s3;
	s8 =	smul.u32 $0x2710, s6;
	s9 =	ssub.s32 $0x2, s6  }
0xa: {  	_ =	strace $0x80000047;
	s6 =	smul.u32 $0x27100, s6;
	s10 =	sshrl.u32 s9, $0x1  }
0xb: {  	s30 =	sadd.s32 s29, s4;
	s5 =	sadd.s32 s29, s5;
	s7 =	sadd.s32 s8, s7  }
0xc: {  	s31 =	ssub.s32 s9, s10;
	s5 =	sadd.s32 s6, s5;
	s7 =	sshrl.u32 s7, $0x3  }
0xd: {  	s9 =	simm.s32 $0x3;
	s11 =	sadd.s32 s7, s4;
	s7 =	sadd.s32 s6, s30  }
0xe: {  	s10 =	simm.s32 $0x200;
	s4 =	smax.u32 s31, $0x1;
	s6 =	sadd.s32 $0x15600, s7  }
0xf: {  	s7 =	sadd.s32 $0x1A00, s11;
	s8 =	sadd.s32 $0xB800, s11;
	s11 =	simm.s32 $0x190  }
.LBB2_1:
0x10: {  	s17 =	sadd.s32 $0x0, s8  }
0x11: {  	[tilespmem:s3], [sflag:$0x3] =	stream.linear.gather [hbm4b:s17+s3], $0x190, $0x38;
	[tilespmem:$0x19400] =	vst v63  }
0x12: {  	_ =	swait.ge [sflag:s9], $0x190  }
0x13: {  	[sflag:s9] =	ssyncset.done $0x0  }
0x14: {  	s31 =	sadd.s32 $0x0, s7;
	[sflag:s9] =	ssyncadd.s32 $0xFFFFFE70  }
0x15: {  	[tilespmem:s10], [sflag:$0x3] =	stream.linear.gather [hbm4b:s31+s3], $0x190, $0x38;
	[tilespmem:$0x19400] =	vst v63  }
0x16: {  	_ =	swait.ge [sflag:s9], $0x190  }
0x17: {  	[sflag:s9] =	ssyncset.done $0x0  }
0x18: {  	[sflag:s9] =	ssyncadd.s32 $0xFFFFFE70  }
0x19: {  	[tilespmem:s12], [sflag:$0x1] =	stream.indirect.gather [hbm4b:s1+s11], $0x80, s3, s11, $0xb8;
	[tilespmem:$0x19400] =	vst v63  }
0x1a: {  	_ = 	snop  }
0x1b: {  	[tilespmem:s13], [sflag:$0x2] =	stream.indirect.gather [hbm4b:s1+s11], $0x80, s10, s11, $0xb8;
	[tilespmem:$0x19400] =	vst v63  }
0x1c: {  	_ =	swait.ge [sflag:s14], $0xC800  }
0x1d: {  	[sflag:s14] =	ssyncset.done $0x0  }
0x1e: {  	[sflag:s14] =	ssyncadd.s32 $0xFFFF3800  }
0x1f: {  	_ =	swait.ge [sflag:s15], $0xC800  }
0x20: {  	[sflag:s15] =	ssyncset.done $0x0  }
0x21: {  	[sflag:s15] =	ssyncadd.s32 $0xFFFF3800  }
0x22: {  	[hbm4b:s5+s3] =	stream.linear.scatter [tilespmem:s12], [sflag:$0x3], $0xC800, $0x38;
	[tilespmem:$0x19400] =	vst v63  }
0x23: {  	_ =	swait.ge [sflag:s9], $0xC800  }
0x24: {  	[sflag:s9] =	ssyncset.done $0x0  }
0x25: {  	[sflag:s9] =	ssyncadd.s32 $0xFFFF3800  }
0x26: {  	[hbm4b:s6+s3] =	stream.linear.scatter [tilespmem:s13], [sflag:$0x3], $0xC800, $0x38;
	[tilespmem:$0x19400] =	vst v63  }
0x27: {  	s19 =	simm.s32 $0x32;
	s20 =	simm.s32 $0x64;
	_ =	swait.ge [sflag:s9], $0xC800  }
0x28: {  	s18 =	sadd.s32 $0x1900, s5;
	s17 =	sadd.s32 $0x1900, s6;
	[sflag:s9] =	ssyncset.done $0x0  }
.LBB2_2:
0x29: {  	s21 =	sadd.s32 s19, s8  }
0x2a: {  	[sflag:s9] =	ssyncadd.s32 $0xFFFF3800;
	s22 =	smov.u32 s20;
	s23 =	sadd.s32 $0x32, s20  }
0x2b: {  	[tilespmem:s3], [sflag:$0x3] =	stream.linear.gather [hbm4b:s21+s3], $0x190, $0x38;
	[tilespmem:$0x19400] =	vst v63  }
0x2c: {  	p0 =	sne.s32 s20, $0x4B0;
	_ =	swait.ge [sflag:s9], $0x190  }
0x2d: {  	[sflag:s9] =	ssyncset.done $0x0  }
0x2e: {  	s20 =	sadd.s32 s19, s7;
	s19 =	smov.u32 s22;
	[sflag:s9] =	ssyncadd.s32 $0xFFFFFE70  }
0x2f: {  	[tilespmem:s10], [sflag:$0x3] =	stream.linear.gather [hbm4b:s20+s3], $0x190, $0x38;
	[tilespmem:$0x19400] =	vst v63  }
0x30: {  	_ =	swait.ge [sflag:s9], $0x190  }
0x31: {  	[sflag:s9] =	ssyncset.done $0x0  }
0x32: {  	[sflag:s9] =	ssyncadd.s32 $0xFFFFFE70  }
0x33: {  	[tilespmem:s12], [sflag:$0x1] =	stream.indirect.gather [hbm4b:s1+s11], $0x80, s3, s11, $0xb8;
	[tilespmem:$0x19400] =	vst v63  }
0x34: {  	_ = 	snop  }
0x35: {  	[tilespmem:s13], [sflag:$0x2] =	stream.indirect.gather [hbm4b:s1+s11], $0x80, s10, s11, $0xb8;
	[tilespmem:$0x19400] =	vst v63  }
0x36: {  	_ =	swait.ge [sflag:s14], $0xC800  }
0x37: {  	[sflag:s14] =	ssyncset.done $0x0  }
0x38: {  	[sflag:s14] =	ssyncadd.s32 $0xFFFF3800  }
0x39: {  	_ =	swait.ge [sflag:s15], $0xC800  }
0x3a: {  	[sflag:s15] =	ssyncset.done $0x0  }
0x3b: {  	[sflag:s15] =	ssyncadd.s32 $0xFFFF3800  }
0x3c: {  	[hbm4b:s18+s3] =	stream.linear.scatter [tilespmem:s12], [sflag:$0x3], $0xC800, $0x38;
	[tilespmem:$0x19400] =	vst v63  }
0x3d: {  	_ =	swait.ge [sflag:s9], $0xC800  }
.Ltmp0:
0x3e: {  	[sflag:s9] =	ssyncset.done $0x0;
	(pc) =	sbr.rel @p0 .LBB2_2-.Ltmp0, $4  }
0x3f: {  	[sflag:s9] =	ssyncadd.s32 $0xFFFF3800  }
0x40: {  	[hbm4b:s17+s3] =	stream.linear.scatter [tilespmem:s13], [sflag:$0x3], $0xC800, $0x38;
	[tilespmem:$0x19400] =	vst v63  }
0x41: {  	s20 =	smov.u32 s23;
	_ =	swait.ge [sflag:s9], $0xC800  }
0x42: {  	s18 =	sadd.s32 $0x1900, s18;
	s17 =	sadd.s32 $0x1900, s17;
	[sflag:s9] =	ssyncset.done $0x0  }
0x43: {  	s20 =	sadd.s32 s19, s8;
	[sflag:s9] =	ssyncadd.s32 $0xFFFF3800  }
0x44: {  	[tilespmem:s3], [sflag:$0x3] =	stream.linear.gather [hbm4b:s20+s3], $0x190, $0x38;
	[tilespmem:$0x19400] =	vst v63  }
0x45: {  	_ =	swait.ge [sflag:s9], $0x190  }
0x46: {  	[sflag:s9] =	ssyncset.done $0x0  }
0x47: {  	s31 =	sadd.s32 s19, s7;
	[sflag:s9] =	ssyncadd.s32 $0xFFFFFE70  }
0x48: {  	[tilespmem:s10], [sflag:$0x3] =	stream.linear.gather [hbm4b:s31+s3], $0x190, $0x38;
	[tilespmem:$0x19400] =	vst v63  }
0x49: {  	_ =	swait.ge [sflag:s9], $0x190  }
0x4a: {  	[sflag:s9] =	ssyncset.done $0x0  }
0x4b: {  	[sflag:s9] =	ssyncadd.s32 $0xFFFFFE70  }
0x4c: {  	[tilespmem:s12], [sflag:$0x1] =	stream.indirect.gather [hbm4b:s1+s11], $0x80, s3, s11, $0xb8;
	[tilespmem:$0x19400] =	vst v63  }
0x4d: {  	_ = 	snop  }
0x4e: {  	[tilespmem:s13], [sflag:$0x2] =	stream.indirect.gather [hbm4b:s1+s11], $0x80, s10, s11, $0xb8;
	[tilespmem:$0x19400] =	vst v63  }
0x4f: {  	_ =	swait.ge [sflag:s14], $0xC800  }
0x50: {  	[sflag:s14] =	ssyncset.done $0x0  }
0x51: {  	[sflag:s14] =	ssyncadd.s32 $0xFFFF3800  }
0x52: {  	_ =	swait.ge [sflag:s15], $0xC800  }
0x53: {  	[sflag:s15] =	ssyncset.done $0x0  }
0x54: {  	[sflag:s15] =	ssyncadd.s32 $0xFFFF3800  }
0x55: {  	[hbm4b:s18+s3] =	stream.linear.scatter [tilespmem:s12], [sflag:$0x3], $0xC800, $0x38;
	[tilespmem:$0x19400] =	vst v63  }
0x56: {  	s16 =	sadd.s32 $0x1, s16;
	_ =	swait.ge [sflag:s9], $0xC800  }
0x57: {  	p0 =	sne.s32 s16, s4;
	[sflag:s9] =	ssyncset.done $0x0  }
.Ltmp1:
0x58: {  	[sflag:s9] =	ssyncadd.s32 $0xFFFF3800;
	(pc) =	sbr.rel @p0 .LBB2_1-.Ltmp1, $4  }
0x59: {  	[hbm4b:s17+s3] =	stream.linear.scatter [tilespmem:s13], [sflag:$0x3], $0xC800, $0x38;
	[tilespmem:$0x19400] =	vst v63  }
0x5a: {  	_ =	swait.ge [sflag:s9], $0xC800  }
0x5b: {  	[sflag:s9] =	ssyncset.done $0x0  }
0x5c: {  	[sflag:s9] =	ssyncadd.s32 $0xFFFF3800  }
0x5d: {  	_ =	sfence.sel $0x180000  }
0x5e: {  	[bflag:$0x0] =	sbarrier.arrive $0xFFFF  }
0x5f: {  	p0 =	sne.s32 s2, $0x0;
	_ =	strace $0x90000047  }
0x60: {  	s0 =	sadd.s32 @!p0 $0x100000, s0;
	[bflag:$0x2] =	sbarrier.arrive $0xFFFF  }
0x61: {  	[sflag:s0] =	ssyncadd.tile.s32 @!p0 $0x1;
	_ =	shalt  }
.Lfunc_end2:
_tile_overlayer_lowered:
.L_overlay_start_2:
0x62: {  	(tag) =	ssettag $0x2  }
0x63: {  	s0 =	rddreg [dreg:$0x0];
	s2 =	stileid.u32  }
0x64: {  	s1 =	rddreg [dreg:$0x1];
	p0 =	sne.s32 s2, $0x0  }
0x65: {  	s3 =	rddreg [dreg:$0x2];
	[bflag:$0x3] =	sbarrier.arrive $0xFFFF;
	s2 =	simm.s32 @!p0 $0x1C03  }
0x66: {  	[timem:s3], [sflag:s2] =	dma.local @!p0 [hbm:s0], s1  }
0x67: {  	s0 =	simm.s32 @!p0 $0x3  }
0x68: {  	_ =	swait.ge @!p0 [sflag:s0], s1  }
0x69: {  	s1 =	ssub.s32 @!p0 $0x0, s1;
	[sflag:s0] =	ssyncset.done @!p0 $0x0  }
0x6a: {  	[sflag:s0] =	ssyncadd.s32 @!p0 s1  }
0x6b: {  	[bflag:$0x3] =	sbarrier.arrive $0xFFFF  }
0x6c: {  	_ =	shalt  }

// kernel: kernel.9.cloned.1.call-start
scs
__scs_entry_jumppad:
0x0: {  	(pc) =	sbr.rel $0x88, $3  }
0x1: {  	(tag) =	ssettag $0x0;
	lr =	simm.s32 $0x1  }
0x2: {  	[smem:$0x3F96] =	sst lr;
	_ =	strace $0xD0000000  }
0x3: {  	_ = 	snop  }
0x4: {  	_ = 	snop  }
0x5: {  	_ = 	snop  }
0x6: {  	_ = 	snop  }
0x7: {  	_ = 	snop  }
__scs_overlays_trampoline_lowered:
0x8: {  	[smem:$0x3FA5] =	sst s0  }
0x9: {  	[smem:$0x3FA6] =	sst s1  }
0xa: {  	[smem:$0x3FA7] =	sst s2  }
0xb: {  	[smem:$0x3FA8] =	sst s3  }
0xc: {  	[smem:$0x3FA9] =	sst s4  }
0xd: {  	[smem:$0x3FAA] =	sst s5  }
0xe: {  	[smem:$0x3FAB] =	sst s6  }
0xf: {  	[smem:$0x3FAC] =	sst s7  }
0x10: {  	[smem:$0x3FAD] =	sst s8  }
0x11: {  	[smem:$0x3FAE] =	sst s9;
	s0 =	simm.s32 @!p0 $0x0  }
0x12: {  	s1 =	sld [smem:$0x3F94];
	s0 =	simm.s32 @p0 $0x1  }
0x13: {  	[smem:$0x3FAF] =	sst s0;
	s0 =	simm.s32 @!p1 $0x0  }
0x14: {  	s2 =	sld [smem:$0x3F93];
	s0 =	simm.s32 @p1 $0x1  }
0x15: {  	[smem:$0x3FB0] =	sst s0;
	s0 =	simm.s32 @!p2 $0x0  }
0x16: {  	s3 =	sld [smem:$0x3FDB];
	s0 =	simm.s32 @p2 $0x1  }
0x17: {  	s4 =	simm.s32 $0x1BF5;
	[smem:$0x3FB2] =	sst s0  }
0x18: {  	s0 =	sld [smem:$0x3F95];
	_ =	swait.ge [sflag:s4], $0x0  }
0x19: {  	s7 =	sld [smem:$0x3F96]  }
0x1a: {  	s8 =	sadd.s32 $0xFFFFE003, lr  }
0x1b: {  	s9 =	sadd.s32 $0xFFFFFEF7, lr;
	s5 =	simm.s32 $0xFFFFFFFF;
	p2 =	slt.u32 s8, $0xFFFFF086  }
0x1c: {  	p1 =	slt.u32 s9, $0xF7A;
	s5 =	simm.s32 @!p2 $0x0  }
0x1d: {  	s5 =	simm.s32 @p1 $0x1;
	p0 =	seq.s32 s7, s2  }
0x1e: {  	s7 =	smul.u32 @!p0 $0xF7A, s2;
	p2 =	seq.s32 @!p0 s5, $0x0  }
0x1f: {  	s9 =	smul.u32 $0xF7A, s1;
	s8 =	simm.s32 @!p0 $0x1BF5;
	p2 =	por !p2, p0  }
0x20: {  	[sflag:s8] =	ssyncset.s32 @!p0 $0xFFFFF086;
	s6 =	sadd.s32 @!p0 s3, s7;
	s7 =	simm.s32 @!p0 $0x108  }
0x21: {  	s3 =	sadd.s32 s3, s9;
	s6 =	sadd.s32 @!p0 $0x88, s6;
	s7 =	simm.s32 @p2 $0x1082  }
0x22: {  	[simem:s7], [sflag:s8] =	dma.local @!p0 [hbm:s6], $0xF7A  }
0x23: {  	s9 =	sor.u32 $0xD0000000, s2;
	s6 =	simm.s32 $0x108;
	_ =	swait.ge @!p0 [sflag:s8], $0x0  }
0x24: {  	s3 =	sadd.s32 $0x88, s3;
	s6 =	simm.s32 @!p1 $0x1082;
	[sflag:s4] =	ssyncset.s32 $0xFFFFF086  }
0x25: {  	[simem:s6], [sflag:s4] =	dma.local [hbm:s3], $0xF7A  }
0x26: {  	[smem:$0x3F96] =	sst s1;
	(tag) =	ssettag s2;
	_ =	strace s9  }
0x27: {  	s1 =	sld [smem:$0x3FA6]  }
0x28: {  	s2 =	sld [smem:$0x3FA7]  }
0x29: {  	s4 =	sld [smem:$0x3FA9]  }
0x2a: {  	p0 =	seq.s32 s5, $0x0;
	s5 =	sld [smem:$0x3FAA]  }
0x2b: {  	s6 =	sld [smem:$0x3FAB]  }
0x2c: {  	s7 =	sld [smem:$0x3FAC]  }
0x2d: {  	s3 =	simm.s32 $0x108;
	s8 =	sld [smem:$0x3FAD]  }
0x2e: {  	s3 =	simm.s32 @!p0 $0x1082;
	s9 =	sld [smem:$0x3FAE]  }
0x2f: {  	lr =	sadd.s32 s0, s3;
	s0 =	sld [smem:$0x3FA5]  }
0x30: {  	s3 =	sld [smem:$0x3FA8]  }
0x31: {  	[smem:$0x3FB1] =	sst s10  }
0x32: {  	s10 =	sld [smem:$0x3FAF];
	_ =	sdelay $0x3  }
0x33: {  	p0 =	seq.s32 s10, $0x1;
	s10 =	sld [smem:$0x3FB1];
	_ =	sdelay $0x3  }
0x34: {  	[smem:$0x3FB1] =	sst s10  }
0x35: {  	s10 =	sld [smem:$0x3FB0];
	_ =	sdelay $0x3  }
0x36: {  	p1 =	seq.s32 s10, $0x1;
	s10 =	sld [smem:$0x3FB1];
	_ =	sdelay $0x3  }
0x37: {  	[smem:$0x3FB1] =	sst s10  }
0x38: {  	s10 =	sld [smem:$0x3FB2]  }
0x39: {  	_ = 	snop;
	(pc) =	sbr.ind lr, $3  }
0x3a: {  	_ = 	snop  }
0x3b: {  	_ = 	snop  }
0x3c: {  	p2 =	seq.s32 s10, $0x1;
	s10 =	sld [smem:$0x3FB1]  }
0x3d: {  	_ =	shalt  }
0x3e: {  	_ =	shalt  }
0x3f: {  	_ =	shalt  }
0x40: {  	_ =	shalt  }
0x41: {  	_ =	shalt  }
0x42: {  	_ =	shalt  }
0x43: {  	_ =	shalt  }
0x44: {  	_ =	shalt  }
0x45: {  	_ =	shalt  }
0x46: {  	_ =	shalt  }
0x47: {  	_ =	shalt  }
0x48: {  	_ =	shalt  }
0x49: {  	_ =	shalt  }
0x4a: {  	_ =	shalt  }
0x4b: {  	_ =	shalt  }
0x4c: {  	_ =	shalt  }
0x4d: {  	_ =	shalt  }
0x4e: {  	_ =	shalt  }
0x4f: {  	_ =	shalt  }
0x50: {  	_ =	shalt  }
0x51: {  	_ =	shalt  }
0x52: {  	_ =	shalt  }
0x53: {  	_ =	shalt  }
0x54: {  	_ =	shalt  }
0x55: {  	_ =	shalt  }
0x56: {  	_ =	shalt  }
0x57: {  	_ =	shalt  }
0x58: {  	_ =	shalt  }
0x59: {  	_ =	shalt  }
0x5a: {  	_ =	shalt  }
0x5b: {  	_ =	shalt  }
0x5c: {  	_ =	shalt  }
0x5d: {  	_ =	shalt  }
0x5e: {  	_ =	shalt  }
0x5f: {  	_ =	shalt  }
0x60: {  	_ =	shalt  }
0x61: {  	_ =	shalt  }
0x62: {  	_ =	shalt  }
0x63: {  	_ =	shalt  }
0x64: {  	_ =	shalt  }
0x65: {  	_ =	shalt  }
0x66: {  	_ =	shalt  }
0x67: {  	_ =	shalt  }
0x68: {  	_ =	shalt  }
0x69: {  	_ =	shalt  }
0x6a: {  	_ =	shalt  }
0x6b: {  	_ =	shalt  }
0x6c: {  	_ =	shalt  }
0x6d: {  	_ =	shalt  }
0x6e: {  	_ =	shalt  }
0x6f: {  	_ =	shalt  }
0x70: {  	_ =	shalt  }
0x71: {  	_ =	shalt  }
0x72: {  	_ =	shalt  }
0x73: {  	_ =	shalt  }
0x74: {  	_ =	shalt  }
0x75: {  	_ =	shalt  }
0x76: {  	_ =	shalt  }
0x77: {  	_ =	shalt  }
0x78: {  	_ =	shalt  }
0x79: {  	_ =	shalt  }
0x7a: {  	_ =	shalt  }
0x7b: {  	_ =	shalt  }
0x7c: {  	_ =	shalt  }
0x7d: {  	_ =	shalt  }
0x7e: {  	_ =	shalt  }
0x7f: {  	_ =	shalt  }
0x80: {  	_ =	shalt  }
0x81: {  	_ =	shalt  }
0x82: {  	_ =	shalt  }
0x83: {  	_ =	shalt  }
0x84: {  	_ =	shalt  }
0x85: {  	_ =	shalt  }
0x86: {  	_ =	shalt  }
0x87: {  	_ =	shalt  }
.Lfunc_end0:
.L_simem_size_0:
called_computation.1_lowered:
.L_overlay_start_0:
0x88: {  	s2 =	sld [smem:$0x3FD9]  }
0x89: {  	s3 =	sld [smem:$0x3FFE];
	_ =	sdelay $0x1  }
0x8a: {  	s1 =	srdreg.scid  }
0x8b: {  	s0 =	sand.u32 $0x1, s1  }
0x8c: {  	s14 =	sshll.u32 s0, $0xA;
	s2 =	sadd.s32 s3, s2  }
0x8d: {  	s2 =	sadd.s32 s2, s14  }
0x8e: {  	[smem:$0x3FBD] =	sst s2  }
0x8f: {  	_ = 	snop  }
0x90: {  	s2 =	sld [smem:$0x3FD0];
	_ =	sdelay $0x2  }
0x91: {  	s15 =	simm.s32 $0xA;
	s4 =	simm.s32 $0x10  }
0x92: {  	[smem:s4], [sflag:s15] =	dma.local [hbm:s2], $0x1  }
0x93: {  	_ =	swait.eq [sflag:s15], $0x1  }
0x94: {  	[sflag:s15] =	ssyncset.done $0x0  }
0x95: {  	[sflag:s15] =	ssyncadd.s32 $0xFFFFFFFF  }
0x96: {  	s16 =	sld [smem:$0x10];
	(tm) =	ssettm $0x1  }
0x97: {  	s17 =	sld [smem:$0x3FFB];
	_ =	sdelay $0x3  }
0x98: {  	_ =	strace s17  }
0x99: {  	s3 =	sld [smem:$0x3FFC];
	_ =	sdelay $0x3  }
0x9a: {  	_ =	strace s3  }
0x9b: {  	s3 =	sld [smem:$0x3FFD];
	_ =	sdelay $0x3  }
0x9c: {  	_ =	strace s3  }
0x9d: {  	_ =	strace $0x8FFFFFFF  }
0x9e: {  	s18 =	sld [smem:$0x3FDB];
	_ =	sdelay $0x1  }
0x9f: {  	s19 =	simm.s32 $_scs_section_size  }
0xa0: {  	s5 =	simm.s32 $_size__tile_overlayer_lowered;
	s6 =	simm.s32 $_tile_overlayer_lowered  }
0xa1: {  	s22 =	simm.s32 $0x1BFF;
	s21 =	sshll.u32 s6, $0x1;
	s3 =	sadd.s32 s19, s18  }
0xa2: {  	s7 =	simm.s32 $0x0;
	s20 =	sshll.u32 s5, $0x1;
	s5 =	sadd.s32 s21, s3  }
0xa3: {  	[timem:s7], [sflag:s22] =	dma.local [hbm:s5], s20  }
0xa4: {  	_ =	swait.ge [sflag:s22], s20  }
0xa5: {  	s4 =	ssub.s32 $0x0, s20;
	[sflag:s22] =	ssyncset.done $0x0  }
0xa6: {  	[sflag:s22] =	ssyncadd.s32 s4;
	_ =	sdelay $0x1  }
0xa7: {  	s23 =	simm.s32 $0x1B8B  }
0xa8: {  	_ =	swait.ge [sflag:s23], $0x1  }
0xa9: {  	[sflag:s23] =	ssyncset.done $0x0  }
0xaa: {  	s25 =	simm.s32 $0x1B8E;
	s24 =	sld [smem:$0x3FFE];
	[sflag:s23] =	ssyncadd.s32 $0xFFFFFFFF  }
0xab: {  	s26 =	simm.s32 $execute0_lowered;
	[smem:$0x3FD2] =	sst s25  }
0xac: {  	s5 =	sshll.u32 s26, $0x1;
	_ =	strace $0x80000049;
	[dreg:$0x1] =	wrdreg $0xFFFFFFFF  }
0xad: {  	s28 =	simm.s32 $_size_execute0_lowered;
	s3 =	sadd.s32 s3, s5;
	[dreg:$0x0] =	wrdreg $0x0  }
0xae: {  	s5 =	sshll.u32 s28, $0x1;
	[dreg:$0x2] =	wrdreg s3  }
0xaf: {  	[dreg:$0x3] =	wrdreg s5  }
0xb0: {  	[dreg:$0x4] =	wrdreg $0xC0  }
0xb1: {  	_ =	task [dreg:s7], $0x5FFFF  }
0xb2: {  	[dreg:$0x1] =	wrdreg $0xFFFFFFFF  }
0xb3: {  	[dreg:$0x0] =	wrdreg $0x60  }
0xb4: {  	[dreg:$0x2] =	wrdreg s24  }
0xb5: {  	[dreg:$0x3] =	wrdreg s16  }
0xb6: {  	[dreg:$0x4] =	wrdreg $0x0  }
0xb7: {  	[dreg:$0x5] =	wrdreg $0x9  }
0xb8: {  	_ =	task.clear_ibuf [dreg:s7], $0x6FFFF;
	_ =	strace $0x90000049  }
0xb9: {  	s29 =	simm.s32 $0x9;
	_ =	strace $0x8000004B  }
0xba: {  	_ =	swait.ge [sflag:s29], $0x1  }
0xbb: {  	[sflag:s29] =	ssyncadd.s32 $0xFFFFFFFF  }
0xbc: {  	_ =	strace $0x9000004B  }
0xbd: {  	_ =	sfence  }
0xbe: {  	s30 =	sld [smem:$0x0];
	_ =	sdelay $0x2  }
0xbf: {  	s31 =	sshll.u32 s1, $0xD;
	s1 =	sshrl.u32 s1, $0x2  }
0xc0: {  	s3 =	sand.u32 $0x4000, s31;
	s1 =	sadd.s32 s1, s30  }
0xc1: {  	s0 =	sor.u32 s3, s0;
	s1 =	sshll.u32 s1, $0x11  }
0xc2: {  	s0 =	sor.u32 s1, s0  }
0xc3: {  	s0 =	sadd.s32 $0x8F2B, s0  }
0xc4: {  	[sflag:s0] =	ssyncadd.remote.s32 $0x1  }
0xc5: {  	_ =	sfence.sel $0xFFFF  }
0xc6: {  	[dreg:$0x0] =	wrdreg $0xFFFFFFFF;
	(pc) =	sbr.abs _section_cstart, $3  }
0xc7: {  	[dreg:$0x1] =	wrdreg $0xFFFFFFFF  }
0xc8: {  	_ =	task.clear_ibuf [dreg:s7], $0x2FFFF;
	_ =	strace $0x9FFFFFFF  }
0xc9: {  	(tm) =	ssettm $0x7FFFFFFF  }
tec
execute0_lowered:
.L_overlay_start_1:
0x0: {  	(tag) =	ssettag $0x1  }
0x1: {  	s0 =	rddreg [dreg:$0x0]  }
0x2: {  	s2 =	rddreg [dreg:$0x1]  }
0x3: {  	s1 =	rddreg [dreg:$0x2]  }
0x4: {  	s3 =	simm.s32 $0x0;
	s15 =	stileid.u32;
	s5 =	srdreg.scid  }
0x5: {  	[smem:$0x7FF] =	sst s3;
	s4 =	sadd.s32 $0x9D9600, s0;
	s7 =	smul.u32 $0x50000, s15  }
0x6: {  	s6 =	sadd.s32 $0x1D61600, s0;
	s5 =	sand.u32 $0x1, s5;
	s13 =	smul.u32 $0x4E20, s15  }
0x7: {  	s9 =	sadd.s32 $0xB800, s0;
	s10 =	sadd.s32 $0x1A00, s0;
	s20 =	smul.u32 $0x138800, s15  }
0x8: {  	s26 =	smul.u32 $0x2800, s15;
	_ =	strace $0x8000004A;
	s8 =	ssub.s32 $0x2, s5  }
0x9: {  	p0 =	seq.s32 s5, $0x1;
	s11 =	sshrl.u32 s7, $0x3;
	s12 =	sshrl.u32 s8, $0x1  }
0xa: {  	s7 =	sshrl.u32 s7, $0x2;
	s23 =	sor.u32 $0x80, s20;
	s2 =	sadd.s32 s2, s26  }
0xb: {  	s25 =	sor.u32 $0x100, s20;
	s24 =	sadd.s32 s4, s23;
	[dreg:$0xe] =	wrdreg s2  }
0xc: {  	s0 =	sadd.s32 s11, s0;
	s5 =	sadd.s32 s6, s23;
	[dreg:$0x8] =	wrdreg s24  }
0xd: {  	s11 =	ssub.s32 s8, s12;
	s16 =	sadd.s32 s4, s25;
	[dreg:$0x9] =	wrdreg s5  }
0xe: {  	s18 =	sadd.s32 s7, s1;
	s12 =	sshrl.u32 s13, $0x3;
	[dreg:$0xa] =	wrdreg s16  }
0xf: {  	s21 =	sadd.s32 s9, s12;
	[dreg:$0x4] =	wrdreg s18  }
0x10: {  	s22 =	sadd.s32 s10, s12;
	[dreg:$0x5] =	wrdreg s21  }
0x11: {  	s14 =	sadd.s32 $0x15600, s0;
	[dreg:$0x6] =	wrdreg s22  }
0x12: {  	s13 =	sor.u32 $0x180, s20;
	s5 =	sadd.s32 s6, s25;
	[dreg:$0x7] =	wrdreg s14  }
0x13: {  	s7 =	sadd.s32 s4, s20;
	s4 =	sadd.s32 s4, s13;
	[dreg:$0xb] =	wrdreg s5  }
0x14: {  	s17 =	sadd.s32 s6, s13;
	[dreg:$0xc] =	wrdreg s4  }
0x15: {  	s25 =	sadd.s32 $0x15680, s0;
	[dreg:$0xd] =	wrdreg s17  }
0x16: {  	s26 =	sadd.s32 $0x15700, s0;
	[dreg:$0x13] =	wrdreg s25  }
0x17: {  	s0 =	sadd.s32 $0x15780, s0;
	[dreg:$0x14] =	wrdreg s26  }
0x18: {  	s8 =	sadd.s32 s6, s20;
	s6 =	sadd.s32 $0x2800, s18;
	[dreg:$0x15] =	wrdreg s0  }
0x19: {  	s13 =	sadd.s32 $0x8C00, s18;
	[dreg:$0x18] =	wrdreg s6  }
0x1a: {  	s19 =	sadd.s32 $0xA, s12;
	s16 =	sadd.s32 $0xC800, s18;
	[dreg:$0x1d] =	wrdreg s13  }
0x1b: {  	s20 =	sadd.s32 s9, s19;
	[smem:$0x7F6] =	sst s16  }
0x1c: {  	s28 =	simm.s32 $0x14080;
	s2 =	sadd.s32 s10, s19;
	[dreg:$0xf] =	wrdreg s20  }
0x1d: {  	s29 =	simm.s32 $0x14180;
	s4 =	smax.u32 s11, $0x1;
	[dreg:$0x10] =	wrdreg s2  }
0x1e: {  	s30 =	simm.s32 $0x16A00;
	s5 =	sadd.s32 $0x1400, s18;
	[dreg:$0x16] =	wrdreg s4  }
0x1f: {  	s31 =	simm.s32 $0x1BA00;
	s11 =	sadd.s32 $0x6400, s18;
	[dreg:$0x17] =	wrdreg s5  }
0x20: {  	s21 =	sadd.s32 $0x14, s12;
	s12 =	sadd.s32 $0x7800, s18;
	[dreg:$0x1b] =	wrdreg s11  }
0x21: {  	s22 =	smul.u32 $0x9C4, s15;
	s14 =	sadd.s32 $0xA000, s18;
	[dreg:$0x1c] =	wrdreg s12  }
0x22: {  	s15 =	sadd.s32 $0xB400, s18;
	s17 =	sadd.s32 $0xDC00, s18;
	[dreg:$0x1e] =	wrdreg s14  }
0x23: {  	s19 =	sadd.s32 $0xF000, s18;
	s6 =	simm.s32 $0x1;
	[dreg:$0x1f] =	wrdreg s15  }
0x24: {  	s0 =	simm.s32 $0x50;
	s13 =	simm.s32 $0x0;
	[smem:$0x7F7] =	sst s17  }
0x25: {  	s23 =	sadd.s32 s9, s21;
	s24 =	sadd.s32 s10, s21;
	[smem:$0x7F8] =	sst s19  }
0x26: {  	s20 =	sadd.s32 $0x10400, s18;
	s2 =	simm.s32 $0x14100;
	[dreg:$0x11] =	wrdreg s23  }
0x27: {  	s19 =	simm.s32 $0x1000;
	[dreg:$0x12] =	wrdreg s24;
	s21 =	sadd.s32 s22, s10  }
0x28: {  	s22 =	sadd.s32 s22, s9;
	s9 =	sadd.s32 $0x3C00, s18;
	[smem:$0x7F9] =	sst s20  }
0x29: {  	s5 =	simm.s32 $0x19200;
	s10 =	sadd.s32 $0x5000, s18;
	[dreg:$0x19] =	wrdreg s9  }
0x2a: {  	s11 =	simm.s32 $0x4;
	s23 =	sadd.s32 $0x11800, s18;
	[dreg:$0x1a] =	wrdreg s10  }
.Ltmp0:
0x2b: {  	s24 =	sadd.s32 $0x12C00, s18;
	[smem:$0x7FA] =	sst s23;
	(pc) =	sbr.rel .LBB2_1-.Ltmp0, $4  }
0x2c: {  	s20 =	simm.s32 $0x14200;
	[smem:$0x7FB] =	sst s24;
	s25 =	sadd.s32 $0x14, s21  }
0x2d: {  	s26 =	sadd.s32 $0x14, s22;
	s23 =	simm.s32 $0x1E200;
	s24 =	simm.s32 $0x5  }
0x2e: {  	s9 =	simm.s32 $0x2;
	s10 =	simm.s32 $0x3;
	[smem:$0x7FC] =	sst s25  }
0x2f: {  	v0 =	vimm.f32 $0.0e+00;
	v1 =	vimm.f32 $1.000000000e+00;
	[smem:$0x7FD] =	sst s26;
	s25 =	simm.s32 $0x14000;
	s26 =	simm.s32 $0x400  }
.LBB2_22:
0x30: {  	[spmem:s1] =	stream.indirect.scatter.add.f32 [tilespmem:s30], [sflag:$0x4], $0x80, s28, s0, $0xb8;
	[tilespmem:$0x1F600] =	vst v63  }
0x31: {  	_ = 	snop  }
0x32: {  	[spmem:s1] =	stream.indirect.scatter.add.f32 [tilespmem:s31], [sflag:$0x4], $0x80, s29, s0, $0xb8;
	[tilespmem:$0x1F600] =	vst v63  }
0x33: {  	_ =	swait.ge [sflag:s11], $0x2800  }
0x34: {  	[sflag:s11] =	ssyncset.done $0x0  }
0x35: {  	[sflag:s11] =	ssyncadd.s32 $0xFFFFD800  }
0x36: {  	_ =	swait.ge [sflag:s11], $0x2800  }
0x37: {  	[sflag:s11] =	ssyncset.done $0x0  }
0x38: {  	[sflag:s11] =	ssyncadd.s32 $0xFFFFD800  }
0x39: {  	[bflag:$0x0] =	sbarrier.arrive $0xFFFF  }
0x3a: {  	s4 =	rddreg [dreg:$0xe]  }
0x3b: {  	[hbm:s4], [sflag:s17] =	dma.local [spmem:s15], $0x2800  }
.LBB2_23:
0x3c: {  	s4 =	simm.s32 $0x6  }
0x3d: {  	_ =	swait.ge [sflag:s4], $0x2800  }
0x3e: {  	s13 =	sadd.s32 $0x1, s13;
	s17 =	rddreg [dreg:$0x16]  }
0x3f: {  	p1 =	sne.s32 s13, s17  }
.Ltmp1:
0x40: {  	_ = 	snop;
	(pc) =	sbr.rel @!p1 .LBB2_24-.Ltmp1, $3  }
0x41: {  	[sflag:s4] =	ssyncset.done $0x0  }
0x42: {  	[sflag:s4] =	ssyncadd.s32 $0xFFFFD800  }
0x43: {  	[bflag:$0x0] =	sbarrier.arrive $0xFFFF;
	_ =	sdelay $0x1  }
.LBB2_1:
0x44: {  	s4 =	sand.u32 $0x7E00, s3  }
0x45: {  	s12 =	sand.u32 $0x70, s3;
	s14 =	sshrl.u32 s4, $0x2  }
0x46: {  	s4 =	simm.s32 $0x40;
	s14 =	sor.u32 s12, s14;
	s12 =	simm.s32 $0x0  }
.LBB2_2:
0x47: {  	p1 =	sne.s32 s4, $0x4FC0  }
0x48: {  	[tilespmem:s14+$0x1E200] =	vst v0;
	s12 =	sadd.s32 $0x10, s12;
	s14 =	smov.u32 s4;
	s4 =	sadd.s32 $0x40, s4  }
.Ltmp2:
0x49: {  	(pc) =	sbr.rel @p1 .LBB2_2-.Ltmp2, $4  }
0x4a: {  	_ = 	snop  }
0x4b: {  	s14 =	sand.u32 $0x7E00, s14  }
0x4c: {  	s15 =	sand.u32 $0x70, s12;
	s14 =	sshrl.u32 s14, $0x2  }
0x4d: {  	s14 =	sor.u32 s15, s14  }
0x4e: {  	[tilespmem:s14+$0x1E200] =	vst v0;
	s4 =	rddreg [dreg:$0x17]  }
0x4f: {  	[spmem:s18] =	stream.linear.scatter [tilespmem:s23], [sflag:$0x5], $0x1400, $0x38;
	[tilespmem:$0x1F600] =	vst v63  }
0x50: {  	s17 =	rddreg [dreg:$0x18]  }
0x51: {  	[spmem:s4] =	stream.linear.scatter [tilespmem:s23], [sflag:$0x5], $0x1400, $0x38;
	[tilespmem:$0x1F600] =	vst v63  }
0x52: {  	s12 =	rddreg [dreg:$0x19]  }
0x53: {  	[spmem:s17] =	stream.linear.scatter [tilespmem:s23], [sflag:$0x5], $0x1400, $0x38;
	[tilespmem:$0x1F600] =	vst v63  }
0x54: {  	s14 =	rddreg [dreg:$0x1a]  }
0x55: {  	[spmem:s12] =	stream.linear.scatter [tilespmem:s23], [sflag:$0x5], $0x1400, $0x38;
	[tilespmem:$0x1F600] =	vst v63  }
0x56: {  	s15 =	rddreg [dreg:$0x1b]  }
0x57: {  	[spmem:s14] =	stream.linear.scatter [tilespmem:s23], [sflag:$0x5], $0x1400, $0x38;
	[tilespmem:$0x1F600] =	vst v63  }
0x58: {  	s16 =	rddreg [dreg:$0x1c]  }
0x59: {  	[spmem:s15] =	stream.linear.scatter [tilespmem:s23], [sflag:$0x5], $0x1400, $0x38;
	[tilespmem:$0x1F600] =	vst v63  }
0x5a: {  	s17 =	rddreg [dreg:$0x1d]  }
0x5b: {  	[spmem:s16] =	stream.linear.scatter [tilespmem:s23], [sflag:$0x5], $0x1400, $0x38;
	[tilespmem:$0x1F600] =	vst v63  }
0x5c: {  	s12 =	rddreg [dreg:$0x1e]  }
0x5d: {  	[spmem:s17] =	stream.linear.scatter [tilespmem:s23], [sflag:$0x5], $0x1400, $0x38;
	[tilespmem:$0x1F600] =	vst v63  }
0x5e: {  	s14 =	rddreg [dreg:$0x1f]  }
0x5f: {  	[spmem:s12] =	stream.linear.scatter [tilespmem:s23], [sflag:$0x5], $0x1400, $0x38;
	[tilespmem:$0x1F600] =	vst v63  }
0x60: {  	s15 =	sld [smem:$0x7F6]  }
0x61: {  	[spmem:s14] =	stream.linear.scatter [tilespmem:s23], [sflag:$0x5], $0x1400, $0x38;
	[tilespmem:$0x1F600] =	vst v63  }
0x62: {  	s16 =	sld [smem:$0x7F7]  }
0x63: {  	[spmem:s15] =	stream.linear.scatter [tilespmem:s23], [sflag:$0x5], $0x1400, $0x38;
	[tilespmem:$0x1F600] =	vst v63  }
0x64: {  	s17 =	sld [smem:$0x7F8]  }
0x65: {  	[spmem:s16] =	stream.linear.scatter [tilespmem:s23], [sflag:$0x5], $0x1400, $0x38;
	[tilespmem:$0x1F600] =	vst v63  }
0x66: {  	s12 =	sld [smem:$0x7F9]  }
0x67: {  	[spmem:s17] =	stream.linear.scatter [tilespmem:s23], [sflag:$0x5], $0x1400, $0x38;
	[tilespmem:$0x1F600] =	vst v63  }
0x68: {  	s14 =	sld [smem:$0x7FA]  }
0x69: {  	[spmem:s12] =	stream.linear.scatter [tilespmem:s23], [sflag:$0x5], $0x1400, $0x38;
	[tilespmem:$0x1F600] =	vst v63  }
0x6a: {  	s15 =	sld [smem:$0x7FB]  }
0x6b: {  	[spmem:s14] =	stream.linear.scatter [tilespmem:s23], [sflag:$0x5], $0x1400, $0x38;
	[tilespmem:$0x1F600] =	vst v63  }
0x6c: {  	_ = 	snop  }
0x6d: {  	[spmem:s15] =	stream.linear.scatter [tilespmem:s23], [sflag:$0x5], $0x1400, $0x38;
	[tilespmem:$0x1F600] =	vst v63  }
0x6e: {  	_ =	swait.ge [sflag:s24], $0x1400  }
0x6f: {  	[sflag:s24] =	ssyncset.done $0x0  }
0x70: {  	[sflag:s24] =	ssyncadd.s32 $0xFFFFEC00  }
0x71: {  	_ =	swait.ge [sflag:s24], $0x1400  }
0x72: {  	[sflag:s24] =	ssyncset.done $0x0  }
0x73: {  	[sflag:s24] =	ssyncadd.s32 $0xFFFFEC00  }
0x74: {  	_ =	swait.ge [sflag:s24], $0x1400  }
0x75: {  	[sflag:s24] =	ssyncset.done $0x0  }
0x76: {  	[sflag:s24] =	ssyncadd.s32 $0xFFFFEC00  }
0x77: {  	_ =	swait.ge [sflag:s24], $0x1400  }
0x78: {  	[sflag:s24] =	ssyncset.done $0x0  }
0x79: {  	[sflag:s24] =	ssyncadd.s32 $0xFFFFEC00  }
0x7a: {  	_ =	swait.ge [sflag:s24], $0x1400  }
0x7b: {  	[sflag:s24] =	ssyncset.done $0x0  }
0x7c: {  	[sflag:s24] =	ssyncadd.s32 $0xFFFFEC00  }
0x7d: {  	_ =	swait.ge [sflag:s24], $0x1400  }
0x7e: {  	[sflag:s24] =	ssyncset.done $0x0  }
0x7f: {  	[sflag:s24] =	ssyncadd.s32 $0xFFFFEC00  }
0x80: {  	_ =	swait.ge [sflag:s24], $0x1400  }
0x81: {  	[sflag:s24] =	ssyncset.done $0x0  }
0x82: {  	[sflag:s24] =	ssyncadd.s32 $0xFFFFEC00  }
0x83: {  	_ =	swait.ge [sflag:s24], $0x1400  }
0x84: {  	[sflag:s24] =	ssyncset.done $0x0  }
0x85: {  	[sflag:s24] =	ssyncadd.s32 $0xFFFFEC00  }
0x86: {  	_ =	swait.ge [sflag:s24], $0x1400  }
0x87: {  	[sflag:s24] =	ssyncset.done $0x0  }
0x88: {  	[sflag:s24] =	ssyncadd.s32 $0xFFFFEC00  }
0x89: {  	_ =	swait.ge [sflag:s24], $0x1400  }
0x8a: {  	[sflag:s24] =	ssyncset.done $0x0  }
0x8b: {  	[sflag:s24] =	ssyncadd.s32 $0xFFFFEC00  }
0x8c: {  	_ =	swait.ge [sflag:s24], $0x1400  }
0x8d: {  	[sflag:s24] =	ssyncset.done $0x0  }
0x8e: {  	[sflag:s24] =	ssyncadd.s32 $0xFFFFEC00  }
0x8f: {  	_ =	swait.ge [sflag:s24], $0x1400  }
0x90: {  	[sflag:s24] =	ssyncset.done $0x0  }
0x91: {  	[sflag:s24] =	ssyncadd.s32 $0xFFFFEC00  }
0x92: {  	_ =	swait.ge [sflag:s24], $0x1400  }
0x93: {  	[sflag:s24] =	ssyncset.done $0x0  }
0x94: {  	[sflag:s24] =	ssyncadd.s32 $0xFFFFEC00  }
0x95: {  	_ =	swait.ge [sflag:s24], $0x1400  }
0x96: {  	[sflag:s24] =	ssyncset.done $0x0  }
0x97: {  	[sflag:s24] =	ssyncadd.s32 $0xFFFFEC00  }
0x98: {  	_ =	swait.ge [sflag:s24], $0x1400  }
0x99: {  	[sflag:s24] =	ssyncset.done $0x0  }
0x9a: {  	[sflag:s24] =	ssyncadd.s32 $0xFFFFEC00  }
0x9b: {  	_ =	swait.ge [sflag:s24], $0x1400  }
0x9c: {  	[sflag:s24] =	ssyncset.done $0x0  }
0x9d: {  	[sflag:s24] =	ssyncadd.s32 $0xFFFFEC00  }
.Ltmp3:
0x9e: {  	[bflag:$0x0] =	sbarrier.arrive $0xFFFF;
	(pc) =	sbr.rel @!p0 .LBB2_4-.Ltmp3, $4  }
0x9f: {  	s16 =	rddreg [dreg:$0x5]  }
0xa0: {  	[tilespmem:s25], [sflag:$0x1] =	stream.linear.gather [hbm4b:s16+s3], $0x50, $0x38;
	[tilespmem:$0x1F600] =	vst v63  }
0xa1: {  	s17 =	rddreg [dreg:$0x6]  }
0xa2: {  	[tilespmem:s2], [sflag:$0x1] =	stream.linear.gather [hbm4b:s17+s3], $0x50, $0x38;
	[tilespmem:$0x1F600] =	vst v63  }
0xa3: {  	s4 =	rddreg [dreg:$0xa]  }
0xa4: {  	s17 =	rddreg [dreg:$0xb]  }
0xa5: {  	s15 =	sld [smem:$0x7FD]  }
0xa6: {  	[tilespmem:s20], [sflag:$0x1] =	stream.strided.gather [hbm4b:s4+s26], $0x2800, s19, s26, $0x38;
	[tilespmem:$0x1F600] =	vst v63  }
0xa7: {  	s14 =	simm.s32 $0x0;
	s16 =	sld [smem:$0x7FC]  }
0xa8: {  	[tilespmem:s5], [sflag:$0x1] =	stream.strided.gather [hbm4b:s17+s26], $0x2800, s19, s26, $0x38;
	[tilespmem:$0x1F600] =	vst v63  }
.LBB2_12:
0xa9: {  	_ =	swait.ge [sflag:s6], $0x50  }
0xaa: {  	[sflag:s6] =	ssyncset.done $0x0  }
0xab: {  	[sflag:s6] =	ssyncadd.s32 $0xFFFFFFB0  }
0xac: {  	_ =	swait.ge [sflag:s6], $0x50  }
0xad: {  	[sflag:s6] =	ssyncset.done $0x0  }
0xae: {  	[sflag:s6] =	ssyncadd.s32 $0xFFFFFFB0  }
0xaf: {  	_ =	swait.ge [sflag:s6], $0x2800  }
0xb0: {  	[sflag:s6] =	ssyncset.done $0x0  }
0xb1: {  	[sflag:s6] =	ssyncadd.s32 $0xFFFFD800  }
0xb2: {  	_ =	swait.ge [sflag:s6], $0x2800  }
0xb3: {  	p1 =	seq.s32 s14, $0x0;
	[sflag:s6] =	ssyncset.done $0x0  }
0xb4: {  	s4 =	simm.s32 @!p1 $0x4;
	[sflag:s6] =	ssyncadd.s32 $0xFFFFD800  }
0xb5: {  	_ =	swait.ge @!p1 [sflag:s4], $0x2800  }
0xb6: {  	[sflag:s4] =	ssyncset.done @!p1 $0x0  }
0xb7: {  	[sflag:s4] =	ssyncadd.s32 @!p1 $0xFFFFD800  }
0xb8: {  	_ =	swait.ge @!p1 [sflag:s4], $0x2800  }
0xb9: {  	[sflag:s4] =	ssyncset.done @!p1 $0x0  }
0xba: {  	s12 =	sadd.s32 $0xFFFFFFF6, s15;
	[sflag:s4] =	ssyncadd.s32 @!p1 $0xFFFFD800  }
0xbb: {  	[tilespmem:s28], [sflag:$0x2] =	stream.linear.gather [hbm4b:s12+s3], $0x50, $0x38;
	[tilespmem:$0x1F600] =	vst v63  }
0xbc: {  	s17 =	sadd.s32 $0xFFFFFFF6, s16;
	s4 =	sadd.s32 s14, s7  }
0xbd: {  	[tilespmem:s29], [sflag:$0x2] =	stream.linear.gather [hbm4b:s17+s3], $0x50, $0x38;
	[tilespmem:$0x1F600] =	vst v63  }
0xbe: {  	s12 =	sadd.s32 $0x1500, s4  }
0xbf: {  	[tilespmem:s30], [sflag:$0x2] =	stream.strided.gather [hbm4b:s12+s26], $0x2800, s19, s26, $0x38;
	[tilespmem:$0x1F600] =	vst v63  }
0xc0: {  	s12 =	sadd.s32 s14, s8  }
0xc1: {  	s17 =	sadd.s32 $0x1500, s12  }
0xc2: {  	[tilespmem:s31], [sflag:$0x2] =	stream.strided.gather [hbm4b:s17+s26], $0x2800, s19, s26, $0x38;
	[tilespmem:$0x1F600] =	vst v63  }
0xc3: {  	_ = 	snop  }
0xc4: {  	[spmem:s1] =	stream.indirect.scatter.add.f32 [tilespmem:s20], [sflag:$0x3], $0x80, s25, s0, $0xb8;
	[tilespmem:$0x1F600] =	vst v63  }
0xc5: {  	_ = 	snop  }
0xc6: {  	[spmem:s1] =	stream.indirect.scatter.add.f32 [tilespmem:s5], [sflag:$0x3], $0x80, s2, s0, $0xb8;
	[tilespmem:$0x1F600] =	vst v63  }
0xc7: {  	_ =	swait.ge [sflag:s9], $0x50  }
0xc8: {  	[sflag:s9] =	ssyncset.done $0x0  }
0xc9: {  	[sflag:s9] =	ssyncadd.s32 $0xFFFFFFB0  }
0xca: {  	_ =	swait.ge [sflag:s9], $0x50  }
0xcb: {  	[sflag:s9] =	ssyncset.done $0x0  }
0xcc: {  	[sflag:s9] =	ssyncadd.s32 $0xFFFFFFB0  }
0xcd: {  	_ =	swait.ge [sflag:s9], $0x2800  }
0xce: {  	[sflag:s9] =	ssyncset.done $0x0  }
0xcf: {  	[sflag:s9] =	ssyncadd.s32 $0xFFFFD800  }
0xd0: {  	_ =	swait.ge [sflag:s9], $0x2800  }
0xd1: {  	[sflag:s9] =	ssyncset.done $0x0  }
0xd2: {  	[sflag:s9] =	ssyncadd.s32 $0xFFFFD800  }
0xd3: {  	p1 =	seq.s32 s14, $0x136000;
	_ =	swait.ge [sflag:s10], $0x2800  }
.Ltmp4:
0xd4: {  	[sflag:s10] =	ssyncset.done $0x0;
	(pc) =	sbr.rel @p1 .LBB2_14-.Ltmp4, $4  }
0xd5: {  	[sflag:s10] =	ssyncadd.s32 $0xFFFFD800  }
0xd6: {  	_ =	swait.ge [sflag:s10], $0x2800  }
0xd7: {  	[sflag:s10] =	ssyncset.done $0x0  }
0xd8: {  	[sflag:s10] =	ssyncadd.s32 $0xFFFFD800  }
0xd9: {  	[tilespmem:s25], [sflag:$0x1] =	stream.linear.gather [hbm4b:s15+s3], $0x50, $0x38;
	[tilespmem:$0x1F600] =	vst v63  }
0xda: {  	_ = 	snop  }
0xdb: {  	[tilespmem:s2], [sflag:$0x1] =	stream.linear.gather [hbm4b:s16+s3], $0x50, $0x38;
	[tilespmem:$0x1F600] =	vst v63  }
0xdc: {  	s4 =	sadd.s32 $0x2900, s4  }
0xdd: {  	[tilespmem:s20], [sflag:$0x1] =	stream.strided.gather [hbm4b:s4+s26], $0x2800, s19, s26, $0x38;
	[tilespmem:$0x1F600] =	vst v63  }
0xde: {  	s17 =	sadd.s32 $0x2900, s12  }
0xdf: {  	[tilespmem:s5], [sflag:$0x1] =	stream.strided.gather [hbm4b:s17+s26], $0x2800, s19, s26, $0x38;
	[tilespmem:$0x1F600] =	vst v63  }
.Ltmp5:
0xe0: {  	_ = 	snop;
	(pc) =	sbr.rel .LBB2_12-.Ltmp5, $4  }
0xe1: {  	_ = 	snop  }
0xe2: {  	[spmem:s1] =	stream.indirect.scatter.add.f32 [tilespmem:s30], [sflag:$0x4], $0x80, s28, s0, $0xb8;
	[tilespmem:$0x1F600] =	vst v63  }
0xe3: {  	s14 =	sadd.s32 $0x2800, s14;
	s15 =	sadd.s32 $0x14, s15;
	s16 =	sadd.s32 $0x14, s16  }
0xe4: {  	[spmem:s1] =	stream.indirect.scatter.add.f32 [tilespmem:s31], [sflag:$0x4], $0x80, s29, s0, $0xb8;
	[tilespmem:$0x1F600] =	vst v63  }
.LBB2_4:
0xe5: {  	[tilespmem:s20], [sflag:$0x1] =	stream.strided.gather [hbm4b:s7+s26], $0x2800, s19, s26, $0x38;
	[tilespmem:$0x1F600] =	vst v63  }
0xe6: {  	s15 =	sld [smem:$0x7FD]  }
0xe7: {  	s14 =	simm.s32 $0x0;
	s16 =	sld [smem:$0x7FC]  }
0xe8: {  	[tilespmem:s5], [sflag:$0x1] =	stream.strided.gather [hbm4b:s8+s26], $0x2800, s19, s26, $0x38;
	[tilespmem:$0x1F600] =	vst v63  }
.LBB2_5:
0xe9: {  	_ =	swait.ge [sflag:s6], $0x50  }
0xea: {  	[sflag:s6] =	ssyncset.done $0x0  }
0xeb: {  	[sflag:s6] =	ssyncadd.s32 $0xFFFFFFB0  }
0xec: {  	_ =	swait.ge [sflag:s6], $0x50  }
0xed: {  	[sflag:s6] =	ssyncset.done $0x0  }
0xee: {  	[sflag:s6] =	ssyncadd.s32 $0xFFFFFFB0  }
0xef: {  	_ =	swait.ge [sflag:s6], $0x2800  }
0xf0: {  	[sflag:s6] =	ssyncset.done $0x0  }
0xf1: {  	[sflag:s6] =	ssyncadd.s32 $0xFFFFD800  }
0xf2: {  	_ =	swait.ge [sflag:s6], $0x2800  }
0xf3: {  	p1 =	seq.s32 s14, $0x0;
	[sflag:s6] =	ssyncset.done $0x0  }
0xf4: {  	s4 =	simm.s32 @!p1 $0x4;
	[sflag:s6] =	ssyncadd.s32 $0xFFFFD800  }
0xf5: {  	_ =	swait.ge @!p1 [sflag:s4], $0x2800  }
0xf6: {  	[sflag:s4] =	ssyncset.done @!p1 $0x0  }
0xf7: {  	[sflag:s4] =	ssyncadd.s32 @!p1 $0xFFFFD800  }
0xf8: {  	_ =	swait.ge @!p1 [sflag:s4], $0x2800  }
0xf9: {  	[sflag:s4] =	ssyncset.done @!p1 $0x0  }
0xfa: {  	s12 =	sadd.s32 $0xFFFFFFF6, s15;
	[sflag:s4] =	ssyncadd.s32 @!p1 $0xFFFFD800  }
0xfb: {  	[tilespmem:s28], [sflag:$0x2] =	stream.linear.gather [hbm4b:s12+s3], $0x50, $0x38;
	[tilespmem:$0x1F600] =	vst v63  }
0xfc: {  	s17 =	sadd.s32 $0xFFFFFFF6, s16  }
0xfd: {  	[tilespmem:s29], [sflag:$0x2] =	stream.linear.gather [hbm4b:s17+s3], $0x50, $0x38;
	[tilespmem:$0x1F600] =	vst v63  }
0xfe: {  	s17 =	sadd.s32 s14, s7  }
0xff: {  	s4 =	sadd.s32 s14, s8;
	s12 =	sadd.s32 $0x1400, s17  }
0x100: {  	[tilespmem:s30], [sflag:$0x2] =	stream.strided.gather [hbm4b:s12+s26], $0x2800, s19, s26, $0x38;
	[tilespmem:$0x1F600] =	vst v63  }
0x101: {  	s12 =	sadd.s32 $0x1400, s4  }
0x102: {  	[tilespmem:s31], [sflag:$0x2] =	stream.strided.gather [hbm4b:s12+s26], $0x2800, s19, s26, $0x38;
	[tilespmem:$0x1F600] =	vst v63  }
0x103: {  	_ = 	snop  }
0x104: {  	[spmem:s1] =	stream.indirect.scatter.add.f32 [tilespmem:s20], [sflag:$0x3], $0x80, s25, s0, $0xb8;
	[tilespmem:$0x1F600] =	vst v63  }
0x105: {  	_ = 	snop  }
0x106: {  	[spmem:s1] =	stream.indirect.scatter.add.f32 [tilespmem:s5], [sflag:$0x3], $0x80, s2, s0, $0xb8;
	[tilespmem:$0x1F600] =	vst v63  }
0x107: {  	_ =	swait.ge [sflag:s9], $0x50  }
0x108: {  	[sflag:s9] =	ssyncset.done $0x0  }
0x109: {  	[sflag:s9] =	ssyncadd.s32 $0xFFFFFFB0  }
0x10a: {  	_ =	swait.ge [sflag:s9], $0x50  }
0x10b: {  	[sflag:s9] =	ssyncset.done $0x0  }
0x10c: {  	[sflag:s9] =	ssyncadd.s32 $0xFFFFFFB0  }
0x10d: {  	_ =	swait.ge [sflag:s9], $0x2800  }
0x10e: {  	[sflag:s9] =	ssyncset.done $0x0  }
0x10f: {  	[sflag:s9] =	ssyncadd.s32 $0xFFFFD800  }
0x110: {  	_ =	swait.ge [sflag:s9], $0x2800  }
0x111: {  	[sflag:s9] =	ssyncset.done $0x0  }
0x112: {  	[sflag:s9] =	ssyncadd.s32 $0xFFFFD800  }
0x113: {  	p1 =	seq.s32 s14, $0x136000;
	_ =	swait.ge [sflag:s10], $0x2800  }
.Ltmp6:
0x114: {  	[sflag:s10] =	ssyncset.done $0x0;
	(pc) =	sbr.rel @p1 .LBB2_7-.Ltmp6, $4  }
0x115: {  	[sflag:s10] =	ssyncadd.s32 $0xFFFFD800  }
0x116: {  	_ =	swait.ge [sflag:s10], $0x2800  }
0x117: {  	[sflag:s10] =	ssyncset.done $0x0  }
0x118: {  	[sflag:s10] =	ssyncadd.s32 $0xFFFFD800  }
0x119: {  	[tilespmem:s25], [sflag:$0x1] =	stream.linear.gather [hbm4b:s15+s3], $0x50, $0x38;
	[tilespmem:$0x1F600] =	vst v63  }
0x11a: {  	_ = 	snop  }
0x11b: {  	[tilespmem:s2], [sflag:$0x1] =	stream.linear.gather [hbm4b:s16+s3], $0x50, $0x38;
	[tilespmem:$0x1F600] =	vst v63  }
0x11c: {  	s12 =	sadd.s32 $0x2800, s17  }
0x11d: {  	[tilespmem:s20], [sflag:$0x1] =	stream.strided.gather [hbm4b:s12+s26], $0x2800, s19, s26, $0x38;
	[tilespmem:$0x1F600] =	vst v63  }
0x11e: {  	s4 =	sadd.s32 $0x2800, s4  }
0x11f: {  	[tilespmem:s5], [sflag:$0x1] =	stream.strided.gather [hbm4b:s4+s26], $0x2800, s19, s26, $0x38;
	[tilespmem:$0x1F600] =	vst v63  }
.Ltmp7:
0x120: {  	_ = 	snop;
	(pc) =	sbr.rel .LBB2_5-.Ltmp7, $4  }
0x121: {  	_ = 	snop  }
0x122: {  	[spmem:s1] =	stream.indirect.scatter.add.f32 [tilespmem:s30], [sflag:$0x4], $0x80, s28, s0, $0xb8;
	[tilespmem:$0x1F600] =	vst v63  }
0x123: {  	s14 =	sadd.s32 $0x2800, s14;
	s15 =	sadd.s32 $0x14, s15;
	s16 =	sadd.s32 $0x14, s16  }
0x124: {  	[spmem:s1] =	stream.indirect.scatter.add.f32 [tilespmem:s31], [sflag:$0x4], $0x80, s29, s0, $0xb8;
	[tilespmem:$0x1F600] =	vst v63  }
.LBB2_14:
0x125: {  	[spmem:s1] =	stream.indirect.scatter.add.f32 [tilespmem:s30], [sflag:$0x4], $0x80, s28, s0, $0xb8;
	[tilespmem:$0x1F600] =	vst v63  }
0x126: {  	_ = 	snop  }
0x127: {  	[spmem:s1] =	stream.indirect.scatter.add.f32 [tilespmem:s31], [sflag:$0x4], $0x80, s29, s0, $0xb8;
	[tilespmem:$0x1F600] =	vst v63  }
0x128: {  	_ =	swait.ge [sflag:s11], $0x2800  }
0x129: {  	[sflag:s11] =	ssyncset.done $0x0  }
0x12a: {  	[sflag:s11] =	ssyncadd.s32 $0xFFFFD800  }
0x12b: {  	_ =	swait.ge [sflag:s11], $0x2800  }
0x12c: {  	[sflag:s11] =	ssyncset.done $0x0  }
0x12d: {  	s4 =	stileid.u32;
	[sflag:s11] =	ssyncadd.s32 $0xFFFFD800  }
0x12e: {  	s4 =	sshll.u32 s4, $0x6;
	[bflag:$0x0] =	sbarrier.arrive $0xFFFF  }
0x12f: {  	s17 =	sor.u32 $0x1C06, s4;
	s4 =	rddreg [dreg:$0x14]  }
0x130: {  	s15 =	sshrl.u32 s18, $0x3;
	s12 =	simm.s32 $0x8;
	[smem:$0x7F3] =	sst s17  }
0x131: {  	s14 =	simm.s32 $0x200;
	s16 =	simm.s32 $0x80;
	[smem:$0x7F4] =	sst s15  }
0x132: {  	[hbm:s4@s14], [sflag:s17] =	dma.strided [spmem:s15@s16], $0x2800, s12, $0x10   }
0x133: {  	s16 =	simm.s32 $0x6  }
0x134: {  	_ =	swait.ge [sflag:s16], $0x2800  }
0x135: {  	[sflag:s16] =	ssyncset.done $0x0  }
0x136: {  	s17 =	rddreg [dreg:$0x17];
	[sflag:s16] =	ssyncadd.s32 $0xFFFFD800  }
0x137: {  	[spmem:s18] =	stream.linear.scatter [tilespmem:s23], [sflag:$0x5], $0x1400, $0x38;
	[tilespmem:$0x1F600] =	vst v63  }
0x138: {  	s12 =	rddreg [dreg:$0x19]  }
0x139: {  	[spmem:s17] =	stream.linear.scatter [tilespmem:s23], [sflag:$0x5], $0x1400, $0x38;
	[tilespmem:$0x1F600] =	vst v63  }
0x13a: {  	s18 =	rddreg [dreg:$0x18]  }
0x13b: {  	[spmem:s18] =	stream.linear.scatter [tilespmem:s23], [sflag:$0x5], $0x1400, $0x38;
	[tilespmem:$0x1F600] =	vst v63  }
0x13c: {  	s14 =	rddreg [dreg:$0x1a]  }
0x13d: {  	[spmem:s12] =	stream.linear.scatter [tilespmem:s23], [sflag:$0x5], $0x1400, $0x38;
	[tilespmem:$0x1F600] =	vst v63  }
0x13e: {  	s15 =	rddreg [dreg:$0x1b]  }
0x13f: {  	[spmem:s14] =	stream.linear.scatter [tilespmem:s23], [sflag:$0x5], $0x1400, $0x38;
	[tilespmem:$0x1F600] =	vst v63  }
0x140: {  	s16 =	rddreg [dreg:$0x1c]  }
0x141: {  	[spmem:s15] =	stream.linear.scatter [tilespmem:s23], [sflag:$0x5], $0x1400, $0x38;
	[tilespmem:$0x1F600] =	vst v63  }
0x142: {  	s17 =	rddreg [dreg:$0x1d]  }
0x143: {  	[spmem:s16] =	stream.linear.scatter [tilespmem:s23], [sflag:$0x5], $0x1400, $0x38;
	[tilespmem:$0x1F600] =	vst v63  }
0x144: {  	s18 =	rddreg [dreg:$0x1e]  }
0x145: {  	[spmem:s17] =	stream.linear.scatter [tilespmem:s23], [sflag:$0x5], $0x1400, $0x38;
	[tilespmem:$0x1F600] =	vst v63  }
0x146: {  	s12 =	rddreg [dreg:$0x1f]  }
0x147: {  	[spmem:s18] =	stream.linear.scatter [tilespmem:s23], [sflag:$0x5], $0x1400, $0x38;
	[tilespmem:$0x1F600] =	vst v63  }
0x148: {  	s14 =	sld [smem:$0x7F6]  }
0x149: {  	[spmem:s12] =	stream.linear.scatter [tilespmem:s23], [sflag:$0x5], $0x1400, $0x38;
	[tilespmem:$0x1F600] =	vst v63  }
0x14a: {  	s15 =	sld [smem:$0x7F7]  }
0x14b: {  	[spmem:s14] =	stream.linear.scatter [tilespmem:s23], [sflag:$0x5], $0x1400, $0x38;
	[tilespmem:$0x1F600] =	vst v63  }
0x14c: {  	s16 =	sld [smem:$0x7F8]  }
0x14d: {  	[spmem:s15] =	stream.linear.scatter [tilespmem:s23], [sflag:$0x5], $0x1400, $0x38;
	[tilespmem:$0x1F600] =	vst v63  }
0x14e: {  	s17 =	sld [smem:$0x7F9]  }
0x14f: {  	[spmem:s16] =	stream.linear.scatter [tilespmem:s23], [sflag:$0x5], $0x1400, $0x38;
	[tilespmem:$0x1F600] =	vst v63  }
0x150: {  	s18 =	sld [smem:$0x7FA]  }
0x151: {  	[spmem:s17] =	stream.linear.scatter [tilespmem:s23], [sflag:$0x5], $0x1400, $0x38;
	[tilespmem:$0x1F600] =	vst v63  }
0x152: {  	s12 =	sld [smem:$0x7FB]  }
0x153: {  	[spmem:s18] =	stream.linear.scatter [tilespmem:s23], [sflag:$0x5], $0x1400, $0x38;
	[tilespmem:$0x1F600] =	vst v63  }
0x154: {  	_ = 	snop  }
0x155: {  	[spmem:s12] =	stream.linear.scatter [tilespmem:s23], [sflag:$0x5], $0x1400, $0x38;
	[tilespmem:$0x1F600] =	vst v63  }
0x156: {  	_ =	swait.ge [sflag:s24], $0x1400  }
0x157: {  	[sflag:s24] =	ssyncset.done $0x0  }
0x158: {  	[sflag:s24] =	ssyncadd.s32 $0xFFFFEC00  }
0x159: {  	_ =	swait.ge [sflag:s24], $0x1400  }
0x15a: {  	[sflag:s24] =	ssyncset.done $0x0  }
0x15b: {  	[sflag:s24] =	ssyncadd.s32 $0xFFFFEC00  }
0x15c: {  	_ =	swait.ge [sflag:s24], $0x1400  }
0x15d: {  	[sflag:s24] =	ssyncset.done $0x0  }
0x15e: {  	[sflag:s24] =	ssyncadd.s32 $0xFFFFEC00  }
0x15f: {  	_ =	swait.ge [sflag:s24], $0x1400  }
0x160: {  	[sflag:s24] =	ssyncset.done $0x0  }
0x161: {  	[sflag:s24] =	ssyncadd.s32 $0xFFFFEC00  }
0x162: {  	_ =	swait.ge [sflag:s24], $0x1400  }
0x163: {  	[sflag:s24] =	ssyncset.done $0x0  }
0x164: {  	[sflag:s24] =	ssyncadd.s32 $0xFFFFEC00  }
0x165: {  	_ =	swait.ge [sflag:s24], $0x1400  }
0x166: {  	[sflag:s24] =	ssyncset.done $0x0  }
0x167: {  	[sflag:s24] =	ssyncadd.s32 $0xFFFFEC00  }
0x168: {  	_ =	swait.ge [sflag:s24], $0x1400  }
0x169: {  	[sflag:s24] =	ssyncset.done $0x0  }
0x16a: {  	[sflag:s24] =	ssyncadd.s32 $0xFFFFEC00  }
0x16b: {  	_ =	swait.ge [sflag:s24], $0x1400  }
0x16c: {  	[sflag:s24] =	ssyncset.done $0x0  }
0x16d: {  	[sflag:s24] =	ssyncadd.s32 $0xFFFFEC00  }
0x16e: {  	_ =	swait.ge [sflag:s24], $0x1400  }
0x16f: {  	[sflag:s24] =	ssyncset.done $0x0  }
0x170: {  	[sflag:s24] =	ssyncadd.s32 $0xFFFFEC00  }
0x171: {  	_ =	swait.ge [sflag:s24], $0x1400  }
0x172: {  	[sflag:s24] =	ssyncset.done $0x0  }
0x173: {  	[sflag:s24] =	ssyncadd.s32 $0xFFFFEC00  }
0x174: {  	_ =	swait.ge [sflag:s24], $0x1400  }
0x175: {  	[sflag:s24] =	ssyncset.done $0x0  }
0x176: {  	[sflag:s24] =	ssyncadd.s32 $0xFFFFEC00  }
0x177: {  	_ =	swait.ge [sflag:s24], $0x1400  }
0x178: {  	[sflag:s24] =	ssyncset.done $0x0  }
0x179: {  	[sflag:s24] =	ssyncadd.s32 $0xFFFFEC00  }
0x17a: {  	_ =	swait.ge [sflag:s24], $0x1400  }
0x17b: {  	[sflag:s24] =	ssyncset.done $0x0  }
0x17c: {  	[sflag:s24] =	ssyncadd.s32 $0xFFFFEC00  }
0x17d: {  	_ =	swait.ge [sflag:s24], $0x1400  }
0x17e: {  	[sflag:s24] =	ssyncset.done $0x0  }
0x17f: {  	[sflag:s24] =	ssyncadd.s32 $0xFFFFEC00  }
0x180: {  	_ =	swait.ge [sflag:s24], $0x1400  }
0x181: {  	[sflag:s24] =	ssyncset.done $0x0  }
0x182: {  	[sflag:s24] =	ssyncadd.s32 $0xFFFFEC00  }
0x183: {  	_ =	swait.ge [sflag:s24], $0x1400  }
0x184: {  	[sflag:s24] =	ssyncset.done $0x0  }
0x185: {  	[sflag:s24] =	ssyncadd.s32 $0xFFFFEC00  }
0x186: {  	[bflag:$0x0] =	sbarrier.arrive $0xFFFF  }
0x187: {  	s14 =	rddreg [dreg:$0x5]  }
0x188: {  	s16 =	simm.s32 $0x0;
	s15 =	rddreg [dreg:$0x6]  }
0x189: {  	[tilespmem:s25], [sflag:$0x1] =	stream.linear.gather [hbm4b:s14+s16], $0x50, $0x38;
	[tilespmem:$0x1F600] =	vst v63  }
0x18a: {  	s17 =	rddreg [dreg:$0xc]  }
0x18b: {  	[tilespmem:s2], [sflag:$0x1] =	stream.linear.gather [hbm4b:s15+s16], $0x50, $0x38;
	[tilespmem:$0x1F600] =	vst v63  }
0x18c: {  	s18 =	rddreg [dreg:$0xd]  }
0x18d: {  	[tilespmem:s20], [sflag:$0x1] =	stream.strided.gather [hbm4b:s17+s26], $0x2800, s19, s26, $0x38;
	[tilespmem:$0x1F600] =	vst v63  }
0x18e: {  	s17 =	sld [smem:$0x7FD]  }
0x18f: {  	[tilespmem:s5], [sflag:$0x1] =	stream.strided.gather [hbm4b:s18+s26], $0x2800, s19, s26, $0x38;
	[tilespmem:$0x1F600] =	vst v63  }
0x190: {  	s18 =	sld [smem:$0x7FC]  }
.LBB2_15:
0x191: {  	_ =	swait.ge [sflag:s6], $0x50  }
0x192: {  	[sflag:s6] =	ssyncset.done $0x0  }
0x193: {  	[sflag:s6] =	ssyncadd.s32 $0xFFFFFFB0  }
0x194: {  	_ =	swait.ge [sflag:s6], $0x50  }
0x195: {  	[sflag:s6] =	ssyncset.done $0x0  }
0x196: {  	[sflag:s6] =	ssyncadd.s32 $0xFFFFFFB0  }
0x197: {  	_ =	swait.ge [sflag:s6], $0x2800  }
0x198: {  	[sflag:s6] =	ssyncset.done $0x0  }
0x199: {  	[sflag:s6] =	ssyncadd.s32 $0xFFFFD800  }
0x19a: {  	_ =	swait.ge [sflag:s6], $0x2800  }
0x19b: {  	p1 =	seq.s32 s16, $0x0;
	[sflag:s6] =	ssyncset.done $0x0  }
0x19c: {  	s4 =	simm.s32 @!p1 $0x4;
	[sflag:s6] =	ssyncadd.s32 $0xFFFFD800  }
0x19d: {  	_ =	swait.ge @!p1 [sflag:s4], $0x2800  }
0x19e: {  	[sflag:s4] =	ssyncset.done @!p1 $0x0  }
0x19f: {  	[sflag:s4] =	ssyncadd.s32 @!p1 $0xFFFFD800  }
0x1a0: {  	_ =	swait.ge @!p1 [sflag:s4], $0x2800  }
0x1a1: {  	[sflag:s4] =	ssyncset.done @!p1 $0x0  }
0x1a2: {  	s14 =	sadd.s32 $0xFFFFFFF6, s17;
	[sflag:s4] =	ssyncadd.s32 @!p1 $0xFFFFD800  }
0x1a3: {  	[tilespmem:s28], [sflag:$0x2] =	stream.linear.gather [hbm4b:s14+s3], $0x50, $0x38;
	[tilespmem:$0x1F600] =	vst v63  }
0x1a4: {  	s15 =	sadd.s32 $0xFFFFFFF6, s18;
	s4 =	sadd.s32 s16, s7  }
0x1a5: {  	[tilespmem:s29], [sflag:$0x2] =	stream.linear.gather [hbm4b:s15+s3], $0x50, $0x38;
	[tilespmem:$0x1F600] =	vst v63  }
0x1a6: {  	s12 =	sadd.s32 $0x1580, s4  }
0x1a7: {  	[tilespmem:s30], [sflag:$0x2] =	stream.strided.gather [hbm4b:s12+s26], $0x2800, s19, s26, $0x38;
	[tilespmem:$0x1F600] =	vst v63  }
0x1a8: {  	s12 =	sadd.s32 s16, s8  }
0x1a9: {  	s14 =	sadd.s32 $0x1580, s12  }
0x1aa: {  	[tilespmem:s31], [sflag:$0x2] =	stream.strided.gather [hbm4b:s14+s26], $0x2800, s19, s26, $0x38;
	[tilespmem:$0x1F600] =	vst v63  }
0x1ab: {  	_ = 	snop  }
0x1ac: {  	[spmem:s1] =	stream.indirect.scatter.add.f32 [tilespmem:s20], [sflag:$0x3], $0x80, s25, s0, $0xb8;
	[tilespmem:$0x1F600] =	vst v63  }
0x1ad: {  	_ = 	snop  }
0x1ae: {  	[spmem:s1] =	stream.indirect.scatter.add.f32 [tilespmem:s5], [sflag:$0x3], $0x80, s2, s0, $0xb8;
	[tilespmem:$0x1F600] =	vst v63  }
0x1af: {  	_ =	swait.ge [sflag:s9], $0x50  }
0x1b0: {  	[sflag:s9] =	ssyncset.done $0x0  }
0x1b1: {  	[sflag:s9] =	ssyncadd.s32 $0xFFFFFFB0  }
0x1b2: {  	_ =	swait.ge [sflag:s9], $0x50  }
0x1b3: {  	[sflag:s9] =	ssyncset.done $0x0  }
0x1b4: {  	[sflag:s9] =	ssyncadd.s32 $0xFFFFFFB0  }
0x1b5: {  	_ =	swait.ge [sflag:s9], $0x2800  }
0x1b6: {  	[sflag:s9] =	ssyncset.done $0x0  }
0x1b7: {  	[sflag:s9] =	ssyncadd.s32 $0xFFFFD800  }
0x1b8: {  	_ =	swait.ge [sflag:s9], $0x2800  }
0x1b9: {  	[sflag:s9] =	ssyncset.done $0x0  }
0x1ba: {  	[sflag:s9] =	ssyncadd.s32 $0xFFFFD800  }
0x1bb: {  	p1 =	seq.s32 s16, $0x136000;
	_ =	swait.ge [sflag:s10], $0x2800  }
.Ltmp8:
0x1bc: {  	[sflag:s10] =	ssyncset.done $0x0;
	(pc) =	sbr.rel @p1 .LBB2_17-.Ltmp8, $4  }
0x1bd: {  	[sflag:s10] =	ssyncadd.s32 $0xFFFFD800  }
0x1be: {  	_ =	swait.ge [sflag:s10], $0x2800  }
0x1bf: {  	[sflag:s10] =	ssyncset.done $0x0  }
0x1c0: {  	[sflag:s10] =	ssyncadd.s32 $0xFFFFD800  }
0x1c1: {  	[tilespmem:s25], [sflag:$0x1] =	stream.linear.gather [hbm4b:s17+s3], $0x50, $0x38;
	[tilespmem:$0x1F600] =	vst v63  }
0x1c2: {  	_ = 	snop  }
0x1c3: {  	[tilespmem:s2], [sflag:$0x1] =	stream.linear.gather [hbm4b:s18+s3], $0x50, $0x38;
	[tilespmem:$0x1F600] =	vst v63  }
0x1c4: {  	s4 =	sadd.s32 $0x2980, s4  }
0x1c5: {  	[tilespmem:s20], [sflag:$0x1] =	stream.strided.gather [hbm4b:s4+s26], $0x2800, s19, s26, $0x38;
	[tilespmem:$0x1F600] =	vst v63  }
0x1c6: {  	s15 =	sadd.s32 $0x2980, s12  }
0x1c7: {  	[tilespmem:s5], [sflag:$0x1] =	stream.strided.gather [hbm4b:s15+s26], $0x2800, s19, s26, $0x38;
	[tilespmem:$0x1F600] =	vst v63  }
.Ltmp9:
0x1c8: {  	_ = 	snop;
	(pc) =	sbr.rel .LBB2_15-.Ltmp9, $4  }
0x1c9: {  	_ = 	snop  }
0x1ca: {  	[spmem:s1] =	stream.indirect.scatter.add.f32 [tilespmem:s30], [sflag:$0x4], $0x80, s28, s0, $0xb8;
	[tilespmem:$0x1F600] =	vst v63  }
0x1cb: {  	s16 =	sadd.s32 $0x2800, s16;
	s17 =	sadd.s32 $0x14, s17;
	s18 =	sadd.s32 $0x14, s18  }
0x1cc: {  	[spmem:s1] =	stream.indirect.scatter.add.f32 [tilespmem:s31], [sflag:$0x4], $0x80, s29, s0, $0xb8;
	[tilespmem:$0x1F600] =	vst v63  }
.LBB2_7:
0x1cd: {  	[spmem:s1] =	stream.indirect.scatter.add.f32 [tilespmem:s30], [sflag:$0x4], $0x80, s28, s0, $0xb8;
	[tilespmem:$0x1F600] =	vst v63  }
0x1ce: {  	_ = 	snop  }
0x1cf: {  	[spmem:s1] =	stream.indirect.scatter.add.f32 [tilespmem:s31], [sflag:$0x4], $0x80, s29, s0, $0xb8;
	[tilespmem:$0x1F600] =	vst v63  }
0x1d0: {  	_ =	swait.ge [sflag:s11], $0x2800  }
0x1d1: {  	[sflag:s11] =	ssyncset.done $0x0  }
0x1d2: {  	[sflag:s11] =	ssyncadd.s32 $0xFFFFD800  }
0x1d3: {  	_ =	swait.ge [sflag:s11], $0x2800  }
0x1d4: {  	[sflag:s11] =	ssyncset.done $0x0  }
0x1d5: {  	s4 =	stileid.u32;
	[sflag:s11] =	ssyncadd.s32 $0xFFFFD800  }
0x1d6: {  	s15 =	sshrl.u32 s18, $0x3;
	s4 =	sshll.u32 s4, $0x6;
	[bflag:$0x0] =	sbarrier.arrive $0xFFFF  }
0x1d7: {  	s12 =	simm.s32 $0x8;
	s17 =	sor.u32 $0x1C06, s4;
	s4 =	rddreg [dreg:$0x7]  }
0x1d8: {  	s14 =	simm.s32 $0x200;
	s16 =	simm.s32 $0x80;
	[smem:$0x7F5] =	sst s17  }
0x1d9: {  	[hbm:s4@s14], [sflag:s17] =	dma.strided [spmem:s15@s16], $0x2800, s12, $0x10   }
0x1da: {  	s17 =	simm.s32 $0x6  }
0x1db: {  	_ =	swait.ge [sflag:s17], $0x2800  }
0x1dc: {  	[sflag:s17] =	ssyncset.done $0x0  }
0x1dd: {  	s12 =	rddreg [dreg:$0x17];
	[sflag:s17] =	ssyncadd.s32 $0xFFFFD800  }
0x1de: {  	[spmem:s18] =	stream.linear.scatter [tilespmem:s23], [sflag:$0x5], $0x1400, $0x38;
	[tilespmem:$0x1F600] =	vst v63  }
0x1df: {  	s14 =	rddreg [dreg:$0x18]  }
0x1e0: {  	[spmem:s12] =	stream.linear.scatter [tilespmem:s23], [sflag:$0x5], $0x1400, $0x38;
	[tilespmem:$0x1F600] =	vst v63  }
0x1e1: {  	s16 =	rddreg [dreg:$0x19]  }
0x1e2: {  	[spmem:s14] =	stream.linear.scatter [tilespmem:s23], [sflag:$0x5], $0x1400, $0x38;
	[tilespmem:$0x1F600] =	vst v63  }
0x1e3: {  	s17 =	rddreg [dreg:$0x1a]  }
0x1e4: {  	[spmem:s16] =	stream.linear.scatter [tilespmem:s23], [sflag:$0x5], $0x1400, $0x38;
	[tilespmem:$0x1F600] =	vst v63  }
0x1e5: {  	s18 =	rddreg [dreg:$0x1b]  }
0x1e6: {  	[spmem:s17] =	stream.linear.scatter [tilespmem:s23], [sflag:$0x5], $0x1400, $0x38;
	[tilespmem:$0x1F600] =	vst v63  }
0x1e7: {  	s12 =	rddreg [dreg:$0x1c]  }
0x1e8: {  	[spmem:s18] =	stream.linear.scatter [tilespmem:s23], [sflag:$0x5], $0x1400, $0x38;
	[tilespmem:$0x1F600] =	vst v63  }
0x1e9: {  	s14 =	rddreg [dreg:$0x1d]  }
0x1ea: {  	[spmem:s12] =	stream.linear.scatter [tilespmem:s23], [sflag:$0x5], $0x1400, $0x38;
	[tilespmem:$0x1F600] =	vst v63  }
0x1eb: {  	s16 =	rddreg [dreg:$0x1e]  }
0x1ec: {  	[spmem:s14] =	stream.linear.scatter [tilespmem:s23], [sflag:$0x5], $0x1400, $0x38;
	[tilespmem:$0x1F600] =	vst v63  }
0x1ed: {  	s17 =	rddreg [dreg:$0x1f]  }
0x1ee: {  	[spmem:s16] =	stream.linear.scatter [tilespmem:s23], [sflag:$0x5], $0x1400, $0x38;
	[tilespmem:$0x1F600] =	vst v63  }
0x1ef: {  	s18 =	sld [smem:$0x7F6]  }
0x1f0: {  	[spmem:s17] =	stream.linear.scatter [tilespmem:s23], [sflag:$0x5], $0x1400, $0x38;
	[tilespmem:$0x1F600] =	vst v63  }
0x1f1: {  	s12 =	sld [smem:$0x7F7]  }
0x1f2: {  	[spmem:s18] =	stream.linear.scatter [tilespmem:s23], [sflag:$0x5], $0x1400, $0x38;
	[tilespmem:$0x1F600] =	vst v63  }
0x1f3: {  	s14 =	sld [smem:$0x7F8]  }
0x1f4: {  	[spmem:s12] =	stream.linear.scatter [tilespmem:s23], [sflag:$0x5], $0x1400, $0x38;
	[tilespmem:$0x1F600] =	vst v63  }
0x1f5: {  	s16 =	sld [smem:$0x7F9]  }
0x1f6: {  	[spmem:s14] =	stream.linear.scatter [tilespmem:s23], [sflag:$0x5], $0x1400, $0x38;
	[tilespmem:$0x1F600] =	vst v63  }
0x1f7: {  	s17 =	sld [smem:$0x7FA]  }
0x1f8: {  	[spmem:s16] =	stream.linear.scatter [tilespmem:s23], [sflag:$0x5], $0x1400, $0x38;
	[tilespmem:$0x1F600] =	vst v63  }
0x1f9: {  	s18 =	sld [smem:$0x7FB]  }
0x1fa: {  	[spmem:s17] =	stream.linear.scatter [tilespmem:s23], [sflag:$0x5], $0x1400, $0x38;
	[tilespmem:$0x1F600] =	vst v63  }
0x1fb: {  	_ = 	snop  }
0x1fc: {  	[spmem:s18] =	stream.linear.scatter [tilespmem:s23], [sflag:$0x5], $0x1400, $0x38;
	[tilespmem:$0x1F600] =	vst v63  }
0x1fd: {  	_ =	swait.ge [sflag:s24], $0x1400  }
0x1fe: {  	[sflag:s24] =	ssyncset.done $0x0  }
0x1ff: {  	[sflag:s24] =	ssyncadd.s32 $0xFFFFEC00  }
0x200: {  	_ =	swait.ge [sflag:s24], $0x1400  }
0x201: {  	[sflag:s24] =	ssyncset.done $0x0  }
0x202: {  	[sflag:s24] =	ssyncadd.s32 $0xFFFFEC00  }
0x203: {  	_ =	swait.ge [sflag:s24], $0x1400  }
0x204: {  	[sflag:s24] =	ssyncset.done $0x0  }
0x205: {  	[sflag:s24] =	ssyncadd.s32 $0xFFFFEC00  }
0x206: {  	_ =	swait.ge [sflag:s24], $0x1400  }
0x207: {  	[sflag:s24] =	ssyncset.done $0x0  }
0x208: {  	[sflag:s24] =	ssyncadd.s32 $0xFFFFEC00  }
0x209: {  	_ =	swait.ge [sflag:s24], $0x1400  }
0x20a: {  	[sflag:s24] =	ssyncset.done $0x0  }
0x20b: {  	[sflag:s24] =	ssyncadd.s32 $0xFFFFEC00  }
0x20c: {  	_ =	swait.ge [sflag:s24], $0x1400  }
0x20d: {  	[sflag:s24] =	ssyncset.done $0x0  }
0x20e: {  	[sflag:s24] =	ssyncadd.s32 $0xFFFFEC00  }
0x20f: {  	_ =	swait.ge [sflag:s24], $0x1400  }
0x210: {  	[sflag:s24] =	ssyncset.done $0x0  }
0x211: {  	[sflag:s24] =	ssyncadd.s32 $0xFFFFEC00  }
0x212: {  	_ =	swait.ge [sflag:s24], $0x1400  }
0x213: {  	[sflag:s24] =	ssyncset.done $0x0  }
0x214: {  	[sflag:s24] =	ssyncadd.s32 $0xFFFFEC00  }
0x215: {  	_ =	swait.ge [sflag:s24], $0x1400  }
0x216: {  	[sflag:s24] =	ssyncset.done $0x0  }
0x217: {  	[sflag:s24] =	ssyncadd.s32 $0xFFFFEC00  }
0x218: {  	_ =	swait.ge [sflag:s24], $0x1400  }
0x219: {  	[sflag:s24] =	ssyncset.done $0x0  }
0x21a: {  	[sflag:s24] =	ssyncadd.s32 $0xFFFFEC00  }
0x21b: {  	_ =	swait.ge [sflag:s24], $0x1400  }
0x21c: {  	[sflag:s24] =	ssyncset.done $0x0  }
0x21d: {  	[sflag:s24] =	ssyncadd.s32 $0xFFFFEC00  }
0x21e: {  	_ =	swait.ge [sflag:s24], $0x1400  }
0x21f: {  	[sflag:s24] =	ssyncset.done $0x0  }
0x220: {  	[sflag:s24] =	ssyncadd.s32 $0xFFFFEC00  }
0x221: {  	_ =	swait.ge [sflag:s24], $0x1400  }
0x222: {  	[sflag:s24] =	ssyncset.done $0x0  }
0x223: {  	[sflag:s24] =	ssyncadd.s32 $0xFFFFEC00  }
0x224: {  	_ =	swait.ge [sflag:s24], $0x1400  }
0x225: {  	[sflag:s24] =	ssyncset.done $0x0  }
0x226: {  	[sflag:s24] =	ssyncadd.s32 $0xFFFFEC00  }
0x227: {  	_ =	swait.ge [sflag:s24], $0x1400  }
0x228: {  	[sflag:s24] =	ssyncset.done $0x0  }
0x229: {  	[sflag:s24] =	ssyncadd.s32 $0xFFFFEC00  }
0x22a: {  	_ =	swait.ge [sflag:s24], $0x1400  }
0x22b: {  	[sflag:s24] =	ssyncset.done $0x0  }
0x22c: {  	[sflag:s24] =	ssyncadd.s32 $0xFFFFEC00  }
0x22d: {  	[bflag:$0x0] =	sbarrier.arrive $0xFFFF  }
0x22e: {  	s12 =	rddreg [dreg:$0x5]  }
0x22f: {  	s16 =	simm.s32 $0x0;
	s14 =	rddreg [dreg:$0x6]  }
0x230: {  	[tilespmem:s25], [sflag:$0x1] =	stream.linear.gather [hbm4b:s12+s16], $0x50, $0x38;
	[tilespmem:$0x1F600] =	vst v63  }
0x231: {  	s17 =	rddreg [dreg:$0x8]  }
0x232: {  	[tilespmem:s2], [sflag:$0x1] =	stream.linear.gather [hbm4b:s14+s16], $0x50, $0x38;
	[tilespmem:$0x1F600] =	vst v63  }
0x233: {  	s18 =	rddreg [dreg:$0x9]  }
0x234: {  	[tilespmem:s20], [sflag:$0x1] =	stream.strided.gather [hbm4b:s17+s26], $0x2800, s19, s26, $0x38;
	[tilespmem:$0x1F600] =	vst v63  }
0x235: {  	s17 =	sld [smem:$0x7FD]  }
0x236: {  	[tilespmem:s5], [sflag:$0x1] =	stream.strided.gather [hbm4b:s18+s26], $0x2800, s19, s26, $0x38;
	[tilespmem:$0x1F600] =	vst v63  }
0x237: {  	s18 =	sld [smem:$0x7FC]  }
.LBB2_8:
0x238: {  	_ =	swait.ge [sflag:s6], $0x50  }
0x239: {  	[sflag:s6] =	ssyncset.done $0x0  }
0x23a: {  	[sflag:s6] =	ssyncadd.s32 $0xFFFFFFB0  }
0x23b: {  	_ =	swait.ge [sflag:s6], $0x50  }
0x23c: {  	[sflag:s6] =	ssyncset.done $0x0  }
0x23d: {  	[sflag:s6] =	ssyncadd.s32 $0xFFFFFFB0  }
0x23e: {  	_ =	swait.ge [sflag:s6], $0x2800  }
0x23f: {  	[sflag:s6] =	ssyncset.done $0x0  }
0x240: {  	[sflag:s6] =	ssyncadd.s32 $0xFFFFD800  }
0x241: {  	_ =	swait.ge [sflag:s6], $0x2800  }
0x242: {  	p1 =	seq.s32 s16, $0x0;
	[sflag:s6] =	ssyncset.done $0x0  }
0x243: {  	s4 =	simm.s32 @!p1 $0x4;
	[sflag:s6] =	ssyncadd.s32 $0xFFFFD800  }
0x244: {  	_ =	swait.ge @!p1 [sflag:s4], $0x2800  }
0x245: {  	[sflag:s4] =	ssyncset.done @!p1 $0x0  }
0x246: {  	[sflag:s4] =	ssyncadd.s32 @!p1 $0xFFFFD800  }
0x247: {  	_ =	swait.ge @!p1 [sflag:s4], $0x2800  }
0x248: {  	[sflag:s4] =	ssyncset.done @!p1 $0x0  }
0x249: {  	s12 =	sadd.s32 $0xFFFFFFF6, s17;
	[sflag:s4] =	ssyncadd.s32 @!p1 $0xFFFFD800  }
0x24a: {  	[tilespmem:s28], [sflag:$0x2] =	stream.linear.gather [hbm4b:s12+s3], $0x50, $0x38;
	[tilespmem:$0x1F600] =	vst v63  }
0x24b: {  	s14 =	sadd.s32 $0xFFFFFFF6, s18;
	s4 =	sadd.s32 s16, s7  }
0x24c: {  	[tilespmem:s29], [sflag:$0x2] =	stream.linear.gather [hbm4b:s14+s3], $0x50, $0x38;
	[tilespmem:$0x1F600] =	vst v63  }
0x24d: {  	s12 =	sadd.s32 $0x1480, s4  }
0x24e: {  	[tilespmem:s30], [sflag:$0x2] =	stream.strided.gather [hbm4b:s12+s26], $0x2800, s19, s26, $0x38;
	[tilespmem:$0x1F600] =	vst v63  }
0x24f: {  	s12 =	sadd.s32 s16, s8  }
0x250: {  	s14 =	sadd.s32 $0x1480, s12  }
0x251: {  	[tilespmem:s31], [sflag:$0x2] =	stream.strided.gather [hbm4b:s14+s26], $0x2800, s19, s26, $0x38;
	[tilespmem:$0x1F600] =	vst v63  }
0x252: {  	_ = 	snop  }
0x253: {  	[spmem:s1] =	stream.indirect.scatter.add.f32 [tilespmem:s20], [sflag:$0x3], $0x80, s25, s0, $0xb8;
	[tilespmem:$0x1F600] =	vst v63  }
0x254: {  	_ = 	snop  }
0x255: {  	[spmem:s1] =	stream.indirect.scatter.add.f32 [tilespmem:s5], [sflag:$0x3], $0x80, s2, s0, $0xb8;
	[tilespmem:$0x1F600] =	vst v63  }
0x256: {  	_ =	swait.ge [sflag:s9], $0x50  }
0x257: {  	[sflag:s9] =	ssyncset.done $0x0  }
0x258: {  	[sflag:s9] =	ssyncadd.s32 $0xFFFFFFB0  }
0x259: {  	_ =	swait.ge [sflag:s9], $0x50  }
0x25a: {  	[sflag:s9] =	ssyncset.done $0x0  }
0x25b: {  	[sflag:s9] =	ssyncadd.s32 $0xFFFFFFB0  }
0x25c: {  	_ =	swait.ge [sflag:s9], $0x2800  }
0x25d: {  	[sflag:s9] =	ssyncset.done $0x0  }
0x25e: {  	[sflag:s9] =	ssyncadd.s32 $0xFFFFD800  }
0x25f: {  	_ =	swait.ge [sflag:s9], $0x2800  }
0x260: {  	[sflag:s9] =	ssyncset.done $0x0  }
0x261: {  	[sflag:s9] =	ssyncadd.s32 $0xFFFFD800  }
0x262: {  	p1 =	seq.s32 s16, $0x136000;
	_ =	swait.ge [sflag:s10], $0x2800  }
.Ltmp10:
0x263: {  	[sflag:s10] =	ssyncset.done $0x0;
	(pc) =	sbr.rel @p1 .LBB2_10-.Ltmp10, $4  }
0x264: {  	[sflag:s10] =	ssyncadd.s32 $0xFFFFD800  }
0x265: {  	_ =	swait.ge [sflag:s10], $0x2800  }
0x266: {  	[sflag:s10] =	ssyncset.done $0x0  }
0x267: {  	[sflag:s10] =	ssyncadd.s32 $0xFFFFD800  }
0x268: {  	[tilespmem:s25], [sflag:$0x1] =	stream.linear.gather [hbm4b:s17+s3], $0x50, $0x38;
	[tilespmem:$0x1F600] =	vst v63  }
0x269: {  	_ = 	snop  }
0x26a: {  	[tilespmem:s2], [sflag:$0x1] =	stream.linear.gather [hbm4b:s18+s3], $0x50, $0x38;
	[tilespmem:$0x1F600] =	vst v63  }
0x26b: {  	s4 =	sadd.s32 $0x2880, s4  }
0x26c: {  	[tilespmem:s20], [sflag:$0x1] =	stream.strided.gather [hbm4b:s4+s26], $0x2800, s19, s26, $0x38;
	[tilespmem:$0x1F600] =	vst v63  }
0x26d: {  	s14 =	sadd.s32 $0x2880, s12  }
0x26e: {  	[tilespmem:s5], [sflag:$0x1] =	stream.strided.gather [hbm4b:s14+s26], $0x2800, s19, s26, $0x38;
	[tilespmem:$0x1F600] =	vst v63  }
.Ltmp11:
0x26f: {  	_ = 	snop;
	(pc) =	sbr.rel .LBB2_8-.Ltmp11, $4  }
0x270: {  	_ = 	snop  }
0x271: {  	[spmem:s1] =	stream.indirect.scatter.add.f32 [tilespmem:s30], [sflag:$0x4], $0x80, s28, s0, $0xb8;
	[tilespmem:$0x1F600] =	vst v63  }
0x272: {  	s16 =	sadd.s32 $0x2800, s16;
	s17 =	sadd.s32 $0x14, s17;
	s18 =	sadd.s32 $0x14, s18  }
0x273: {  	[spmem:s1] =	stream.indirect.scatter.add.f32 [tilespmem:s31], [sflag:$0x4], $0x80, s29, s0, $0xb8;
	[tilespmem:$0x1F600] =	vst v63  }
.LBB2_17:
0x274: {  	[spmem:s1] =	stream.indirect.scatter.add.f32 [tilespmem:s30], [sflag:$0x4], $0x80, s28, s0, $0xb8;
	[tilespmem:$0x1F600] =	vst v63  }
0x275: {  	_ = 	snop  }
0x276: {  	[spmem:s1] =	stream.indirect.scatter.add.f32 [tilespmem:s31], [sflag:$0x4], $0x80, s29, s0, $0xb8;
	[tilespmem:$0x1F600] =	vst v63  }
0x277: {  	_ =	swait.ge [sflag:s11], $0x2800  }
0x278: {  	[sflag:s11] =	ssyncset.done $0x0  }
0x279: {  	[sflag:s11] =	ssyncadd.s32 $0xFFFFD800  }
0x27a: {  	_ =	swait.ge [sflag:s11], $0x2800  }
0x27b: {  	[sflag:s11] =	ssyncset.done $0x0  }
0x27c: {  	[sflag:s11] =	ssyncadd.s32 $0xFFFFD800  }
0x27d: {  	[bflag:$0x0] =	sbarrier.arrive $0xFFFF  }
0x27e: {  	s17 =	sld [smem:$0x7F3]  }
0x27f: {  	s15 =	sld [smem:$0x7F4]  }
0x280: {  	s12 =	simm.s32 $0x8;
	s14 =	simm.s32 $0x200  }
0x281: {  	s16 =	simm.s32 $0x80;
	s18 =	simm.s32 $0x6;
	s4 =	rddreg [dreg:$0x15]  }
0x282: {  	[hbm:s4@s14], [sflag:s17] =	dma.strided [spmem:s15@s16], $0x2800, s12, $0x10   }
0x283: {  	_ =	swait.ge [sflag:s18], $0x2800  }
0x284: {  	[sflag:s18] =	ssyncset.done $0x0;
	s12 =	rddreg [dreg:$0x17]  }
0x285: {  	[sflag:s18] =	ssyncadd.s32 $0xFFFFD800;
	s18 =	rddreg [dreg:$0x4]  }
0x286: {  	[spmem:s18] =	stream.linear.scatter [tilespmem:s23], [sflag:$0x5], $0x1400, $0x38;
	[tilespmem:$0x1F600] =	vst v63  }
0x287: {  	s14 =	rddreg [dreg:$0x18]  }
0x288: {  	[spmem:s12] =	stream.linear.scatter [tilespmem:s23], [sflag:$0x5], $0x1400, $0x38;
	[tilespmem:$0x1F600] =	vst v63  }
0x289: {  	s16 =	rddreg [dreg:$0x19]  }
0x28a: {  	[spmem:s14] =	stream.linear.scatter [tilespmem:s23], [sflag:$0x5], $0x1400, $0x38;
	[tilespmem:$0x1F600] =	vst v63  }
0x28b: {  	s12 =	rddreg [dreg:$0x1a]  }
0x28c: {  	[spmem:s16] =	stream.linear.scatter [tilespmem:s23], [sflag:$0x5], $0x1400, $0x38;
	[tilespmem:$0x1F600] =	vst v63  }
0x28d: {  	s14 =	rddreg [dreg:$0x1b]  }
0x28e: {  	[spmem:s12] =	stream.linear.scatter [tilespmem:s23], [sflag:$0x5], $0x1400, $0x38;
	[tilespmem:$0x1F600] =	vst v63  }
0x28f: {  	s16 =	rddreg [dreg:$0x1c]  }
0x290: {  	[spmem:s14] =	stream.linear.scatter [tilespmem:s23], [sflag:$0x5], $0x1400, $0x38;
	[tilespmem:$0x1F600] =	vst v63  }
0x291: {  	s12 =	rddreg [dreg:$0x1d]  }
0x292: {  	[spmem:s16] =	stream.linear.scatter [tilespmem:s23], [sflag:$0x5], $0x1400, $0x38;
	[tilespmem:$0x1F600] =	vst v63  }
0x293: {  	s14 =	rddreg [dreg:$0x1e]  }
0x294: {  	[spmem:s12] =	stream.linear.scatter [tilespmem:s23], [sflag:$0x5], $0x1400, $0x38;
	[tilespmem:$0x1F600] =	vst v63  }
0x295: {  	s16 =	rddreg [dreg:$0x1f]  }
0x296: {  	[spmem:s14] =	stream.linear.scatter [tilespmem:s23], [sflag:$0x5], $0x1400, $0x38;
	[tilespmem:$0x1F600] =	vst v63  }
0x297: {  	s12 =	sld [smem:$0x7F6]  }
0x298: {  	[spmem:s16] =	stream.linear.scatter [tilespmem:s23], [sflag:$0x5], $0x1400, $0x38;
	[tilespmem:$0x1F600] =	vst v63  }
0x299: {  	s14 =	sld [smem:$0x7F7]  }
0x29a: {  	[spmem:s12] =	stream.linear.scatter [tilespmem:s23], [sflag:$0x5], $0x1400, $0x38;
	[tilespmem:$0x1F600] =	vst v63  }
0x29b: {  	s16 =	sld [smem:$0x7F8]  }
0x29c: {  	[spmem:s14] =	stream.linear.scatter [tilespmem:s23], [sflag:$0x5], $0x1400, $0x38;
	[tilespmem:$0x1F600] =	vst v63  }
0x29d: {  	s12 =	sld [smem:$0x7F9]  }
0x29e: {  	[spmem:s16] =	stream.linear.scatter [tilespmem:s23], [sflag:$0x5], $0x1400, $0x38;
	[tilespmem:$0x1F600] =	vst v63  }
0x29f: {  	s14 =	sld [smem:$0x7FA]  }
0x2a0: {  	[spmem:s12] =	stream.linear.scatter [tilespmem:s23], [sflag:$0x5], $0x1400, $0x38;
	[tilespmem:$0x1F600] =	vst v63  }
0x2a1: {  	s16 =	sld [smem:$0x7FB]  }
0x2a2: {  	[spmem:s14] =	stream.linear.scatter [tilespmem:s23], [sflag:$0x5], $0x1400, $0x38;
	[tilespmem:$0x1F600] =	vst v63  }
0x2a3: {  	_ = 	snop  }
0x2a4: {  	[spmem:s16] =	stream.linear.scatter [tilespmem:s23], [sflag:$0x5], $0x1400, $0x38;
	[tilespmem:$0x1F600] =	vst v63  }
0x2a5: {  	_ =	swait.ge [sflag:s24], $0x1400  }
0x2a6: {  	[sflag:s24] =	ssyncset.done $0x0  }
0x2a7: {  	[sflag:s24] =	ssyncadd.s32 $0xFFFFEC00  }
0x2a8: {  	_ =	swait.ge [sflag:s24], $0x1400  }
0x2a9: {  	[sflag:s24] =	ssyncset.done $0x0  }
0x2aa: {  	[sflag:s24] =	ssyncadd.s32 $0xFFFFEC00  }
0x2ab: {  	_ =	swait.ge [sflag:s24], $0x1400  }
0x2ac: {  	[sflag:s24] =	ssyncset.done $0x0  }
0x2ad: {  	[sflag:s24] =	ssyncadd.s32 $0xFFFFEC00  }
0x2ae: {  	_ =	swait.ge [sflag:s24], $0x1400  }
0x2af: {  	[sflag:s24] =	ssyncset.done $0x0  }
0x2b0: {  	[sflag:s24] =	ssyncadd.s32 $0xFFFFEC00  }
0x2b1: {  	_ =	swait.ge [sflag:s24], $0x1400  }
0x2b2: {  	[sflag:s24] =	ssyncset.done $0x0  }
0x2b3: {  	[sflag:s24] =	ssyncadd.s32 $0xFFFFEC00  }
0x2b4: {  	_ =	swait.ge [sflag:s24], $0x1400  }
0x2b5: {  	[sflag:s24] =	ssyncset.done $0x0  }
0x2b6: {  	[sflag:s24] =	ssyncadd.s32 $0xFFFFEC00  }
0x2b7: {  	_ =	swait.ge [sflag:s24], $0x1400  }
0x2b8: {  	[sflag:s24] =	ssyncset.done $0x0  }
0x2b9: {  	[sflag:s24] =	ssyncadd.s32 $0xFFFFEC00  }
0x2ba: {  	_ =	swait.ge [sflag:s24], $0x1400  }
0x2bb: {  	[sflag:s24] =	ssyncset.done $0x0  }
0x2bc: {  	[sflag:s24] =	ssyncadd.s32 $0xFFFFEC00  }
0x2bd: {  	_ =	swait.ge [sflag:s24], $0x1400  }
0x2be: {  	[sflag:s24] =	ssyncset.done $0x0  }
0x2bf: {  	[sflag:s24] =	ssyncadd.s32 $0xFFFFEC00  }
0x2c0: {  	_ =	swait.ge [sflag:s24], $0x1400  }
0x2c1: {  	[sflag:s24] =	ssyncset.done $0x0  }
0x2c2: {  	[sflag:s24] =	ssyncadd.s32 $0xFFFFEC00  }
0x2c3: {  	_ =	swait.ge [sflag:s24], $0x1400  }
0x2c4: {  	[sflag:s24] =	ssyncset.done $0x0  }
0x2c5: {  	[sflag:s24] =	ssyncadd.s32 $0xFFFFEC00  }
0x2c6: {  	_ =	swait.ge [sflag:s24], $0x1400  }
0x2c7: {  	[sflag:s24] =	ssyncset.done $0x0  }
0x2c8: {  	[sflag:s24] =	ssyncadd.s32 $0xFFFFEC00  }
0x2c9: {  	_ =	swait.ge [sflag:s24], $0x1400  }
0x2ca: {  	[sflag:s24] =	ssyncset.done $0x0  }
0x2cb: {  	[sflag:s24] =	ssyncadd.s32 $0xFFFFEC00  }
0x2cc: {  	_ =	swait.ge [sflag:s24], $0x1400  }
0x2cd: {  	[sflag:s24] =	ssyncset.done $0x0  }
0x2ce: {  	[sflag:s24] =	ssyncadd.s32 $0xFFFFEC00  }
0x2cf: {  	_ =	swait.ge [sflag:s24], $0x1400  }
0x2d0: {  	[sflag:s24] =	ssyncset.done $0x0  }
0x2d1: {  	[sflag:s24] =	ssyncadd.s32 $0xFFFFEC00  }
0x2d2: {  	_ =	swait.ge [sflag:s24], $0x1400  }
0x2d3: {  	[sflag:s24] =	ssyncset.done $0x0  }
0x2d4: {  	[sflag:s24] =	ssyncadd.s32 $0xFFFFEC00  }
0x2d5: {  	s4 =	simm.s32 $0x0;
	s12 =	simm.s32 $0x40;
	[bflag:$0x0] =	sbarrier.arrive $0xFFFF  }
.LBB2_18:
0x2d6: {  	p1 =	sne.s32 s12, $0x9FC0;
	[tilespmem:s4+$0x1BA00] =	vst v1;
	s14 =	smov.u32 s12;
	s12 =	sadd.s32 $0x40, s12  }
.Ltmp12:
0x2d7: {  	[tilespmem:s4+$0x19200] =	vst v1;
	(pc) =	sbr.rel @p1 .LBB2_18-.Ltmp12, $3  }
0x2d8: {  	[tilespmem:s4+$0x14200] =	vst v1  }
0x2d9: {  	[tilespmem:s4+$0x16A00] =	vst v1;
	_ =	sdelay $0x1  }
0x2da: {  	s4 =	sshra.s32 s14, $0x2  }
0x2db: {  	[tilespmem:s4+$0x1BA00] =	vst v1  }
0x2dc: {  	[tilespmem:s4+$0x19200] =	vst v1  }
0x2dd: {  	[tilespmem:s4+$0x14200] =	vst v1  }
0x2de: {  	[tilespmem:s4+$0x16A00] =	vst v1;
	s12 =	rddreg [dreg:$0x5]  }
0x2df: {  	[tilespmem:s25], [sflag:$0x1] =	stream.linear.gather [hbm4b:s12+s3], $0x50, $0x38;
	[tilespmem:$0x1F600] =	vst v63  }
0x2e0: {  	s14 =	rddreg [dreg:$0x6]  }
0x2e1: {  	[tilespmem:s2], [sflag:$0x1] =	stream.linear.gather [hbm4b:s14+s3], $0x50, $0x38;
	[tilespmem:$0x1F600] =	vst v63  }
0x2e2: {  	_ =	swait.ge [sflag:s6], $0x50  }
0x2e3: {  	[sflag:s6] =	ssyncset.done $0x0  }
0x2e4: {  	[sflag:s6] =	ssyncadd.s32 $0xFFFFFFB0  }
0x2e5: {  	_ =	swait.ge [sflag:s6], $0x50  }
0x2e6: {  	[sflag:s6] =	ssyncset.done $0x0  }
0x2e7: {  	s16 =	rddreg [dreg:$0xf];
	[sflag:s6] =	ssyncadd.s32 $0xFFFFFFB0  }
0x2e8: {  	[tilespmem:s28], [sflag:$0x2] =	stream.linear.gather [hbm4b:s16+s3], $0x50, $0x38;
	[tilespmem:$0x1F600] =	vst v63  }
0x2e9: {  	s12 =	rddreg [dreg:$0x10]  }
0x2ea: {  	[tilespmem:s29], [sflag:$0x2] =	stream.linear.gather [hbm4b:s12+s3], $0x50, $0x38;
	[tilespmem:$0x1F600] =	vst v63  }
0x2eb: {  	_ = 	snop  }
0x2ec: {  	[spmem:s1] =	stream.indirect.scatter.add.f32 [tilespmem:s20], [sflag:$0x3], $0x80, s25, s0, $0xb8;
	[tilespmem:$0x1F600] =	vst v63  }
0x2ed: {  	_ = 	snop  }
0x2ee: {  	[spmem:s1] =	stream.indirect.scatter.add.f32 [tilespmem:s5], [sflag:$0x3], $0x80, s2, s0, $0xb8;
	[tilespmem:$0x1F600] =	vst v63  }
0x2ef: {  	_ =	swait.ge [sflag:s9], $0x50  }
0x2f0: {  	[sflag:s9] =	ssyncset.done $0x0  }
0x2f1: {  	[sflag:s9] =	ssyncadd.s32 $0xFFFFFFB0  }
0x2f2: {  	_ =	swait.ge [sflag:s9], $0x50  }
0x2f3: {  	[sflag:s9] =	ssyncset.done $0x0  }
0x2f4: {  	[sflag:s9] =	ssyncadd.s32 $0xFFFFFFB0  }
0x2f5: {  	_ =	swait.ge [sflag:s10], $0x2800  }
0x2f6: {  	[sflag:s10] =	ssyncset.done $0x0  }
0x2f7: {  	[sflag:s10] =	ssyncadd.s32 $0xFFFFD800  }
0x2f8: {  	_ =	swait.ge [sflag:s10], $0x2800  }
0x2f9: {  	[sflag:s10] =	ssyncset.done $0x0  }
0x2fa: {  	s14 =	rddreg [dreg:$0x11];
	[sflag:s10] =	ssyncadd.s32 $0xFFFFD800  }
0x2fb: {  	[tilespmem:s25], [sflag:$0x1] =	stream.linear.gather [hbm4b:s14+s3], $0x50, $0x38;
	[tilespmem:$0x1F600] =	vst v63  }
0x2fc: {  	s16 =	rddreg [dreg:$0x12]  }
0x2fd: {  	[tilespmem:s2], [sflag:$0x1] =	stream.linear.gather [hbm4b:s16+s3], $0x50, $0x38;
	[tilespmem:$0x1F600] =	vst v63  }
0x2fe: {  	_ = 	snop  }
0x2ff: {  	[spmem:s1] =	stream.indirect.scatter.add.f32 [tilespmem:s30], [sflag:$0x4], $0x80, s28, s0, $0xb8;
	[tilespmem:$0x1F600] =	vst v63  }
0x300: {  	s16 =	simm.s32 $0xFFFFF664  }
0x301: {  	[spmem:s1] =	stream.indirect.scatter.add.f32 [tilespmem:s31], [sflag:$0x4], $0x80, s29, s0, $0xb8;
	[tilespmem:$0x1F600] =	vst v63  }
.LBB2_20:
0x302: {  	_ =	swait.ge [sflag:s6], $0x50  }
0x303: {  	[sflag:s6] =	ssyncset.done $0x0  }
0x304: {  	[sflag:s6] =	ssyncadd.s32 $0xFFFFFFB0  }
0x305: {  	_ =	swait.ge [sflag:s6], $0x50  }
0x306: {  	[sflag:s6] =	ssyncset.done $0x0  }
0x307: {  	[sflag:s6] =	ssyncadd.s32 $0xFFFFFFB0  }
0x308: {  	_ =	swait.ge [sflag:s11], $0x2800  }
0x309: {  	[sflag:s11] =	ssyncset.done $0x0  }
0x30a: {  	[sflag:s11] =	ssyncadd.s32 $0xFFFFD800  }
0x30b: {  	_ =	swait.ge [sflag:s11], $0x2800  }
0x30c: {  	s4 =	sadd.s32 s16, s22;
	[sflag:s11] =	ssyncset.done $0x0  }
0x30d: {  	s12 =	sadd.s32 $0x9BA, s4;
	[sflag:s11] =	ssyncadd.s32 $0xFFFFD800  }
0x30e: {  	[tilespmem:s28], [sflag:$0x2] =	stream.linear.gather [hbm4b:s12+s3], $0x50, $0x38;
	[tilespmem:$0x1F600] =	vst v63  }
0x30f: {  	s12 =	sadd.s32 s16, s21  }
0x310: {  	s14 =	sadd.s32 $0x9BA, s12  }
0x311: {  	[tilespmem:s29], [sflag:$0x2] =	stream.linear.gather [hbm4b:s14+s3], $0x50, $0x38;
	[tilespmem:$0x1F600] =	vst v63  }
0x312: {  	_ = 	snop  }
0x313: {  	[spmem:s1] =	stream.indirect.scatter.add.f32 [tilespmem:s20], [sflag:$0x3], $0x80, s25, s0, $0xb8;
	[tilespmem:$0x1F600] =	vst v63  }
0x314: {  	_ = 	snop  }
0x315: {  	[spmem:s1] =	stream.indirect.scatter.add.f32 [tilespmem:s5], [sflag:$0x3], $0x80, s2, s0, $0xb8;
	[tilespmem:$0x1F600] =	vst v63  }
0x316: {  	_ =	swait.ge [sflag:s9], $0x50  }
0x317: {  	[sflag:s9] =	ssyncset.done $0x0  }
0x318: {  	[sflag:s9] =	ssyncadd.s32 $0xFFFFFFB0  }
0x319: {  	_ =	swait.ge [sflag:s9], $0x50  }
0x31a: {  	[sflag:s9] =	ssyncset.done $0x0  }
0x31b: {  	[sflag:s9] =	ssyncadd.s32 $0xFFFFFFB0  }
0x31c: {  	p1 =	seq.s32 s16, $0x0;
	_ =	swait.ge [sflag:s10], $0x2800  }
.Ltmp13:
0x31d: {  	[sflag:s10] =	ssyncset.done $0x0;
	(pc) =	sbr.rel @p1 .LBB2_22-.Ltmp13, $4  }
0x31e: {  	[sflag:s10] =	ssyncadd.s32 $0xFFFFD800  }
0x31f: {  	_ =	swait.ge [sflag:s10], $0x2800  }
0x320: {  	[sflag:s10] =	ssyncset.done $0x0  }
0x321: {  	[sflag:s10] =	ssyncadd.s32 $0xFFFFD800  }
0x322: {  	s4 =	sadd.s32 $0x9C4, s4  }
0x323: {  	[tilespmem:s25], [sflag:$0x1] =	stream.linear.gather [hbm4b:s4+s3], $0x50, $0x38;
	[tilespmem:$0x1F600] =	vst v63  }
0x324: {  	s14 =	sadd.s32 $0x9C4, s12  }
0x325: {  	[tilespmem:s2], [sflag:$0x1] =	stream.linear.gather [hbm4b:s14+s3], $0x50, $0x38;
	[tilespmem:$0x1F600] =	vst v63  }
.Ltmp14:
0x326: {  	_ = 	snop;
	(pc) =	sbr.rel .LBB2_20-.Ltmp14, $4  }
0x327: {  	_ = 	snop  }
0x328: {  	[spmem:s1] =	stream.indirect.scatter.add.f32 [tilespmem:s30], [sflag:$0x4], $0x80, s28, s0, $0xb8;
	[tilespmem:$0x1F600] =	vst v63  }
0x329: {  	s16 =	sadd.s32 $0x14, s16  }
0x32a: {  	[spmem:s1] =	stream.indirect.scatter.add.f32 [tilespmem:s31], [sflag:$0x4], $0x80, s29, s0, $0xb8;
	[tilespmem:$0x1F600] =	vst v63  }
.LBB2_10:
0x32b: {  	[spmem:s1] =	stream.indirect.scatter.add.f32 [tilespmem:s30], [sflag:$0x4], $0x80, s28, s0, $0xb8;
	[tilespmem:$0x1F600] =	vst v63  }
0x32c: {  	_ = 	snop  }
0x32d: {  	[spmem:s1] =	stream.indirect.scatter.add.f32 [tilespmem:s31], [sflag:$0x4], $0x80, s29, s0, $0xb8;
	[tilespmem:$0x1F600] =	vst v63  }
0x32e: {  	_ =	swait.ge [sflag:s11], $0x2800  }
0x32f: {  	[sflag:s11] =	ssyncset.done $0x0  }
0x330: {  	[sflag:s11] =	ssyncadd.s32 $0xFFFFD800  }
0x331: {  	_ =	swait.ge [sflag:s11], $0x2800  }
0x332: {  	[sflag:s11] =	ssyncset.done $0x0  }
0x333: {  	[sflag:s11] =	ssyncadd.s32 $0xFFFFD800  }
0x334: {  	[bflag:$0x0] =	sbarrier.arrive $0xFFFF  }
.Ltmp15:
0x335: {  	s17 =	sld [smem:$0x7F5];
	(pc) =	sbr.rel .LBB2_23-.Ltmp15, $4  }
0x336: {  	s12 =	simm.s32 $0x8  }
0x337: {  	s14 =	simm.s32 $0x200;
	s16 =	simm.s32 $0x80;
	s4 =	rddreg [dreg:$0x13]  }
0x338: {  	[hbm:s4@s14], [sflag:s17] =	dma.strided [spmem:s15@s16], $0x2800, s12, $0x10   }
0x339: {  	s18 =	rddreg [dreg:$0x4]  }
.LBB2_24:
0x33a: {  	_ =	sfence.sel $0x180000  }
0x33b: {  	[bflag:$0x0] =	sbarrier.arrive $0xFFFF  }
0x33c: {  	_ =	strace $0x9000004A  }
0x33d: {  	s0 =	stileid.u32;
	[bflag:$0x2] =	sbarrier.arrive $0xFFFF  }
0x33e: {  	p0 =	sne.s32 s0, $0x0;
	s0 =	rddreg [dreg:$0x3]  }
0x33f: {  	s0 =	sadd.s32 @!p0 $0x100000, s0  }
0x340: {  	[sflag:s0] =	ssyncadd.tile.s32 @!p0 $0x1;
	_ =	shalt  }
.Lfunc_end2:
_tile_overlayer_lowered:
.L_overlay_start_2:
0x341: {  	(tag) =	ssettag $0x2  }
0x342: {  	s0 =	rddreg [dreg:$0x0];
	s2 =	stileid.u32  }
0x343: {  	s1 =	rddreg [dreg:$0x1];
	p0 =	sne.s32 s2, $0x0  }
0x344: {  	s3 =	rddreg [dreg:$0x2];
	[bflag:$0x3] =	sbarrier.arrive $0xFFFF;
	s2 =	simm.s32 @!p0 $0x1C06  }
0x345: {  	[timem:s3], [sflag:s2] =	dma.local @!p0 [hbm:s0], s1  }
0x346: {  	s0 =	simm.s32 @!p0 $0x6  }
0x347: {  	_ =	swait.ge @!p0 [sflag:s0], s1  }
0x348: {  	s1 =	ssub.s32 @!p0 $0x0, s1;
	[sflag:s0] =	ssyncset.done @!p0 $0x0  }
0x349: {  	[sflag:s0] =	ssyncadd.s32 @!p0 s1  }
0x34a: {  	[bflag:$0x3] =	sbarrier.arrive $0xFFFF  }
0x34b: {  	_ =	shalt  }

</sc_bundles>
